<compile_context>
chip_gen: v7x
topology: tpu7x:2x2x1
jax: 0.10.2.dev20260603
libtpu: 0.0.44.dev20260713+nightly
codegen_flags: <defaults>
</compile_context>

<pallas_src>
import jax
import jax.numpy as jnp
from jax import lax
from jax.experimental import pallas as pl
from jax.experimental.pallas import tpu as pltpu
from jax.experimental.pallas import tpu_sc as plsc

N = 10000
E = 320000
NC, NS, LANES = 2, 16, 16
NW = NC * NS

EK = 4000
_U = 16


def _dense_proj_body(xt_ref, wt_ref, alt_ref, art_ref, ft_ref, elt_ref, ert_ref):
    ft = jnp.dot(wt_ref[...], xt_ref[...], preferred_element_type=jnp.float32)
    ft_ref[...] = ft
    elt_ref[...] = jnp.dot(alt_ref[...], ft, preferred_element_type=jnp.float32)
    ert_ref[...] = jnp.dot(art_ref[...], ft, preferred_element_type=jnp.float32)


def _dense_proj(xt, Wt, ALt, ARt):
    d_in, n = xt.shape
    d_out = Wt.shape[0]
    h = ALt.shape[0]
    return pl.pallas_call(
        _dense_proj_body,
        out_shape=[
            jax.ShapeDtypeStruct((d_out, n), jnp.float32),
            jax.ShapeDtypeStruct((h, n), jnp.float32),
            jax.ShapeDtypeStruct((h, n), jnp.float32),
        ],
    )(xt, Wt, ALt, ARt)


def _phase_c_body(aggt_ref, den_ref, r_ref, b_ref, wt_ref, alt_ref, art_ref,
                  f2t_ref, el2_ref, er2_ref):
    den = jnp.dot(r_ref[...], den_ref[...], preferred_element_type=jnp.float32)
    h = aggt_ref[...] / (den + 1e-9) + b_ref[...]
    h = jnp.where(h > 0, h, jnp.exp(h) - 1.0)
    f2 = jnp.dot(wt_ref[...], h, preferred_element_type=jnp.float32)
    f2t_ref[...] = f2
    el2_ref[...] = jnp.dot(alt_ref[...], f2, preferred_element_type=jnp.float32)
    er2_ref[...] = jnp.dot(art_ref[...], f2, preferred_element_type=jnp.float32)


def _phase_c(aggt, den, R, b1t, W2t, AL2t, AR2t):
    dh, n = aggt.shape
    h1 = den.shape[0]
    d2 = W2t.shape[0]
    h2 = AL2t.shape[0]
    return pl.pallas_call(
        _phase_c_body,
        out_shape=[
            jax.ShapeDtypeStruct((d2, n), jnp.float32),
            jax.ShapeDtypeStruct((h2, n), jnp.float32),
            jax.ShapeDtypeStruct((h2, n), jnp.float32),
        ],
    )(aggt, den, R, b1t, W2t, AL2t, AR2t)


def _phase_e_body(aggp_ref, denp_ref, b_ref, out_ref):
    agg = jnp.sum(aggp_ref[...], axis=0)
    den = jnp.sum(denp_ref[...], axis=0)
    x = agg / (den + 1e-9) + b_ref[...]
    m = jnp.max(x, axis=0, keepdims=True)
    s = jnp.sum(jnp.exp(x - m), axis=0, keepdims=True)
    out_ref[...] = x - m - jnp.log(s)


def _phase_e(aggp, denp, b2t):
    g, c, n = aggp.shape
    return pl.pallas_call(
        _phase_e_body,
        out_shape=jax.ShapeDtypeStruct((c, n), jnp.float32),
    )(aggp, denp, b2t)


_C1 = 4
_P1 = 2


def _sc_l1_body(f1t, elt, ert, pk, aggt_out, den_out,
                f_sl, agg_sl, el_v, er_v, den_v, pk_v, sem0, sem1):
    ci = lax.axis_index("c")
    si = lax.axis_index("s")
    w = ci * NS + si
    nchunks = E // EK
    zero16 = jnp.zeros((LANES,), jnp.float32)

    for p in range(_P1):
        c0 = p * (NW * _C1) + w * _C1
        hd = p * 2 + ci
        for i in range(_C1):
            pltpu.sync_copy(f1t.at[pl.ds((c0 + i) * N, N)],
                            f_sl.at[pl.ds(i * N, N)])
        pltpu.sync_copy(elt.at[pl.ds(hd * N, N)], el_v)
        pltpu.sync_copy(ert.at[pl.ds(hd * N, N)], er_v)

        @plsc.parallel_loop(0, (_C1 * N) // LANES, 1, unroll=8)
        def _zero(i):
            agg_sl[pl.ds(i * LANES, LANES)] = zero16

        @plsc.parallel_loop(0, N // LANES, 1, unroll=8)
        def _zero_d(i):
            den_v[pl.ds(i * LANES, LANES)] = zero16

        def _start(t, buf, sem):
            pltpu.async_copy(pk.at[pl.ds(t * EK, EK)],
                             pk_v.at[pl.ds(buf * EK, EK)], sem)

        def _wait(buf, sem):
            pltpu.make_async_copy(pk.at[pl.ds(0, EK)],
                                  pk_v.at[pl.ds(buf * EK, EK)], sem).wait()

        def _process(buf):
            base0 = buf * EK

            @plsc.parallel_loop(0, EK // LANES, 1, unroll=_U)
            def _inner(j):
                b16 = base0 + j * LANES
                p16 = pk_v[pl.ds(b16, LANES)]
                s16 = lax.shift_right_logical(p16, 14)
                d16 = jnp.bitwise_and(p16, 16383)
                a = plsc.load_gather(el_v, [s16])
                b = plsc.load_gather(er_v, [d16])
                e = a + b
                e = jnp.maximum(e, 0.2 * e)
                ee = jnp.exp(e)
                plsc.addupdate_scatter(den_v, [d16], ee)
                for c in range(_C1):
                    v = plsc.load_gather(f_sl, [s16 + c * N])
                    plsc.addupdate_scatter(agg_sl, [d16 + c * N], v * ee)

        _start(0, 0, sem0)

        def _body2(t2, _):
            t = t2 * 2
            _wait(0, sem0)
            _start(t + 1, 1, sem1)
            _process(0)
            _wait(1, sem1)
            _start(jnp.minimum(t + 2, nchunks - 1), 0, sem0)
            _process(1)
            return 0

        lax.fori_loop(0, nchunks // 2, _body2, 0)
        _wait(0, sem0)

        for i in range(_C1):
            pltpu.sync_copy(agg_sl.at[pl.ds(i * N, N)],
                            aggt_out.at[pl.ds((c0 + i) * N, N)])

        @pl.when(si == 0)
        def _():
            pltpu.sync_copy(den_v, den_out.at[pl.ds(hd * N, N)])


def _sc_l1(f1t_flat, elt_flat, ert_flat, pk):
    mesh = plsc.VectorSubcoreMesh(core_axis_name="c", subcore_axis_name="s")
    return pl.kernel(
        _sc_l1_body,
        out_type=[
            jax.ShapeDtypeStruct((256 * N,), jnp.float32),
            jax.ShapeDtypeStruct((4 * N,), jnp.float32),
        ],
        mesh=mesh,
        compiler_params=pltpu.CompilerParams(needs_layout_passes=False),
        scratch_types=[
            pltpu.VMEM((_C1 * N,), jnp.float32),
            pltpu.VMEM((_C1 * N,), jnp.float32),
            pltpu.VMEM((N,), jnp.float32),
            pltpu.VMEM((N,), jnp.float32),
            pltpu.VMEM((N,), jnp.float32),
            pltpu.VMEM((2 * EK,), jnp.int32),
            pltpu.SemaphoreType.DMA,
            pltpu.SemaphoreType.DMA,
        ],
    )(f1t_flat, elt_flat, ert_flat, pk)


_C2 = 4
_G2 = 8
_EG = E // _G2


def _sc_l2_body(f2t, el2, er2, pk, aggp_out, denp_out,
                f_sl, agg_sl, el_v, er_v, den_v, pk_v, sem0, sem1):
    ci = lax.axis_index("c")
    si = lax.axis_index("s")
    w = ci * NS + si
    cg = w % 4
    eg = w // 4
    c0 = cg * _C2
    nchunks = _EG // EK
    base_e = eg * _EG
    zero16 = jnp.zeros((LANES,), jnp.float32)

    for i in range(_C2):
        pltpu.sync_copy(f2t.at[pl.ds((c0 + i) * N, N)],
                        f_sl.at[pl.ds(i * N, N)])
    pltpu.sync_copy(el2, el_v)
    pltpu.sync_copy(er2, er_v)

    @plsc.parallel_loop(0, (_C2 * N) // LANES, 1, unroll=8)
    def _zero(i):
        agg_sl[pl.ds(i * LANES, LANES)] = zero16

    @plsc.parallel_loop(0, N // LANES, 1, unroll=8)
    def _zero_d(i):
        den_v[pl.ds(i * LANES, LANES)] = zero16

    def _start(t, buf, sem):
        pltpu.async_copy(pk.at[pl.ds(base_e + t * EK, EK)],
                         pk_v.at[pl.ds(buf * EK, EK)], sem)

    def _wait(buf, sem):
        pltpu.make_async_copy(pk.at[pl.ds(0, EK)],
                              pk_v.at[pl.ds(buf * EK, EK)], sem).wait()

    def _process(buf):
        base0 = buf * EK

        @plsc.parallel_loop(0, EK // LANES, 1, unroll=_U)
        def _inner(j):
            b16 = base0 + j * LANES
            p16 = pk_v[pl.ds(b16, LANES)]
            s16 = lax.shift_right_logical(p16, 14)
            d16 = jnp.bitwise_and(p16, 16383)
            a = plsc.load_gather(el_v, [s16])
            b = plsc.load_gather(er_v, [d16])
            e = a + b
            e = jnp.maximum(e, 0.2 * e)
            ee = jnp.exp(e)
            plsc.addupdate_scatter(den_v, [d16], ee)
            for c in range(_C2):
                v = plsc.load_gather(f_sl, [s16 + c * N])
                plsc.addupdate_scatter(agg_sl, [d16 + c * N], v * ee)

    _start(0, 0, sem0)

    def _body2(t2, _):
        t = t2 * 2
        _wait(0, sem0)
        _start(t + 1, 1, sem1)
        _process(0)
        _wait(1, sem1)
        _start(jnp.minimum(t + 2, nchunks - 1), 0, sem0)
        _process(1)
        return 0

    lax.fori_loop(0, nchunks // 2, _body2, 0)
    _wait(0, sem0)

    for i in range(_C2):
        pltpu.sync_copy(agg_sl.at[pl.ds(i * N, N)],
                        aggp_out.at[pl.ds((eg * 16 + c0 + i) * N, N)])

    @pl.when(cg == 0)
    def _():
        pltpu.sync_copy(den_v, denp_out.at[pl.ds(eg * N, N)])


def _sc_l2(f2t_flat, el2_flat, er2_flat, pk):
    mesh = plsc.VectorSubcoreMesh(core_axis_name="c", subcore_axis_name="s")
    return pl.kernel(
        _sc_l2_body,
        out_type=[
            jax.ShapeDtypeStruct((_G2 * 16 * N,), jnp.float32),
            jax.ShapeDtypeStruct((_G2 * N,), jnp.float32),
        ],
        mesh=mesh,
        compiler_params=pltpu.CompilerParams(needs_layout_passes=False),
        scratch_types=[
            pltpu.VMEM((_C2 * N,), jnp.float32),
            pltpu.VMEM((_C2 * N,), jnp.float32),
            pltpu.VMEM((N,), jnp.float32),
            pltpu.VMEM((N,), jnp.float32),
            pltpu.VMEM((N,), jnp.float32),
            pltpu.VMEM((2 * EK,), jnp.int32),
            pltpu.SemaphoreType.DMA,
            pltpu.SemaphoreType.DMA,
        ],
    )(f2t_flat, el2_flat, er2_flat, pk)


def _block_diag_t(a):
    h, d = a.shape
    eye = jnp.eye(h, dtype=a.dtype)
    return (a[:, None, :] * eye[:, :, None]).reshape(h, h * d)


def _head_expand(h, d):
    eye = jnp.eye(h, dtype=jnp.float32)
    return jnp.repeat(eye, d, axis=0)


def kernel(feat, edge_index, W1, al1, ar1, b1, W2, al2, ar2, b2):
    src = edge_index[0].astype(jnp.int32)
    dst = edge_index[1].astype(jnp.int32)
    pk = src * 16384 + dst
    n = feat.shape[0]

    featt = feat.T
    W1t = W1.T
    W2t = W2.T
    AL1t, AR1t = _block_diag_t(al1), _block_diag_t(ar1)
    AL2t, AR2t = _block_diag_t(al2), _block_diag_t(ar2)
    R1 = _head_expand(4, 64)
    b1t = b1.reshape(-1, 1)
    b2t = b2.reshape(-1, 1)

    f1t, el1t, er1t = _dense_proj(featt, W1t, AL1t, AR1t)

    aggt_flat, den1_flat = _sc_l1(f1t.reshape(-1), el1t.reshape(-1),
                                  er1t.reshape(-1), pk)
    aggt = aggt_flat.reshape(256, n)
    den1 = den1_flat.reshape(4, n)

    f2t, el2t, er2t = _phase_c(aggt, den1, R1, b1t, W2t, AL2t, AR2t)

    aggp_flat, denp_flat = _sc_l2(f2t.reshape(-1), el2t.reshape(-1),
                                  er2t.reshape(-1), pk)
    aggp = aggp_flat.reshape(_G2, 16, n)
    denp = denp_flat.reshape(_G2, 1, n)

    outt = _phase_e(aggp, denp, b2t)
    return outt.T

# --- scband reference (transcript-rebuilt; emitter-appended) ---
"""Pipeline reference for scband-gat-net-57191784513885 (READ-ONLY COPY).

The authoritative reference and input builder live on the scoring server;
editing this copy changes nothing except your own understanding.
"""

import jax, jax.numpy as jnp
import numpy as np

N_NODES = 10000
D_FEAT = 128
HIDDEN = 64
HEADS = 4
OUT_HEADS = 1
N_CLASSES = 16
N_EDGES = 320000


def setup_inputs(seed: int = 0) -> dict:
    key = jax.random.key(seed)
    ks = jax.random.split(key, 12)
    feat = jax.random.normal(ks[0], (N_NODES, D_FEAT), dtype=jnp.float32)
    edge_index = jax.random.randint(ks[1], (2, N_EDGES), 0, N_NODES, dtype=jnp.int64)
    s1 = 1.0 / np.sqrt(D_FEAT)
    W1 = jax.random.normal(ks[2], (D_FEAT, HEADS * HIDDEN), dtype=jnp.float32) * s1
    al1 = jax.random.normal(ks[3], (HEADS, HIDDEN), dtype=jnp.float32) * 0.1
    ar1 = jax.random.normal(ks[4], (HEADS, HIDDEN), dtype=jnp.float32) * 0.1
    b1 = jnp.zeros((HEADS, HIDDEN), dtype=jnp.float32)
    s2 = 1.0 / np.sqrt(HEADS * HIDDEN)
    W2 = jax.random.normal(ks[5], (HEADS * HIDDEN, OUT_HEADS * N_CLASSES), dtype=jnp.float32) * s2
    al2 = jax.random.normal(ks[6], (OUT_HEADS, N_CLASSES), dtype=jnp.float32) * 0.1
    ar2 = jax.random.normal(ks[7], (OUT_HEADS, N_CLASSES), dtype=jnp.float32) * 0.1
    b2 = jnp.zeros((OUT_HEADS, N_CLASSES), dtype=jnp.float32)
    return {"feat": feat, "edge_index": edge_index, "W1": W1, "al1": al1, "ar1": ar1, "b1": b1, "W2": W2, "al2": al2, "ar2": ar2, "b2": b2}


def gat_layer(h, src, dst, W, al, ar, b, num_nodes):
    heads, out_dim = al.shape
    feat = (h @ W).reshape(num_nodes, heads, out_dim)
    el = (feat * al[None, :, :]).sum(-1)  # [N, heads]
    er = (feat * ar[None, :, :]).sum(-1)  # [N, heads]
    e = el[src] + er[dst]                 # [E, heads]
    e = jax.nn.leaky_relu(e, negative_slope=0.2)
    emax = jax.ops.segment_max(e, dst, num_segments=num_nodes)
    emax = jnp.where(jnp.isfinite(emax), emax, 0.0)
    ee = jnp.exp(e - emax[dst])
    denom = jax.ops.segment_sum(ee, dst, num_segments=num_nodes)
    alpha = ee / (denom[dst] + 1e-9)      # edge softmax over incoming edges
    msg = feat[src] * alpha[:, :, None]   # [E, heads, out]
    agg = jax.ops.segment_sum(msg, dst, num_segments=num_nodes)
    return agg + b[None, :, :]


def reference(feat, edge_index, W1, al1, ar1, b1, W2, al2, ar2, b2):
    src = edge_index[0]
    dst = edge_index[1]
    n = feat.shape[0]
    # dropout is identity in eval mode
    h = gat_layer(feat, src, dst, W1, al1, ar1, b1, n)
    h = h.reshape(n, -1)
    h = jax.nn.elu(h)
    h = gat_layer(h, src, dst, W2, al2, ar2, b2, n)
    h = h.reshape(n, -1)
    return jax.nn.log_softmax(h, axis=1)

if __name__ == "__main__":
    import jax
    _d = setup_inputs()
    print(jax.jit(kernel)(*tuple(_d.values())))

</pallas_src>

<mosaic_0001>
#map = affine_map<(d0, d1) -> (0)>
module attributes {stable_mosaic.version = 14 : i64} {
  func.func @_sc_l1_body(%arg0: i32, %arg1: i32, %arg2: memref<2560000xf32, #tpu.memory_space<hbm>>, %arg3: memref<40000xf32, #tpu.memory_space<hbm>>, %arg4: memref<40000xf32, #tpu.memory_space<hbm>>, %arg5: memref<320000xi32, #tpu.memory_space<hbm>>, %arg6: memref<2560000xf32, #tpu.memory_space<hbm>>, %arg7: memref<40000xf32, #tpu.memory_space<hbm>>, %arg8: memref<40000xf32, #tpu.memory_space<vmem>>, %arg9: memref<40000xf32, #tpu.memory_space<vmem>>, %arg10: memref<10000xf32, #tpu.memory_space<vmem>>, %arg11: memref<10000xf32, #tpu.memory_space<vmem>>, %arg12: memref<10000xf32, #tpu.memory_space<vmem>>, %arg13: memref<8000xi32, #tpu.memory_space<vmem>>, %arg14: memref<!tpu.dma_semaphore, #tpu.memory_space<semaphore_mem>>, %arg15: memref<!tpu.dma_semaphore, #tpu.memory_space<semaphore_mem>>) attributes {dimension_semantics = [#tpu.dimension_semantics<core_parallel>, #tpu.dimension_semantics<subcore_parallel>], iteration_bounds = array<i64: 2, 16>, scalar_prefetch = 0 : i64, scratch_operands = 8 : i64, tpu.core_type = #tpu.core_type<sc_vector_subcore>, window_params = [{transform_indices = #map}, {transform_indices = #map}, {transform_indices = #map}, {transform_indices = #map}, {transform_indices = #map}, {transform_indices = #map}]} {
    %mul3A = arith.constant 16 : i32
    %mul3A_0 = arith.muli %arg0, %mul3A : i32
    %add3A = arith.addi %mul3A_0, %arg1 : i32
    %broadcast_in_dim3A = arith.constant 0.000000e+00 : f32
    %broadcast_in_dim3A_1 = vector.broadcast %broadcast_in_dim3A : f32 to vector<16xf32>
    %mul3A_2 = arith.constant 4 : i32
    %mul3A_3 = arith.muli %add3A, %mul3A_2 : i32
    %add3A_4 = arith.constant 0 : i32
    %add3A_5 = arith.addi %add3A_4, %mul3A_3 : i32
    %add3A_6 = arith.constant 0 : i32
    %add3A_7 = arith.addi %add3A_6, %arg0 : i32
    %add3A_8 = arith.constant 0 : i32
    %add3A_9 = arith.addi %add3A_5, %add3A_8 : i32
    %mul3A_10 = arith.constant 10000 : i32
    %mul3A_11 = arith.muli %add3A_9, %mul3A_10 : i32
    "tpu.region"() ({
      %run_scoped3A = tpu.sem_alloc : memref<!tpu.dma_semaphore, #tpu.memory_space<semaphore_mem>>
      %dma_start3A_147 = arith.constant 0 : i32
      %dma_start3A_148 = tpu.memref_slice %arg8[%dma_start3A_147] : memref<40000xf32, #tpu.memory_space<vmem>> -> memref<10000xf32, #tpu.memory_space<vmem>>
      %dma_start3A_149 = tpu.memref_slice %arg2[%mul3A_11] : memref<2560000xf32, #tpu.memory_space<hbm>> -> memref<10000xf32, #tpu.memory_space<hbm>>
      %dma_start3A_150 = arith.constant 0 : i32
      %dma_start3A_151 = tpu.memref_slice %arg8[%dma_start3A_150] : memref<40000xf32, #tpu.memory_space<vmem>> -> memref<10000xf32, #tpu.memory_space<vmem>>
      %dma_start3A_152 = tpu.memref_slice %arg2[%mul3A_11] : memref<2560000xf32, #tpu.memory_space<hbm>> -> memref<10000xf32, #tpu.memory_space<hbm>>
      tpu.enqueue_dma source(%dma_start3A_152 : memref<10000xf32, #tpu.memory_space<hbm>>) target(%dma_start3A_151 : memref<10000xf32, #tpu.memory_space<vmem>>) target_semaphore(%run_scoped3A : memref<!tpu.dma_semaphore, #tpu.memory_space<semaphore_mem>>)
      %dma_wait3A_153 = arith.constant 0 : i32
      %dma_wait3A_154 = tpu.memref_slice %arg8[%dma_wait3A_153] : memref<40000xf32, #tpu.memory_space<vmem>> -> memref<10000xf32, #tpu.memory_space<vmem>>
      %dma_wait3A_155 = tpu.memref_slice %arg2[%mul3A_11] : memref<2560000xf32, #tpu.memory_space<hbm>> -> memref<10000xf32, #tpu.memory_space<hbm>>
      %dma_wait3A_156 = arith.constant 0 : i32
      %dma_wait3A_157 = tpu.memref_slice %arg8[%dma_wait3A_156] : memref<40000xf32, #tpu.memory_space<vmem>> -> memref<10000xf32, #tpu.memory_space<vmem>>
      %dma_wait3A_158 = tpu.memref_slice %arg2[%mul3A_11] : memref<2560000xf32, #tpu.memory_space<hbm>> -> memref<10000xf32, #tpu.memory_space<hbm>>
      tpu.wait_dma2 semaphore(%run_scoped3A : memref<!tpu.dma_semaphore, #tpu.memory_space<semaphore_mem>>) src(%dma_wait3A_158 : memref<10000xf32, #tpu.memory_space<hbm>>) dst(%dma_wait3A_157 : memref<10000xf32, #tpu.memory_space<vmem>>)
      tpu.yield
    }) : () -> ()
    %add3A_12 = arith.constant 1 : i32
    %add3A_13 = arith.addi %add3A_5, %add3A_12 : i32
    %mul3A_14 = arith.constant 10000 : i32
    %mul3A_15 = arith.muli %add3A_13, %mul3A_14 : i32
    "tpu.region"() ({
      %run_scoped3A = tpu.sem_alloc : memref<!tpu.dma_semaphore, #tpu.memory_space<semaphore_mem>>
      %dma_start3A_147 = arith.constant 10000 : i32
      %dma_start3A_148 = tpu.memref_slice %arg8[%dma_start3A_147] : memref<40000xf32, #tpu.memory_space<vmem>> -> memref<10000xf32, #tpu.memory_space<vmem>>
      %dma_start3A_149 = tpu.memref_slice %arg2[%mul3A_15] : memref<2560000xf32, #tpu.memory_space<hbm>> -> memref<10000xf32, #tpu.memory_space<hbm>>
      %dma_start3A_150 = arith.constant 10000 : i32
      %dma_start3A_151 = tpu.memref_slice %arg8[%dma_start3A_150] : memref<40000xf32, #tpu.memory_space<vmem>> -> memref<10000xf32, #tpu.memory_space<vmem>>
      %dma_start3A_152 = tpu.memref_slice %arg2[%mul3A_15] : memref<2560000xf32, #tpu.memory_space<hbm>> -> memref<10000xf32, #tpu.memory_space<hbm>>
      tpu.enqueue_dma source(%dma_start3A_152 : memref<10000xf32, #tpu.memory_space<hbm>>) target(%dma_start3A_151 : memref<10000xf32, #tpu.memory_space<vmem>>) target_semaphore(%run_scoped3A : memref<!tpu.dma_semaphore, #tpu.memory_space<semaphore_mem>>)
      %dma_wait3A_153 = arith.constant 10000 : i32
      %dma_wait3A_154 = tpu.memref_slice %arg8[%dma_wait3A_153] : memref<40000xf32, #tpu.memory_space<vmem>> -> memref<10000xf32, #tpu.memory_space<vmem>>
      %dma_wait3A_155 = tpu.memref_slice %arg2[%mul3A_15] : memref<2560000xf32, #tpu.memory_space<hbm>> -> memref<10000xf32, #tpu.memory_space<hbm>>
      %dma_wait3A_156 = arith.constant 10000 : i32
      %dma_wait3A_157 = tpu.memref_slice %arg8[%dma_wait3A_156] : memref<40000xf32, #tpu.memory_space<vmem>> -> memref<10000xf32, #tpu.memory_space<vmem>>
      %dma_wait3A_158 = tpu.memref_slice %arg2[%mul3A_15] : memref<2560000xf32, #tpu.memory_space<hbm>> -> memref<10000xf32, #tpu.memory_space<hbm>>
      tpu.wait_dma2 semaphore(%run_scoped3A : memref<!tpu.dma_semaphore, #tpu.memory_space<semaphore_mem>>) src(%dma_wait3A_158 : memref<10000xf32, #tpu.memory_space<hbm>>) dst(%dma_wait3A_157 : memref<10000xf32, #tpu.memory_space<vmem>>)
      tpu.yield
    }) : () -> ()
    %add3A_16 = arith.constant 2 : i32
    %add3A_17 = arith.addi %add3A_5, %add3A_16 : i32
    %mul3A_18 = arith.constant 10000 : i32
    %mul3A_19 = arith.muli %add3A_17, %mul3A_18 : i32
    "tpu.region"() ({
      %run_scoped3A = tpu.sem_alloc : memref<!tpu.dma_semaphore, #tpu.memory_space<semaphore_mem>>
      %dma_start3A_147 = arith.constant 20000 : i32
      %dma_start3A_148 = tpu.memref_slice %arg8[%dma_start3A_147] : memref<40000xf32, #tpu.memory_space<vmem>> -> memref<10000xf32, #tpu.memory_space<vmem>>
      %dma_start3A_149 = tpu.memref_slice %arg2[%mul3A_19] : memref<2560000xf32, #tpu.memory_space<hbm>> -> memref<10000xf32, #tpu.memory_space<hbm>>
      %dma_start3A_150 = arith.constant 20000 : i32
      %dma_start3A_151 = tpu.memref_slice %arg8[%dma_start3A_150] : memref<40000xf32, #tpu.memory_space<vmem>> -> memref<10000xf32, #tpu.memory_space<vmem>>
      %dma_start3A_152 = tpu.memref_slice %arg2[%mul3A_19] : memref<2560000xf32, #tpu.memory_space<hbm>> -> memref<10000xf32, #tpu.memory_space<hbm>>
      tpu.enqueue_dma source(%dma_start3A_152 : memref<10000xf32, #tpu.memory_space<hbm>>) target(%dma_start3A_151 : memref<10000xf32, #tpu.memory_space<vmem>>) target_semaphore(%run_scoped3A : memref<!tpu.dma_semaphore, #tpu.memory_space<semaphore_mem>>)
      %dma_wait3A_153 = arith.constant 20000 : i32
      %dma_wait3A_154 = tpu.memref_slice %arg8[%dma_wait3A_153] : memref<40000xf32, #tpu.memory_space<vmem>> -> memref<10000xf32, #tpu.memory_space<vmem>>
      %dma_wait3A_155 = tpu.memref_slice %arg2[%mul3A_19] : memref<2560000xf32, #tpu.memory_space<hbm>> -> memref<10000xf32, #tpu.memory_space<hbm>>
      %dma_wait3A_156 = arith.constant 20000 : i32
      %dma_wait3A_157 = tpu.memref_slice %arg8[%dma_wait3A_156] : memref<40000xf32, #tpu.memory_space<vmem>> -> memref<10000xf32, #tpu.memory_space<vmem>>
      %dma_wait3A_158 = tpu.memref_slice %arg2[%mul3A_19] : memref<2560000xf32, #tpu.memory_space<hbm>> -> memref<10000xf32, #tpu.memory_space<hbm>>
      tpu.wait_dma2 semaphore(%run_scoped3A : memref<!tpu.dma_semaphore, #tpu.memory_space<semaphore_mem>>) src(%dma_wait3A_158 : memref<10000xf32, #tpu.memory_space<hbm>>) dst(%dma_wait3A_157 : memref<10000xf32, #tpu.memory_space<vmem>>)
      tpu.yield
    }) : () -> ()
    %add3A_20 = arith.constant 3 : i32
    %add3A_21 = arith.addi %add3A_5, %add3A_20 : i32
    %mul3A_22 = arith.constant 10000 : i32
    %mul3A_23 = arith.muli %add3A_21, %mul3A_22 : i32
    "tpu.region"() ({
      %run_scoped3A = tpu.sem_alloc : memref<!tpu.dma_semaphore, #tpu.memory_space<semaphore_mem>>
      %dma_start3A_147 = arith.constant 30000 : i32
      %dma_start3A_148 = tpu.memref_slice %arg8[%dma_start3A_147] : memref<40000xf32, #tpu.memory_space<vmem>> -> memref<10000xf32, #tpu.memory_space<vmem>>
      %dma_start3A_149 = tpu.memref_slice %arg2[%mul3A_23] : memref<2560000xf32, #tpu.memory_space<hbm>> -> memref<10000xf32, #tpu.memory_space<hbm>>
      %dma_start3A_150 = arith.constant 30000 : i32
      %dma_start3A_151 = tpu.memref_slice %arg8[%dma_start3A_150] : memref<40000xf32, #tpu.memory_space<vmem>> -> memref<10000xf32, #tpu.memory_space<vmem>>
      %dma_start3A_152 = tpu.memref_slice %arg2[%mul3A_23] : memref<2560000xf32, #tpu.memory_space<hbm>> -> memref<10000xf32, #tpu.memory_space<hbm>>
      tpu.enqueue_dma source(%dma_start3A_152 : memref<10000xf32, #tpu.memory_space<hbm>>) target(%dma_start3A_151 : memref<10000xf32, #tpu.memory_space<vmem>>) target_semaphore(%run_scoped3A : memref<!tpu.dma_semaphore, #tpu.memory_space<semaphore_mem>>)
      %dma_wait3A_153 = arith.constant 30000 : i32
      %dma_wait3A_154 = tpu.memref_slice %arg8[%dma_wait3A_153] : memref<40000xf32, #tpu.memory_space<vmem>> -> memref<10000xf32, #tpu.memory_space<vmem>>
      %dma_wait3A_155 = tpu.memref_slice %arg2[%mul3A_23] : memref<2560000xf32, #tpu.memory_space<hbm>> -> memref<10000xf32, #tpu.memory_space<hbm>>
      %dma_wait3A_156 = arith.constant 30000 : i32
      %dma_wait3A_157 = tpu.memref_slice %arg8[%dma_wait3A_156] : memref<40000xf32, #tpu.memory_space<vmem>> -> memref<10000xf32, #tpu.memory_space<vmem>>
      %dma_wait3A_158 = tpu.memref_slice %arg2[%mul3A_23] : memref<2560000xf32, #tpu.memory_space<hbm>> -> memref<10000xf32, #tpu.memory_space<hbm>>
      tpu.wait_dma2 semaphore(%run_scoped3A : memref<!tpu.dma_semaphore, #tpu.memory_space<semaphore_mem>>) src(%dma_wait3A_158 : memref<10000xf32, #tpu.memory_space<hbm>>) dst(%dma_wait3A_157 : memref<10000xf32, #tpu.memory_space<vmem>>)
      tpu.yield
    }) : () -> ()
    %mul3A_24 = arith.constant 10000 : i32
    %mul3A_25 = arith.muli %add3A_7, %mul3A_24 : i32
    "tpu.region"() ({
      %run_scoped3A = tpu.sem_alloc : memref<!tpu.dma_semaphore, #tpu.memory_space<semaphore_mem>>
      %dma_start3A_147 = tpu.memref_slice %arg3[%mul3A_25] : memref<40000xf32, #tpu.memory_space<hbm>> -> memref<10000xf32, #tpu.memory_space<hbm>>
      %dma_start3A_148 = tpu.memref_slice %arg3[%mul3A_25] : memref<40000xf32, #tpu.memory_space<hbm>> -> memref<10000xf32, #tpu.memory_space<hbm>>
      tpu.enqueue_dma source(%dma_start3A_148 : memref<10000xf32, #tpu.memory_space<hbm>>) target(%arg10 : memref<10000xf32, #tpu.memory_space<vmem>>) target_semaphore(%run_scoped3A : memref<!tpu.dma_semaphore, #tpu.memory_space<semaphore_mem>>)
      %dma_wait3A_149 = tpu.memref_slice %arg3[%mul3A_25] : memref<40000xf32, #tpu.memory_space<hbm>> -> memref<10000xf32, #tpu.memory_space<hbm>>
      %dma_wait3A_150 = tpu.memref_slice %arg3[%mul3A_25] : memref<40000xf32, #tpu.memory_space<hbm>> -> memref<10000xf32, #tpu.memory_space<hbm>>
      tpu.wait_dma2 semaphore(%run_scoped3A : memref<!tpu.dma_semaphore, #tpu.memory_space<semaphore_mem>>) src(%dma_wait3A_150 : memref<10000xf32, #tpu.memory_space<hbm>>) dst(%arg10 : memref<10000xf32, #tpu.memory_space<vmem>>)
      tpu.yield
    }) : () -> ()
    %mul3A_26 = arith.constant 10000 : i32
    %mul3A_27 = arith.muli %add3A_7, %mul3A_26 : i32
    "tpu.region"() ({
      %run_scoped3A = tpu.sem_alloc : memref<!tpu.dma_semaphore, #tpu.memory_space<semaphore_mem>>
      %dma_start3A_147 = tpu.memref_slice %arg4[%mul3A_27] : memref<40000xf32, #tpu.memory_space<hbm>> -> memref<10000xf32, #tpu.memory_space<hbm>>
      %dma_start3A_148 = tpu.memref_slice %arg4[%mul3A_27] : memref<40000xf32, #tpu.memory_space<hbm>> -> memref<10000xf32, #tpu.memory_space<hbm>>
      tpu.enqueue_dma source(%dma_start3A_148 : memref<10000xf32, #tpu.memory_space<hbm>>) target(%arg11 : memref<10000xf32, #tpu.memory_space<vmem>>) target_semaphore(%run_scoped3A : memref<!tpu.dma_semaphore, #tpu.memory_space<semaphore_mem>>)
      %dma_wait3A_149 = tpu.memref_slice %arg4[%mul3A_27] : memref<40000xf32, #tpu.memory_space<hbm>> -> memref<10000xf32, #tpu.memory_space<hbm>>
      %dma_wait3A_150 = tpu.memref_slice %arg4[%mul3A_27] : memref<40000xf32, #tpu.memory_space<hbm>> -> memref<10000xf32, #tpu.memory_space<hbm>>
      tpu.wait_dma2 semaphore(%run_scoped3A : memref<!tpu.dma_semaphore, #tpu.memory_space<semaphore_mem>>) src(%dma_wait3A_150 : memref<10000xf32, #tpu.memory_space<hbm>>) dst(%arg11 : memref<10000xf32, #tpu.memory_space<vmem>>)
      tpu.yield
    }) : () -> ()
    %parallel_loop3A = arith.constant 0 : i32
    %parallel_loop3A_28 = arith.constant 2500 : i32
    %parallel_loop3A_29 = arith.constant 1 : i32
    scf.for %parallel_loop3A_147 = %parallel_loop3A to %parallel_loop3A_28 step %parallel_loop3A_29  : i32 {
      %parallel_loop3A_148 = arith.constant 16 : i32
      %parallel_loop3A_149 = arith.muli %parallel_loop3A_147, %parallel_loop3A_148 : i32
      %parallel_loop3A_150 = arith.index_cast %parallel_loop3A_149 : i32 to index
      %parallel_loop3A_151 = tpu.vector_load %arg9[%parallel_loop3A_150] {strides = array<i32>} : memref<40000xf32, #tpu.memory_space<vmem>>, vector<16xf32>,
      tpu.vector_store %arg9[%parallel_loop3A_150], %broadcast_in_dim3A_1 {strides = array<i32>} : memref<40000xf32, #tpu.memory_space<vmem>>, vector<16xf32>,
    } {sc.loop_unroll_factor = 8 : i64, sc.parallel_access}
    %parallel_loop3A_30 = arith.constant 0 : i32
    %parallel_loop3A_31 = arith.constant 625 : i32
    %parallel_loop3A_32 = arith.constant 1 : i32
    scf.for %parallel_loop3A_147 = %parallel_loop3A_30 to %parallel_loop3A_31 step %parallel_loop3A_32  : i32 {
      %parallel_loop3A_148 = arith.constant 16 : i32
      %parallel_loop3A_149 = arith.muli %parallel_loop3A_147, %parallel_loop3A_148 : i32
      %parallel_loop3A_150 = arith.index_cast %parallel_loop3A_149 : i32 to index
      %parallel_loop3A_151 = tpu.vector_load %arg12[%parallel_loop3A_150] {strides = array<i32>} : memref<10000xf32, #tpu.memory_space<vmem>>, vector<16xf32>,
      tpu.vector_store %arg12[%parallel_loop3A_150], %broadcast_in_dim3A_1 {strides = array<i32>} : memref<10000xf32, #tpu.memory_space<vmem>>, vector<16xf32>,
    } {sc.loop_unroll_factor = 8 : i64, sc.parallel_access}
    %dma_start3A = arith.constant 0 : i32
    %dma_start3A_33 = tpu.memref_slice %arg13[%dma_start3A] : memref<8000xi32, #tpu.memory_space<vmem>> -> memref<4000xi32, #tpu.memory_space<vmem>>
    %dma_start3A_34 = arith.constant 0 : i32
    %dma_start3A_35 = tpu.memref_slice %arg5[%dma_start3A_34] : memref<320000xi32, #tpu.memory_space<hbm>> -> memref<4000xi32, #tpu.memory_space<hbm>>
    %dma_start3A_36 = arith.constant 0 : i32
    %dma_start3A_37 = tpu.memref_slice %arg13[%dma_start3A_36] : memref<8000xi32, #tpu.memory_space<vmem>> -> memref<4000xi32, #tpu.memory_space<vmem>>
    %dma_start3A_38 = arith.constant 0 : i32
    %dma_start3A_39 = tpu.memref_slice %arg5[%dma_start3A_38] : memref<320000xi32, #tpu.memory_space<hbm>> -> memref<4000xi32, #tpu.memory_space<hbm>>
    tpu.enqueue_dma source(%dma_start3A_39 : memref<4000xi32, #tpu.memory_space<hbm>>) target(%dma_start3A_37 : memref<4000xi32, #tpu.memory_space<vmem>>) target_semaphore(%arg14 : memref<!tpu.dma_semaphore, #tpu.memory_space<semaphore_mem>>)
    %scan3A = arith.constant 0 : i32
    %scan3A_40 = arith.constant 0 : i32
    %scan3A_41 = arith.constant 40 : i32
    %scan3A_42 = arith.addi %scan3A_40, %scan3A_41 : i32
    %scan3A_43 = arith.constant 1 : i32
    %scan3A_44 = scf.for %scan3A_147 = %scan3A_40 to %scan3A_42 step %scan3A_43 iter_args(%scan3A_148 = %scan3A) -> (i32)  : i32 {
      %mul3A_149 = arith.constant 2 : i32
      %mul3A_150 = arith.muli %scan3A_147, %mul3A_149 : i32
      %dma_wait3A_151 = arith.constant 0 : i32
      %dma_wait3A_152 = tpu.memref_slice %arg13[%dma_wait3A_151] : memref<8000xi32, #tpu.memory_space<vmem>> -> memref<4000xi32, #tpu.memory_space<vmem>>
      %dma_wait3A_153 = arith.constant 0 : i32
      %dma_wait3A_154 = tpu.memref_slice %arg5[%dma_wait3A_153] : memref<320000xi32, #tpu.memory_space<hbm>> -> memref<4000xi32, #tpu.memory_space<hbm>>
      %dma_wait3A_155 = arith.constant 0 : i32
      %dma_wait3A_156 = tpu.memref_slice %arg13[%dma_wait3A_155] : memref<8000xi32, #tpu.memory_space<vmem>> -> memref<4000xi32, #tpu.memory_space<vmem>>
      %dma_wait3A_157 = arith.constant 0 : i32
      %dma_wait3A_158 = tpu.memref_slice %arg5[%dma_wait3A_157] : memref<320000xi32, #tpu.memory_space<hbm>> -> memref<4000xi32, #tpu.memory_space<hbm>>
      tpu.wait_dma2 semaphore(%arg14 : memref<!tpu.dma_semaphore, #tpu.memory_space<semaphore_mem>>) src(%dma_wait3A_158 : memref<4000xi32, #tpu.memory_space<hbm>>) dst(%dma_wait3A_156 : memref<4000xi32, #tpu.memory_space<vmem>>)
      %add3A_159 = arith.constant 1 : i32
      %add3A_160 = arith.addi %mul3A_150, %add3A_159 : i32
      %mul3A_161 = arith.constant 4000 : i32
      %mul3A_162 = arith.muli %add3A_160, %mul3A_161 : i32
      %dma_start3A_163 = arith.constant 4000 : i32
      %dma_start3A_164 = tpu.memref_slice %arg13[%dma_start3A_163] : memref<8000xi32, #tpu.memory_space<vmem>> -> memref<4000xi32, #tpu.memory_space<vmem>>
      %dma_start3A_165 = tpu.memref_slice %arg5[%mul3A_162] : memref<320000xi32, #tpu.memory_space<hbm>> -> memref<4000xi32, #tpu.memory_space<hbm>>
      %dma_start3A_166 = arith.constant 4000 : i32
      %dma_start3A_167 = tpu.memref_slice %arg13[%dma_start3A_166] : memref<8000xi32, #tpu.memory_space<vmem>> -> memref<4000xi32, #tpu.memory_space<vmem>>
      %dma_start3A_168 = tpu.memref_slice %arg5[%mul3A_162] : memref<320000xi32, #tpu.memory_space<hbm>> -> memref<4000xi32, #tpu.memory_space<hbm>>
      tpu.enqueue_dma source(%dma_start3A_168 : memref<4000xi32, #tpu.memory_space<hbm>>) target(%dma_start3A_167 : memref<4000xi32, #tpu.memory_space<vmem>>) target_semaphore(%arg15 : memref<!tpu.dma_semaphore, #tpu.memory_space<semaphore_mem>>)
      %parallel_loop3A_169 = arith.constant 0 : i32
      %parallel_loop3A_170 = arith.constant 250 : i32
      %parallel_loop3A_171 = arith.constant 1 : i32
      scf.for %parallel_loop3A_195 = %parallel_loop3A_169 to %parallel_loop3A_170 step %parallel_loop3A_171  : i32 {
        %parallel_loop3A_196 = arith.constant 16 : i32
        %parallel_loop3A_197 = arith.muli %parallel_loop3A_195, %parallel_loop3A_196 : i32
        %parallel_loop3A_198 = arith.constant 0 : i32
        %parallel_loop3A_199 = arith.addi %parallel_loop3A_198, %parallel_loop3A_197 : i32
        %parallel_loop3A_200 = arith.index_cast %parallel_loop3A_199 : i32 to index
        %parallel_loop3A_201 = tpu.vector_load %arg13[%parallel_loop3A_200] {strides = array<i32>} : memref<8000xi32, #tpu.memory_space<vmem>>, vector<16xi32>,
        %parallel_loop3A_202 = arith.constant 14 : i32
        %parallel_loop3A_203 = vector.broadcast %parallel_loop3A_202 : i32 to vector<16xi32>
        %parallel_loop3A_204 = arith.shrui %parallel_loop3A_201, %parallel_loop3A_203 : vector<16xi32>
        %parallel_loop3A_205 = arith.constant 16383 : i32
        %parallel_loop3A_206 = vector.broadcast %parallel_loop3A_205 : i32 to vector<16xi32>
        %parallel_loop3A_207 = arith.andi %parallel_loop3A_201, %parallel_loop3A_206 : vector<16xi32>
        %parallel_loop3A_208 = tpu.vector_load_idx %arg10[%parallel_loop3A_204] : memref<10000xf32, #tpu.memory_space<vmem>>[vector<16xi32>], vector<16xf32>,
        %parallel_loop3A_209 = tpu.vector_load_idx %arg11[%parallel_loop3A_207] : memref<10000xf32, #tpu.memory_space<vmem>>[vector<16xi32>], vector<16xf32>,
        %parallel_loop3A_210 = arith.addf %parallel_loop3A_208, %parallel_loop3A_209 : vector<16xf32>
        %parallel_loop3A_211 = arith.constant 2.000000e-01 : f32
        %parallel_loop3A_212 = vector.broadcast %parallel_loop3A_211 : f32 to vector<16xf32>
        %parallel_loop3A_213 = arith.mulf %parallel_loop3A_212, %parallel_loop3A_210 : vector<16xf32>
        %parallel_loop3A_214 = arith.maximumf %parallel_loop3A_210, %parallel_loop3A_213 : vector<16xf32>
        %parallel_loop3A_215 = math.exp %parallel_loop3A_214 : vector<16xf32>
        tpu.vector_store_idx %arg12[%parallel_loop3A_207], %parallel_loop3A_215 {add = true} : memref<10000xf32, #tpu.memory_space<vmem>>[vector<16xi32>], vector<16xf32>,
        %parallel_loop3A_216 = arith.constant 0 : i32
        %parallel_loop3A_217 = vector.broadcast %parallel_loop3A_216 : i32 to vector<16xi32>
        %parallel_loop3A_218 = arith.addi %parallel_loop3A_204, %parallel_loop3A_217 : vector<16xi32>
        %parallel_loop3A_219 = tpu.vector_load_idx %arg8[%parallel_loop3A_218] : memref<40000xf32, #tpu.memory_space<vmem>>[vector<16xi32>], vector<16xf32>,
        %parallel_loop3A_220 = arith.constant 0 : i32
        %parallel_loop3A_221 = vector.broadcast %parallel_loop3A_220 : i32 to vector<16xi32>
        %parallel_loop3A_222 = arith.addi %parallel_loop3A_207, %parallel_loop3A_221 : vector<16xi32>
        %parallel_loop3A_223 = arith.mulf %parallel_loop3A_219, %parallel_loop3A_215 : vector<16xf32>
        tpu.vector_store_idx %arg9[%parallel_loop3A_222], %parallel_loop3A_223 {add = true} : memref<40000xf32, #tpu.memory_space<vmem>>[vector<16xi32>], vector<16xf32>,
        %parallel_loop3A_224 = arith.constant 10000 : i32
        %parallel_loop3A_225 = vector.broadcast %parallel_loop3A_224 : i32 to vector<16xi32>
        %parallel_loop3A_226 = arith.addi %parallel_loop3A_204, %parallel_loop3A_225 : vector<16xi32>
        %parallel_loop3A_227 = tpu.vector_load_idx %arg8[%parallel_loop3A_226] : memref<40000xf32, #tpu.memory_space<vmem>>[vector<16xi32>], vector<16xf32>,
        %parallel_loop3A_228 = arith.constant 10000 : i32
        %parallel_loop3A_229 = vector.broadcast %parallel_loop3A_228 : i32 to vector<16xi32>
        %parallel_loop3A_230 = arith.addi %parallel_loop3A_207, %parallel_loop3A_229 : vector<16xi32>
        %parallel_loop3A_231 = arith.mulf %parallel_loop3A_227, %parallel_loop3A_215 : vector<16xf32>
        tpu.vector_store_idx %arg9[%parallel_loop3A_230], %parallel_loop3A_231 {add = true} : memref<40000xf32, #tpu.memory_space<vmem>>[vector<16xi32>], vector<16xf32>,
        %parallel_loop3A_232 = arith.constant 20000 : i32
        %parallel_loop3A_233 = vector.broadcast %parallel_loop3A_232 : i32 to vector<16xi32>
        %parallel_loop3A_234 = arith.addi %parallel_loop3A_204, %parallel_loop3A_233 : vector<16xi32>
        %parallel_loop3A_235 = tpu.vector_load_idx %arg8[%parallel_loop3A_234] : memref<40000xf32, #tpu.memory_space<vmem>>[vector<16xi32>], vector<16xf32>,
        %parallel_loop3A_236 = arith.constant 20000 : i32
        %parallel_loop3A_237 = vector.broadcast %parallel_loop3A_236 : i32 to vector<16xi32>
        %parallel_loop3A_238 = arith.addi %parallel_loop3A_207, %parallel_loop3A_237 : vector<16xi32>
        %parallel_loop3A_239 = arith.mulf %parallel_loop3A_235, %parallel_loop3A_215 : vector<16xf32>
        tpu.vector_store_idx %arg9[%parallel_loop3A_238], %parallel_loop3A_239 {add = true} : memref<40000xf32, #tpu.memory_space<vmem>>[vector<16xi32>], vector<16xf32>,
        %parallel_loop3A_240 = arith.constant 30000 : i32
        %parallel_loop3A_241 = vector.broadcast %parallel_loop3A_240 : i32 to vector<16xi32>
        %parallel_loop3A_242 = arith.addi %parallel_loop3A_204, %parallel_loop3A_241 : vector<16xi32>
        %parallel_loop3A_243 = tpu.vector_load_idx %arg8[%parallel_loop3A_242] : memref<40000xf32, #tpu.memory_space<vmem>>[vector<16xi32>], vector<16xf32>,
        %parallel_loop3A_244 = arith.constant 30000 : i32
        %parallel_loop3A_245 = vector.broadcast %parallel_loop3A_244 : i32 to vector<16xi32>
        %parallel_loop3A_246 = arith.addi %parallel_loop3A_207, %parallel_loop3A_245 : vector<16xi32>
        %parallel_loop3A_247 = arith.mulf %parallel_loop3A_243, %parallel_loop3A_215 : vector<16xf32>
        tpu.vector_store_idx %arg9[%parallel_loop3A_246], %parallel_loop3A_247 {add = true} : memref<40000xf32, #tpu.memory_space<vmem>>[vector<16xi32>], vector<16xf32>,
      } {sc.loop_unroll_factor = 16 : i64, sc.parallel_access}
      %dma_wait3A_172 = arith.constant 4000 : i32
      %dma_wait3A_173 = tpu.memref_slice %arg13[%dma_wait3A_172] : memref<8000xi32, #tpu.memory_space<vmem>> -> memref<4000xi32, #tpu.memory_space<vmem>>
      %dma_wait3A_174 = arith.constant 0 : i32
      %dma_wait3A_175 = tpu.memref_slice %arg5[%dma_wait3A_174] : memref<320000xi32, #tpu.memory_space<hbm>> -> memref<4000xi32, #tpu.memory_space<hbm>>
      %dma_wait3A_176 = arith.constant 4000 : i32
      %dma_wait3A_177 = tpu.memref_slice %arg13[%dma_wait3A_176] : memref<8000xi32, #tpu.memory_space<vmem>> -> memref<4000xi32, #tpu.memory_space<vmem>>
      %dma_wait3A_178 = arith.constant 0 : i32
      %dma_wait3A_179 = tpu.memref_slice %arg5[%dma_wait3A_178] : memref<320000xi32, #tpu.memory_space<hbm>> -> memref<4000xi32, #tpu.memory_space<hbm>>
      tpu.wait_dma2 semaphore(%arg15 : memref<!tpu.dma_semaphore, #tpu.memory_space<semaphore_mem>>) src(%dma_wait3A_179 : memref<4000xi32, #tpu.memory_space<hbm>>) dst(%dma_wait3A_177 : memref<4000xi32, #tpu.memory_space<vmem>>)
      %add3A_180 = arith.constant 2 : i32
      %add3A_181 = arith.addi %mul3A_150, %add3A_180 : i32
      %min3A = arith.constant 79 : i32
      %min3A_182 = arith.minsi %add3A_181, %min3A : i32
      %mul3A_183 = arith.constant 4000 : i32
      %mul3A_184 = arith.muli %min3A_182, %mul3A_183 : i32
      %dma_start3A_185 = arith.constant 0 : i32
      %dma_start3A_186 = tpu.memref_slice %arg13[%dma_start3A_185] : memref<8000xi32, #tpu.memory_space<vmem>> -> memref<4000xi32, #tpu.memory_space<vmem>>
      %dma_start3A_187 = tpu.memref_slice %arg5[%mul3A_184] : memref<320000xi32, #tpu.memory_space<hbm>> -> memref<4000xi32, #tpu.memory_space<hbm>>
      %dma_start3A_188 = arith.constant 0 : i32
      %dma_start3A_189 = tpu.memref_slice %arg13[%dma_start3A_188] : memref<8000xi32, #tpu.memory_space<vmem>> -> memref<4000xi32, #tpu.memory_space<vmem>>
      %dma_start3A_190 = tpu.memref_slice %arg5[%mul3A_184] : memref<320000xi32, #tpu.memory_space<hbm>> -> memref<4000xi32, #tpu.memory_space<hbm>>
      tpu.enqueue_dma source(%dma_start3A_190 : memref<4000xi32, #tpu.memory_space<hbm>>) target(%dma_start3A_189 : memref<4000xi32, #tpu.memory_space<vmem>>) target_semaphore(%arg14 : memref<!tpu.dma_semaphore, #tpu.memory_space<semaphore_mem>>)
      %parallel_loop3A_191 = arith.constant 0 : i32
      %parallel_loop3A_192 = arith.constant 250 : i32
      %parallel_loop3A_193 = arith.constant 1 : i32
      scf.for %parallel_loop3A_195 = %parallel_loop3A_191 to %parallel_loop3A_192 step %parallel_loop3A_193  : i32 {
        %parallel_loop3A_196 = arith.constant 16 : i32
        %parallel_loop3A_197 = arith.muli %parallel_loop3A_195, %parallel_loop3A_196 : i32
        %parallel_loop3A_198 = arith.constant 4000 : i32
        %parallel_loop3A_199 = arith.addi %parallel_loop3A_198, %parallel_loop3A_197 : i32
        %parallel_loop3A_200 = arith.index_cast %parallel_loop3A_199 : i32 to index
        %parallel_loop3A_201 = tpu.vector_load %arg13[%parallel_loop3A_200] {strides = array<i32>} : memref<8000xi32, #tpu.memory_space<vmem>>, vector<16xi32>,
        %parallel_loop3A_202 = arith.constant 14 : i32
        %parallel_loop3A_203 = vector.broadcast %parallel_loop3A_202 : i32 to vector<16xi32>
        %parallel_loop3A_204 = arith.shrui %parallel_loop3A_201, %parallel_loop3A_203 : vector<16xi32>
        %parallel_loop3A_205 = arith.constant 16383 : i32
        %parallel_loop3A_206 = vector.broadcast %parallel_loop3A_205 : i32 to vector<16xi32>
        %parallel_loop3A_207 = arith.andi %parallel_loop3A_201, %parallel_loop3A_206 : vector<16xi32>
        %parallel_loop3A_208 = tpu.vector_load_idx %arg10[%parallel_loop3A_204] : memref<10000xf32, #tpu.memory_space<vmem>>[vector<16xi32>], vector<16xf32>,
        %parallel_loop3A_209 = tpu.vector_load_idx %arg11[%parallel_loop3A_207] : memref<10000xf32, #tpu.memory_space<vmem>>[vector<16xi32>], vector<16xf32>,
        %parallel_loop3A_210 = arith.addf %parallel_loop3A_208, %parallel_loop3A_209 : vector<16xf32>
        %parallel_loop3A_211 = arith.constant 2.000000e-01 : f32
        %parallel_loop3A_212 = vector.broadcast %parallel_loop3A_211 : f32 to vector<16xf32>
        %parallel_loop3A_213 = arith.mulf %parallel_loop3A_212, %parallel_loop3A_210 : vector<16xf32>
        %parallel_loop3A_214 = arith.maximumf %parallel_loop3A_210, %parallel_loop3A_213 : vector<16xf32>
        %parallel_loop3A_215 = math.exp %parallel_loop3A_214 : vector<16xf32>
        tpu.vector_store_idx %arg12[%parallel_loop3A_207], %parallel_loop3A_215 {add = true} : memref<10000xf32, #tpu.memory_space<vmem>>[vector<16xi32>], vector<16xf32>,
        %parallel_loop3A_216 = arith.constant 0 : i32
        %parallel_loop3A_217 = vector.broadcast %parallel_loop3A_216 : i32 to vector<16xi32>
        %parallel_loop3A_218 = arith.addi %parallel_loop3A_204, %parallel_loop3A_217 : vector<16xi32>
        %parallel_loop3A_219 = tpu.vector_load_idx %arg8[%parallel_loop3A_218] : memref<40000xf32, #tpu.memory_space<vmem>>[vector<16xi32>], vector<16xf32>,
        %parallel_loop3A_220 = arith.constant 0 : i32
        %parallel_loop3A_221 = vector.broadcast %parallel_loop3A_220 : i32 to vector<16xi32>
        %parallel_loop3A_222 = arith.addi %parallel_loop3A_207, %parallel_loop3A_221 : vector<16xi32>
        %parallel_loop3A_223 = arith.mulf %parallel_loop3A_219, %parallel_loop3A_215 : vector<16xf32>
        tpu.vector_store_idx %arg9[%parallel_loop3A_222], %parallel_loop3A_223 {add = true} : memref<40000xf32, #tpu.memory_space<vmem>>[vector<16xi32>], vector<16xf32>,
        %parallel_loop3A_224 = arith.constant 10000 : i32
        %parallel_loop3A_225 = vector.broadcast %parallel_loop3A_224 : i32 to vector<16xi32>
        %parallel_loop3A_226 = arith.addi %parallel_loop3A_204, %parallel_loop3A_225 : vector<16xi32>
        %parallel_loop3A_227 = tpu.vector_load_idx %arg8[%parallel_loop3A_226] : memref<40000xf32, #tpu.memory_space<vmem>>[vector<16xi32>], vector<16xf32>,
        %parallel_loop3A_228 = arith.constant 10000 : i32
        %parallel_loop3A_229 = vector.broadcast %parallel_loop3A_228 : i32 to vector<16xi32>
        %parallel_loop3A_230 = arith.addi %parallel_loop3A_207, %parallel_loop3A_229 : vector<16xi32>
        %parallel_loop3A_231 = arith.mulf %parallel_loop3A_227, %parallel_loop3A_215 : vector<16xf32>
        tpu.vector_store_idx %arg9[%parallel_loop3A_230], %parallel_loop3A_231 {add = true} : memref<40000xf32, #tpu.memory_space<vmem>>[vector<16xi32>], vector<16xf32>,
        %parallel_loop3A_232 = arith.constant 20000 : i32
        %parallel_loop3A_233 = vector.broadcast %parallel_loop3A_232 : i32 to vector<16xi32>
        %parallel_loop3A_234 = arith.addi %parallel_loop3A_204, %parallel_loop3A_233 : vector<16xi32>
        %parallel_loop3A_235 = tpu.vector_load_idx %arg8[%parallel_loop3A_234] : memref<40000xf32, #tpu.memory_space<vmem>>[vector<16xi32>], vector<16xf32>,
        %parallel_loop3A_236 = arith.constant 20000 : i32
        %parallel_loop3A_237 = vector.broadcast %parallel_loop3A_236 : i32 to vector<16xi32>
        %parallel_loop3A_238 = arith.addi %parallel_loop3A_207, %parallel_loop3A_237 : vector<16xi32>
        %parallel_loop3A_239 = arith.mulf %parallel_loop3A_235, %parallel_loop3A_215 : vector<16xf32>
        tpu.vector_store_idx %arg9[%parallel_loop3A_238], %parallel_loop3A_239 {add = true} : memref<40000xf32, #tpu.memory_space<vmem>>[vector<16xi32>], vector<16xf32>,
        %parallel_loop3A_240 = arith.constant 30000 : i32
        %parallel_loop3A_241 = vector.broadcast %parallel_loop3A_240 : i32 to vector<16xi32>
        %parallel_loop3A_242 = arith.addi %parallel_loop3A_204, %parallel_loop3A_241 : vector<16xi32>
        %parallel_loop3A_243 = tpu.vector_load_idx %arg8[%parallel_loop3A_242] : memref<40000xf32, #tpu.memory_space<vmem>>[vector<16xi32>], vector<16xf32>,
        %parallel_loop3A_244 = arith.constant 30000 : i32
        %parallel_loop3A_245 = vector.broadcast %parallel_loop3A_244 : i32 to vector<16xi32>
        %parallel_loop3A_246 = arith.addi %parallel_loop3A_207, %parallel_loop3A_245 : vector<16xi32>
        %parallel_loop3A_247 = arith.mulf %parallel_loop3A_243, %parallel_loop3A_215 : vector<16xf32>
        tpu.vector_store_idx %arg9[%parallel_loop3A_246], %parallel_loop3A_247 {add = true} : memref<40000xf32, #tpu.memory_space<vmem>>[vector<16xi32>], vector<16xf32>,
      } {sc.loop_unroll_factor = 16 : i64, sc.parallel_access}
      %scan3A_194 = arith.constant 0 : i32
      scf.yield %scan3A_194 : i32
    }
    %scan3A_45 = arith.constant 40 : i32
    %dma_wait3A = arith.constant 0 : i32
    %dma_wait3A_46 = tpu.memref_slice %arg13[%dma_wait3A] : memref<8000xi32, #tpu.memory_space<vmem>> -> memref<4000xi32, #tpu.memory_space<vmem>>
    %dma_wait3A_47 = arith.constant 0 : i32
    %dma_wait3A_48 = tpu.memref_slice %arg5[%dma_wait3A_47] : memref<320000xi32, #tpu.memory_space<hbm>> -> memref<4000xi32, #tpu.memory_space<hbm>>
    %dma_wait3A_49 = arith.constant 0 : i32
    %dma_wait3A_50 = tpu.memref_slice %arg13[%dma_wait3A_49] : memref<8000xi32, #tpu.memory_space<vmem>> -> memref<4000xi32, #tpu.memory_space<vmem>>
    %dma_wait3A_51 = arith.constant 0 : i32
    %dma_wait3A_52 = tpu.memref_slice %arg5[%dma_wait3A_51] : memref<320000xi32, #tpu.memory_space<hbm>> -> memref<4000xi32, #tpu.memory_space<hbm>>
    tpu.wait_dma2 semaphore(%arg14 : memref<!tpu.dma_semaphore, #tpu.memory_space<semaphore_mem>>) src(%dma_wait3A_52 : memref<4000xi32, #tpu.memory_space<hbm>>) dst(%dma_wait3A_50 : memref<4000xi32, #tpu.memory_space<vmem>>)
    %add3A_53 = arith.constant 0 : i32
    %add3A_54 = arith.addi %add3A_5, %add3A_53 : i32
    %mul3A_55 = arith.constant 10000 : i32
    %mul3A_56 = arith.muli %add3A_54, %mul3A_55 : i32
    "tpu.region"() ({
      %run_scoped3A = tpu.sem_alloc : memref<!tpu.dma_semaphore, #tpu.memory_space<semaphore_mem>>
      %dma_start3A_147 = arith.constant 0 : i32
      %dma_start3A_148 = tpu.memref_slice %arg9[%dma_start3A_147] : memref<40000xf32, #tpu.memory_space<vmem>> -> memref<10000xf32, #tpu.memory_space<vmem>>
      %dma_start3A_149 = tpu.memref_slice %arg6[%mul3A_56] : memref<2560000xf32, #tpu.memory_space<hbm>> -> memref<10000xf32, #tpu.memory_space<hbm>>
      %dma_start3A_150 = tpu.memref_slice %arg6[%mul3A_56] : memref<2560000xf32, #tpu.memory_space<hbm>> -> memref<10000xf32, #tpu.memory_space<hbm>>
      %dma_start3A_151 = arith.constant 0 : i32
      %dma_start3A_152 = tpu.memref_slice %arg9[%dma_start3A_151] : memref<40000xf32, #tpu.memory_space<vmem>> -> memref<10000xf32, #tpu.memory_space<vmem>>
      tpu.enqueue_dma source(%dma_start3A_152 : memref<10000xf32, #tpu.memory_space<vmem>>) target(%dma_start3A_150 : memref<10000xf32, #tpu.memory_space<hbm>>) target_semaphore(%run_scoped3A : memref<!tpu.dma_semaphore, #tpu.memory_space<semaphore_mem>>)
      %dma_wait3A_153 = arith.constant 0 : i32
      %dma_wait3A_154 = tpu.memref_slice %arg9[%dma_wait3A_153] : memref<40000xf32, #tpu.memory_space<vmem>> -> memref<10000xf32, #tpu.memory_space<vmem>>
      %dma_wait3A_155 = tpu.memref_slice %arg6[%mul3A_56] : memref<2560000xf32, #tpu.memory_space<hbm>> -> memref<10000xf32, #tpu.memory_space<hbm>>
      %dma_wait3A_156 = tpu.memref_slice %arg6[%mul3A_56] : memref<2560000xf32, #tpu.memory_space<hbm>> -> memref<10000xf32, #tpu.memory_space<hbm>>
      %dma_wait3A_157 = arith.constant 0 : i32
      %dma_wait3A_158 = tpu.memref_slice %arg9[%dma_wait3A_157] : memref<40000xf32, #tpu.memory_space<vmem>> -> memref<10000xf32, #tpu.memory_space<vmem>>
      tpu.wait_dma2 semaphore(%run_scoped3A : memref<!tpu.dma_semaphore, #tpu.memory_space<semaphore_mem>>) src(%dma_wait3A_158 : memref<10000xf32, #tpu.memory_space<vmem>>) dst(%dma_wait3A_156 : memref<10000xf32, #tpu.memory_space<hbm>>)
      tpu.yield
    }) : () -> ()
    %add3A_57 = arith.constant 1 : i32
    %add3A_58 = arith.addi %add3A_5, %add3A_57 : i32
    %mul3A_59 = arith.constant 10000 : i32
    %mul3A_60 = arith.muli %add3A_58, %mul3A_59 : i32
    "tpu.region"() ({
      %run_scoped3A = tpu.sem_alloc : memref<!tpu.dma_semaphore, #tpu.memory_space<semaphore_mem>>
      %dma_start3A_147 = arith.constant 10000 : i32
      %dma_start3A_148 = tpu.memref_slice %arg9[%dma_start3A_147] : memref<40000xf32, #tpu.memory_space<vmem>> -> memref<10000xf32, #tpu.memory_space<vmem>>
      %dma_start3A_149 = tpu.memref_slice %arg6[%mul3A_60] : memref<2560000xf32, #tpu.memory_space<hbm>> -> memref<10000xf32, #tpu.memory_space<hbm>>
      %dma_start3A_150 = tpu.memref_slice %arg6[%mul3A_60] : memref<2560000xf32, #tpu.memory_space<hbm>> -> memref<10000xf32, #tpu.memory_space<hbm>>
      %dma_start3A_151 = arith.constant 10000 : i32
      %dma_start3A_152 = tpu.memref_slice %arg9[%dma_start3A_151] : memref<40000xf32, #tpu.memory_space<vmem>> -> memref<10000xf32, #tpu.memory_space<vmem>>
      tpu.enqueue_dma source(%dma_start3A_152 : memref<10000xf32, #tpu.memory_space<vmem>>) target(%dma_start3A_150 : memref<10000xf32, #tpu.memory_space<hbm>>) target_semaphore(%run_scoped3A : memref<!tpu.dma_semaphore, #tpu.memory_space<semaphore_mem>>)
      %dma_wait3A_153 = arith.constant 10000 : i32
      %dma_wait3A_154 = tpu.memref_slice %arg9[%dma_wait3A_153] : memref<40000xf32, #tpu.memory_space<vmem>> -> memref<10000xf32, #tpu.memory_space<vmem>>
      %dma_wait3A_155 = tpu.memref_slice %arg6[%mul3A_60] : memref<2560000xf32, #tpu.memory_space<hbm>> -> memref<10000xf32, #tpu.memory_space<hbm>>
      %dma_wait3A_156 = tpu.memref_slice %arg6[%mul3A_60] : memref<2560000xf32, #tpu.memory_space<hbm>> -> memref<10000xf32, #tpu.memory_space<hbm>>
      %dma_wait3A_157 = arith.constant 10000 : i32
      %dma_wait3A_158 = tpu.memref_slice %arg9[%dma_wait3A_157] : memref<40000xf32, #tpu.memory_space<vmem>> -> memref<10000xf32, #tpu.memory_space<vmem>>
      tpu.wait_dma2 semaphore(%run_scoped3A : memref<!tpu.dma_semaphore, #tpu.memory_space<semaphore_mem>>) src(%dma_wait3A_158 : memref<10000xf32, #tpu.memory_space<vmem>>) dst(%dma_wait3A_156 : memref<10000xf32, #tpu.memory_space<hbm>>)
      tpu.yield
    }) : () -> ()
    %add3A_61 = arith.constant 2 : i32
    %add3A_62 = arith.addi %add3A_5, %add3A_61 : i32
    %mul3A_63 = arith.constant 10000 : i32
    %mul3A_64 = arith.muli %add3A_62, %mul3A_63 : i32
    "tpu.region"() ({
      %run_scoped3A = tpu.sem_alloc : memref<!tpu.dma_semaphore, #tpu.memory_space<semaphore_mem>>
      %dma_start3A_147 = arith.constant 20000 : i32
      %dma_start3A_148 = tpu.memref_slice %arg9[%dma_start3A_147] : memref<40000xf32, #tpu.memory_space<vmem>> -> memref<10000xf32, #tpu.memory_space<vmem>>
      %dma_start3A_149 = tpu.memref_slice %arg6[%mul3A_64] : memref<2560000xf32, #tpu.memory_space<hbm>> -> memref<10000xf32, #tpu.memory_space<hbm>>
      %dma_start3A_150 = tpu.memref_slice %arg6[%mul3A_64] : memref<2560000xf32, #tpu.memory_space<hbm>> -> memref<10000xf32, #tpu.memory_space<hbm>>
      %dma_start3A_151 = arith.constant 20000 : i32
      %dma_start3A_152 = tpu.memref_slice %arg9[%dma_start3A_151] : memref<40000xf32, #tpu.memory_space<vmem>> -> memref<10000xf32, #tpu.memory_space<vmem>>
      tpu.enqueue_dma source(%dma_start3A_152 : memref<10000xf32, #tpu.memory_space<vmem>>) target(%dma_start3A_150 : memref<10000xf32, #tpu.memory_space<hbm>>) target_semaphore(%run_scoped3A : memref<!tpu.dma_semaphore, #tpu.memory_space<semaphore_mem>>)
      %dma_wait3A_153 = arith.constant 20000 : i32
      %dma_wait3A_154 = tpu.memref_slice %arg9[%dma_wait3A_153] : memref<40000xf32, #tpu.memory_space<vmem>> -> memref<10000xf32, #tpu.memory_space<vmem>>
      %dma_wait3A_155 = tpu.memref_slice %arg6[%mul3A_64] : memref<2560000xf32, #tpu.memory_space<hbm>> -> memref<10000xf32, #tpu.memory_space<hbm>>
      %dma_wait3A_156 = tpu.memref_slice %arg6[%mul3A_64] : memref<2560000xf32, #tpu.memory_space<hbm>> -> memref<10000xf32, #tpu.memory_space<hbm>>
      %dma_wait3A_157 = arith.constant 20000 : i32
      %dma_wait3A_158 = tpu.memref_slice %arg9[%dma_wait3A_157] : memref<40000xf32, #tpu.memory_space<vmem>> -> memref<10000xf32, #tpu.memory_space<vmem>>
      tpu.wait_dma2 semaphore(%run_scoped3A : memref<!tpu.dma_semaphore, #tpu.memory_space<semaphore_mem>>) src(%dma_wait3A_158 : memref<10000xf32, #tpu.memory_space<vmem>>) dst(%dma_wait3A_156 : memref<10000xf32, #tpu.memory_space<hbm>>)
      tpu.yield
    }) : () -> ()
    %add3A_65 = arith.constant 3 : i32
    %add3A_66 = arith.addi %add3A_5, %add3A_65 : i32
    %mul3A_67 = arith.constant 10000 : i32
    %mul3A_68 = arith.muli %add3A_66, %mul3A_67 : i32
    "tpu.region"() ({
      %run_scoped3A = tpu.sem_alloc : memref<!tpu.dma_semaphore, #tpu.memory_space<semaphore_mem>>
      %dma_start3A_147 = arith.constant 30000 : i32
      %dma_start3A_148 = tpu.memref_slice %arg9[%dma_start3A_147] : memref<40000xf32, #tpu.memory_space<vmem>> -> memref<10000xf32, #tpu.memory_space<vmem>>
      %dma_start3A_149 = tpu.memref_slice %arg6[%mul3A_68] : memref<2560000xf32, #tpu.memory_space<hbm>> -> memref<10000xf32, #tpu.memory_space<hbm>>
      %dma_start3A_150 = tpu.memref_slice %arg6[%mul3A_68] : memref<2560000xf32, #tpu.memory_space<hbm>> -> memref<10000xf32, #tpu.memory_space<hbm>>
      %dma_start3A_151 = arith.constant 30000 : i32
      %dma_start3A_152 = tpu.memref_slice %arg9[%dma_start3A_151] : memref<40000xf32, #tpu.memory_space<vmem>> -> memref<10000xf32, #tpu.memory_space<vmem>>
      tpu.enqueue_dma source(%dma_start3A_152 : memref<10000xf32, #tpu.memory_space<vmem>>) target(%dma_start3A_150 : memref<10000xf32, #tpu.memory_space<hbm>>) target_semaphore(%run_scoped3A : memref<!tpu.dma_semaphore, #tpu.memory_space<semaphore_mem>>)
      %dma_wait3A_153 = arith.constant 30000 : i32
      %dma_wait3A_154 = tpu.memref_slice %arg9[%dma_wait3A_153] : memref<40000xf32, #tpu.memory_space<vmem>> -> memref<10000xf32, #tpu.memory_space<vmem>>
      %dma_wait3A_155 = tpu.memref_slice %arg6[%mul3A_68] : memref<2560000xf32, #tpu.memory_space<hbm>> -> memref<10000xf32, #tpu.memory_space<hbm>>
      %dma_wait3A_156 = tpu.memref_slice %arg6[%mul3A_68] : memref<2560000xf32, #tpu.memory_space<hbm>> -> memref<10000xf32, #tpu.memory_space<hbm>>
      %dma_wait3A_157 = arith.constant 30000 : i32
      %dma_wait3A_158 = tpu.memref_slice %arg9[%dma_wait3A_157] : memref<40000xf32, #tpu.memory_space<vmem>> -> memref<10000xf32, #tpu.memory_space<vmem>>
      tpu.wait_dma2 semaphore(%run_scoped3A : memref<!tpu.dma_semaphore, #tpu.memory_space<semaphore_mem>>) src(%dma_wait3A_158 : memref<10000xf32, #tpu.memory_space<vmem>>) dst(%dma_wait3A_156 : memref<10000xf32, #tpu.memory_space<hbm>>)
      tpu.yield
    }) : () -> ()
    %eq3A = arith.constant 0 : i32
    %eq3A_69 = arith.cmpi eq, %arg1, %eq3A : i32
    %convert_element_type3A = arith.extui %eq3A_69 : i1 to i32
    %cond3A = arith.constant 0 : i32
    %cond3A_70 = arith.cmpi ne, %convert_element_type3A, %cond3A : i32
    scf.if %cond3A_70 {
      %mul3A_147 = arith.constant 10000 : i32
      %mul3A_148 = arith.muli %add3A_7, %mul3A_147 : i32
      "tpu.region"() ({
        %run_scoped3A = tpu.sem_alloc : memref<!tpu.dma_semaphore, #tpu.memory_space<semaphore_mem>>
        %dma_start3A_149 = tpu.memref_slice %arg7[%mul3A_148] : memref<40000xf32, #tpu.memory_space<hbm>> -> memref<10000xf32, #tpu.memory_space<hbm>>
        %dma_start3A_150 = tpu.memref_slice %arg7[%mul3A_148] : memref<40000xf32, #tpu.memory_space<hbm>> -> memref<10000xf32, #tpu.memory_space<hbm>>
        tpu.enqueue_dma source(%arg12 : memref<10000xf32, #tpu.memory_space<vmem>>) target(%dma_start3A_150 : memref<10000xf32, #tpu.memory_space<hbm>>) target_semaphore(%run_scoped3A : memref<!tpu.dma_semaphore, #tpu.memory_space<semaphore_mem>>)
        %dma_wait3A_151 = tpu.memref_slice %arg7[%mul3A_148] : memref<40000xf32, #tpu.memory_space<hbm>> -> memref<10000xf32, #tpu.memory_space<hbm>>
        %dma_wait3A_152 = tpu.memref_slice %arg7[%mul3A_148] : memref<40000xf32, #tpu.memory_space<hbm>> -> memref<10000xf32, #tpu.memory_space<hbm>>
        tpu.wait_dma2 semaphore(%run_scoped3A : memref<!tpu.dma_semaphore, #tpu.memory_space<semaphore_mem>>) src(%arg12 : memref<10000xf32, #tpu.memory_space<vmem>>) dst(%dma_wait3A_152 : memref<10000xf32, #tpu.memory_space<hbm>>)
        tpu.yield
      }) : () -> ()
    } else {
    }
    %mul3A_71 = arith.constant 4 : i32
    %mul3A_72 = arith.muli %add3A, %mul3A_71 : i32
    %add3A_73 = arith.constant 128 : i32
    %add3A_74 = arith.addi %add3A_73, %mul3A_72 : i32
    %add3A_75 = arith.constant 2 : i32
    %add3A_76 = arith.addi %add3A_75, %arg0 : i32
    %add3A_77 = arith.constant 0 : i32
    %add3A_78 = arith.addi %add3A_74, %add3A_77 : i32
    %mul3A_79 = arith.constant 10000 : i32
    %mul3A_80 = arith.muli %add3A_78, %mul3A_79 : i32
    "tpu.region"() ({
      %run_scoped3A = tpu.sem_alloc : memref<!tpu.dma_semaphore, #tpu.memory_space<semaphore_mem>>
      %dma_start3A_147 = arith.constant 0 : i32
      %dma_start3A_148 = tpu.memref_slice %arg8[%dma_start3A_147] : memref<40000xf32, #tpu.memory_space<vmem>> -> memref<10000xf32, #tpu.memory_space<vmem>>
      %dma_start3A_149 = tpu.memref_slice %arg2[%mul3A_80] : memref<2560000xf32, #tpu.memory_space<hbm>> -> memref<10000xf32, #tpu.memory_space<hbm>>
      %dma_start3A_150 = arith.constant 0 : i32
      %dma_start3A_151 = tpu.memref_slice %arg8[%dma_start3A_150] : memref<40000xf32, #tpu.memory_space<vmem>> -> memref<10000xf32, #tpu.memory_space<vmem>>
      %dma_start3A_152 = tpu.memref_slice %arg2[%mul3A_80] : memref<2560000xf32, #tpu.memory_space<hbm>> -> memref<10000xf32, #tpu.memory_space<hbm>>
      tpu.enqueue_dma source(%dma_start3A_152 : memref<10000xf32, #tpu.memory_space<hbm>>) target(%dma_start3A_151 : memref<10000xf32, #tpu.memory_space<vmem>>) target_semaphore(%run_scoped3A : memref<!tpu.dma_semaphore, #tpu.memory_space<semaphore_mem>>)
      %dma_wait3A_153 = arith.constant 0 : i32
      %dma_wait3A_154 = tpu.memref_slice %arg8[%dma_wait3A_153] : memref<40000xf32, #tpu.memory_space<vmem>> -> memref<10000xf32, #tpu.memory_space<vmem>>
      %dma_wait3A_155 = tpu.memref_slice %arg2[%mul3A_80] : memref<2560000xf32, #tpu.memory_space<hbm>> -> memref<10000xf32, #tpu.memory_space<hbm>>
      %dma_wait3A_156 = arith.constant 0 : i32
      %dma_wait3A_157 = tpu.memref_slice %arg8[%dma_wait3A_156] : memref<40000xf32, #tpu.memory_space<vmem>> -> memref<10000xf32, #tpu.memory_space<vmem>>
      %dma_wait3A_158 = tpu.memref_slice %arg2[%mul3A_80] : memref<2560000xf32, #tpu.memory_space<hbm>> -> memref<10000xf32, #tpu.memory_space<hbm>>
      tpu.wait_dma2 semaphore(%run_scoped3A : memref<!tpu.dma_semaphore, #tpu.memory_space<semaphore_mem>>) src(%dma_wait3A_158 : memref<10000xf32, #tpu.memory_space<hbm>>) dst(%dma_wait3A_157 : memref<10000xf32, #tpu.memory_space<vmem>>)
      tpu.yield
    }) : () -> ()
    %add3A_81 = arith.constant 1 : i32
    %add3A_82 = arith.addi %add3A_74, %add3A_81 : i32
    %mul3A_83 = arith.constant 10000 : i32
    %mul3A_84 = arith.muli %add3A_82, %mul3A_83 : i32
    "tpu.region"() ({
      %run_scoped3A = tpu.sem_alloc : memref<!tpu.dma_semaphore, #tpu.memory_space<semaphore_mem>>
      %dma_start3A_147 = arith.constant 10000 : i32
      %dma_start3A_148 = tpu.memref_slice %arg8[%dma_start3A_147] : memref<40000xf32, #tpu.memory_space<vmem>> -> memref<10000xf32, #tpu.memory_space<vmem>>
      %dma_start3A_149 = tpu.memref_slice %arg2[%mul3A_84] : memref<2560000xf32, #tpu.memory_space<hbm>> -> memref<10000xf32, #tpu.memory_space<hbm>>
      %dma_start3A_150 = arith.constant 10000 : i32
      %dma_start3A_151 = tpu.memref_slice %arg8[%dma_start3A_150] : memref<40000xf32, #tpu.memory_space<vmem>> -> memref<10000xf32, #tpu.memory_space<vmem>>
      %dma_start3A_152 = tpu.memref_slice %arg2[%mul3A_84] : memref<2560000xf32, #tpu.memory_space<hbm>> -> memref<10000xf32, #tpu.memory_space<hbm>>
      tpu.enqueue_dma source(%dma_start3A_152 : memref<10000xf32, #tpu.memory_space<hbm>>) target(%dma_start3A_151 : memref<10000xf32, #tpu.memory_space<vmem>>) target_semaphore(%run_scoped3A : memref<!tpu.dma_semaphore, #tpu.memory_space<semaphore_mem>>)
      %dma_wait3A_153 = arith.constant 10000 : i32
      %dma_wait3A_154 = tpu.memref_slice %arg8[%dma_wait3A_153] : memref<40000xf32, #tpu.memory_space<vmem>> -> memref<10000xf32, #tpu.memory_space<vmem>>
      %dma_wait3A_155 = tpu.memref_slice %arg2[%mul3A_84] : memref<2560000xf32, #tpu.memory_space<hbm>> -> memref<10000xf32, #tpu.memory_space<hbm>>
      %dma_wait3A_156 = arith.constant 10000 : i32
      %dma_wait3A_157 = tpu.memref_slice %arg8[%dma_wait3A_156] : memref<40000xf32, #tpu.memory_space<vmem>> -> memref<10000xf32, #tpu.memory_space<vmem>>
      %dma_wait3A_158 = tpu.memref_slice %arg2[%mul3A_84] : memref<2560000xf32, #tpu.memory_space<hbm>> -> memref<10000xf32, #tpu.memory_space<hbm>>
      tpu.wait_dma2 semaphore(%run_scoped3A : memref<!tpu.dma_semaphore, #tpu.memory_space<semaphore_mem>>) src(%dma_wait3A_158 : memref<10000xf32, #tpu.memory_space<hbm>>) dst(%dma_wait3A_157 : memref<10000xf32, #tpu.memory_space<vmem>>)
      tpu.yield
    }) : () -> ()
    %add3A_85 = arith.constant 2 : i32
    %add3A_86 = arith.addi %add3A_74, %add3A_85 : i32
    %mul3A_87 = arith.constant 10000 : i32
    %mul3A_88 = arith.muli %add3A_86, %mul3A_87 : i32
    "tpu.region"() ({
      %run_scoped3A = tpu.sem_alloc : memref<!tpu.dma_semaphore, #tpu.memory_space<semaphore_mem>>
      %dma_start3A_147 = arith.constant 20000 : i32
      %dma_start3A_148 = tpu.memref_slice %arg8[%dma_start3A_147] : memref<40000xf32, #tpu.memory_space<vmem>> -> memref<10000xf32, #tpu.memory_space<vmem>>
      %dma_start3A_149 = tpu.memref_slice %arg2[%mul3A_88] : memref<2560000xf32, #tpu.memory_space<hbm>> -> memref<10000xf32, #tpu.memory_space<hbm>>
      %dma_start3A_150 = arith.constant 20000 : i32
      %dma_start3A_151 = tpu.memref_slice %arg8[%dma_start3A_150] : memref<40000xf32, #tpu.memory_space<vmem>> -> memref<10000xf32, #tpu.memory_space<vmem>>
      %dma_start3A_152 = tpu.memref_slice %arg2[%mul3A_88] : memref<2560000xf32, #tpu.memory_space<hbm>> -> memref<10000xf32, #tpu.memory_space<hbm>>
      tpu.enqueue_dma source(%dma_start3A_152 : memref<10000xf32, #tpu.memory_space<hbm>>) target(%dma_start3A_151 : memref<10000xf32, #tpu.memory_space<vmem>>) target_semaphore(%run_scoped3A : memref<!tpu.dma_semaphore, #tpu.memory_space<semaphore_mem>>)
      %dma_wait3A_153 = arith.constant 20000 : i32
      %dma_wait3A_154 = tpu.memref_slice %arg8[%dma_wait3A_153] : memref<40000xf32, #tpu.memory_space<vmem>> -> memref<10000xf32, #tpu.memory_space<vmem>>
      %dma_wait3A_155 = tpu.memref_slice %arg2[%mul3A_88] : memref<2560000xf32, #tpu.memory_space<hbm>> -> memref<10000xf32, #tpu.memory_space<hbm>>
      %dma_wait3A_156 = arith.constant 20000 : i32
      %dma_wait3A_157 = tpu.memref_slice %arg8[%dma_wait3A_156] : memref<40000xf32, #tpu.memory_space<vmem>> -> memref<10000xf32, #tpu.memory_space<vmem>>
      %dma_wait3A_158 = tpu.memref_slice %arg2[%mul3A_88] : memref<2560000xf32, #tpu.memory_space<hbm>> -> memref<10000xf32, #tpu.memory_space<hbm>>
      tpu.wait_dma2 semaphore(%run_scoped3A : memref<!tpu.dma_semaphore, #tpu.memory_space<semaphore_mem>>) src(%dma_wait3A_158 : memref<10000xf32, #tpu.memory_space<hbm>>) dst(%dma_wait3A_157 : memref<10000xf32, #tpu.memory_space<vmem>>)
      tpu.yield
    }) : () -> ()
    %add3A_89 = arith.constant 3 : i32
    %add3A_90 = arith.addi %add3A_74, %add3A_89 : i32
    %mul3A_91 = arith.constant 10000 : i32
    %mul3A_92 = arith.muli %add3A_90, %mul3A_91 : i32
    "tpu.region"() ({
      %run_scoped3A = tpu.sem_alloc : memref<!tpu.dma_semaphore, #tpu.memory_space<semaphore_mem>>
      %dma_start3A_147 = arith.constant 30000 : i32
      %dma_start3A_148 = tpu.memref_slice %arg8[%dma_start3A_147] : memref<40000xf32, #tpu.memory_space<vmem>> -> memref<10000xf32, #tpu.memory_space<vmem>>
      %dma_start3A_149 = tpu.memref_slice %arg2[%mul3A_92] : memref<2560000xf32, #tpu.memory_space<hbm>> -> memref<10000xf32, #tpu.memory_space<hbm>>
      %dma_start3A_150 = arith.constant 30000 : i32
      %dma_start3A_151 = tpu.memref_slice %arg8[%dma_start3A_150] : memref<40000xf32, #tpu.memory_space<vmem>> -> memref<10000xf32, #tpu.memory_space<vmem>>
      %dma_start3A_152 = tpu.memref_slice %arg2[%mul3A_92] : memref<2560000xf32, #tpu.memory_space<hbm>> -> memref<10000xf32, #tpu.memory_space<hbm>>
      tpu.enqueue_dma source(%dma_start3A_152 : memref<10000xf32, #tpu.memory_space<hbm>>) target(%dma_start3A_151 : memref<10000xf32, #tpu.memory_space<vmem>>) target_semaphore(%run_scoped3A : memref<!tpu.dma_semaphore, #tpu.memory_space<semaphore_mem>>)
      %dma_wait3A_153 = arith.constant 30000 : i32
      %dma_wait3A_154 = tpu.memref_slice %arg8[%dma_wait3A_153] : memref<40000xf32, #tpu.memory_space<vmem>> -> memref<10000xf32, #tpu.memory_space<vmem>>
      %dma_wait3A_155 = tpu.memref_slice %arg2[%mul3A_92] : memref<2560000xf32, #tpu.memory_space<hbm>> -> memref<10000xf32, #tpu.memory_space<hbm>>
      %dma_wait3A_156 = arith.constant 30000 : i32
      %dma_wait3A_157 = tpu.memref_slice %arg8[%dma_wait3A_156] : memref<40000xf32, #tpu.memory_space<vmem>> -> memref<10000xf32, #tpu.memory_space<vmem>>
      %dma_wait3A_158 = tpu.memref_slice %arg2[%mul3A_92] : memref<2560000xf32, #tpu.memory_space<hbm>> -> memref<10000xf32, #tpu.memory_space<hbm>>
      tpu.wait_dma2 semaphore(%run_scoped3A : memref<!tpu.dma_semaphore, #tpu.memory_space<semaphore_mem>>) src(%dma_wait3A_158 : memref<10000xf32, #tpu.memory_space<hbm>>) dst(%dma_wait3A_157 : memref<10000xf32, #tpu.memory_space<vmem>>)
      tpu.yield
    }) : () -> ()
    %mul3A_93 = arith.constant 10000 : i32
    %mul3A_94 = arith.muli %add3A_76, %mul3A_93 : i32
    "tpu.region"() ({
      %run_scoped3A = tpu.sem_alloc : memref<!tpu.dma_semaphore, #tpu.memory_space<semaphore_mem>>
      %dma_start3A_147 = tpu.memref_slice %arg3[%mul3A_94] : memref<40000xf32, #tpu.memory_space<hbm>> -> memref<10000xf32, #tpu.memory_space<hbm>>
      %dma_start3A_148 = tpu.memref_slice %arg3[%mul3A_94] : memref<40000xf32, #tpu.memory_space<hbm>> -> memref<10000xf32, #tpu.memory_space<hbm>>
      tpu.enqueue_dma source(%dma_start3A_148 : memref<10000xf32, #tpu.memory_space<hbm>>) target(%arg10 : memref<10000xf32, #tpu.memory_space<vmem>>) target_semaphore(%run_scoped3A : memref<!tpu.dma_semaphore, #tpu.memory_space<semaphore_mem>>)
      %dma_wait3A_149 = tpu.memref_slice %arg3[%mul3A_94] : memref<40000xf32, #tpu.memory_space<hbm>> -> memref<10000xf32, #tpu.memory_space<hbm>>
      %dma_wait3A_150 = tpu.memref_slice %arg3[%mul3A_94] : memref<40000xf32, #tpu.memory_space<hbm>> -> memref<10000xf32, #tpu.memory_space<hbm>>
      tpu.wait_dma2 semaphore(%run_scoped3A : memref<!tpu.dma_semaphore, #tpu.memory_space<semaphore_mem>>) src(%dma_wait3A_150 : memref<10000xf32, #tpu.memory_space<hbm>>) dst(%arg10 : memref<10000xf32, #tpu.memory_space<vmem>>)
      tpu.yield
    }) : () -> ()
    %mul3A_95 = arith.constant 10000 : i32
    %mul3A_96 = arith.muli %add3A_76, %mul3A_95 : i32
    "tpu.region"() ({
      %run_scoped3A = tpu.sem_alloc : memref<!tpu.dma_semaphore, #tpu.memory_space<semaphore_mem>>
      %dma_start3A_147 = tpu.memref_slice %arg4[%mul3A_96] : memref<40000xf32, #tpu.memory_space<hbm>> -> memref<10000xf32, #tpu.memory_space<hbm>>
      %dma_start3A_148 = tpu.memref_slice %arg4[%mul3A_96] : memref<40000xf32, #tpu.memory_space<hbm>> -> memref<10000xf32, #tpu.memory_space<hbm>>
      tpu.enqueue_dma source(%dma_start3A_148 : memref<10000xf32, #tpu.memory_space<hbm>>) target(%arg11 : memref<10000xf32, #tpu.memory_space<vmem>>) target_semaphore(%run_scoped3A : memref<!tpu.dma_semaphore, #tpu.memory_space<semaphore_mem>>)
      %dma_wait3A_149 = tpu.memref_slice %arg4[%mul3A_96] : memref<40000xf32, #tpu.memory_space<hbm>> -> memref<10000xf32, #tpu.memory_space<hbm>>
      %dma_wait3A_150 = tpu.memref_slice %arg4[%mul3A_96] : memref<40000xf32, #tpu.memory_space<hbm>> -> memref<10000xf32, #tpu.memory_space<hbm>>
      tpu.wait_dma2 semaphore(%run_scoped3A : memref<!tpu.dma_semaphore, #tpu.memory_space<semaphore_mem>>) src(%dma_wait3A_150 : memref<10000xf32, #tpu.memory_space<hbm>>) dst(%arg11 : memref<10000xf32, #tpu.memory_space<vmem>>)
      tpu.yield
    }) : () -> ()
    %parallel_loop3A_97 = arith.constant 0 : i32
    %parallel_loop3A_98 = arith.constant 2500 : i32
    %parallel_loop3A_99 = arith.constant 1 : i32
    scf.for %parallel_loop3A_147 = %parallel_loop3A_97 to %parallel_loop3A_98 step %parallel_loop3A_99  : i32 {
      %parallel_loop3A_148 = arith.constant 16 : i32
      %parallel_loop3A_149 = arith.muli %parallel_loop3A_147, %parallel_loop3A_148 : i32
      %parallel_loop3A_150 = arith.index_cast %parallel_loop3A_149 : i32 to index
      %parallel_loop3A_151 = tpu.vector_load %arg9[%parallel_loop3A_150] {strides = array<i32>} : memref<40000xf32, #tpu.memory_space<vmem>>, vector<16xf32>,
      tpu.vector_store %arg9[%parallel_loop3A_150], %broadcast_in_dim3A_1 {strides = array<i32>} : memref<40000xf32, #tpu.memory_space<vmem>>, vector<16xf32>,
    } {sc.loop_unroll_factor = 8 : i64, sc.parallel_access}
    %parallel_loop3A_100 = arith.constant 0 : i32
    %parallel_loop3A_101 = arith.constant 625 : i32
    %parallel_loop3A_102 = arith.constant 1 : i32
    scf.for %parallel_loop3A_147 = %parallel_loop3A_100 to %parallel_loop3A_101 step %parallel_loop3A_102  : i32 {
      %parallel_loop3A_148 = arith.constant 16 : i32
      %parallel_loop3A_149 = arith.muli %parallel_loop3A_147, %parallel_loop3A_148 : i32
      %parallel_loop3A_150 = arith.index_cast %parallel_loop3A_149 : i32 to index
      %parallel_loop3A_151 = tpu.vector_load %arg12[%parallel_loop3A_150] {strides = array<i32>} : memref<10000xf32, #tpu.memory_space<vmem>>, vector<16xf32>,
      tpu.vector_store %arg12[%parallel_loop3A_150], %broadcast_in_dim3A_1 {strides = array<i32>} : memref<10000xf32, #tpu.memory_space<vmem>>, vector<16xf32>,
    } {sc.loop_unroll_factor = 8 : i64, sc.parallel_access}
    %dma_start3A_103 = arith.constant 0 : i32
    %dma_start3A_104 = tpu.memref_slice %arg13[%dma_start3A_103] : memref<8000xi32, #tpu.memory_space<vmem>> -> memref<4000xi32, #tpu.memory_space<vmem>>
    %dma_start3A_105 = arith.constant 0 : i32
    %dma_start3A_106 = tpu.memref_slice %arg5[%dma_start3A_105] : memref<320000xi32, #tpu.memory_space<hbm>> -> memref<4000xi32, #tpu.memory_space<hbm>>
    %dma_start3A_107 = arith.constant 0 : i32
    %dma_start3A_108 = tpu.memref_slice %arg13[%dma_start3A_107] : memref<8000xi32, #tpu.memory_space<vmem>> -> memref<4000xi32, #tpu.memory_space<vmem>>
    %dma_start3A_109 = arith.constant 0 : i32
    %dma_start3A_110 = tpu.memref_slice %arg5[%dma_start3A_109] : memref<320000xi32, #tpu.memory_space<hbm>> -> memref<4000xi32, #tpu.memory_space<hbm>>
    tpu.enqueue_dma source(%dma_start3A_110 : memref<4000xi32, #tpu.memory_space<hbm>>) target(%dma_start3A_108 : memref<4000xi32, #tpu.memory_space<vmem>>) target_semaphore(%arg14 : memref<!tpu.dma_semaphore, #tpu.memory_space<semaphore_mem>>)
    %scan3A_111 = arith.constant 0 : i32
    %scan3A_112 = arith.constant 0 : i32
    %scan3A_113 = arith.constant 40 : i32
    %scan3A_114 = arith.addi %scan3A_112, %scan3A_113 : i32
    %scan3A_115 = arith.constant 1 : i32
    %scan3A_116 = scf.for %scan3A_147 = %scan3A_112 to %scan3A_114 step %scan3A_115 iter_args(%scan3A_148 = %scan3A_111) -> (i32)  : i32 {
      %mul3A_149 = arith.constant 2 : i32
      %mul3A_150 = arith.muli %scan3A_147, %mul3A_149 : i32
      %dma_wait3A_151 = arith.constant 0 : i32
      %dma_wait3A_152 = tpu.memref_slice %arg13[%dma_wait3A_151] : memref<8000xi32, #tpu.memory_space<vmem>> -> memref<4000xi32, #tpu.memory_space<vmem>>
      %dma_wait3A_153 = arith.constant 0 : i32
      %dma_wait3A_154 = tpu.memref_slice %arg5[%dma_wait3A_153] : memref<320000xi32, #tpu.memory_space<hbm>> -> memref<4000xi32, #tpu.memory_space<hbm>>
      %dma_wait3A_155 = arith.constant 0 : i32
      %dma_wait3A_156 = tpu.memref_slice %arg13[%dma_wait3A_155] : memref<8000xi32, #tpu.memory_space<vmem>> -> memref<4000xi32, #tpu.memory_space<vmem>>
      %dma_wait3A_157 = arith.constant 0 : i32
      %dma_wait3A_158 = tpu.memref_slice %arg5[%dma_wait3A_157] : memref<320000xi32, #tpu.memory_space<hbm>> -> memref<4000xi32, #tpu.memory_space<hbm>>
      tpu.wait_dma2 semaphore(%arg14 : memref<!tpu.dma_semaphore, #tpu.memory_space<semaphore_mem>>) src(%dma_wait3A_158 : memref<4000xi32, #tpu.memory_space<hbm>>) dst(%dma_wait3A_156 : memref<4000xi32, #tpu.memory_space<vmem>>)
      %add3A_159 = arith.constant 1 : i32
      %add3A_160 = arith.addi %mul3A_150, %add3A_159 : i32
      %mul3A_161 = arith.constant 4000 : i32
      %mul3A_162 = arith.muli %add3A_160, %mul3A_161 : i32
      %dma_start3A_163 = arith.constant 4000 : i32
      %dma_start3A_164 = tpu.memref_slice %arg13[%dma_start3A_163] : memref<8000xi32, #tpu.memory_space<vmem>> -> memref<4000xi32, #tpu.memory_space<vmem>>
      %dma_start3A_165 = tpu.memref_slice %arg5[%mul3A_162] : memref<320000xi32, #tpu.memory_space<hbm>> -> memref<4000xi32, #tpu.memory_space<hbm>>
      %dma_start3A_166 = arith.constant 4000 : i32
      %dma_start3A_167 = tpu.memref_slice %arg13[%dma_start3A_166] : memref<8000xi32, #tpu.memory_space<vmem>> -> memref<4000xi32, #tpu.memory_space<vmem>>
      %dma_start3A_168 = tpu.memref_slice %arg5[%mul3A_162] : memref<320000xi32, #tpu.memory_space<hbm>> -> memref<4000xi32, #tpu.memory_space<hbm>>
      tpu.enqueue_dma source(%dma_start3A_168 : memref<4000xi32, #tpu.memory_space<hbm>>) target(%dma_start3A_167 : memref<4000xi32, #tpu.memory_space<vmem>>) target_semaphore(%arg15 : memref<!tpu.dma_semaphore, #tpu.memory_space<semaphore_mem>>)
      %parallel_loop3A_169 = arith.constant 0 : i32
      %parallel_loop3A_170 = arith.constant 250 : i32
      %parallel_loop3A_171 = arith.constant 1 : i32
      scf.for %parallel_loop3A_195 = %parallel_loop3A_169 to %parallel_loop3A_170 step %parallel_loop3A_171  : i32 {
        %parallel_loop3A_196 = arith.constant 16 : i32
        %parallel_loop3A_197 = arith.muli %parallel_loop3A_195, %parallel_loop3A_196 : i32
        %parallel_loop3A_198 = arith.constant 0 : i32
        %parallel_loop3A_199 = arith.addi %parallel_loop3A_198, %parallel_loop3A_197 : i32
        %parallel_loop3A_200 = arith.index_cast %parallel_loop3A_199 : i32 to index
        %parallel_loop3A_201 = tpu.vector_load %arg13[%parallel_loop3A_200] {strides = array<i32>} : memref<8000xi32, #tpu.memory_space<vmem>>, vector<16xi32>,
        %parallel_loop3A_202 = arith.constant 14 : i32
        %parallel_loop3A_203 = vector.broadcast %parallel_loop3A_202 : i32 to vector<16xi32>
        %parallel_loop3A_204 = arith.shrui %parallel_loop3A_201, %parallel_loop3A_203 : vector<16xi32>
        %parallel_loop3A_205 = arith.constant 16383 : i32
        %parallel_loop3A_206 = vector.broadcast %parallel_loop3A_205 : i32 to vector<16xi32>
        %parallel_loop3A_207 = arith.andi %parallel_loop3A_201, %parallel_loop3A_206 : vector<16xi32>
        %parallel_loop3A_208 = tpu.vector_load_idx %arg10[%parallel_loop3A_204] : memref<10000xf32, #tpu.memory_space<vmem>>[vector<16xi32>], vector<16xf32>,
        %parallel_loop3A_209 = tpu.vector_load_idx %arg11[%parallel_loop3A_207] : memref<10000xf32, #tpu.memory_space<vmem>>[vector<16xi32>], vector<16xf32>,
        %parallel_loop3A_210 = arith.addf %parallel_loop3A_208, %parallel_loop3A_209 : vector<16xf32>
        %parallel_loop3A_211 = arith.constant 2.000000e-01 : f32
        %parallel_loop3A_212 = vector.broadcast %parallel_loop3A_211 : f32 to vector<16xf32>
        %parallel_loop3A_213 = arith.mulf %parallel_loop3A_212, %parallel_loop3A_210 : vector<16xf32>
        %parallel_loop3A_214 = arith.maximumf %parallel_loop3A_210, %parallel_loop3A_213 : vector<16xf32>
        %parallel_loop3A_215 = math.exp %parallel_loop3A_214 : vector<16xf32>
        tpu.vector_store_idx %arg12[%parallel_loop3A_207], %parallel_loop3A_215 {add = true} : memref<10000xf32, #tpu.memory_space<vmem>>[vector<16xi32>], vector<16xf32>,
        %parallel_loop3A_216 = arith.constant 0 : i32
        %parallel_loop3A_217 = vector.broadcast %parallel_loop3A_216 : i32 to vector<16xi32>
        %parallel_loop3A_218 = arith.addi %parallel_loop3A_204, %parallel_loop3A_217 : vector<16xi32>
        %parallel_loop3A_219 = tpu.vector_load_idx %arg8[%parallel_loop3A_218] : memref<40000xf32, #tpu.memory_space<vmem>>[vector<16xi32>], vector<16xf32>,
        %parallel_loop3A_220 = arith.constant 0 : i32
        %parallel_loop3A_221 = vector.broadcast %parallel_loop3A_220 : i32 to vector<16xi32>
        %parallel_loop3A_222 = arith.addi %parallel_loop3A_207, %parallel_loop3A_221 : vector<16xi32>
        %parallel_loop3A_223 = arith.mulf %parallel_loop3A_219, %parallel_loop3A_215 : vector<16xf32>
        tpu.vector_store_idx %arg9[%parallel_loop3A_222], %parallel_loop3A_223 {add = true} : memref<40000xf32, #tpu.memory_space<vmem>>[vector<16xi32>], vector<16xf32>,
        %parallel_loop3A_224 = arith.constant 10000 : i32
        %parallel_loop3A_225 = vector.broadcast %parallel_loop3A_224 : i32 to vector<16xi32>
        %parallel_loop3A_226 = arith.addi %parallel_loop3A_204, %parallel_loop3A_225 : vector<16xi32>
        %parallel_loop3A_227 = tpu.vector_load_idx %arg8[%parallel_loop3A_226] : memref<40000xf32, #tpu.memory_space<vmem>>[vector<16xi32>], vector<16xf32>,
        %parallel_loop3A_228 = arith.constant 10000 : i32
        %parallel_loop3A_229 = vector.broadcast %parallel_loop3A_228 : i32 to vector<16xi32>
        %parallel_loop3A_230 = arith.addi %parallel_loop3A_207, %parallel_loop3A_229 : vector<16xi32>
        %parallel_loop3A_231 = arith.mulf %parallel_loop3A_227, %parallel_loop3A_215 : vector<16xf32>
        tpu.vector_store_idx %arg9[%parallel_loop3A_230], %parallel_loop3A_231 {add = true} : memref<40000xf32, #tpu.memory_space<vmem>>[vector<16xi32>], vector<16xf32>,
        %parallel_loop3A_232 = arith.constant 20000 : i32
        %parallel_loop3A_233 = vector.broadcast %parallel_loop3A_232 : i32 to vector<16xi32>
        %parallel_loop3A_234 = arith.addi %parallel_loop3A_204, %parallel_loop3A_233 : vector<16xi32>
        %parallel_loop3A_235 = tpu.vector_load_idx %arg8[%parallel_loop3A_234] : memref<40000xf32, #tpu.memory_space<vmem>>[vector<16xi32>], vector<16xf32>,
        %parallel_loop3A_236 = arith.constant 20000 : i32
        %parallel_loop3A_237 = vector.broadcast %parallel_loop3A_236 : i32 to vector<16xi32>
        %parallel_loop3A_238 = arith.addi %parallel_loop3A_207, %parallel_loop3A_237 : vector<16xi32>
        %parallel_loop3A_239 = arith.mulf %parallel_loop3A_235, %parallel_loop3A_215 : vector<16xf32>
        tpu.vector_store_idx %arg9[%parallel_loop3A_238], %parallel_loop3A_239 {add = true} : memref<40000xf32, #tpu.memory_space<vmem>>[vector<16xi32>], vector<16xf32>,
        %parallel_loop3A_240 = arith.constant 30000 : i32
        %parallel_loop3A_241 = vector.broadcast %parallel_loop3A_240 : i32 to vector<16xi32>
        %parallel_loop3A_242 = arith.addi %parallel_loop3A_204, %parallel_loop3A_241 : vector<16xi32>
        %parallel_loop3A_243 = tpu.vector_load_idx %arg8[%parallel_loop3A_242] : memref<40000xf32, #tpu.memory_space<vmem>>[vector<16xi32>], vector<16xf32>,
        %parallel_loop3A_244 = arith.constant 30000 : i32
        %parallel_loop3A_245 = vector.broadcast %parallel_loop3A_244 : i32 to vector<16xi32>
        %parallel_loop3A_246 = arith.addi %parallel_loop3A_207, %parallel_loop3A_245 : vector<16xi32>
        %parallel_loop3A_247 = arith.mulf %parallel_loop3A_243, %parallel_loop3A_215 : vector<16xf32>
        tpu.vector_store_idx %arg9[%parallel_loop3A_246], %parallel_loop3A_247 {add = true} : memref<40000xf32, #tpu.memory_space<vmem>>[vector<16xi32>], vector<16xf32>,
      } {sc.loop_unroll_factor = 16 : i64, sc.parallel_access}
      %dma_wait3A_172 = arith.constant 4000 : i32
      %dma_wait3A_173 = tpu.memref_slice %arg13[%dma_wait3A_172] : memref<8000xi32, #tpu.memory_space<vmem>> -> memref<4000xi32, #tpu.memory_space<vmem>>
      %dma_wait3A_174 = arith.constant 0 : i32
      %dma_wait3A_175 = tpu.memref_slice %arg5[%dma_wait3A_174] : memref<320000xi32, #tpu.memory_space<hbm>> -> memref<4000xi32, #tpu.memory_space<hbm>>
      %dma_wait3A_176 = arith.constant 4000 : i32
      %dma_wait3A_177 = tpu.memref_slice %arg13[%dma_wait3A_176] : memref<8000xi32, #tpu.memory_space<vmem>> -> memref<4000xi32, #tpu.memory_space<vmem>>
      %dma_wait3A_178 = arith.constant 0 : i32
      %dma_wait3A_179 = tpu.memref_slice %arg5[%dma_wait3A_178] : memref<320000xi32, #tpu.memory_space<hbm>> -> memref<4000xi32, #tpu.memory_space<hbm>>
      tpu.wait_dma2 semaphore(%arg15 : memref<!tpu.dma_semaphore, #tpu.memory_space<semaphore_mem>>) src(%dma_wait3A_179 : memref<4000xi32, #tpu.memory_space<hbm>>) dst(%dma_wait3A_177 : memref<4000xi32, #tpu.memory_space<vmem>>)
      %add3A_180 = arith.constant 2 : i32
      %add3A_181 = arith.addi %mul3A_150, %add3A_180 : i32
      %min3A = arith.constant 79 : i32
      %min3A_182 = arith.minsi %add3A_181, %min3A : i32
      %mul3A_183 = arith.constant 4000 : i32
      %mul3A_184 = arith.muli %min3A_182, %mul3A_183 : i32
      %dma_start3A_185 = arith.constant 0 : i32
      %dma_start3A_186 = tpu.memref_slice %arg13[%dma_start3A_185] : memref<8000xi32, #tpu.memory_space<vmem>> -> memref<4000xi32, #tpu.memory_space<vmem>>
      %dma_start3A_187 = tpu.memref_slice %arg5[%mul3A_184] : memref<320000xi32, #tpu.memory_space<hbm>> -> memref<4000xi32, #tpu.memory_space<hbm>>
      %dma_start3A_188 = arith.constant 0 : i32
      %dma_start3A_189 = tpu.memref_slice %arg13[%dma_start3A_188] : memref<8000xi32, #tpu.memory_space<vmem>> -> memref<4000xi32, #tpu.memory_space<vmem>>
      %dma_start3A_190 = tpu.memref_slice %arg5[%mul3A_184] : memref<320000xi32, #tpu.memory_space<hbm>> -> memref<4000xi32, #tpu.memory_space<hbm>>
      tpu.enqueue_dma source(%dma_start3A_190 : memref<4000xi32, #tpu.memory_space<hbm>>) target(%dma_start3A_189 : memref<4000xi32, #tpu.memory_space<vmem>>) target_semaphore(%arg14 : memref<!tpu.dma_semaphore, #tpu.memory_space<semaphore_mem>>)
      %parallel_loop3A_191 = arith.constant 0 : i32
      %parallel_loop3A_192 = arith.constant 250 : i32
      %parallel_loop3A_193 = arith.constant 1 : i32
      scf.for %parallel_loop3A_195 = %parallel_loop3A_191 to %parallel_loop3A_192 step %parallel_loop3A_193  : i32 {
        %parallel_loop3A_196 = arith.constant 16 : i32
        %parallel_loop3A_197 = arith.muli %parallel_loop3A_195, %parallel_loop3A_196 : i32
        %parallel_loop3A_198 = arith.constant 4000 : i32
        %parallel_loop3A_199 = arith.addi %parallel_loop3A_198, %parallel_loop3A_197 : i32
        %parallel_loop3A_200 = arith.index_cast %parallel_loop3A_199 : i32 to index
        %parallel_loop3A_201 = tpu.vector_load %arg13[%parallel_loop3A_200] {strides = array<i32>} : memref<8000xi32, #tpu.memory_space<vmem>>, vector<16xi32>,
        %parallel_loop3A_202 = arith.constant 14 : i32
        %parallel_loop3A_203 = vector.broadcast %parallel_loop3A_202 : i32 to vector<16xi32>
        %parallel_loop3A_204 = arith.shrui %parallel_loop3A_201, %parallel_loop3A_203 : vector<16xi32>
        %parallel_loop3A_205 = arith.constant 16383 : i32
        %parallel_loop3A_206 = vector.broadcast %parallel_loop3A_205 : i32 to vector<16xi32>
        %parallel_loop3A_207 = arith.andi %parallel_loop3A_201, %parallel_loop3A_206 : vector<16xi32>
        %parallel_loop3A_208 = tpu.vector_load_idx %arg10[%parallel_loop3A_204] : memref<10000xf32, #tpu.memory_space<vmem>>[vector<16xi32>], vector<16xf32>,
        %parallel_loop3A_209 = tpu.vector_load_idx %arg11[%parallel_loop3A_207] : memref<10000xf32, #tpu.memory_space<vmem>>[vector<16xi32>], vector<16xf32>,
        %parallel_loop3A_210 = arith.addf %parallel_loop3A_208, %parallel_loop3A_209 : vector<16xf32>
        %parallel_loop3A_211 = arith.constant 2.000000e-01 : f32
        %parallel_loop3A_212 = vector.broadcast %parallel_loop3A_211 : f32 to vector<16xf32>
        %parallel_loop3A_213 = arith.mulf %parallel_loop3A_212, %parallel_loop3A_210 : vector<16xf32>
        %parallel_loop3A_214 = arith.maximumf %parallel_loop3A_210, %parallel_loop3A_213 : vector<16xf32>
        %parallel_loop3A_215 = math.exp %parallel_loop3A_214 : vector<16xf32>
        tpu.vector_store_idx %arg12[%parallel_loop3A_207], %parallel_loop3A_215 {add = true} : memref<10000xf32, #tpu.memory_space<vmem>>[vector<16xi32>], vector<16xf32>,
        %parallel_loop3A_216 = arith.constant 0 : i32
        %parallel_loop3A_217 = vector.broadcast %parallel_loop3A_216 : i32 to vector<16xi32>
        %parallel_loop3A_218 = arith.addi %parallel_loop3A_204, %parallel_loop3A_217 : vector<16xi32>
        %parallel_loop3A_219 = tpu.vector_load_idx %arg8[%parallel_loop3A_218] : memref<40000xf32, #tpu.memory_space<vmem>>[vector<16xi32>], vector<16xf32>,
        %parallel_loop3A_220 = arith.constant 0 : i32
        %parallel_loop3A_221 = vector.broadcast %parallel_loop3A_220 : i32 to vector<16xi32>
        %parallel_loop3A_222 = arith.addi %parallel_loop3A_207, %parallel_loop3A_221 : vector<16xi32>
        %parallel_loop3A_223 = arith.mulf %parallel_loop3A_219, %parallel_loop3A_215 : vector<16xf32>
        tpu.vector_store_idx %arg9[%parallel_loop3A_222], %parallel_loop3A_223 {add = true} : memref<40000xf32, #tpu.memory_space<vmem>>[vector<16xi32>], vector<16xf32>,
        %parallel_loop3A_224 = arith.constant 10000 : i32
        %parallel_loop3A_225 = vector.broadcast %parallel_loop3A_224 : i32 to vector<16xi32>
        %parallel_loop3A_226 = arith.addi %parallel_loop3A_204, %parallel_loop3A_225 : vector<16xi32>
        %parallel_loop3A_227 = tpu.vector_load_idx %arg8[%parallel_loop3A_226] : memref<40000xf32, #tpu.memory_space<vmem>>[vector<16xi32>], vector<16xf32>,
        %parallel_loop3A_228 = arith.constant 10000 : i32
        %parallel_loop3A_229 = vector.broadcast %parallel_loop3A_228 : i32 to vector<16xi32>
        %parallel_loop3A_230 = arith.addi %parallel_loop3A_207, %parallel_loop3A_229 : vector<16xi32>
        %parallel_loop3A_231 = arith.mulf %parallel_loop3A_227, %parallel_loop3A_215 : vector<16xf32>
        tpu.vector_store_idx %arg9[%parallel_loop3A_230], %parallel_loop3A_231 {add = true} : memref<40000xf32, #tpu.memory_space<vmem>>[vector<16xi32>], vector<16xf32>,
        %parallel_loop3A_232 = arith.constant 20000 : i32
        %parallel_loop3A_233 = vector.broadcast %parallel_loop3A_232 : i32 to vector<16xi32>
        %parallel_loop3A_234 = arith.addi %parallel_loop3A_204, %parallel_loop3A_233 : vector<16xi32>
        %parallel_loop3A_235 = tpu.vector_load_idx %arg8[%parallel_loop3A_234] : memref<40000xf32, #tpu.memory_space<vmem>>[vector<16xi32>], vector<16xf32>,
        %parallel_loop3A_236 = arith.constant 20000 : i32
        %parallel_loop3A_237 = vector.broadcast %parallel_loop3A_236 : i32 to vector<16xi32>
        %parallel_loop3A_238 = arith.addi %parallel_loop3A_207, %parallel_loop3A_237 : vector<16xi32>
        %parallel_loop3A_239 = arith.mulf %parallel_loop3A_235, %parallel_loop3A_215 : vector<16xf32>
        tpu.vector_store_idx %arg9[%parallel_loop3A_238], %parallel_loop3A_239 {add = true} : memref<40000xf32, #tpu.memory_space<vmem>>[vector<16xi32>], vector<16xf32>,
        %parallel_loop3A_240 = arith.constant 30000 : i32
        %parallel_loop3A_241 = vector.broadcast %parallel_loop3A_240 : i32 to vector<16xi32>
        %parallel_loop3A_242 = arith.addi %parallel_loop3A_204, %parallel_loop3A_241 : vector<16xi32>
        %parallel_loop3A_243 = tpu.vector_load_idx %arg8[%parallel_loop3A_242] : memref<40000xf32, #tpu.memory_space<vmem>>[vector<16xi32>], vector<16xf32>,
        %parallel_loop3A_244 = arith.constant 30000 : i32
        %parallel_loop3A_245 = vector.broadcast %parallel_loop3A_244 : i32 to vector<16xi32>
        %parallel_loop3A_246 = arith.addi %parallel_loop3A_207, %parallel_loop3A_245 : vector<16xi32>
        %parallel_loop3A_247 = arith.mulf %parallel_loop3A_243, %parallel_loop3A_215 : vector<16xf32>
        tpu.vector_store_idx %arg9[%parallel_loop3A_246], %parallel_loop3A_247 {add = true} : memref<40000xf32, #tpu.memory_space<vmem>>[vector<16xi32>], vector<16xf32>,
      } {sc.loop_unroll_factor = 16 : i64, sc.parallel_access}
      %scan3A_194 = arith.constant 0 : i32
      scf.yield %scan3A_194 : i32
    }
    %scan3A_117 = arith.constant 40 : i32
    %dma_wait3A_118 = arith.constant 0 : i32
    %dma_wait3A_119 = tpu.memref_slice %arg13[%dma_wait3A_118] : memref<8000xi32, #tpu.memory_space<vmem>> -> memref<4000xi32, #tpu.memory_space<vmem>>
    %dma_wait3A_120 = arith.constant 0 : i32
    %dma_wait3A_121 = tpu.memref_slice %arg5[%dma_wait3A_120] : memref<320000xi32, #tpu.memory_space<hbm>> -> memref<4000xi32, #tpu.memory_space<hbm>>
    %dma_wait3A_122 = arith.constant 0 : i32
    %dma_wait3A_123 = tpu.memref_slice %arg13[%dma_wait3A_122] : memref<8000xi32, #tpu.memory_space<vmem>> -> memref<4000xi32, #tpu.memory_space<vmem>>
    %dma_wait3A_124 = arith.constant 0 : i32
    %dma_wait3A_125 = tpu.memref_slice %arg5[%dma_wait3A_124] : memref<320000xi32, #tpu.memory_space<hbm>> -> memref<4000xi32, #tpu.memory_space<hbm>>
    tpu.wait_dma2 semaphore(%arg14 : memref<!tpu.dma_semaphore, #tpu.memory_space<semaphore_mem>>) src(%dma_wait3A_125 : memref<4000xi32, #tpu.memory_space<hbm>>) dst(%dma_wait3A_123 : memref<4000xi32, #tpu.memory_space<vmem>>)
    %add3A_126 = arith.constant 0 : i32
    %add3A_127 = arith.addi %add3A_74, %add3A_126 : i32
    %mul3A_128 = arith.constant 10000 : i32
    %mul3A_129 = arith.muli %add3A_127, %mul3A_128 : i32
    "tpu.region"() ({
      %run_scoped3A = tpu.sem_alloc : memref<!tpu.dma_semaphore, #tpu.memory_space<semaphore_mem>>
      %dma_start3A_147 = arith.constant 0 : i32
      %dma_start3A_148 = tpu.memref_slice %arg9[%dma_start3A_147] : memref<40000xf32, #tpu.memory_space<vmem>> -> memref<10000xf32, #tpu.memory_space<vmem>>
      %dma_start3A_149 = tpu.memref_slice %arg6[%mul3A_129] : memref<2560000xf32, #tpu.memory_space<hbm>> -> memref<10000xf32, #tpu.memory_space<hbm>>
      %dma_start3A_150 = tpu.memref_slice %arg6[%mul3A_129] : memref<2560000xf32, #tpu.memory_space<hbm>> -> memref<10000xf32, #tpu.memory_space<hbm>>
      %dma_start3A_151 = arith.constant 0 : i32
      %dma_start3A_152 = tpu.memref_slice %arg9[%dma_start3A_151] : memref<40000xf32, #tpu.memory_space<vmem>> -> memref<10000xf32, #tpu.memory_space<vmem>>
      tpu.enqueue_dma source(%dma_start3A_152 : memref<10000xf32, #tpu.memory_space<vmem>>) target(%dma_start3A_150 : memref<10000xf32, #tpu.memory_space<hbm>>) target_semaphore(%run_scoped3A : memref<!tpu.dma_semaphore, #tpu.memory_space<semaphore_mem>>)
      %dma_wait3A_153 = arith.constant 0 : i32
      %dma_wait3A_154 = tpu.memref_slice %arg9[%dma_wait3A_153] : memref<40000xf32, #tpu.memory_space<vmem>> -> memref<10000xf32, #tpu.memory_space<vmem>>
      %dma_wait3A_155 = tpu.memref_slice %arg6[%mul3A_129] : memref<2560000xf32, #tpu.memory_space<hbm>> -> memref<10000xf32, #tpu.memory_space<hbm>>
      %dma_wait3A_156 = tpu.memref_slice %arg6[%mul3A_129] : memref<2560000xf32, #tpu.memory_space<hbm>> -> memref<10000xf32, #tpu.memory_space<hbm>>
      %dma_wait3A_157 = arith.constant 0 : i32
      %dma_wait3A_158 = tpu.memref_slice %arg9[%dma_wait3A_157] : memref<40000xf32, #tpu.memory_space<vmem>> -> memref<10000xf32, #tpu.memory_space<vmem>>
      tpu.wait_dma2 semaphore(%run_scoped3A : memref<!tpu.dma_semaphore, #tpu.memory_space<semaphore_mem>>) src(%dma_wait3A_158 : memref<10000xf32, #tpu.memory_space<vmem>>) dst(%dma_wait3A_156 : memref<10000xf32, #tpu.memory_space<hbm>>)
      tpu.yield
    }) : () -> ()
    %add3A_130 = arith.constant 1 : i32
    %add3A_131 = arith.addi %add3A_74, %add3A_130 : i32
    %mul3A_132 = arith.constant 10000 : i32
    %mul3A_133 = arith.muli %add3A_131, %mul3A_132 : i32
    "tpu.region"() ({
      %run_scoped3A = tpu.sem_alloc : memref<!tpu.dma_semaphore, #tpu.memory_space<semaphore_mem>>
      %dma_start3A_147 = arith.constant 10000 : i32
      %dma_start3A_148 = tpu.memref_slice %arg9[%dma_start3A_147] : memref<40000xf32, #tpu.memory_space<vmem>> -> memref<10000xf32, #tpu.memory_space<vmem>>
      %dma_start3A_149 = tpu.memref_slice %arg6[%mul3A_133] : memref<2560000xf32, #tpu.memory_space<hbm>> -> memref<10000xf32, #tpu.memory_space<hbm>>
      %dma_start3A_150 = tpu.memref_slice %arg6[%mul3A_133] : memref<2560000xf32, #tpu.memory_space<hbm>> -> memref<10000xf32, #tpu.memory_space<hbm>>
      %dma_start3A_151 = arith.constant 10000 : i32
      %dma_start3A_152 = tpu.memref_slice %arg9[%dma_start3A_151] : memref<40000xf32, #tpu.memory_space<vmem>> -> memref<10000xf32, #tpu.memory_space<vmem>>
      tpu.enqueue_dma source(%dma_start3A_152 : memref<10000xf32, #tpu.memory_space<vmem>>) target(%dma_start3A_150 : memref<10000xf32, #tpu.memory_space<hbm>>) target_semaphore(%run_scoped3A : memref<!tpu.dma_semaphore, #tpu.memory_space<semaphore_mem>>)
      %dma_wait3A_153 = arith.constant 10000 : i32
      %dma_wait3A_154 = tpu.memref_slice %arg9[%dma_wait3A_153] : memref<40000xf32, #tpu.memory_space<vmem>> -> memref<10000xf32, #tpu.memory_space<vmem>>
      %dma_wait3A_155 = tpu.memref_slice %arg6[%mul3A_133] : memref<2560000xf32, #tpu.memory_space<hbm>> -> memref<10000xf32, #tpu.memory_space<hbm>>
      %dma_wait3A_156 = tpu.memref_slice %arg6[%mul3A_133] : memref<2560000xf32, #tpu.memory_space<hbm>> -> memref<10000xf32, #tpu.memory_space<hbm>>
      %dma_wait3A_157 = arith.constant 10000 : i32
      %dma_wait3A_158 = tpu.memref_slice %arg9[%dma_wait3A_157] : memref<40000xf32, #tpu.memory_space<vmem>> -> memref<10000xf32, #tpu.memory_space<vmem>>
      tpu.wait_dma2 semaphore(%run_scoped3A : memref<!tpu.dma_semaphore, #tpu.memory_space<semaphore_mem>>) src(%dma_wait3A_158 : memref<10000xf32, #tpu.memory_space<vmem>>) dst(%dma_wait3A_156 : memref<10000xf32, #tpu.memory_space<hbm>>)
      tpu.yield
    }) : () -> ()
    %add3A_134 = arith.constant 2 : i32
    %add3A_135 = arith.addi %add3A_74, %add3A_134 : i32
    %mul3A_136 = arith.constant 10000 : i32
    %mul3A_137 = arith.muli %add3A_135, %mul3A_136 : i32
    "tpu.region"() ({
      %run_scoped3A = tpu.sem_alloc : memref<!tpu.dma_semaphore, #tpu.memory_space<semaphore_mem>>
      %dma_start3A_147 = arith.constant 20000 : i32
      %dma_start3A_148 = tpu.memref_slice %arg9[%dma_start3A_147] : memref<40000xf32, #tpu.memory_space<vmem>> -> memref<10000xf32, #tpu.memory_space<vmem>>
      %dma_start3A_149 = tpu.memref_slice %arg6[%mul3A_137] : memref<2560000xf32, #tpu.memory_space<hbm>> -> memref<10000xf32, #tpu.memory_space<hbm>>
      %dma_start3A_150 = tpu.memref_slice %arg6[%mul3A_137] : memref<2560000xf32, #tpu.memory_space<hbm>> -> memref<10000xf32, #tpu.memory_space<hbm>>
      %dma_start3A_151 = arith.constant 20000 : i32
      %dma_start3A_152 = tpu.memref_slice %arg9[%dma_start3A_151] : memref<40000xf32, #tpu.memory_space<vmem>> -> memref<10000xf32, #tpu.memory_space<vmem>>
      tpu.enqueue_dma source(%dma_start3A_152 : memref<10000xf32, #tpu.memory_space<vmem>>) target(%dma_start3A_150 : memref<10000xf32, #tpu.memory_space<hbm>>) target_semaphore(%run_scoped3A : memref<!tpu.dma_semaphore, #tpu.memory_space<semaphore_mem>>)
      %dma_wait3A_153 = arith.constant 20000 : i32
      %dma_wait3A_154 = tpu.memref_slice %arg9[%dma_wait3A_153] : memref<40000xf32, #tpu.memory_space<vmem>> -> memref<10000xf32, #tpu.memory_space<vmem>>
      %dma_wait3A_155 = tpu.memref_slice %arg6[%mul3A_137] : memref<2560000xf32, #tpu.memory_space<hbm>> -> memref<10000xf32, #tpu.memory_space<hbm>>
      %dma_wait3A_156 = tpu.memref_slice %arg6[%mul3A_137] : memref<2560000xf32, #tpu.memory_space<hbm>> -> memref<10000xf32, #tpu.memory_space<hbm>>
      %dma_wait3A_157 = arith.constant 20000 : i32
      %dma_wait3A_158 = tpu.memref_slice %arg9[%dma_wait3A_157] : memref<40000xf32, #tpu.memory_space<vmem>> -> memref<10000xf32, #tpu.memory_space<vmem>>
      tpu.wait_dma2 semaphore(%run_scoped3A : memref<!tpu.dma_semaphore, #tpu.memory_space<semaphore_mem>>) src(%dma_wait3A_158 : memref<10000xf32, #tpu.memory_space<vmem>>) dst(%dma_wait3A_156 : memref<10000xf32, #tpu.memory_space<hbm>>)
      tpu.yield
    }) : () -> ()
    %add3A_138 = arith.constant 3 : i32
    %add3A_139 = arith.addi %add3A_74, %add3A_138 : i32
    %mul3A_140 = arith.constant 10000 : i32
    %mul3A_141 = arith.muli %add3A_139, %mul3A_140 : i32
    "tpu.region"() ({
      %run_scoped3A = tpu.sem_alloc : memref<!tpu.dma_semaphore, #tpu.memory_space<semaphore_mem>>
      %dma_start3A_147 = arith.constant 30000 : i32
      %dma_start3A_148 = tpu.memref_slice %arg9[%dma_start3A_147] : memref<40000xf32, #tpu.memory_space<vmem>> -> memref<10000xf32, #tpu.memory_space<vmem>>
      %dma_start3A_149 = tpu.memref_slice %arg6[%mul3A_141] : memref<2560000xf32, #tpu.memory_space<hbm>> -> memref<10000xf32, #tpu.memory_space<hbm>>
      %dma_start3A_150 = tpu.memref_slice %arg6[%mul3A_141] : memref<2560000xf32, #tpu.memory_space<hbm>> -> memref<10000xf32, #tpu.memory_space<hbm>>
      %dma_start3A_151 = arith.constant 30000 : i32
      %dma_start3A_152 = tpu.memref_slice %arg9[%dma_start3A_151] : memref<40000xf32, #tpu.memory_space<vmem>> -> memref<10000xf32, #tpu.memory_space<vmem>>
      tpu.enqueue_dma source(%dma_start3A_152 : memref<10000xf32, #tpu.memory_space<vmem>>) target(%dma_start3A_150 : memref<10000xf32, #tpu.memory_space<hbm>>) target_semaphore(%run_scoped3A : memref<!tpu.dma_semaphore, #tpu.memory_space<semaphore_mem>>)
      %dma_wait3A_153 = arith.constant 30000 : i32
      %dma_wait3A_154 = tpu.memref_slice %arg9[%dma_wait3A_153] : memref<40000xf32, #tpu.memory_space<vmem>> -> memref<10000xf32, #tpu.memory_space<vmem>>
      %dma_wait3A_155 = tpu.memref_slice %arg6[%mul3A_141] : memref<2560000xf32, #tpu.memory_space<hbm>> -> memref<10000xf32, #tpu.memory_space<hbm>>
      %dma_wait3A_156 = tpu.memref_slice %arg6[%mul3A_141] : memref<2560000xf32, #tpu.memory_space<hbm>> -> memref<10000xf32, #tpu.memory_space<hbm>>
      %dma_wait3A_157 = arith.constant 30000 : i32
      %dma_wait3A_158 = tpu.memref_slice %arg9[%dma_wait3A_157] : memref<40000xf32, #tpu.memory_space<vmem>> -> memref<10000xf32, #tpu.memory_space<vmem>>
      tpu.wait_dma2 semaphore(%run_scoped3A : memref<!tpu.dma_semaphore, #tpu.memory_space<semaphore_mem>>) src(%dma_wait3A_158 : memref<10000xf32, #tpu.memory_space<vmem>>) dst(%dma_wait3A_156 : memref<10000xf32, #tpu.memory_space<hbm>>)
      tpu.yield
    }) : () -> ()
    %eq3A_142 = arith.constant 0 : i32
    %eq3A_143 = arith.cmpi eq, %arg1, %eq3A_142 : i32
    %convert_element_type3A_144 = arith.extui %eq3A_143 : i1 to i32
    %cond3A_145 = arith.constant 0 : i32
    %cond3A_146 = arith.cmpi ne, %convert_element_type3A_144, %cond3A_145 : i32
    scf.if %cond3A_146 {
      %mul3A_147 = arith.constant 10000 : i32
      %mul3A_148 = arith.muli %add3A_76, %mul3A_147 : i32
      "tpu.region"() ({
        %run_scoped3A = tpu.sem_alloc : memref<!tpu.dma_semaphore, #tpu.memory_space<semaphore_mem>>
        %dma_start3A_149 = tpu.memref_slice %arg7[%mul3A_148] : memref<40000xf32, #tpu.memory_space<hbm>> -> memref<10000xf32, #tpu.memory_space<hbm>>
        %dma_start3A_150 = tpu.memref_slice %arg7[%mul3A_148] : memref<40000xf32, #tpu.memory_space<hbm>> -> memref<10000xf32, #tpu.memory_space<hbm>>
        tpu.enqueue_dma source(%arg12 : memref<10000xf32, #tpu.memory_space<vmem>>) target(%dma_start3A_150 : memref<10000xf32, #tpu.memory_space<hbm>>) target_semaphore(%run_scoped3A : memref<!tpu.dma_semaphore, #tpu.memory_space<semaphore_mem>>)
        %dma_wait3A_151 = tpu.memref_slice %arg7[%mul3A_148] : memref<40000xf32, #tpu.memory_space<hbm>> -> memref<10000xf32, #tpu.memory_space<hbm>>
        %dma_wait3A_152 = tpu.memref_slice %arg7[%mul3A_148] : memref<40000xf32, #tpu.memory_space<hbm>> -> memref<10000xf32, #tpu.memory_space<hbm>>
        tpu.wait_dma2 semaphore(%run_scoped3A : memref<!tpu.dma_semaphore, #tpu.memory_space<semaphore_mem>>) src(%arg12 : memref<10000xf32, #tpu.memory_space<vmem>>) dst(%dma_wait3A_152 : memref<10000xf32, #tpu.memory_space<hbm>>)
        tpu.yield
      }) : () -> ()
    } else {
    }
    return
  }
}

#map = affine_map<(d0, d1) -> (0)>
module attributes {stable_mosaic.version = 14 : i64} {
  func.func @_sc_l2_body(%arg0: i32, %arg1: i32, %arg2: memref<160000xf32, #tpu.memory_space<hbm>>, %arg3: memref<10000xf32, #tpu.memory_space<hbm>>, %arg4: memref<10000xf32, #tpu.memory_space<hbm>>, %arg5: memref<320000xi32, #tpu.memory_space<hbm>>, %arg6: memref<1280000xf32, #tpu.memory_space<hbm>>, %arg7: memref<80000xf32, #tpu.memory_space<hbm>>, %arg8: memref<40000xf32, #tpu.memory_space<vmem>>, %arg9: memref<40000xf32, #tpu.memory_space<vmem>>, %arg10: memref<10000xf32, #tpu.memory_space<vmem>>, %arg11: memref<10000xf32, #tpu.memory_space<vmem>>, %arg12: memref<10000xf32, #tpu.memory_space<vmem>>, %arg13: memref<8000xi32, #tpu.memory_space<vmem>>, %arg14: memref<!tpu.dma_semaphore, #tpu.memory_space<semaphore_mem>>, %arg15: memref<!tpu.dma_semaphore, #tpu.memory_space<semaphore_mem>>) attributes {dimension_semantics = [#tpu.dimension_semantics<core_parallel>, #tpu.dimension_semantics<subcore_parallel>], iteration_bounds = array<i64: 2, 16>, scalar_prefetch = 0 : i64, scratch_operands = 8 : i64, tpu.core_type = #tpu.core_type<sc_vector_subcore>, window_params = [{transform_indices = #map}, {transform_indices = #map}, {transform_indices = #map}, {transform_indices = #map}, {transform_indices = #map}, {transform_indices = #map}]} {
    %mul3A = arith.constant 16 : i32
    %mul3A_0 = arith.muli %arg0, %mul3A : i32
    %add3A = arith.addi %mul3A_0, %arg1 : i32
    %jit3A = arith.constant 4 : i32
    %eq3A = arith.constant 0 : i32
    %eq3A_1 = arith.cmpi eq, %jit3A, %eq3A : i32
    %jit3A_2 = arith.constant 1 : i32
    %select_n3A = arith.select %eq3A_1, %jit3A_2, %jit3A : i32
    %rem3A = arith.remsi %add3A, %select_n3A : i32
    %ne3A = arith.constant 0 : i32
    %ne3A_3 = arith.cmpi ne, %rem3A, %ne3A : i32
    %lt3A = arith.constant 0 : i32
    %lt3A_4 = arith.cmpi slt, %rem3A, %lt3A : i32
    %lt3A_5 = arith.constant 0 : i32
    %lt3A_6 = arith.cmpi slt, %select_n3A, %lt3A_5 : i32
    %ne3A_7 = arith.xori %lt3A_4, %lt3A_6 : i1
    %and3A = arith.andi %ne3A_7, %ne3A_3 : i1
    %add3A_8 = arith.addi %rem3A, %select_n3A : i32
    %select_n3A_9 = arith.select %and3A, %add3A_8, %rem3A : i32
    %jit3A_10 = arith.constant 4 : i32
    %div3A = arith.divsi %add3A, %jit3A_10 : i32
    %sign3A = arith.constant 0 : i32
    %sign3A_11 = arith.cmpi sgt, %add3A, %sign3A : i32
    %sign3A_12 = arith.extui %sign3A_11 : i1 to i32
    %sign3A_13 = arith.constant 0 : i32
    %sign3A_14 = arith.cmpi slt, %add3A, %sign3A_13 : i32
    %sign3A_15 = arith.extui %sign3A_14 : i1 to i32
    %sign3A_16 = arith.subi %sign3A_12, %sign3A_15 : i32
    %sign3A_17 = arith.constant 0 : i32
    %sign3A_18 = arith.cmpi sgt, %jit3A_10, %sign3A_17 : i32
    %sign3A_19 = arith.extui %sign3A_18 : i1 to i32
    %sign3A_20 = arith.constant 0 : i32
    %sign3A_21 = arith.cmpi slt, %jit3A_10, %sign3A_20 : i32
    %sign3A_22 = arith.extui %sign3A_21 : i1 to i32
    %sign3A_23 = arith.subi %sign3A_19, %sign3A_22 : i32
    %ne3A_24 = arith.cmpi ne, %sign3A_16, %sign3A_23 : i32
    %rem3A_25 = arith.remsi %add3A, %jit3A_10 : i32
    %ne3A_26 = arith.constant 0 : i32
    %ne3A_27 = arith.cmpi ne, %rem3A_25, %ne3A_26 : i32
    %and3A_28 = arith.andi %ne3A_24, %ne3A_27 : i1
    %sub3A = arith.constant 1 : i32
    %sub3A_29 = arith.subi %div3A, %sub3A : i32
    %select_n3A_30 = arith.select %and3A_28, %sub3A_29, %div3A : i32
    %mul3A_31 = arith.constant 4 : i32
    %mul3A_32 = arith.muli %select_n3A_9, %mul3A_31 : i32
    %mul3A_33 = arith.constant 40000 : i32
    %mul3A_34 = arith.muli %select_n3A_30, %mul3A_33 : i32
    %broadcast_in_dim3A = arith.constant 0.000000e+00 : f32
    %broadcast_in_dim3A_35 = vector.broadcast %broadcast_in_dim3A : f32 to vector<16xf32>
    %add3A_36 = arith.constant 0 : i32
    %add3A_37 = arith.addi %mul3A_32, %add3A_36 : i32
    %mul3A_38 = arith.constant 10000 : i32
    %mul3A_39 = arith.muli %add3A_37, %mul3A_38 : i32
    "tpu.region"() ({
      %run_scoped3A = tpu.sem_alloc : memref<!tpu.dma_semaphore, #tpu.memory_space<semaphore_mem>>
      %dma_start3A_108 = arith.constant 0 : i32
      %dma_start3A_109 = tpu.memref_slice %arg8[%dma_start3A_108] : memref<40000xf32, #tpu.memory_space<vmem>> -> memref<10000xf32, #tpu.memory_space<vmem>>
      %dma_start3A_110 = tpu.memref_slice %arg2[%mul3A_39] : memref<160000xf32, #tpu.memory_space<hbm>> -> memref<10000xf32, #tpu.memory_space<hbm>>
      %dma_start3A_111 = arith.constant 0 : i32
      %dma_start3A_112 = tpu.memref_slice %arg8[%dma_start3A_111] : memref<40000xf32, #tpu.memory_space<vmem>> -> memref<10000xf32, #tpu.memory_space<vmem>>
      %dma_start3A_113 = tpu.memref_slice %arg2[%mul3A_39] : memref<160000xf32, #tpu.memory_space<hbm>> -> memref<10000xf32, #tpu.memory_space<hbm>>
      tpu.enqueue_dma source(%dma_start3A_113 : memref<10000xf32, #tpu.memory_space<hbm>>) target(%dma_start3A_112 : memref<10000xf32, #tpu.memory_space<vmem>>) target_semaphore(%run_scoped3A : memref<!tpu.dma_semaphore, #tpu.memory_space<semaphore_mem>>)
      %dma_wait3A_114 = arith.constant 0 : i32
      %dma_wait3A_115 = tpu.memref_slice %arg8[%dma_wait3A_114] : memref<40000xf32, #tpu.memory_space<vmem>> -> memref<10000xf32, #tpu.memory_space<vmem>>
      %dma_wait3A_116 = tpu.memref_slice %arg2[%mul3A_39] : memref<160000xf32, #tpu.memory_space<hbm>> -> memref<10000xf32, #tpu.memory_space<hbm>>
      %dma_wait3A_117 = arith.constant 0 : i32
      %dma_wait3A_118 = tpu.memref_slice %arg8[%dma_wait3A_117] : memref<40000xf32, #tpu.memory_space<vmem>> -> memref<10000xf32, #tpu.memory_space<vmem>>
      %dma_wait3A_119 = tpu.memref_slice %arg2[%mul3A_39] : memref<160000xf32, #tpu.memory_space<hbm>> -> memref<10000xf32, #tpu.memory_space<hbm>>
      tpu.wait_dma2 semaphore(%run_scoped3A : memref<!tpu.dma_semaphore, #tpu.memory_space<semaphore_mem>>) src(%dma_wait3A_119 : memref<10000xf32, #tpu.memory_space<hbm>>) dst(%dma_wait3A_118 : memref<10000xf32, #tpu.memory_space<vmem>>)
      tpu.yield
    }) : () -> ()
    %add3A_40 = arith.constant 1 : i32
    %add3A_41 = arith.addi %mul3A_32, %add3A_40 : i32
    %mul3A_42 = arith.constant 10000 : i32
    %mul3A_43 = arith.muli %add3A_41, %mul3A_42 : i32
    "tpu.region"() ({
      %run_scoped3A = tpu.sem_alloc : memref<!tpu.dma_semaphore, #tpu.memory_space<semaphore_mem>>
      %dma_start3A_108 = arith.constant 10000 : i32
      %dma_start3A_109 = tpu.memref_slice %arg8[%dma_start3A_108] : memref<40000xf32, #tpu.memory_space<vmem>> -> memref<10000xf32, #tpu.memory_space<vmem>>
      %dma_start3A_110 = tpu.memref_slice %arg2[%mul3A_43] : memref<160000xf32, #tpu.memory_space<hbm>> -> memref<10000xf32, #tpu.memory_space<hbm>>
      %dma_start3A_111 = arith.constant 10000 : i32
      %dma_start3A_112 = tpu.memref_slice %arg8[%dma_start3A_111] : memref<40000xf32, #tpu.memory_space<vmem>> -> memref<10000xf32, #tpu.memory_space<vmem>>
      %dma_start3A_113 = tpu.memref_slice %arg2[%mul3A_43] : memref<160000xf32, #tpu.memory_space<hbm>> -> memref<10000xf32, #tpu.memory_space<hbm>>
      tpu.enqueue_dma source(%dma_start3A_113 : memref<10000xf32, #tpu.memory_space<hbm>>) target(%dma_start3A_112 : memref<10000xf32, #tpu.memory_space<vmem>>) target_semaphore(%run_scoped3A : memref<!tpu.dma_semaphore, #tpu.memory_space<semaphore_mem>>)
      %dma_wait3A_114 = arith.constant 10000 : i32
      %dma_wait3A_115 = tpu.memref_slice %arg8[%dma_wait3A_114] : memref<40000xf32, #tpu.memory_space<vmem>> -> memref<10000xf32, #tpu.memory_space<vmem>>
      %dma_wait3A_116 = tpu.memref_slice %arg2[%mul3A_43] : memref<160000xf32, #tpu.memory_space<hbm>> -> memref<10000xf32, #tpu.memory_space<hbm>>
      %dma_wait3A_117 = arith.constant 10000 : i32
      %dma_wait3A_118 = tpu.memref_slice %arg8[%dma_wait3A_117] : memref<40000xf32, #tpu.memory_space<vmem>> -> memref<10000xf32, #tpu.memory_space<vmem>>
      %dma_wait3A_119 = tpu.memref_slice %arg2[%mul3A_43] : memref<160000xf32, #tpu.memory_space<hbm>> -> memref<10000xf32, #tpu.memory_space<hbm>>
      tpu.wait_dma2 semaphore(%run_scoped3A : memref<!tpu.dma_semaphore, #tpu.memory_space<semaphore_mem>>) src(%dma_wait3A_119 : memref<10000xf32, #tpu.memory_space<hbm>>) dst(%dma_wait3A_118 : memref<10000xf32, #tpu.memory_space<vmem>>)
      tpu.yield
    }) : () -> ()
    %add3A_44 = arith.constant 2 : i32
    %add3A_45 = arith.addi %mul3A_32, %add3A_44 : i32
    %mul3A_46 = arith.constant 10000 : i32
    %mul3A_47 = arith.muli %add3A_45, %mul3A_46 : i32
    "tpu.region"() ({
      %run_scoped3A = tpu.sem_alloc : memref<!tpu.dma_semaphore, #tpu.memory_space<semaphore_mem>>
      %dma_start3A_108 = arith.constant 20000 : i32
      %dma_start3A_109 = tpu.memref_slice %arg8[%dma_start3A_108] : memref<40000xf32, #tpu.memory_space<vmem>> -> memref<10000xf32, #tpu.memory_space<vmem>>
      %dma_start3A_110 = tpu.memref_slice %arg2[%mul3A_47] : memref<160000xf32, #tpu.memory_space<hbm>> -> memref<10000xf32, #tpu.memory_space<hbm>>
      %dma_start3A_111 = arith.constant 20000 : i32
      %dma_start3A_112 = tpu.memref_slice %arg8[%dma_start3A_111] : memref<40000xf32, #tpu.memory_space<vmem>> -> memref<10000xf32, #tpu.memory_space<vmem>>
      %dma_start3A_113 = tpu.memref_slice %arg2[%mul3A_47] : memref<160000xf32, #tpu.memory_space<hbm>> -> memref<10000xf32, #tpu.memory_space<hbm>>
      tpu.enqueue_dma source(%dma_start3A_113 : memref<10000xf32, #tpu.memory_space<hbm>>) target(%dma_start3A_112 : memref<10000xf32, #tpu.memory_space<vmem>>) target_semaphore(%run_scoped3A : memref<!tpu.dma_semaphore, #tpu.memory_space<semaphore_mem>>)
      %dma_wait3A_114 = arith.constant 20000 : i32
      %dma_wait3A_115 = tpu.memref_slice %arg8[%dma_wait3A_114] : memref<40000xf32, #tpu.memory_space<vmem>> -> memref<10000xf32, #tpu.memory_space<vmem>>
      %dma_wait3A_116 = tpu.memref_slice %arg2[%mul3A_47] : memref<160000xf32, #tpu.memory_space<hbm>> -> memref<10000xf32, #tpu.memory_space<hbm>>
      %dma_wait3A_117 = arith.constant 20000 : i32
      %dma_wait3A_118 = tpu.memref_slice %arg8[%dma_wait3A_117] : memref<40000xf32, #tpu.memory_space<vmem>> -> memref<10000xf32, #tpu.memory_space<vmem>>
      %dma_wait3A_119 = tpu.memref_slice %arg2[%mul3A_47] : memref<160000xf32, #tpu.memory_space<hbm>> -> memref<10000xf32, #tpu.memory_space<hbm>>
      tpu.wait_dma2 semaphore(%run_scoped3A : memref<!tpu.dma_semaphore, #tpu.memory_space<semaphore_mem>>) src(%dma_wait3A_119 : memref<10000xf32, #tpu.memory_space<hbm>>) dst(%dma_wait3A_118 : memref<10000xf32, #tpu.memory_space<vmem>>)
      tpu.yield
    }) : () -> ()
    %add3A_48 = arith.constant 3 : i32
    %add3A_49 = arith.addi %mul3A_32, %add3A_48 : i32
    %mul3A_50 = arith.constant 10000 : i32
    %mul3A_51 = arith.muli %add3A_49, %mul3A_50 : i32
    "tpu.region"() ({
      %run_scoped3A = tpu.sem_alloc : memref<!tpu.dma_semaphore, #tpu.memory_space<semaphore_mem>>
      %dma_start3A_108 = arith.constant 30000 : i32
      %dma_start3A_109 = tpu.memref_slice %arg8[%dma_start3A_108] : memref<40000xf32, #tpu.memory_space<vmem>> -> memref<10000xf32, #tpu.memory_space<vmem>>
      %dma_start3A_110 = tpu.memref_slice %arg2[%mul3A_51] : memref<160000xf32, #tpu.memory_space<hbm>> -> memref<10000xf32, #tpu.memory_space<hbm>>
      %dma_start3A_111 = arith.constant 30000 : i32
      %dma_start3A_112 = tpu.memref_slice %arg8[%dma_start3A_111] : memref<40000xf32, #tpu.memory_space<vmem>> -> memref<10000xf32, #tpu.memory_space<vmem>>
      %dma_start3A_113 = tpu.memref_slice %arg2[%mul3A_51] : memref<160000xf32, #tpu.memory_space<hbm>> -> memref<10000xf32, #tpu.memory_space<hbm>>
      tpu.enqueue_dma source(%dma_start3A_113 : memref<10000xf32, #tpu.memory_space<hbm>>) target(%dma_start3A_112 : memref<10000xf32, #tpu.memory_space<vmem>>) target_semaphore(%run_scoped3A : memref<!tpu.dma_semaphore, #tpu.memory_space<semaphore_mem>>)
      %dma_wait3A_114 = arith.constant 30000 : i32
      %dma_wait3A_115 = tpu.memref_slice %arg8[%dma_wait3A_114] : memref<40000xf32, #tpu.memory_space<vmem>> -> memref<10000xf32, #tpu.memory_space<vmem>>
      %dma_wait3A_116 = tpu.memref_slice %arg2[%mul3A_51] : memref<160000xf32, #tpu.memory_space<hbm>> -> memref<10000xf32, #tpu.memory_space<hbm>>
      %dma_wait3A_117 = arith.constant 30000 : i32
      %dma_wait3A_118 = tpu.memref_slice %arg8[%dma_wait3A_117] : memref<40000xf32, #tpu.memory_space<vmem>> -> memref<10000xf32, #tpu.memory_space<vmem>>
      %dma_wait3A_119 = tpu.memref_slice %arg2[%mul3A_51] : memref<160000xf32, #tpu.memory_space<hbm>> -> memref<10000xf32, #tpu.memory_space<hbm>>
      tpu.wait_dma2 semaphore(%run_scoped3A : memref<!tpu.dma_semaphore, #tpu.memory_space<semaphore_mem>>) src(%dma_wait3A_119 : memref<10000xf32, #tpu.memory_space<hbm>>) dst(%dma_wait3A_118 : memref<10000xf32, #tpu.memory_space<vmem>>)
      tpu.yield
    }) : () -> ()
    "tpu.region"() ({
      %run_scoped3A = tpu.sem_alloc : memref<!tpu.dma_semaphore, #tpu.memory_space<semaphore_mem>>
      tpu.enqueue_dma source(%arg3 : memref<10000xf32, #tpu.memory_space<hbm>>) target(%arg10 : memref<10000xf32, #tpu.memory_space<vmem>>) target_semaphore(%run_scoped3A : memref<!tpu.dma_semaphore, #tpu.memory_space<semaphore_mem>>)
      tpu.wait_dma2 semaphore(%run_scoped3A : memref<!tpu.dma_semaphore, #tpu.memory_space<semaphore_mem>>) src(%arg3 : memref<10000xf32, #tpu.memory_space<hbm>>) dst(%arg10 : memref<10000xf32, #tpu.memory_space<vmem>>)
      tpu.yield
    }) : () -> ()
    "tpu.region"() ({
      %run_scoped3A = tpu.sem_alloc : memref<!tpu.dma_semaphore, #tpu.memory_space<semaphore_mem>>
      tpu.enqueue_dma source(%arg4 : memref<10000xf32, #tpu.memory_space<hbm>>) target(%arg11 : memref<10000xf32, #tpu.memory_space<vmem>>) target_semaphore(%run_scoped3A : memref<!tpu.dma_semaphore, #tpu.memory_space<semaphore_mem>>)
      tpu.wait_dma2 semaphore(%run_scoped3A : memref<!tpu.dma_semaphore, #tpu.memory_space<semaphore_mem>>) src(%arg4 : memref<10000xf32, #tpu.memory_space<hbm>>) dst(%arg11 : memref<10000xf32, #tpu.memory_space<vmem>>)
      tpu.yield
    }) : () -> ()
    %parallel_loop3A = arith.constant 0 : i32
    %parallel_loop3A_52 = arith.constant 2500 : i32
    %parallel_loop3A_53 = arith.constant 1 : i32
    scf.for %parallel_loop3A_108 = %parallel_loop3A to %parallel_loop3A_52 step %parallel_loop3A_53  : i32 {
      %parallel_loop3A_109 = arith.constant 16 : i32
      %parallel_loop3A_110 = arith.muli %parallel_loop3A_108, %parallel_loop3A_109 : i32
      %parallel_loop3A_111 = arith.index_cast %parallel_loop3A_110 : i32 to index
      %parallel_loop3A_112 = tpu.vector_load %arg9[%parallel_loop3A_111] {strides = array<i32>} : memref<40000xf32, #tpu.memory_space<vmem>>, vector<16xf32>,
      tpu.vector_store %arg9[%parallel_loop3A_111], %broadcast_in_dim3A_35 {strides = array<i32>} : memref<40000xf32, #tpu.memory_space<vmem>>, vector<16xf32>,
    } {sc.loop_unroll_factor = 8 : i64, sc.parallel_access}
    %parallel_loop3A_54 = arith.constant 0 : i32
    %parallel_loop3A_55 = arith.constant 625 : i32
    %parallel_loop3A_56 = arith.constant 1 : i32
    scf.for %parallel_loop3A_108 = %parallel_loop3A_54 to %parallel_loop3A_55 step %parallel_loop3A_56  : i32 {
      %parallel_loop3A_109 = arith.constant 16 : i32
      %parallel_loop3A_110 = arith.muli %parallel_loop3A_108, %parallel_loop3A_109 : i32
      %parallel_loop3A_111 = arith.index_cast %parallel_loop3A_110 : i32 to index
      %parallel_loop3A_112 = tpu.vector_load %arg12[%parallel_loop3A_111] {strides = array<i32>} : memref<10000xf32, #tpu.memory_space<vmem>>, vector<16xf32>,
      tpu.vector_store %arg12[%parallel_loop3A_111], %broadcast_in_dim3A_35 {strides = array<i32>} : memref<10000xf32, #tpu.memory_space<vmem>>, vector<16xf32>,
    } {sc.loop_unroll_factor = 8 : i64, sc.parallel_access}
    %add3A_57 = arith.constant 0 : i32
    %add3A_58 = arith.addi %mul3A_34, %add3A_57 : i32
    %dma_start3A = arith.constant 0 : i32
    %dma_start3A_59 = tpu.memref_slice %arg13[%dma_start3A] : memref<8000xi32, #tpu.memory_space<vmem>> -> memref<4000xi32, #tpu.memory_space<vmem>>
    %dma_start3A_60 = tpu.memref_slice %arg5[%add3A_58] : memref<320000xi32, #tpu.memory_space<hbm>> -> memref<4000xi32, #tpu.memory_space<hbm>>
    %dma_start3A_61 = arith.constant 0 : i32
    %dma_start3A_62 = tpu.memref_slice %arg13[%dma_start3A_61] : memref<8000xi32, #tpu.memory_space<vmem>> -> memref<4000xi32, #tpu.memory_space<vmem>>
    %dma_start3A_63 = tpu.memref_slice %arg5[%add3A_58] : memref<320000xi32, #tpu.memory_space<hbm>> -> memref<4000xi32, #tpu.memory_space<hbm>>
    tpu.enqueue_dma source(%dma_start3A_63 : memref<4000xi32, #tpu.memory_space<hbm>>) target(%dma_start3A_62 : memref<4000xi32, #tpu.memory_space<vmem>>) target_semaphore(%arg14 : memref<!tpu.dma_semaphore, #tpu.memory_space<semaphore_mem>>)
    %scan3A = arith.constant 0 : i32
    %scan3A_64 = arith.constant 0 : i32
    %scan3A_65 = arith.constant 5 : i32
    %scan3A_66 = arith.addi %scan3A_64, %scan3A_65 : i32
    %scan3A_67 = arith.constant 1 : i32
    %scan3A_68 = scf.for %scan3A_108 = %scan3A_64 to %scan3A_66 step %scan3A_67 iter_args(%scan3A_109 = %scan3A) -> (i32)  : i32 {
      %mul3A_110 = arith.constant 2 : i32
      %mul3A_111 = arith.muli %scan3A_108, %mul3A_110 : i32
      %dma_wait3A_112 = arith.constant 0 : i32
      %dma_wait3A_113 = tpu.memref_slice %arg13[%dma_wait3A_112] : memref<8000xi32, #tpu.memory_space<vmem>> -> memref<4000xi32, #tpu.memory_space<vmem>>
      %dma_wait3A_114 = arith.constant 0 : i32
      %dma_wait3A_115 = tpu.memref_slice %arg5[%dma_wait3A_114] : memref<320000xi32, #tpu.memory_space<hbm>> -> memref<4000xi32, #tpu.memory_space<hbm>>
      %dma_wait3A_116 = arith.constant 0 : i32
      %dma_wait3A_117 = tpu.memref_slice %arg13[%dma_wait3A_116] : memref<8000xi32, #tpu.memory_space<vmem>> -> memref<4000xi32, #tpu.memory_space<vmem>>
      %dma_wait3A_118 = arith.constant 0 : i32
      %dma_wait3A_119 = tpu.memref_slice %arg5[%dma_wait3A_118] : memref<320000xi32, #tpu.memory_space<hbm>> -> memref<4000xi32, #tpu.memory_space<hbm>>
      tpu.wait_dma2 semaphore(%arg14 : memref<!tpu.dma_semaphore, #tpu.memory_space<semaphore_mem>>) src(%dma_wait3A_119 : memref<4000xi32, #tpu.memory_space<hbm>>) dst(%dma_wait3A_117 : memref<4000xi32, #tpu.memory_space<vmem>>)
      %add3A_120 = arith.constant 1 : i32
      %add3A_121 = arith.addi %mul3A_111, %add3A_120 : i32
      %mul3A_122 = arith.constant 4000 : i32
      %mul3A_123 = arith.muli %add3A_121, %mul3A_122 : i32
      %add3A_124 = arith.addi %mul3A_34, %mul3A_123 : i32
      %dma_start3A_125 = arith.constant 4000 : i32
      %dma_start3A_126 = tpu.memref_slice %arg13[%dma_start3A_125] : memref<8000xi32, #tpu.memory_space<vmem>> -> memref<4000xi32, #tpu.memory_space<vmem>>
      %dma_start3A_127 = tpu.memref_slice %arg5[%add3A_124] : memref<320000xi32, #tpu.memory_space<hbm>> -> memref<4000xi32, #tpu.memory_space<hbm>>
      %dma_start3A_128 = arith.constant 4000 : i32
      %dma_start3A_129 = tpu.memref_slice %arg13[%dma_start3A_128] : memref<8000xi32, #tpu.memory_space<vmem>> -> memref<4000xi32, #tpu.memory_space<vmem>>
      %dma_start3A_130 = tpu.memref_slice %arg5[%add3A_124] : memref<320000xi32, #tpu.memory_space<hbm>> -> memref<4000xi32, #tpu.memory_space<hbm>>
      tpu.enqueue_dma source(%dma_start3A_130 : memref<4000xi32, #tpu.memory_space<hbm>>) target(%dma_start3A_129 : memref<4000xi32, #tpu.memory_space<vmem>>) target_semaphore(%arg15 : memref<!tpu.dma_semaphore, #tpu.memory_space<semaphore_mem>>)
      %parallel_loop3A_131 = arith.constant 0 : i32
      %parallel_loop3A_132 = arith.constant 250 : i32
      %parallel_loop3A_133 = arith.constant 1 : i32
      scf.for %parallel_loop3A_158 = %parallel_loop3A_131 to %parallel_loop3A_132 step %parallel_loop3A_133  : i32 {
        %parallel_loop3A_159 = arith.constant 16 : i32
        %parallel_loop3A_160 = arith.muli %parallel_loop3A_158, %parallel_loop3A_159 : i32
        %parallel_loop3A_161 = arith.constant 0 : i32
        %parallel_loop3A_162 = arith.addi %parallel_loop3A_161, %parallel_loop3A_160 : i32
        %parallel_loop3A_163 = arith.index_cast %parallel_loop3A_162 : i32 to index
        %parallel_loop3A_164 = tpu.vector_load %arg13[%parallel_loop3A_163] {strides = array<i32>} : memref<8000xi32, #tpu.memory_space<vmem>>, vector<16xi32>,
        %parallel_loop3A_165 = arith.constant 14 : i32
        %parallel_loop3A_166 = vector.broadcast %parallel_loop3A_165 : i32 to vector<16xi32>
        %parallel_loop3A_167 = arith.shrui %parallel_loop3A_164, %parallel_loop3A_166 : vector<16xi32>
        %parallel_loop3A_168 = arith.constant 16383 : i32
        %parallel_loop3A_169 = vector.broadcast %parallel_loop3A_168 : i32 to vector<16xi32>
        %parallel_loop3A_170 = arith.andi %parallel_loop3A_164, %parallel_loop3A_169 : vector<16xi32>
        %parallel_loop3A_171 = tpu.vector_load_idx %arg10[%parallel_loop3A_167] : memref<10000xf32, #tpu.memory_space<vmem>>[vector<16xi32>], vector<16xf32>,
        %parallel_loop3A_172 = tpu.vector_load_idx %arg11[%parallel_loop3A_170] : memref<10000xf32, #tpu.memory_space<vmem>>[vector<16xi32>], vector<16xf32>,
        %parallel_loop3A_173 = arith.addf %parallel_loop3A_171, %parallel_loop3A_172 : vector<16xf32>
        %parallel_loop3A_174 = arith.constant 2.000000e-01 : f32
        %parallel_loop3A_175 = vector.broadcast %parallel_loop3A_174 : f32 to vector<16xf32>
        %parallel_loop3A_176 = arith.mulf %parallel_loop3A_175, %parallel_loop3A_173 : vector<16xf32>
        %parallel_loop3A_177 = arith.maximumf %parallel_loop3A_173, %parallel_loop3A_176 : vector<16xf32>
        %parallel_loop3A_178 = math.exp %parallel_loop3A_177 : vector<16xf32>
        tpu.vector_store_idx %arg12[%parallel_loop3A_170], %parallel_loop3A_178 {add = true} : memref<10000xf32, #tpu.memory_space<vmem>>[vector<16xi32>], vector<16xf32>,
        %parallel_loop3A_179 = arith.constant 0 : i32
        %parallel_loop3A_180 = vector.broadcast %parallel_loop3A_179 : i32 to vector<16xi32>
        %parallel_loop3A_181 = arith.addi %parallel_loop3A_167, %parallel_loop3A_180 : vector<16xi32>
        %parallel_loop3A_182 = tpu.vector_load_idx %arg8[%parallel_loop3A_181] : memref<40000xf32, #tpu.memory_space<vmem>>[vector<16xi32>], vector<16xf32>,
        %parallel_loop3A_183 = arith.constant 0 : i32
        %parallel_loop3A_184 = vector.broadcast %parallel_loop3A_183 : i32 to vector<16xi32>
        %parallel_loop3A_185 = arith.addi %parallel_loop3A_170, %parallel_loop3A_184 : vector<16xi32>
        %parallel_loop3A_186 = arith.mulf %parallel_loop3A_182, %parallel_loop3A_178 : vector<16xf32>
        tpu.vector_store_idx %arg9[%parallel_loop3A_185], %parallel_loop3A_186 {add = true} : memref<40000xf32, #tpu.memory_space<vmem>>[vector<16xi32>], vector<16xf32>,
        %parallel_loop3A_187 = arith.constant 10000 : i32
        %parallel_loop3A_188 = vector.broadcast %parallel_loop3A_187 : i32 to vector<16xi32>
        %parallel_loop3A_189 = arith.addi %parallel_loop3A_167, %parallel_loop3A_188 : vector<16xi32>
        %parallel_loop3A_190 = tpu.vector_load_idx %arg8[%parallel_loop3A_189] : memref<40000xf32, #tpu.memory_space<vmem>>[vector<16xi32>], vector<16xf32>,
        %parallel_loop3A_191 = arith.constant 10000 : i32
        %parallel_loop3A_192 = vector.broadcast %parallel_loop3A_191 : i32 to vector<16xi32>
        %parallel_loop3A_193 = arith.addi %parallel_loop3A_170, %parallel_loop3A_192 : vector<16xi32>
        %parallel_loop3A_194 = arith.mulf %parallel_loop3A_190, %parallel_loop3A_178 : vector<16xf32>
        tpu.vector_store_idx %arg9[%parallel_loop3A_193], %parallel_loop3A_194 {add = true} : memref<40000xf32, #tpu.memory_space<vmem>>[vector<16xi32>], vector<16xf32>,
        %parallel_loop3A_195 = arith.constant 20000 : i32
        %parallel_loop3A_196 = vector.broadcast %parallel_loop3A_195 : i32 to vector<16xi32>
        %parallel_loop3A_197 = arith.addi %parallel_loop3A_167, %parallel_loop3A_196 : vector<16xi32>
        %parallel_loop3A_198 = tpu.vector_load_idx %arg8[%parallel_loop3A_197] : memref<40000xf32, #tpu.memory_space<vmem>>[vector<16xi32>], vector<16xf32>,
        %parallel_loop3A_199 = arith.constant 20000 : i32
        %parallel_loop3A_200 = vector.broadcast %parallel_loop3A_199 : i32 to vector<16xi32>
        %parallel_loop3A_201 = arith.addi %parallel_loop3A_170, %parallel_loop3A_200 : vector<16xi32>
        %parallel_loop3A_202 = arith.mulf %parallel_loop3A_198, %parallel_loop3A_178 : vector<16xf32>
        tpu.vector_store_idx %arg9[%parallel_loop3A_201], %parallel_loop3A_202 {add = true} : memref<40000xf32, #tpu.memory_space<vmem>>[vector<16xi32>], vector<16xf32>,
        %parallel_loop3A_203 = arith.constant 30000 : i32
        %parallel_loop3A_204 = vector.broadcast %parallel_loop3A_203 : i32 to vector<16xi32>
        %parallel_loop3A_205 = arith.addi %parallel_loop3A_167, %parallel_loop3A_204 : vector<16xi32>
        %parallel_loop3A_206 = tpu.vector_load_idx %arg8[%parallel_loop3A_205] : memref<40000xf32, #tpu.memory_space<vmem>>[vector<16xi32>], vector<16xf32>,
        %parallel_loop3A_207 = arith.constant 30000 : i32
        %parallel_loop3A_208 = vector.broadcast %parallel_loop3A_207 : i32 to vector<16xi32>
        %parallel_loop3A_209 = arith.addi %parallel_loop3A_170, %parallel_loop3A_208 : vector<16xi32>
        %parallel_loop3A_210 = arith.mulf %parallel_loop3A_206, %parallel_loop3A_178 : vector<16xf32>
        tpu.vector_store_idx %arg9[%parallel_loop3A_209], %parallel_loop3A_210 {add = true} : memref<40000xf32, #tpu.memory_space<vmem>>[vector<16xi32>], vector<16xf32>,
      } {sc.loop_unroll_factor = 16 : i64, sc.parallel_access}
      %dma_wait3A_134 = arith.constant 4000 : i32
      %dma_wait3A_135 = tpu.memref_slice %arg13[%dma_wait3A_134] : memref<8000xi32, #tpu.memory_space<vmem>> -> memref<4000xi32, #tpu.memory_space<vmem>>
      %dma_wait3A_136 = arith.constant 0 : i32
      %dma_wait3A_137 = tpu.memref_slice %arg5[%dma_wait3A_136] : memref<320000xi32, #tpu.memory_space<hbm>> -> memref<4000xi32, #tpu.memory_space<hbm>>
      %dma_wait3A_138 = arith.constant 4000 : i32
      %dma_wait3A_139 = tpu.memref_slice %arg13[%dma_wait3A_138] : memref<8000xi32, #tpu.memory_space<vmem>> -> memref<4000xi32, #tpu.memory_space<vmem>>
      %dma_wait3A_140 = arith.constant 0 : i32
      %dma_wait3A_141 = tpu.memref_slice %arg5[%dma_wait3A_140] : memref<320000xi32, #tpu.memory_space<hbm>> -> memref<4000xi32, #tpu.memory_space<hbm>>
      tpu.wait_dma2 semaphore(%arg15 : memref<!tpu.dma_semaphore, #tpu.memory_space<semaphore_mem>>) src(%dma_wait3A_141 : memref<4000xi32, #tpu.memory_space<hbm>>) dst(%dma_wait3A_139 : memref<4000xi32, #tpu.memory_space<vmem>>)
      %add3A_142 = arith.constant 2 : i32
      %add3A_143 = arith.addi %mul3A_111, %add3A_142 : i32
      %min3A = arith.constant 9 : i32
      %min3A_144 = arith.minsi %add3A_143, %min3A : i32
      %mul3A_145 = arith.constant 4000 : i32
      %mul3A_146 = arith.muli %min3A_144, %mul3A_145 : i32
      %add3A_147 = arith.addi %mul3A_34, %mul3A_146 : i32
      %dma_start3A_148 = arith.constant 0 : i32
      %dma_start3A_149 = tpu.memref_slice %arg13[%dma_start3A_148] : memref<8000xi32, #tpu.memory_space<vmem>> -> memref<4000xi32, #tpu.memory_space<vmem>>
      %dma_start3A_150 = tpu.memref_slice %arg5[%add3A_147] : memref<320000xi32, #tpu.memory_space<hbm>> -> memref<4000xi32, #tpu.memory_space<hbm>>
      %dma_start3A_151 = arith.constant 0 : i32
      %dma_start3A_152 = tpu.memref_slice %arg13[%dma_start3A_151] : memref<8000xi32, #tpu.memory_space<vmem>> -> memref<4000xi32, #tpu.memory_space<vmem>>
      %dma_start3A_153 = tpu.memref_slice %arg5[%add3A_147] : memref<320000xi32, #tpu.memory_space<hbm>> -> memref<4000xi32, #tpu.memory_space<hbm>>
      tpu.enqueue_dma source(%dma_start3A_153 : memref<4000xi32, #tpu.memory_space<hbm>>) target(%dma_start3A_152 : memref<4000xi32, #tpu.memory_space<vmem>>) target_semaphore(%arg14 : memref<!tpu.dma_semaphore, #tpu.memory_space<semaphore_mem>>)
      %parallel_loop3A_154 = arith.constant 0 : i32
      %parallel_loop3A_155 = arith.constant 250 : i32
      %parallel_loop3A_156 = arith.constant 1 : i32
      scf.for %parallel_loop3A_158 = %parallel_loop3A_154 to %parallel_loop3A_155 step %parallel_loop3A_156  : i32 {
        %parallel_loop3A_159 = arith.constant 16 : i32
        %parallel_loop3A_160 = arith.muli %parallel_loop3A_158, %parallel_loop3A_159 : i32
        %parallel_loop3A_161 = arith.constant 4000 : i32
        %parallel_loop3A_162 = arith.addi %parallel_loop3A_161, %parallel_loop3A_160 : i32
        %parallel_loop3A_163 = arith.index_cast %parallel_loop3A_162 : i32 to index
        %parallel_loop3A_164 = tpu.vector_load %arg13[%parallel_loop3A_163] {strides = array<i32>} : memref<8000xi32, #tpu.memory_space<vmem>>, vector<16xi32>,
        %parallel_loop3A_165 = arith.constant 14 : i32
        %parallel_loop3A_166 = vector.broadcast %parallel_loop3A_165 : i32 to vector<16xi32>
        %parallel_loop3A_167 = arith.shrui %parallel_loop3A_164, %parallel_loop3A_166 : vector<16xi32>
        %parallel_loop3A_168 = arith.constant 16383 : i32
        %parallel_loop3A_169 = vector.broadcast %parallel_loop3A_168 : i32 to vector<16xi32>
        %parallel_loop3A_170 = arith.andi %parallel_loop3A_164, %parallel_loop3A_169 : vector<16xi32>
        %parallel_loop3A_171 = tpu.vector_load_idx %arg10[%parallel_loop3A_167] : memref<10000xf32, #tpu.memory_space<vmem>>[vector<16xi32>], vector<16xf32>,
        %parallel_loop3A_172 = tpu.vector_load_idx %arg11[%parallel_loop3A_170] : memref<10000xf32, #tpu.memory_space<vmem>>[vector<16xi32>], vector<16xf32>,
        %parallel_loop3A_173 = arith.addf %parallel_loop3A_171, %parallel_loop3A_172 : vector<16xf32>
        %parallel_loop3A_174 = arith.constant 2.000000e-01 : f32
        %parallel_loop3A_175 = vector.broadcast %parallel_loop3A_174 : f32 to vector<16xf32>
        %parallel_loop3A_176 = arith.mulf %parallel_loop3A_175, %parallel_loop3A_173 : vector<16xf32>
        %parallel_loop3A_177 = arith.maximumf %parallel_loop3A_173, %parallel_loop3A_176 : vector<16xf32>
        %parallel_loop3A_178 = math.exp %parallel_loop3A_177 : vector<16xf32>
        tpu.vector_store_idx %arg12[%parallel_loop3A_170], %parallel_loop3A_178 {add = true} : memref<10000xf32, #tpu.memory_space<vmem>>[vector<16xi32>], vector<16xf32>,
        %parallel_loop3A_179 = arith.constant 0 : i32
        %parallel_loop3A_180 = vector.broadcast %parallel_loop3A_179 : i32 to vector<16xi32>
        %parallel_loop3A_181 = arith.addi %parallel_loop3A_167, %parallel_loop3A_180 : vector<16xi32>
        %parallel_loop3A_182 = tpu.vector_load_idx %arg8[%parallel_loop3A_181] : memref<40000xf32, #tpu.memory_space<vmem>>[vector<16xi32>], vector<16xf32>,
        %parallel_loop3A_183 = arith.constant 0 : i32
        %parallel_loop3A_184 = vector.broadcast %parallel_loop3A_183 : i32 to vector<16xi32>
        %parallel_loop3A_185 = arith.addi %parallel_loop3A_170, %parallel_loop3A_184 : vector<16xi32>
        %parallel_loop3A_186 = arith.mulf %parallel_loop3A_182, %parallel_loop3A_178 : vector<16xf32>
        tpu.vector_store_idx %arg9[%parallel_loop3A_185], %parallel_loop3A_186 {add = true} : memref<40000xf32, #tpu.memory_space<vmem>>[vector<16xi32>], vector<16xf32>,
        %parallel_loop3A_187 = arith.constant 10000 : i32
        %parallel_loop3A_188 = vector.broadcast %parallel_loop3A_187 : i32 to vector<16xi32>
        %parallel_loop3A_189 = arith.addi %parallel_loop3A_167, %parallel_loop3A_188 : vector<16xi32>
        %parallel_loop3A_190 = tpu.vector_load_idx %arg8[%parallel_loop3A_189] : memref<40000xf32, #tpu.memory_space<vmem>>[vector<16xi32>], vector<16xf32>,
        %parallel_loop3A_191 = arith.constant 10000 : i32
        %parallel_loop3A_192 = vector.broadcast %parallel_loop3A_191 : i32 to vector<16xi32>
        %parallel_loop3A_193 = arith.addi %parallel_loop3A_170, %parallel_loop3A_192 : vector<16xi32>
        %parallel_loop3A_194 = arith.mulf %parallel_loop3A_190, %parallel_loop3A_178 : vector<16xf32>
        tpu.vector_store_idx %arg9[%parallel_loop3A_193], %parallel_loop3A_194 {add = true} : memref<40000xf32, #tpu.memory_space<vmem>>[vector<16xi32>], vector<16xf32>,
        %parallel_loop3A_195 = arith.constant 20000 : i32
        %parallel_loop3A_196 = vector.broadcast %parallel_loop3A_195 : i32 to vector<16xi32>
        %parallel_loop3A_197 = arith.addi %parallel_loop3A_167, %parallel_loop3A_196 : vector<16xi32>
        %parallel_loop3A_198 = tpu.vector_load_idx %arg8[%parallel_loop3A_197] : memref<40000xf32, #tpu.memory_space<vmem>>[vector<16xi32>], vector<16xf32>,
        %parallel_loop3A_199 = arith.constant 20000 : i32
        %parallel_loop3A_200 = vector.broadcast %parallel_loop3A_199 : i32 to vector<16xi32>
        %parallel_loop3A_201 = arith.addi %parallel_loop3A_170, %parallel_loop3A_200 : vector<16xi32>
        %parallel_loop3A_202 = arith.mulf %parallel_loop3A_198, %parallel_loop3A_178 : vector<16xf32>
        tpu.vector_store_idx %arg9[%parallel_loop3A_201], %parallel_loop3A_202 {add = true} : memref<40000xf32, #tpu.memory_space<vmem>>[vector<16xi32>], vector<16xf32>,
        %parallel_loop3A_203 = arith.constant 30000 : i32
        %parallel_loop3A_204 = vector.broadcast %parallel_loop3A_203 : i32 to vector<16xi32>
        %parallel_loop3A_205 = arith.addi %parallel_loop3A_167, %parallel_loop3A_204 : vector<16xi32>
        %parallel_loop3A_206 = tpu.vector_load_idx %arg8[%parallel_loop3A_205] : memref<40000xf32, #tpu.memory_space<vmem>>[vector<16xi32>], vector<16xf32>,
        %parallel_loop3A_207 = arith.constant 30000 : i32
        %parallel_loop3A_208 = vector.broadcast %parallel_loop3A_207 : i32 to vector<16xi32>
        %parallel_loop3A_209 = arith.addi %parallel_loop3A_170, %parallel_loop3A_208 : vector<16xi32>
        %parallel_loop3A_210 = arith.mulf %parallel_loop3A_206, %parallel_loop3A_178 : vector<16xf32>
        tpu.vector_store_idx %arg9[%parallel_loop3A_209], %parallel_loop3A_210 {add = true} : memref<40000xf32, #tpu.memory_space<vmem>>[vector<16xi32>], vector<16xf32>,
      } {sc.loop_unroll_factor = 16 : i64, sc.parallel_access}
      %scan3A_157 = arith.constant 0 : i32
      scf.yield %scan3A_157 : i32
    }
    %scan3A_69 = arith.constant 5 : i32
    %dma_wait3A = arith.constant 0 : i32
    %dma_wait3A_70 = tpu.memref_slice %arg13[%dma_wait3A] : memref<8000xi32, #tpu.memory_space<vmem>> -> memref<4000xi32, #tpu.memory_space<vmem>>
    %dma_wait3A_71 = arith.constant 0 : i32
    %dma_wait3A_72 = tpu.memref_slice %arg5[%dma_wait3A_71] : memref<320000xi32, #tpu.memory_space<hbm>> -> memref<4000xi32, #tpu.memory_space<hbm>>
    %dma_wait3A_73 = arith.constant 0 : i32
    %dma_wait3A_74 = tpu.memref_slice %arg13[%dma_wait3A_73] : memref<8000xi32, #tpu.memory_space<vmem>> -> memref<4000xi32, #tpu.memory_space<vmem>>
    %dma_wait3A_75 = arith.constant 0 : i32
    %dma_wait3A_76 = tpu.memref_slice %arg5[%dma_wait3A_75] : memref<320000xi32, #tpu.memory_space<hbm>> -> memref<4000xi32, #tpu.memory_space<hbm>>
    tpu.wait_dma2 semaphore(%arg14 : memref<!tpu.dma_semaphore, #tpu.memory_space<semaphore_mem>>) src(%dma_wait3A_76 : memref<4000xi32, #tpu.memory_space<hbm>>) dst(%dma_wait3A_74 : memref<4000xi32, #tpu.memory_space<vmem>>)
    %mul3A_77 = arith.constant 16 : i32
    %mul3A_78 = arith.muli %select_n3A_30, %mul3A_77 : i32
    %add3A_79 = arith.addi %mul3A_78, %mul3A_32 : i32
    %add3A_80 = arith.constant 0 : i32
    %add3A_81 = arith.addi %add3A_79, %add3A_80 : i32
    %mul3A_82 = arith.constant 10000 : i32
    %mul3A_83 = arith.muli %add3A_81, %mul3A_82 : i32
    "tpu.region"() ({
      %run_scoped3A = tpu.sem_alloc : memref<!tpu.dma_semaphore, #tpu.memory_space<semaphore_mem>>
      %dma_start3A_108 = arith.constant 0 : i32
      %dma_start3A_109 = tpu.memref_slice %arg9[%dma_start3A_108] : memref<40000xf32, #tpu.memory_space<vmem>> -> memref<10000xf32, #tpu.memory_space<vmem>>
      %dma_start3A_110 = tpu.memref_slice %arg6[%mul3A_83] : memref<1280000xf32, #tpu.memory_space<hbm>> -> memref<10000xf32, #tpu.memory_space<hbm>>
      %dma_start3A_111 = tpu.memref_slice %arg6[%mul3A_83] : memref<1280000xf32, #tpu.memory_space<hbm>> -> memref<10000xf32, #tpu.memory_space<hbm>>
      %dma_start3A_112 = arith.constant 0 : i32
      %dma_start3A_113 = tpu.memref_slice %arg9[%dma_start3A_112] : memref<40000xf32, #tpu.memory_space<vmem>> -> memref<10000xf32, #tpu.memory_space<vmem>>
      tpu.enqueue_dma source(%dma_start3A_113 : memref<10000xf32, #tpu.memory_space<vmem>>) target(%dma_start3A_111 : memref<10000xf32, #tpu.memory_space<hbm>>) target_semaphore(%run_scoped3A : memref<!tpu.dma_semaphore, #tpu.memory_space<semaphore_mem>>)
      %dma_wait3A_114 = arith.constant 0 : i32
      %dma_wait3A_115 = tpu.memref_slice %arg9[%dma_wait3A_114] : memref<40000xf32, #tpu.memory_space<vmem>> -> memref<10000xf32, #tpu.memory_space<vmem>>
      %dma_wait3A_116 = tpu.memref_slice %arg6[%mul3A_83] : memref<1280000xf32, #tpu.memory_space<hbm>> -> memref<10000xf32, #tpu.memory_space<hbm>>
      %dma_wait3A_117 = tpu.memref_slice %arg6[%mul3A_83] : memref<1280000xf32, #tpu.memory_space<hbm>> -> memref<10000xf32, #tpu.memory_space<hbm>>
      %dma_wait3A_118 = arith.constant 0 : i32
      %dma_wait3A_119 = tpu.memref_slice %arg9[%dma_wait3A_118] : memref<40000xf32, #tpu.memory_space<vmem>> -> memref<10000xf32, #tpu.memory_space<vmem>>
      tpu.wait_dma2 semaphore(%run_scoped3A : memref<!tpu.dma_semaphore, #tpu.memory_space<semaphore_mem>>) src(%dma_wait3A_119 : memref<10000xf32, #tpu.memory_space<vmem>>) dst(%dma_wait3A_117 : memref<10000xf32, #tpu.memory_space<hbm>>)
      tpu.yield
    }) : () -> ()
    %mul3A_84 = arith.constant 16 : i32
    %mul3A_85 = arith.muli %select_n3A_30, %mul3A_84 : i32
    %add3A_86 = arith.addi %mul3A_85, %mul3A_32 : i32
    %add3A_87 = arith.constant 1 : i32
    %add3A_88 = arith.addi %add3A_86, %add3A_87 : i32
    %mul3A_89 = arith.constant 10000 : i32
    %mul3A_90 = arith.muli %add3A_88, %mul3A_89 : i32
    "tpu.region"() ({
      %run_scoped3A = tpu.sem_alloc : memref<!tpu.dma_semaphore, #tpu.memory_space<semaphore_mem>>
      %dma_start3A_108 = arith.constant 10000 : i32
      %dma_start3A_109 = tpu.memref_slice %arg9[%dma_start3A_108] : memref<40000xf32, #tpu.memory_space<vmem>> -> memref<10000xf32, #tpu.memory_space<vmem>>
      %dma_start3A_110 = tpu.memref_slice %arg6[%mul3A_90] : memref<1280000xf32, #tpu.memory_space<hbm>> -> memref<10000xf32, #tpu.memory_space<hbm>>
      %dma_start3A_111 = tpu.memref_slice %arg6[%mul3A_90] : memref<1280000xf32, #tpu.memory_space<hbm>> -> memref<10000xf32, #tpu.memory_space<hbm>>
      %dma_start3A_112 = arith.constant 10000 : i32
      %dma_start3A_113 = tpu.memref_slice %arg9[%dma_start3A_112] : memref<40000xf32, #tpu.memory_space<vmem>> -> memref<10000xf32, #tpu.memory_space<vmem>>
      tpu.enqueue_dma source(%dma_start3A_113 : memref<10000xf32, #tpu.memory_space<vmem>>) target(%dma_start3A_111 : memref<10000xf32, #tpu.memory_space<hbm>>) target_semaphore(%run_scoped3A : memref<!tpu.dma_semaphore, #tpu.memory_space<semaphore_mem>>)
      %dma_wait3A_114 = arith.constant 10000 : i32
      %dma_wait3A_115 = tpu.memref_slice %arg9[%dma_wait3A_114] : memref<40000xf32, #tpu.memory_space<vmem>> -> memref<10000xf32, #tpu.memory_space<vmem>>
      %dma_wait3A_116 = tpu.memref_slice %arg6[%mul3A_90] : memref<1280000xf32, #tpu.memory_space<hbm>> -> memref<10000xf32, #tpu.memory_space<hbm>>
      %dma_wait3A_117 = tpu.memref_slice %arg6[%mul3A_90] : memref<1280000xf32, #tpu.memory_space<hbm>> -> memref<10000xf32, #tpu.memory_space<hbm>>
      %dma_wait3A_118 = arith.constant 10000 : i32
      %dma_wait3A_119 = tpu.memref_slice %arg9[%dma_wait3A_118] : memref<40000xf32, #tpu.memory_space<vmem>> -> memref<10000xf32, #tpu.memory_space<vmem>>
      tpu.wait_dma2 semaphore(%run_scoped3A : memref<!tpu.dma_semaphore, #tpu.memory_space<semaphore_mem>>) src(%dma_wait3A_119 : memref<10000xf32, #tpu.memory_space<vmem>>) dst(%dma_wait3A_117 : memref<10000xf32, #tpu.memory_space<hbm>>)
      tpu.yield
    }) : () -> ()
    %mul3A_91 = arith.constant 16 : i32
    %mul3A_92 = arith.muli %select_n3A_30, %mul3A_91 : i32
    %add3A_93 = arith.addi %mul3A_92, %mul3A_32 : i32
    %add3A_94 = arith.constant 2 : i32
    %add3A_95 = arith.addi %add3A_93, %add3A_94 : i32
    %mul3A_96 = arith.constant 10000 : i32
    %mul3A_97 = arith.muli %add3A_95, %mul3A_96 : i32
    "tpu.region"() ({
      %run_scoped3A = tpu.sem_alloc : memref<!tpu.dma_semaphore, #tpu.memory_space<semaphore_mem>>
      %dma_start3A_108 = arith.constant 20000 : i32
      %dma_start3A_109 = tpu.memref_slice %arg9[%dma_start3A_108] : memref<40000xf32, #tpu.memory_space<vmem>> -> memref<10000xf32, #tpu.memory_space<vmem>>
      %dma_start3A_110 = tpu.memref_slice %arg6[%mul3A_97] : memref<1280000xf32, #tpu.memory_space<hbm>> -> memref<10000xf32, #tpu.memory_space<hbm>>
      %dma_start3A_111 = tpu.memref_slice %arg6[%mul3A_97] : memref<1280000xf32, #tpu.memory_space<hbm>> -> memref<10000xf32, #tpu.memory_space<hbm>>
      %dma_start3A_112 = arith.constant 20000 : i32
      %dma_start3A_113 = tpu.memref_slice %arg9[%dma_start3A_112] : memref<40000xf32, #tpu.memory_space<vmem>> -> memref<10000xf32, #tpu.memory_space<vmem>>
      tpu.enqueue_dma source(%dma_start3A_113 : memref<10000xf32, #tpu.memory_space<vmem>>) target(%dma_start3A_111 : memref<10000xf32, #tpu.memory_space<hbm>>) target_semaphore(%run_scoped3A : memref<!tpu.dma_semaphore, #tpu.memory_space<semaphore_mem>>)
      %dma_wait3A_114 = arith.constant 20000 : i32
      %dma_wait3A_115 = tpu.memref_slice %arg9[%dma_wait3A_114] : memref<40000xf32, #tpu.memory_space<vmem>> -> memref<10000xf32, #tpu.memory_space<vmem>>
      %dma_wait3A_116 = tpu.memref_slice %arg6[%mul3A_97] : memref<1280000xf32, #tpu.memory_space<hbm>> -> memref<10000xf32, #tpu.memory_space<hbm>>
      %dma_wait3A_117 = tpu.memref_slice %arg6[%mul3A_97] : memref<1280000xf32, #tpu.memory_space<hbm>> -> memref<10000xf32, #tpu.memory_space<hbm>>
      %dma_wait3A_118 = arith.constant 20000 : i32
      %dma_wait3A_119 = tpu.memref_slice %arg9[%dma_wait3A_118] : memref<40000xf32, #tpu.memory_space<vmem>> -> memref<10000xf32, #tpu.memory_space<vmem>>
      tpu.wait_dma2 semaphore(%run_scoped3A : memref<!tpu.dma_semaphore, #tpu.memory_space<semaphore_mem>>) src(%dma_wait3A_119 : memref<10000xf32, #tpu.memory_space<vmem>>) dst(%dma_wait3A_117 : memref<10000xf32, #tpu.memory_space<hbm>>)
      tpu.yield
    }) : () -> ()
    %mul3A_98 = arith.constant 16 : i32
    %mul3A_99 = arith.muli %select_n3A_30, %mul3A_98 : i32
    %add3A_100 = arith.addi %mul3A_99, %mul3A_32 : i32
    %add3A_101 = arith.constant 3 : i32
    %add3A_102 = arith.addi %add3A_100, %add3A_101 : i32
    %mul3A_103 = arith.constant 10000 : i32
    %mul3A_104 = arith.muli %add3A_102, %mul3A_103 : i32
    "tpu.region"() ({
      %run_scoped3A = tpu.sem_alloc : memref<!tpu.dma_semaphore, #tpu.memory_space<semaphore_mem>>
      %dma_start3A_108 = arith.constant 30000 : i32
      %dma_start3A_109 = tpu.memref_slice %arg9[%dma_start3A_108] : memref<40000xf32, #tpu.memory_space<vmem>> -> memref<10000xf32, #tpu.memory_space<vmem>>
      %dma_start3A_110 = tpu.memref_slice %arg6[%mul3A_104] : memref<1280000xf32, #tpu.memory_space<hbm>> -> memref<10000xf32, #tpu.memory_space<hbm>>
      %dma_start3A_111 = tpu.memref_slice %arg6[%mul3A_104] : memref<1280000xf32, #tpu.memory_space<hbm>> -> memref<10000xf32, #tpu.memory_space<hbm>>
      %dma_start3A_112 = arith.constant 30000 : i32
      %dma_start3A_113 = tpu.memref_slice %arg9[%dma_start3A_112] : memref<40000xf32, #tpu.memory_space<vmem>> -> memref<10000xf32, #tpu.memory_space<vmem>>
      tpu.enqueue_dma source(%dma_start3A_113 : memref<10000xf32, #tpu.memory_space<vmem>>) target(%dma_start3A_111 : memref<10000xf32, #tpu.memory_space<hbm>>) target_semaphore(%run_scoped3A : memref<!tpu.dma_semaphore, #tpu.memory_space<semaphore_mem>>)
      %dma_wait3A_114 = arith.constant 30000 : i32
      %dma_wait3A_115 = tpu.memref_slice %arg9[%dma_wait3A_114] : memref<40000xf32, #tpu.memory_space<vmem>> -> memref<10000xf32, #tpu.memory_space<vmem>>
      %dma_wait3A_116 = tpu.memref_slice %arg6[%mul3A_104] : memref<1280000xf32, #tpu.memory_space<hbm>> -> memref<10000xf32, #tpu.memory_space<hbm>>
      %dma_wait3A_117 = tpu.memref_slice %arg6[%mul3A_104] : memref<1280000xf32, #tpu.memory_space<hbm>> -> memref<10000xf32, #tpu.memory_space<hbm>>
      %dma_wait3A_118 = arith.constant 30000 : i32
      %dma_wait3A_119 = tpu.memref_slice %arg9[%dma_wait3A_118] : memref<40000xf32, #tpu.memory_space<vmem>> -> memref<10000xf32, #tpu.memory_space<vmem>>
      tpu.wait_dma2 semaphore(%run_scoped3A : memref<!tpu.dma_semaphore, #tpu.memory_space<semaphore_mem>>) src(%dma_wait3A_119 : memref<10000xf32, #tpu.memory_space<vmem>>) dst(%dma_wait3A_117 : memref<10000xf32, #tpu.memory_space<hbm>>)
      tpu.yield
    }) : () -> ()
    %eq3A_105 = arith.constant 0 : i32
    %eq3A_106 = arith.cmpi eq, %select_n3A_9, %eq3A_105 : i32
    %convert_element_type3A = arith.extui %eq3A_106 : i1 to i32
    %cond3A = arith.constant 0 : i32
    %cond3A_107 = arith.cmpi ne, %convert_element_type3A, %cond3A : i32
    scf.if %cond3A_107 {
      %mul3A_108 = arith.constant 10000 : i32
      %mul3A_109 = arith.muli %select_n3A_30, %mul3A_108 : i32
      "tpu.region"() ({
        %run_scoped3A = tpu.sem_alloc : memref<!tpu.dma_semaphore, #tpu.memory_space<semaphore_mem>>
        %dma_start3A_110 = tpu.memref_slice %arg7[%mul3A_109] : memref<80000xf32, #tpu.memory_space<hbm>> -> memref<10000xf32, #tpu.memory_space<hbm>>
        %dma_start3A_111 = tpu.memref_slice %arg7[%mul3A_109] : memref<80000xf32, #tpu.memory_space<hbm>> -> memref<10000xf32, #tpu.memory_space<hbm>>
        tpu.enqueue_dma source(%arg12 : memref<10000xf32, #tpu.memory_space<vmem>>) target(%dma_start3A_111 : memref<10000xf32, #tpu.memory_space<hbm>>) target_semaphore(%run_scoped3A : memref<!tpu.dma_semaphore, #tpu.memory_space<semaphore_mem>>)
        %dma_wait3A_112 = tpu.memref_slice %arg7[%mul3A_109] : memref<80000xf32, #tpu.memory_space<hbm>> -> memref<10000xf32, #tpu.memory_space<hbm>>
        %dma_wait3A_113 = tpu.memref_slice %arg7[%mul3A_109] : memref<80000xf32, #tpu.memory_space<hbm>> -> memref<10000xf32, #tpu.memory_space<hbm>>
        tpu.wait_dma2 semaphore(%run_scoped3A : memref<!tpu.dma_semaphore, #tpu.memory_space<semaphore_mem>>) src(%arg12 : memref<10000xf32, #tpu.memory_space<vmem>>) dst(%dma_wait3A_113 : memref<10000xf32, #tpu.memory_space<hbm>>)
        tpu.yield
      }) : () -> ()
    } else {
    }
    return
  }
}

module attributes {stable_mosaic.version = 14 : i64} {
  func.func @_dense_proj_body(%arg0: memref<128x10000xf32, #tpu.memory_space<vmem>>, %arg1: memref<256x128xf32, #tpu.memory_space<vmem>>, %arg2: memref<4x256xf32, #tpu.memory_space<vmem>>, %arg3: memref<4x256xf32, #tpu.memory_space<vmem>>, %arg4: memref<256x10000xf32, #tpu.memory_space<vmem>>, %arg5: memref<4x10000xf32, #tpu.memory_space<vmem>>, %arg6: memref<4x10000xf32, #tpu.memory_space<vmem>>) attributes {dimension_semantics = [], scalar_prefetch = 0 : i64, scratch_operands = 0 : i64, tpu.core_type = #tpu.core_type<tc>} {
    %get3A = arith.constant 0 : index
    %get3A_0 = arith.constant 0 : index
    %get3A_1 = vector.load %arg1[%get3A, %get3A_0] : memref<256x128xf32, #tpu.memory_space<vmem>>, vector<256x128xf32>
    %get3A_2 = arith.constant 0 : index
    %get3A_3 = arith.constant 0 : index
    %get3A_4 = vector.load %arg0[%get3A_2, %get3A_3] : memref<128x10000xf32, #tpu.memory_space<vmem>>, vector<128x10000xf32>
    %dot_general3A = arith.constant dense<0.000000e+00> : vector<256x10000xf32>
    %dot_general3A_5 = tpu.matmul %get3A_1, %get3A_4, %dot_general3A {dimension_numbers = #tpu.dot_dimension_numbers<[1], [0], [0], [1], [0, 0, 1, 1], [], []>, transpose_lhs_hint = false} : vector<256x128xf32>, vector<128x10000xf32>, vector<256x10000xf32> -> vector<256x10000xf32>
    %swap3A = arith.constant 0 : index
    %swap3A_6 = arith.constant 0 : index
    %swap3A_7 = vector.load %arg4[%swap3A, %swap3A_6] : memref<256x10000xf32, #tpu.memory_space<vmem>>, vector<256x10000xf32>
    tpu.vector_store %arg4[%swap3A, %swap3A_6], %dot_general3A_5 {strides = array<i32>} : memref<256x10000xf32, #tpu.memory_space<vmem>>, vector<256x10000xf32>,
    %get3A_8 = arith.constant 0 : index
    %get3A_9 = arith.constant 0 : index
    %get3A_10 = vector.load %arg2[%get3A_8, %get3A_9] : memref<4x256xf32, #tpu.memory_space<vmem>>, vector<4x256xf32>
    %dot_general3A_11 = arith.constant dense<0.000000e+00> : vector<4x10000xf32>
    %dot_general3A_12 = tpu.matmul %get3A_10, %dot_general3A_5, %dot_general3A_11 {dimension_numbers = #tpu.dot_dimension_numbers<[1], [0], [0], [1], [0, 0, 1, 1], [], []>, transpose_lhs_hint = false} : vector<4x256xf32>, vector<256x10000xf32>, vector<4x10000xf32> -> vector<4x10000xf32>
    %swap3A_13 = arith.constant 0 : index
    %swap3A_14 = arith.constant 0 : index
    %swap3A_15 = vector.load %arg5[%swap3A_13, %swap3A_14] : memref<4x10000xf32, #tpu.memory_space<vmem>>, vector<4x10000xf32>
    tpu.vector_store %arg5[%swap3A_13, %swap3A_14], %dot_general3A_12 {strides = array<i32>} : memref<4x10000xf32, #tpu.memory_space<vmem>>, vector<4x10000xf32>,
    %get3A_16 = arith.constant 0 : index
    %get3A_17 = arith.constant 0 : index
    %get3A_18 = vector.load %arg3[%get3A_16, %get3A_17] : memref<4x256xf32, #tpu.memory_space<vmem>>, vector<4x256xf32>
    %dot_general3A_19 = arith.constant dense<0.000000e+00> : vector<4x10000xf32>
    %dot_general3A_20 = tpu.matmul %get3A_18, %dot_general3A_5, %dot_general3A_19 {dimension_numbers = #tpu.dot_dimension_numbers<[1], [0], [0], [1], [0, 0, 1, 1], [], []>, transpose_lhs_hint = false} : vector<4x256xf32>, vector<256x10000xf32>, vector<4x10000xf32> -> vector<4x10000xf32>
    %swap3A_21 = arith.constant 0 : index
    %swap3A_22 = arith.constant 0 : index
    %swap3A_23 = vector.load %arg6[%swap3A_21, %swap3A_22] : memref<4x10000xf32, #tpu.memory_space<vmem>>, vector<4x10000xf32>
    tpu.vector_store %arg6[%swap3A_21, %swap3A_22], %dot_general3A_20 {strides = array<i32>} : memref<4x10000xf32, #tpu.memory_space<vmem>>, vector<4x10000xf32>,
    return
  }
}

module attributes {stable_mosaic.version = 14 : i64} {
  func.func @_phase_c_body(%arg0: memref<256x10000xf32, #tpu.memory_space<vmem>>, %arg1: memref<4x10000xf32, #tpu.memory_space<vmem>>, %arg2: memref<256x4xf32, #tpu.memory_space<vmem>>, %arg3: memref<256x1xf32, #tpu.memory_space<vmem>>, %arg4: memref<16x256xf32, #tpu.memory_space<vmem>>, %arg5: memref<1x16xf32, #tpu.memory_space<vmem>>, %arg6: memref<1x16xf32, #tpu.memory_space<vmem>>, %arg7: memref<16x10000xf32, #tpu.memory_space<vmem>>, %arg8: memref<1x10000xf32, #tpu.memory_space<vmem>>, %arg9: memref<1x10000xf32, #tpu.memory_space<vmem>>) attributes {dimension_semantics = [], scalar_prefetch = 0 : i64, scratch_operands = 0 : i64, tpu.core_type = #tpu.core_type<tc>} {
    %get3A = arith.constant 0 : index
    %get3A_0 = arith.constant 0 : index
    %get3A_1 = vector.load %arg2[%get3A, %get3A_0] : memref<256x4xf32, #tpu.memory_space<vmem>>, vector<256x4xf32>
    %get3A_2 = arith.constant 0 : index
    %get3A_3 = arith.constant 0 : index
    %get3A_4 = vector.load %arg1[%get3A_2, %get3A_3] : memref<4x10000xf32, #tpu.memory_space<vmem>>, vector<4x10000xf32>
    %dot_general3A = arith.constant dense<0.000000e+00> : vector<256x10000xf32>
    %dot_general3A_5 = tpu.matmul %get3A_1, %get3A_4, %dot_general3A {dimension_numbers = #tpu.dot_dimension_numbers<[1], [0], [0], [1], [0, 0, 1, 1], [], []>, transpose_lhs_hint = false} : vector<256x4xf32>, vector<4x10000xf32>, vector<256x10000xf32> -> vector<256x10000xf32>
    %get3A_6 = arith.constant 0 : index
    %get3A_7 = arith.constant 0 : index
    %get3A_8 = vector.load %arg0[%get3A_6, %get3A_7] : memref<256x10000xf32, #tpu.memory_space<vmem>>, vector<256x10000xf32>
    %add3A = arith.constant 9.99999971E-10 : f32
    %add3A_9 = vector.broadcast %add3A : f32 to vector<256x10000xf32>
    %add3A_10 = arith.addf %dot_general3A_5, %add3A_9 : vector<256x10000xf32>
    %div3A = arith.divf %get3A_8, %add3A_10 : vector<256x10000xf32>
    %get3A_11 = arith.constant 0 : index
    %get3A_12 = arith.constant 0 : index
    %get3A_13 = vector.load %arg3[%get3A_11, %get3A_12] : memref<256x1xf32, #tpu.memory_space<vmem>>, vector<256x1xf32>
    %add3A_14 = vector.broadcast %get3A_13 : vector<256x1xf32> to vector<256x10000xf32>
    %add3A_15 = arith.addf %div3A, %add3A_14 : vector<256x10000xf32>
    %gt3A = arith.constant 0.000000e+00 : f32
    %gt3A_16 = vector.broadcast %gt3A : f32 to vector<256x10000xf32>
    %gt3A_17 = arith.cmpf ogt, %add3A_15, %gt3A_16 : vector<256x10000xf32>
    %exp3A = math.exp %add3A_15 : vector<256x10000xf32>
    %sub3A = arith.constant 1.000000e+00 : f32
    %sub3A_18 = vector.broadcast %sub3A : f32 to vector<256x10000xf32>
    %sub3A_19 = arith.subf %exp3A, %sub3A_18 : vector<256x10000xf32>
    %select_n3A = arith.select %gt3A_17, %add3A_15, %sub3A_19 : vector<256x10000xi1>, vector<256x10000xf32>
    %get3A_20 = arith.constant 0 : index
    %get3A_21 = arith.constant 0 : index
    %get3A_22 = vector.load %arg4[%get3A_20, %get3A_21] : memref<16x256xf32, #tpu.memory_space<vmem>>, vector<16x256xf32>
    %dot_general3A_23 = arith.constant dense<0.000000e+00> : vector<16x10000xf32>
    %dot_general3A_24 = tpu.matmul %get3A_22, %select_n3A, %dot_general3A_23 {dimension_numbers = #tpu.dot_dimension_numbers<[1], [0], [0], [1], [0, 0, 1, 1], [], []>, transpose_lhs_hint = false} : vector<16x256xf32>, vector<256x10000xf32>, vector<16x10000xf32> -> vector<16x10000xf32>
    %swap3A = arith.constant 0 : index
    %swap3A_25 = arith.constant 0 : index
    %swap3A_26 = vector.load %arg7[%swap3A, %swap3A_25] : memref<16x10000xf32, #tpu.memory_space<vmem>>, vector<16x10000xf32>
    tpu.vector_store %arg7[%swap3A, %swap3A_25], %dot_general3A_24 {strides = array<i32>} : memref<16x10000xf32, #tpu.memory_space<vmem>>, vector<16x10000xf32>,
    %get3A_27 = arith.constant 0 : index
    %get3A_28 = arith.constant 0 : index
    %get3A_29 = vector.load %arg5[%get3A_27, %get3A_28] : memref<1x16xf32, #tpu.memory_space<vmem>>, vector<1x16xf32>
    %dot_general3A_30 = arith.constant dense<0.000000e+00> : vector<1x10000xf32>
    %dot_general3A_31 = tpu.matmul %get3A_29, %dot_general3A_24, %dot_general3A_30 {dimension_numbers = #tpu.dot_dimension_numbers<[1], [0], [0], [1], [0, 0, 1, 1], [], []>, transpose_lhs_hint = false} : vector<1x16xf32>, vector<16x10000xf32>, vector<1x10000xf32> -> vector<1x10000xf32>
    %swap3A_32 = arith.constant 0 : index
    %swap3A_33 = arith.constant 0 : index
    %swap3A_34 = vector.load %arg8[%swap3A_32, %swap3A_33] : memref<1x10000xf32, #tpu.memory_space<vmem>>, vector<1x10000xf32>
    tpu.vector_store %arg8[%swap3A_32, %swap3A_33], %dot_general3A_31 {strides = array<i32>} : memref<1x10000xf32, #tpu.memory_space<vmem>>, vector<1x10000xf32>,
    %get3A_35 = arith.constant 0 : index
    %get3A_36 = arith.constant 0 : index
    %get3A_37 = vector.load %arg6[%get3A_35, %get3A_36] : memref<1x16xf32, #tpu.memory_space<vmem>>, vector<1x16xf32>
    %dot_general3A_38 = arith.constant dense<0.000000e+00> : vector<1x10000xf32>
    %dot_general3A_39 = tpu.matmul %get3A_37, %dot_general3A_24, %dot_general3A_38 {dimension_numbers = #tpu.dot_dimension_numbers<[1], [0], [0], [1], [0, 0, 1, 1], [], []>, transpose_lhs_hint = false} : vector<1x16xf32>, vector<16x10000xf32>, vector<1x10000xf32> -> vector<1x10000xf32>
    %swap3A_40 = arith.constant 0 : index
    %swap3A_41 = arith.constant 0 : index
    %swap3A_42 = vector.load %arg9[%swap3A_40, %swap3A_41] : memref<1x10000xf32, #tpu.memory_space<vmem>>, vector<1x10000xf32>
    tpu.vector_store %arg9[%swap3A_40, %swap3A_41], %dot_general3A_39 {strides = array<i32>} : memref<1x10000xf32, #tpu.memory_space<vmem>>, vector<1x10000xf32>,
    return
  }
}

module attributes {stable_mosaic.version = 14 : i64} {
  func.func @_phase_e_body(%arg0: memref<8x16x10000xf32, #tpu.memory_space<vmem>>, %arg1: memref<8x1x10000xf32, #tpu.memory_space<vmem>>, %arg2: memref<16x1xf32, #tpu.memory_space<vmem>>, %arg3: memref<16x10000xf32, #tpu.memory_space<vmem>>) attributes {dimension_semantics = [], scalar_prefetch = 0 : i64, scratch_operands = 0 : i64, tpu.core_type = #tpu.core_type<tc>} {
    %get3A = arith.constant 0 : index
    %get3A_0 = arith.constant 0 : index
    %get3A_1 = arith.constant 0 : index
    %get3A_2 = vector.load %arg0[%get3A, %get3A_0, %get3A_1] : memref<8x16x10000xf32, #tpu.memory_space<vmem>>, vector<8x16x10000xf32>
    %reduce_sum3A = arith.constant dense<0.000000e+00> : vector<16x10000xf32>
    %reduce_sum3A_3 = vector.multi_reduction <add>, %get3A_2, %reduce_sum3A [0] : vector<8x16x10000xf32> to vector<16x10000xf32>
    %get3A_4 = arith.constant 0 : index
    %get3A_5 = arith.constant 0 : index
    %get3A_6 = arith.constant 0 : index
    %get3A_7 = vector.load %arg1[%get3A_4, %get3A_5, %get3A_6] : memref<8x1x10000xf32, #tpu.memory_space<vmem>>, vector<8x1x10000xf32>
    %reduce_sum3A_8 = arith.constant dense<0.000000e+00> : vector<1x10000xf32>
    %reduce_sum3A_9 = vector.multi_reduction <add>, %get3A_7, %reduce_sum3A_8 [0] : vector<8x1x10000xf32> to vector<1x10000xf32>
    %add3A = arith.constant 9.99999971E-10 : f32
    %add3A_10 = vector.broadcast %add3A : f32 to vector<1x10000xf32>
    %add3A_11 = arith.addf %reduce_sum3A_9, %add3A_10 : vector<1x10000xf32>
    %div3A = vector.broadcast %add3A_11 : vector<1x10000xf32> to vector<16x10000xf32>
    %div3A_12 = arith.divf %reduce_sum3A_3, %div3A : vector<16x10000xf32>
    %get3A_13 = arith.constant 0 : index
    %get3A_14 = arith.constant 0 : index
    %get3A_15 = vector.load %arg2[%get3A_13, %get3A_14] : memref<16x1xf32, #tpu.memory_space<vmem>>, vector<16x1xf32>
    %add3A_16 = vector.broadcast %get3A_15 : vector<16x1xf32> to vector<16x10000xf32>
    %add3A_17 = arith.addf %div3A_12, %add3A_16 : vector<16x10000xf32>
    %reduce_max3A = arith.constant dense<0xFF800000> : vector<10000xf32>
    %reduce_max3A_18 = vector.multi_reduction <maximumf>, %add3A_17, %reduce_max3A [0] : vector<16x10000xf32> to vector<10000xf32>
    %broadcast_in_dim3A = vector.shape_cast %reduce_max3A_18 : vector<10000xf32> to vector<1x10000xf32>
    %sub3A = vector.broadcast %broadcast_in_dim3A : vector<1x10000xf32> to vector<16x10000xf32>
    %sub3A_19 = arith.subf %add3A_17, %sub3A : vector<16x10000xf32>
    %exp3A = math.exp %sub3A_19 : vector<16x10000xf32>
    %reduce_sum3A_20 = arith.constant dense<0.000000e+00> : vector<10000xf32>
    %reduce_sum3A_21 = vector.multi_reduction <add>, %exp3A, %reduce_sum3A_20 [0] : vector<16x10000xf32> to vector<10000xf32>
    %broadcast_in_dim3A_22 = vector.shape_cast %reduce_sum3A_21 : vector<10000xf32> to vector<1x10000xf32>
    %sub3A_23 = vector.broadcast %broadcast_in_dim3A : vector<1x10000xf32> to vector<16x10000xf32>
    %sub3A_24 = arith.subf %add3A_17, %sub3A_23 : vector<16x10000xf32>
    %log3A = math.log %broadcast_in_dim3A_22 : vector<1x10000xf32>
    %sub3A_25 = vector.broadcast %log3A : vector<1x10000xf32> to vector<16x10000xf32>
    %sub3A_26 = arith.subf %sub3A_24, %sub3A_25 : vector<16x10000xf32>
    %swap3A = arith.constant 0 : index
    %swap3A_27 = arith.constant 0 : index
    %swap3A_28 = vector.load %arg3[%swap3A, %swap3A_27] : memref<16x10000xf32, #tpu.memory_space<vmem>>, vector<16x10000xf32>
    tpu.vector_store %arg3[%swap3A, %swap3A_27], %sub3A_26 {strides = array<i32>} : memref<16x10000xf32, #tpu.memory_space<vmem>>, vector<16x10000xf32>,
    return
  }
}

</mosaic_0001>

<sc_bundles>
// kernel: kernel.10.cloned.1.call-start
scs
__scs_entry_jumppad:
0x0: {  	(pc) =	sbr.rel $0x88, $3  }
0x1: {  	(tag) =	ssettag $0x0;
	lr =	simm.s32 $0x1  }
0x2: {  	[smem:$0x3F97] =	sst lr;
	_ =	strace $0xD0000000  }
0x3: {  	_ = 	snop  }
0x4: {  	_ = 	snop  }
0x5: {  	_ = 	snop  }
0x6: {  	_ = 	snop  }
0x7: {  	_ = 	snop  }
__scs_overlays_trampoline_lowered:
0x8: {  	[smem:$0x3FA6] =	sst s0  }
0x9: {  	[smem:$0x3FA7] =	sst s1  }
0xa: {  	[smem:$0x3FA8] =	sst s2  }
0xb: {  	[smem:$0x3FA9] =	sst s3  }
0xc: {  	[smem:$0x3FAA] =	sst s4  }
0xd: {  	[smem:$0x3FAB] =	sst s5  }
0xe: {  	[smem:$0x3FAC] =	sst s6  }
0xf: {  	[smem:$0x3FAD] =	sst s7  }
0x10: {  	[smem:$0x3FAE] =	sst s8  }
0x11: {  	[smem:$0x3FAF] =	sst s9;
	s0 =	simm.s32 @!p0 $0x0  }
0x12: {  	s1 =	sld [smem:$0x3F95];
	s0 =	simm.s32 @p0 $0x1  }
0x13: {  	[smem:$0x3FB0] =	sst s0;
	s0 =	simm.s32 @!p1 $0x0  }
0x14: {  	s2 =	sld [smem:$0x3F94];
	s0 =	simm.s32 @p1 $0x1  }
0x15: {  	[smem:$0x3FB1] =	sst s0;
	s0 =	simm.s32 @!p2 $0x0  }
0x16: {  	s3 =	sld [smem:$0x3FDB];
	s0 =	simm.s32 @p2 $0x1  }
0x17: {  	s4 =	simm.s32 $0x1BF5;
	[smem:$0x3FB3] =	sst s0  }
0x18: {  	s0 =	sld [smem:$0x3F96];
	_ =	swait.ge [sflag:s4], $0x0  }
0x19: {  	s7 =	sld [smem:$0x3F97]  }
0x1a: {  	s8 =	sadd.s32 $0xFFFFE003, lr  }
0x1b: {  	s9 =	sadd.s32 $0xFFFFFEF7, lr;
	s5 =	simm.s32 $0xFFFFFFFF;
	p2 =	slt.u32 s8, $0xFFFFF086  }
0x1c: {  	p1 =	slt.u32 s9, $0xF7A;
	s5 =	simm.s32 @!p2 $0x0  }
0x1d: {  	s5 =	simm.s32 @p1 $0x1;
	p0 =	seq.s32 s7, s2  }
0x1e: {  	s7 =	smul.u32 @!p0 $0xF7A, s2;
	p2 =	seq.s32 @!p0 s5, $0x0  }
0x1f: {  	s9 =	smul.u32 $0xF7A, s1;
	s8 =	simm.s32 @!p0 $0x1BF5;
	p2 =	por !p2, p0  }
0x20: {  	[sflag:s8] =	ssyncset.s32 @!p0 $0xFFFFF086;
	s6 =	sadd.s32 @!p0 s3, s7;
	s7 =	simm.s32 @!p0 $0x108  }
0x21: {  	s3 =	sadd.s32 s3, s9;
	s6 =	sadd.s32 @!p0 $0x88, s6;
	s7 =	simm.s32 @p2 $0x1082  }
0x22: {  	[simem:s7], [sflag:s8] =	dma.local @!p0 [hbm:s6], $0xF7A  }
0x23: {  	s9 =	sor.u32 $0xD0000000, s2;
	s6 =	simm.s32 $0x108;
	_ =	swait.ge @!p0 [sflag:s8], $0x0  }
0x24: {  	s3 =	sadd.s32 $0x88, s3;
	s6 =	simm.s32 @!p1 $0x1082;
	[sflag:s4] =	ssyncset.s32 $0xFFFFF086  }
0x25: {  	[simem:s6], [sflag:s4] =	dma.local [hbm:s3], $0xF7A  }
0x26: {  	[smem:$0x3F97] =	sst s1;
	(tag) =	ssettag s2;
	_ =	strace s9  }
0x27: {  	s1 =	sld [smem:$0x3FA7]  }
0x28: {  	s2 =	sld [smem:$0x3FA8]  }
0x29: {  	s4 =	sld [smem:$0x3FAA]  }
0x2a: {  	p0 =	seq.s32 s5, $0x0;
	s5 =	sld [smem:$0x3FAB]  }
0x2b: {  	s6 =	sld [smem:$0x3FAC]  }
0x2c: {  	s7 =	sld [smem:$0x3FAD]  }
0x2d: {  	s3 =	simm.s32 $0x108;
	s8 =	sld [smem:$0x3FAE]  }
0x2e: {  	s3 =	simm.s32 @!p0 $0x1082;
	s9 =	sld [smem:$0x3FAF]  }
0x2f: {  	lr =	sadd.s32 s0, s3;
	s0 =	sld [smem:$0x3FA6]  }
0x30: {  	s3 =	sld [smem:$0x3FA9]  }
0x31: {  	[smem:$0x3FB2] =	sst s10  }
0x32: {  	s10 =	sld [smem:$0x3FB0];
	_ =	sdelay $0x3  }
0x33: {  	p0 =	seq.s32 s10, $0x1;
	s10 =	sld [smem:$0x3FB2];
	_ =	sdelay $0x3  }
0x34: {  	[smem:$0x3FB2] =	sst s10  }
0x35: {  	s10 =	sld [smem:$0x3FB1];
	_ =	sdelay $0x3  }
0x36: {  	p1 =	seq.s32 s10, $0x1;
	s10 =	sld [smem:$0x3FB2];
	_ =	sdelay $0x3  }
0x37: {  	[smem:$0x3FB2] =	sst s10  }
0x38: {  	s10 =	sld [smem:$0x3FB3]  }
0x39: {  	_ = 	snop;
	(pc) =	sbr.ind lr, $3  }
0x3a: {  	_ = 	snop  }
0x3b: {  	_ = 	snop  }
0x3c: {  	p2 =	seq.s32 s10, $0x1;
	s10 =	sld [smem:$0x3FB2]  }
0x3d: {  	_ =	shalt  }
0x3e: {  	_ =	shalt  }
0x3f: {  	_ =	shalt  }
0x40: {  	_ =	shalt  }
0x41: {  	_ =	shalt  }
0x42: {  	_ =	shalt  }
0x43: {  	_ =	shalt  }
0x44: {  	_ =	shalt  }
0x45: {  	_ =	shalt  }
0x46: {  	_ =	shalt  }
0x47: {  	_ =	shalt  }
0x48: {  	_ =	shalt  }
0x49: {  	_ =	shalt  }
0x4a: {  	_ =	shalt  }
0x4b: {  	_ =	shalt  }
0x4c: {  	_ =	shalt  }
0x4d: {  	_ =	shalt  }
0x4e: {  	_ =	shalt  }
0x4f: {  	_ =	shalt  }
0x50: {  	_ =	shalt  }
0x51: {  	_ =	shalt  }
0x52: {  	_ =	shalt  }
0x53: {  	_ =	shalt  }
0x54: {  	_ =	shalt  }
0x55: {  	_ =	shalt  }
0x56: {  	_ =	shalt  }
0x57: {  	_ =	shalt  }
0x58: {  	_ =	shalt  }
0x59: {  	_ =	shalt  }
0x5a: {  	_ =	shalt  }
0x5b: {  	_ =	shalt  }
0x5c: {  	_ =	shalt  }
0x5d: {  	_ =	shalt  }
0x5e: {  	_ =	shalt  }
0x5f: {  	_ =	shalt  }
0x60: {  	_ =	shalt  }
0x61: {  	_ =	shalt  }
0x62: {  	_ =	shalt  }
0x63: {  	_ =	shalt  }
0x64: {  	_ =	shalt  }
0x65: {  	_ =	shalt  }
0x66: {  	_ =	shalt  }
0x67: {  	_ =	shalt  }
0x68: {  	_ =	shalt  }
0x69: {  	_ =	shalt  }
0x6a: {  	_ =	shalt  }
0x6b: {  	_ =	shalt  }
0x6c: {  	_ =	shalt  }
0x6d: {  	_ =	shalt  }
0x6e: {  	_ =	shalt  }
0x6f: {  	_ =	shalt  }
0x70: {  	_ =	shalt  }
0x71: {  	_ =	shalt  }
0x72: {  	_ =	shalt  }
0x73: {  	_ =	shalt  }
0x74: {  	_ =	shalt  }
0x75: {  	_ =	shalt  }
0x76: {  	_ =	shalt  }
0x77: {  	_ =	shalt  }
0x78: {  	_ =	shalt  }
0x79: {  	_ =	shalt  }
0x7a: {  	_ =	shalt  }
0x7b: {  	_ =	shalt  }
0x7c: {  	_ =	shalt  }
0x7d: {  	_ =	shalt  }
0x7e: {  	_ =	shalt  }
0x7f: {  	_ =	shalt  }
0x80: {  	_ =	shalt  }
0x81: {  	_ =	shalt  }
0x82: {  	_ =	shalt  }
0x83: {  	_ =	shalt  }
0x84: {  	_ =	shalt  }
0x85: {  	_ =	shalt  }
0x86: {  	_ =	shalt  }
0x87: {  	_ =	shalt  }
.Lfunc_end0:
.L_simem_size_0:
called_computation.1_lowered:
.L_overlay_start_0:
0x88: {  	s2 =	sld [smem:$0x3FD9]  }
0x89: {  	s3 =	sld [smem:$0x3FFE];
	_ =	sdelay $0x1  }
0x8a: {  	s1 =	srdreg.scid  }
0x8b: {  	s0 =	sand.u32 $0x1, s1  }
0x8c: {  	s17 =	sshll.u32 s0, $0xA;
	s2 =	sadd.s32 s3, s2  }
0x8d: {  	s2 =	sadd.s32 s2, s17  }
0x8e: {  	[smem:$0x3FBE] =	sst s2  }
0x8f: {  	_ = 	snop  }
0x90: {  	s2 =	sld [smem:$0x3FD0];
	(tm) =	ssettm $0x1  }
0x91: {  	s18 =	sld [smem:$0x3FFB];
	_ =	sdelay $0x3  }
0x92: {  	_ =	strace s18  }
0x93: {  	s3 =	sld [smem:$0x3FFC];
	_ =	sdelay $0x3  }
0x94: {  	_ =	strace s3  }
0x95: {  	s3 =	sld [smem:$0x3FFD];
	_ =	sdelay $0x3  }
0x96: {  	_ =	strace s3  }
0x97: {  	_ =	strace $0x8FFFFFFF  }
0x98: {  	s19 =	sld [smem:$0x3FDB];
	_ =	sdelay $0x1  }
0x99: {  	s4 =	simm.s32 $_scs_section_size  }
0x9a: {  	s5 =	simm.s32 $_size__tile_overlayer_lowered;
	s6 =	simm.s32 $_tile_overlayer_lowered  }
0x9b: {  	s22 =	simm.s32 $0x1BFF;
	s21 =	sshll.u32 s6, $0x1;
	s3 =	sadd.s32 s4, s19  }
0x9c: {  	s7 =	simm.s32 $0x0;
	s20 =	sshll.u32 s5, $0x1;
	s5 =	sadd.s32 s21, s3  }
0x9d: {  	[timem:s7], [sflag:s22] =	dma.local [hbm:s5], s20  }
0x9e: {  	_ =	swait.ge [sflag:s22], s20  }
0x9f: {  	s4 =	ssub.s32 $0x0, s20;
	[sflag:s22] =	ssyncset.done $0x0  }
0xa0: {  	[sflag:s22] =	ssyncadd.s32 s4;
	_ =	sdelay $0x1  }
0xa1: {  	s23 =	simm.s32 $0x1B8B  }
0xa2: {  	_ =	swait.ge [sflag:s23], $0x1  }
0xa3: {  	[sflag:s23] =	ssyncset.done $0x0  }
0xa4: {  	s25 =	simm.s32 $0x1B8E;
	s24 =	sld [smem:$0x3FFE];
	[sflag:s23] =	ssyncadd.s32 $0xFFFFFFFF  }
0xa5: {  	s26 =	simm.s32 $execute0_lowered;
	[smem:$0x3FD2] =	sst s25  }
0xa6: {  	s5 =	sshll.u32 s26, $0x1;
	_ =	strace $0x80000049;
	[dreg:$0x1] =	wrdreg $0xFFFFFFFF  }
0xa7: {  	s28 =	simm.s32 $_size_execute0_lowered;
	s3 =	sadd.s32 s3, s5;
	[dreg:$0x0] =	wrdreg $0x0  }
0xa8: {  	s5 =	sshll.u32 s28, $0x1;
	[dreg:$0x2] =	wrdreg s3  }
0xa9: {  	[dreg:$0x3] =	wrdreg s5  }
0xaa: {  	[dreg:$0x4] =	wrdreg $0xC0  }
0xab: {  	_ =	task [dreg:s7], $0x5FFFF  }
0xac: {  	[dreg:$0x1] =	wrdreg $0xFFFFFFFF  }
0xad: {  	[dreg:$0x0] =	wrdreg $0x60  }
0xae: {  	[dreg:$0x2] =	wrdreg s2  }
0xaf: {  	[dreg:$0x3] =	wrdreg s24  }
0xb0: {  	[dreg:$0x4] =	wrdreg $0x9  }
0xb1: {  	_ =	task.clear_ibuf [dreg:s7], $0x5FFFF;
	_ =	strace $0x90000049  }
0xb2: {  	s29 =	simm.s32 $0x9;
	_ =	strace $0x8000004B  }
0xb3: {  	_ =	swait.ge [sflag:s29], $0x1  }
0xb4: {  	[sflag:s29] =	ssyncadd.s32 $0xFFFFFFFF  }
0xb5: {  	_ =	strace $0x9000004B  }
0xb6: {  	_ =	sfence  }
0xb7: {  	s30 =	sld [smem:$0x0];
	_ =	sdelay $0x2  }
0xb8: {  	s31 =	sshll.u32 s1, $0xD;
	s1 =	sshrl.u32 s1, $0x2  }
0xb9: {  	s3 =	sand.u32 $0x4000, s31;
	s1 =	sadd.s32 s1, s30  }
0xba: {  	s0 =	sor.u32 s3, s0;
	s1 =	sshll.u32 s1, $0x11  }
0xbb: {  	s0 =	sor.u32 s1, s0  }
0xbc: {  	s0 =	sadd.s32 $0x8F2B, s0  }
0xbd: {  	[sflag:s0] =	ssyncadd.remote.s32 $0x1  }
0xbe: {  	_ =	sfence.sel $0xFFFF  }
0xbf: {  	[dreg:$0x0] =	wrdreg $0xFFFFFFFF;
	(pc) =	sbr.abs _section_cstart, $3  }
0xc0: {  	[dreg:$0x1] =	wrdreg $0xFFFFFFFF  }
0xc1: {  	_ =	task.clear_ibuf [dreg:s7], $0x2FFFF;
	_ =	strace $0x9FFFFFFF  }
0xc2: {  	(tm) =	ssettm $0x7FFFFFFF  }
0xc3: {  	_ =	shalt  }
tec
execute0_lowered:
.L_overlay_start_1:
0x0: {  	(tag) =	ssettag $0x1  }
0x1: {  	s0 =	srdreg.scid  }
0x2: {  	s2 =	stileid.u32;
	s8 =	rddreg [dreg:$0x0]  }
0x3: {  	s9 =	rddreg [dreg:$0x1];
	s3 =	simm.s32 $0x1;
	s6 =	simm.s32 $0x1  }
0x4: {  	s20 =	simm.s32 $0x3;
	s28 =	simm.s32 $0x1BF20;
	s29 =	simm.s32 $0x18800  }
0x5: {  	s30 =	simm.s32 $0x9C80;
	s31 =	simm.s32 $0x2;
	s22 =	simm.s32 $0x0  }
0x6: {  	s0 =	sand.u32 $0x1, s0;
	s7 =	sand.u32 $0x3, s2;
	s4 =	sadd.s32 $0x1E00, s9  }
0x7: {  	s5 =	sadd.s32 $0x50E00, s9;
	s17 =	sadd.s32 $0x2400, s9;
	s1 =	sshll.u32 s0, $0x4  }
0x8: {  	p0 =	sne.s32 s7, $0x0;
	s0 =	ssub.s32 $0x2, s0;
	s1 =	sor.u32 s2, s1  }
0x9: {  	s25 =	smul.u32 $0x9C40, s7;
	s26 =	sshll.u32 s7, $0x2;
	p1 =	seq.s32 s1, $0x0  }
0xa: {  	s7 =	smul.u32 $0x1388, s7;
	s2 =	simm.s32 $0x0;
	p1 =	por !p0, !p1  }
0xb: {  	s24 =	sshrl.u32 s0, $0x1;
	s1 =	sshrl.u32 s1, $0x2;
	p1 =	por !p1, !p1  }
0xc: {  	[smem:$0x7FF] =	sst s2;
	s0 =	ssub.s32 s0, s24;
	s3 =	simm.s32 @!p1 $0x0  }
0xd: {  	s7 =	sadd.s32 s8, s7;
	s24 =	simm.s32 $0x13900;
	s1 =	ssub.s32 s1, s3  }
0xe: {  	_ =	strace $0x8000004A;
	s19 =	smax.u32 s0, $0x1;
	s10 =	smul.u32 $0x2710, s1  }
0xf: {  	s3 =	sadd.s32 $0x1800, s9;
	s13 =	smul.u32 $0x9C40, s1;
	s1 =	sshll.u32 s1, $0x4  }
0x10: {  	s1 =	sor.u32 s26, s1;
	s26 =	simm.s32 $0x1AF80;
	s10 =	sshrl.u32 s10, $0x3  }
0x11: {  	s11 =	sshrl.u32 s13, $0x3;
	s1 =	smul.u32 $0x2710, s1;
	s12 =	sadd.s32 $0xFA0, s13  }
0x12: {  	s13 =	sadd.s32 $0x1F40, s13;
	s18 =	sadd.s32 s10, s9;
	s10 =	sshrl.u32 s25, $0x3  }
0x13: {  	s11 =	sadd.s32 s5, s11;
	s25 =	simm.s32 $0x16080;
	s10 =	sadd.s32 s8, s10  }
0x14: {  	s14 =	sshrl.u32 s1, $0x3;
	s15 =	sadd.s32 $0x2710, s1;
	s16 =	sadd.s32 $0x4E20, s1  }
0x15: {  	s1 =	sadd.s32 $0x7530, s1;
	s18 =	sadd.s32 $0x29600, s18;
	s8 =	sadd.s32 $0x4E2, s10  }
0x16: {  	s9 =	sadd.s32 $0x9C4, s10;
	s10 =	sadd.s32 $0xEA6, s10;
	s14 =	sadd.s32 s17, s14  }
0x17: {  	s15 =	sshrl.u32 s15, $0x3;
	s16 =	sshrl.u32 s16, $0x3;
	s1 =	sshrl.u32 s1, $0x3  }
0x18: {  	v0 =	vimm.f32 $0.0e+00;
	s15 =	sadd.s32 s17, s15;
	s16 =	sadd.s32 s17, s16;
	s17 =	sadd.s32 s17, s1  }
.LBB2_1:
0x19: {  	[tilespmem:s2], [sflag:$0x3] =	stream.linear.gather [hbm4b:s7+s2], $0x2710, $0x38;
	[tilespmem:$0x1CF00] =	vst v63  }
0x1a: {  	_ =	swait.ge [sflag:s20], $0x2710  }
0x1b: {  	[sflag:s20] =	ssyncset.done $0x0  }
0x1c: {  	s0 =	simm.s32 $0x2710;
	[sflag:s20] =	ssyncadd.s32 $0xFFFFD8F0  }
0x1d: {  	[tilespmem:s0], [sflag:$0x3] =	stream.linear.gather [hbm4b:s8+s2], $0x2710, $0x38;
	[tilespmem:$0x1CF00] =	vst v63  }
0x1e: {  	_ =	swait.ge [sflag:s20], $0x2710  }
0x1f: {  	[sflag:s20] =	ssyncset.done $0x0  }
0x20: {  	s21 =	simm.s32 $0x4E20;
	[sflag:s20] =	ssyncadd.s32 $0xFFFFD8F0  }
0x21: {  	[tilespmem:s21], [sflag:$0x3] =	stream.linear.gather [hbm4b:s9+s2], $0x2710, $0x38;
	[tilespmem:$0x1CF00] =	vst v63  }
0x22: {  	_ =	swait.ge [sflag:s20], $0x2710  }
0x23: {  	[sflag:s20] =	ssyncset.done $0x0  }
0x24: {  	s23 =	simm.s32 $0x7530;
	[sflag:s20] =	ssyncadd.s32 $0xFFFFD8F0  }
0x25: {  	[tilespmem:s23], [sflag:$0x3] =	stream.linear.gather [hbm4b:s10+s2], $0x2710, $0x38;
	[tilespmem:$0x1CF00] =	vst v63  }
0x26: {  	_ =	swait.ge [sflag:s20], $0x2710  }
0x27: {  	[sflag:s20] =	ssyncset.done $0x0  }
0x28: {  	[sflag:s20] =	ssyncadd.s32 $0xFFFFD8F0  }
0x29: {  	[tilespmem:s24], [sflag:$0x3] =	stream.linear.gather [hbm4b:s3+s2], $0x2780, $0x38;
	[tilespmem:$0x1CF00] =	vst v63  }
0x2a: {  	_ =	swait.ge [sflag:s20], $0x2780  }
0x2b: {  	[sflag:s20] =	ssyncset.done $0x0  }
0x2c: {  	[sflag:s20] =	ssyncadd.s32 $0xFFFFD880  }
0x2d: {  	[tilespmem:s25], [sflag:$0x3] =	stream.linear.gather [hbm4b:s4+s2], $0x2780, $0x38;
	[tilespmem:$0x1CF00] =	vst v63  }
0x2e: {  	_ =	swait.ge [sflag:s20], $0x2780  }
0x2f: {  	[sflag:s20] =	ssyncset.done $0x0  }
0x30: {  	s0 =	simm.s32 $0x9CC0;
	[sflag:s20] =	ssyncadd.s32 $0xFFFFD880  }
0x31: {  	[tilespmem:s0+$0xFFFFFFC0] =	vst v0  }
0x32: {  	[tilespmem:s0+$0x30] =	vst v0  }
0x33: {  	[tilespmem:s0+$0x20] =	vst v0  }
0x34: {  	[tilespmem:s0+$0x10] =	vst v0  }
0x35: {  	[tilespmem:s0+$0x0] =	vst v0  }
0x36: {  	[tilespmem:s0+$0xFFFFFFF0] =	vst v0  }
0x37: {  	s1 =	simm.s32 $0x0;
	[tilespmem:s0+$0xFFFFFFE0] =	vst v0  }
.LBB2_2:
0x38: {  	s1 =	sadd.s32 $0x8, s1;
	[tilespmem:s0+$0xFFFFFFD0] =	vst v0;
	s0 =	sadd.s32 $0x80, s0  }
0x39: {  	[tilespmem:s0+$0xFFFFFFC0] =	vst v0;
	p1 =	slt.u32 s1, $0x9B8  }
0x3a: {  	[tilespmem:s0+$0x30] =	vst v0  }
.Ltmp0:
0x3b: {  	[tilespmem:s0+$0x20] =	vst v0;
	(pc) =	sbr.rel @p1 .LBB2_2-.Ltmp0, $4  }
0x3c: {  	[tilespmem:s0+$0x10] =	vst v0  }
0x3d: {  	[tilespmem:s0+$0x0] =	vst v0  }
0x3e: {  	[tilespmem:s0+$0xFFFFFFF0] =	vst v0  }
0x3f: {  	[tilespmem:s0+$0xFFFFFFE0] =	vst v0  }
0x40: {  	[tilespmem:s0+$0xFFFFFFD0] =	vst v0;
	s0 =	simm.s32 $0x0  }
.LBB2_4:
0x41: {  	p1 =	sne.s32 s0, $0xC0  }
.Ltmp1:
0x42: {  	_ = 	snop;
	(pc) =	sbr.rel @p1 .LBB2_4-.Ltmp1, $3  }
0x43: {  	_ =	sdelay $0x1  }
0x44: {  	s1 =	sshra.s32 s0, $0x2  }
0x45: {  	s0 =	sadd.s32 $0x40, s0;
	[tilespmem:s1+$0x13880] =	vst v0  }
0x46: {  	s0 =	simm.s32 $0x18840  }
0x47: {  	[tilespmem:s0+$0xFFFFFFC0] =	vst v0  }
0x48: {  	[tilespmem:s0+$0x30] =	vst v0  }
0x49: {  	[tilespmem:s0+$0x20] =	vst v0  }
0x4a: {  	[tilespmem:s0+$0x10] =	vst v0  }
0x4b: {  	[tilespmem:s0+$0x0] =	vst v0  }
0x4c: {  	[tilespmem:s0+$0xFFFFFFF0] =	vst v0  }
0x4d: {  	s1 =	simm.s32 $0x0;
	[tilespmem:s0+$0xFFFFFFE0] =	vst v0  }
.LBB2_6:
0x4e: {  	s1 =	sadd.s32 $0x8, s1;
	[tilespmem:s0+$0xFFFFFFD0] =	vst v0;
	s0 =	sadd.s32 $0x80, s0  }
0x4f: {  	[tilespmem:s0+$0xFFFFFFC0] =	vst v0;
	p1 =	slt.u32 s1, $0x268  }
0x50: {  	[tilespmem:s0+$0x30] =	vst v0  }
.Ltmp2:
0x51: {  	[tilespmem:s0+$0x20] =	vst v0;
	(pc) =	sbr.rel @p1 .LBB2_6-.Ltmp2, $4  }
0x52: {  	[tilespmem:s0+$0x10] =	vst v0  }
0x53: {  	[tilespmem:s0+$0x0] =	vst v0  }
0x54: {  	[tilespmem:s0+$0xFFFFFFF0] =	vst v0  }
0x55: {  	[tilespmem:s0+$0xFFFFFFE0] =	vst v0  }
0x56: {  	[tilespmem:s0+$0xFFFFFFD0] =	vst v0  }
0x57: {  	s23 =	simm.s32 $0x0;
	[tilespmem:$0x1AF00] =	vst v0  }
0x58: {  	[tilespmem:s26], [sflag:$0x1] =	stream.linear.gather [hbm4b:s11+s23], $0xFA0, $0x38;
	[tilespmem:$0x1CF00] =	vst v63  }
.LBB2_8:
0x59: {  	s0 =	smul.u32 $0x1F40, s23;
	_ =	sdelay $0x1  }
0x5a: {  	_ =	swait.ge [sflag:s6], $0xFA0;
	s0 =	sadd.s32 s0, s12  }
0x5b: {  	[sflag:s6] =	ssyncset.done $0x0;
	s0 =	sshrl.u32 s0, $0x3  }
0x5c: {  	[sflag:s6] =	ssyncadd.s32 $0xFFFFF060;
	s0 =	sadd.s32 s5, s0  }
0x5d: {  	[tilespmem:s28], [sflag:$0x2] =	stream.linear.gather [hbm4b:s0+s2], $0xFA0, $0x38;
	[tilespmem:$0x1CF00] =	vst v63  }
0x5e: {  	s21 =	simm.s32 $0x1B000;
	s0 =	simm.s32 $0xFFFFFFF0  }
.LBB2_9:
0x5f: {  	v1 =	vld [tilespmem:s21+$0xFFFFFF80];
	_ =	sdelay $0x4  }
0x60: {  	v2 =	vshrl.u32 v1, $0xE  }
0x61: {  	v1 =	vand.u32 $0x3FFF, v1;
	_ =	sdelay $0x3  }
0x62: {  	v3 =	vld.idx.msk [tilespmem:v2+s24+$0x0], $0xffff  }
0x63: {  	v4 =	vld.idx.msk [tilespmem:v1+s25+$0x0], $0xffff;
	_ =	sdelay $0x4  }
0x64: {  	v3 =	vadd.f32 v4, v3;
	_ =	sdelay $0x1  }
0x65: {  	v4 =	vmul.f32 $2.000000030e-01, v3;
	_ =	sdelay $0x1  }
0x66: {  	v3 =	vmax.f32 v3, v4  }
0x67: {  	v3 =	vmul.f32 $1.442695020e+00, v3  }
0x68: {  	v5 =	vld [tilespmem:s21+$0xFFFFFFA0]  }
0x69: {  	(erf) = vpow2.f32 v3;
	v3 =	vld [tilespmem:s21+$0xFFFFFF90];
	_ =	sdelay $0x3  }
0x6a: {  	v13 =	vshrl.u32 v5, $0xE  }
0x6b: {  	v9 =	vshrl.u32 v3, $0xE  }
0x6c: {  	v4 =	vand.u32 $0x3FFF, v3  }
0x6d: {  	v5 =	vand.u32 $0x3FFF, v5  }
0x6e: {  	v11 =	vld [tilespmem:s21+$0xFFFFFFB0]  }
0x6f: {  	v10 =	vld.idx.msk [tilespmem:v13+s24+$0x0], $0xffff  }
0x70: {  	v7 =	vld.idx.msk [tilespmem:v9+s24+$0x0], $0xffff  }
0x71: {  	v8 =	vld.idx.msk [tilespmem:v4+s25+$0x0], $0xffff  }
0x72: {  	v12 =	vld.idx.msk [tilespmem:v5+s25+$0x0], $0xffff;
	v3 =	vpop (erf)  }
0x73: {  	s1 =	simm.s32 $0x0;
	[tilespmem:v1+s29+$0x0] =	vst.idx.add.f32.msk $0xffff, v3  }
0x74: {  	v6 =	vld.idx.msk [tilespmem:v2+s1+$0x0], $0xffff  }
0x75: {  	v14 =	vld [tilespmem:s21+$0xFFFFFFC0]  }
0x76: {  	v7 =	vadd.f32 v8, v7  }
0x77: {  	v15 =	vadd.s32 $0x2710, v2  }
0x78: {  	v18 =	vshrl.u32 v11, $0xE;
	v10 =	vadd.f32 v12, v10;
	v16 =	vmul.f32 $2.000000030e-01, v7  }
0x79: {  	v32 =	vmul.f32 v3, v6;
	v6 =	vand.u32 $0x3FFF, v11  }
0x7a: {  	v19 =	vshrl.u32 v14, $0xE;
	v34 =	vmul.f32 $2.000000030e-01, v10;
	v33 =	vmax.f32 v7, v16  }
0x7b: {  	[tilespmem:v1+s30+$0x0] =	vst.idx.add.f32.msk $0xffff, v32;
	v7 =	vand.u32 $0x3FFF, v14;
	v8 =	vmul.f32 $1.442695020e+00, v33  }
0x7c: {  	v10 =	vmax.f32 v10, v34;
	v35 =	vld.idx.msk [tilespmem:v15+s1+$0x0], $0xffff  }
0x7d: {  	v36 =	vld.idx.msk [tilespmem:v18+s24+$0x0], $0xffff;
	v37 =	vmul.f32 $1.442695020e+00, v10;
	(erf) = vpow2.f32 v8  }
0x7e: {  	v40 =	vadd.s32 $0x2710, v1;
	v38 =	vld.idx.msk [tilespmem:v6+s25+$0x0], $0xffff  }
0x7f: {  	v42 =	vadd.s32 $0x4E20, v2;
	v39 =	vld.idx.msk [tilespmem:v19+s24+$0x0], $0xffff;
	(erf) = vpow2.f32 v37  }
0x80: {  	v41 =	vld.idx.msk [tilespmem:v7+s25+$0x0], $0xffff  }
0x81: {  	v51 =	vld [tilespmem:s21+$0xFFFFFFD0];
	v12 =	vmul.f32 v3, v35  }
0x82: {  	v27 =	vld [tilespmem:s21+$0xFFFFFFE0]  }
0x83: {  	v10 =	vadd.f32 v38, v36;
	[tilespmem:v40+s30+$0x0] =	vst.idx.add.f32.msk $0xffff, v12  }
0x84: {  	v12 =	vld.idx.msk [tilespmem:v42+s1+$0x0], $0xffff  }
0x85: {  	v63 =	vld [tilespmem:s21+$0xFFFFFFF0];
	v11 =	vmul.f32 $2.000000030e-01, v10;
	v8 =	vadd.f32 v41, v39  }
0x86: {  	v44 =	vadd.s32 $0x4E20, v1;
	v32 =	vld [tilespmem:s21+$0x0];
	v16 =	vpop (erf)  }
0x87: {  	v2 =	vadd.s32 $0x7530, v2;
	v10 =	vmax.f32 v10, v11;
	v43 =	vmul.f32 $2.000000030e-01, v8;
	[tilespmem:v4+s29+$0x0] =	vst.idx.add.f32.msk $0xffff, v16  }
0x88: {  	v11 =	vshrl.u32 v51, $0xE;
	v10 =	vmul.f32 $1.442695020e+00, v10;
	v17 =	vpop (erf);
	v45 =	vld.idx.msk [tilespmem:v9+s1+$0x0], $0xffff  }
0x89: {  	v46 =	vmul.f32 v12, v3;
	v12 =	vshrl.u32 v27, $0xE;
	v8 =	vmax.f32 v8, v43;
	[tilespmem:v5+s29+$0x0] =	vst.idx.add.f32.msk $0xffff, v17  }
0x8a: {  	(erf) = vpow2.f32 v10;
	v8 =	vmul.f32 $1.442695020e+00, v8;
	v47 =	vld.idx.msk [tilespmem:v13+s1+$0x0], $0xffff  }
0x8b: {  	v48 =	vadd.s32 $0x2710, v9;
	[tilespmem:v44+s30+$0x0] =	vst.idx.add.f32.msk $0xffff, v46  }
0x8c: {  	v20 =	vld.idx.msk [tilespmem:v2+s1+$0x0], $0xffff;
	(erf) = vpow2.f32 v8  }
0x8d: {  	v50 =	vadd.s32 $0x2710, v13;
	v25 =	vld.idx.msk [tilespmem:v11+s24+$0x0], $0xffff;
	v49 =	vmul.f32 v16, v45  }
0x8e: {  	v1 =	vadd.s32 $0x7530, v1;
	v61 =	vld.idx.msk [tilespmem:v12+s24+$0x0], $0xffff  }
0x8f: {  	v2 =	vmul.f32 v17, v47;
	[tilespmem:v4+s30+$0x0] =	vst.idx.add.f32.msk $0xffff, v49  }
0x90: {  	v8 =	vld.idx.msk [tilespmem:v48+s1+$0x0], $0xffff  }
0x91: {  	v3 =	vmul.f32 v20, v3;
	[tilespmem:v5+s30+$0x0] =	vst.idx.add.f32.msk $0xffff, v2  }
0x92: {  	v2 =	vand.u32 $0x3FFF, v51;
	v10 =	vld.idx.msk [tilespmem:v50+s1+$0x0], $0xffff  }
0x93: {  	v21 =	vpop (erf);
	[tilespmem:v1+s30+$0x0] =	vst.idx.add.f32.msk $0xffff, v3  }
0x94: {  	v53 =	vadd.s32 $0x2710, v4;
	[tilespmem:v6+s29+$0x0] =	vst.idx.add.f32.msk $0xffff, v21  }
0x95: {  	v54 =	vadd.s32 $0x4E20, v9;
	v52 =	vld.idx.msk [tilespmem:v18+s1+$0x0], $0xffff;
	v22 =	vpop (erf)  }
0x96: {  	v24 =	vadd.s32 $0x2710, v5;
	[tilespmem:v7+s29+$0x0] =	vst.idx.add.f32.msk $0xffff, v22  }
0x97: {  	v26 =	vadd.s32 $0x4E20, v13;
	v8 =	vmul.f32 v16, v8;
	v28 =	vld.idx.msk [tilespmem:v2+s25+$0x0], $0xffff  }
0x98: {  	v23 =	vld.idx.msk [tilespmem:v19+s1+$0x0], $0xffff  }
0x99: {  	v56 =	vadd.s32 $0x2710, v18;
	v55 =	vmul.f32 v17, v10;
	[tilespmem:v53+s30+$0x0] =	vst.idx.add.f32.msk $0xffff, v8  }
0x9a: {  	v8 =	vand.u32 $0x3FFF, v27;
	v14 =	vld.idx.msk [tilespmem:v54+s1+$0x0], $0xffff  }
0x9b: {  	[tilespmem:v24+s30+$0x0] =	vst.idx.add.f32.msk $0xffff, v55;
	v57 =	vmul.f32 v21, v52  }
0x9c: {  	v58 =	vadd.s32 $0x2710, v19;
	v24 =	vld.idx.msk [tilespmem:v26+s1+$0x0], $0xffff  }
0x9d: {  	[tilespmem:v6+s30+$0x0] =	vst.idx.add.f32.msk $0xffff, v57  }
0x9e: {  	v59 =	vadd.s32 $0x4E20, v4;
	v25 =	vadd.f32 v28, v25;
	v23 =	vmul.f32 v22, v23;
	v10 =	vld.idx.msk [tilespmem:v56+s1+$0x0], $0xffff  }
0x9f: {  	v9 =	vadd.s32 $0x7530, v9;
	v30 =	vld.idx.msk [tilespmem:v8+s25+$0x0], $0xffff  }
0xa0: {  	v62 =	vadd.s32 $0x4E20, v5;
	v60 =	vmul.f32 $2.000000030e-01, v25;
	[tilespmem:v7+s30+$0x0] =	vst.idx.add.f32.msk $0xffff, v23  }
0xa1: {  	v44 =	vadd.s32 $0x7530, v13;
	v14 =	vmul.f32 v14, v16;
	v15 =	vld.idx.msk [tilespmem:v58+s1+$0x0], $0xffff  }
0xa2: {  	v23 =	vmax.f32 v25, v60;
	v60 =	vld [tilespmem:s21+$0x10]  }
0xa3: {  	v29 =	vadd.s32 $0x2710, v6;
	v37 =	vmul.f32 v24, v17;
	[tilespmem:v59+s30+$0x0] =	vst.idx.add.f32.msk $0xffff, v14  }
0xa4: {  	v36 =	vadd.s32 $0x4E20, v18;
	v31 =	vld.idx.msk [tilespmem:v9+s1+$0x0], $0xffff  }
0xa5: {  	v14 =	vshrl.u32 v63, $0xE;
	[tilespmem:v62+s30+$0x0] =	vst.idx.add.f32.msk $0xffff, v37  }
0xa6: {  	v38 =	vadd.s32 $0x2710, v7;
	v23 =	vmul.f32 $1.442695020e+00, v23;
	v10 =	vmul.f32 v21, v10;
	v27 =	vld.idx.msk [tilespmem:v44+s1+$0x0], $0xffff  }
0xa7: {  	v9 =	vand.u32 $0x3FFF, v32;
	v25 =	vadd.f32 v30, v61;
	v30 =	vld [tilespmem:s21+$0x20]  }
0xa8: {  	v39 =	vadd.s32 $0x4E20, v19;
	(erf) = vpow2.f32 v23;
	[tilespmem:v29+s30+$0x0] =	vst.idx.add.f32.msk $0xffff, v10  }
0xa9: {  	v10 =	vand.u32 $0x3FFF, v63;
	v40 =	vmul.f32 v22, v15;
	v26 =	vld.idx.msk [tilespmem:v36+s1+$0x0], $0xffff  }
0xaa: {  	v4 =	vadd.s32 $0x7530, v4;
	v41 =	vmul.f32 $2.000000030e-01, v25;
	v43 =	vld.idx.msk [tilespmem:v14+s24+$0x0], $0xffff  }
0xab: {  	v15 =	vshrl.u32 v32, $0xE;
	[tilespmem:v38+s30+$0x0] =	vst.idx.add.f32.msk $0xffff, v40  }
0xac: {  	v45 =	vadd.s32 $0x4E20, v6;
	v42 =	vmax.f32 v25, v41;
	v33 =	vld.idx.msk [tilespmem:v9+s25+$0x0], $0xffff  }
0xad: {  	v16 =	vmul.f32 v31, v16;
	v23 =	vld.idx.msk [tilespmem:v39+s1+$0x0], $0xffff;
	v24 =	vmul.f32 $1.442695020e+00, v42  }
0xae: {  	v18 =	vadd.s32 $0x7530, v18;
	v28 =	vld.idx.msk [tilespmem:v10+s25+$0x0], $0xffff  }
0xaf: {  	[tilespmem:v4+s30+$0x0] =	vst.idx.add.f32.msk $0xffff, v16;
	(erf) = vpow2.f32 v24;
	v26 =	vmul.f32 v26, v21  }
0xb0: {  	v47 =	vadd.s32 $0x4E20, v7;
	v48 =	vld.idx.msk [tilespmem:v15+s24+$0x0], $0xffff  }
0xb1: {  	v13 =	vpop (erf);
	[tilespmem:v45+s30+$0x0] =	vst.idx.add.f32.msk $0xffff, v26  }
0xb2: {  	v19 =	vadd.s32 $0x7530, v19;
	[tilespmem:v2+s29+$0x0] =	vst.idx.add.f32.msk $0xffff, v13  }
0xb3: {  	v5 =	vadd.s32 $0x7530, v5;
	v23 =	vmul.f32 v23, v22;
	v18 =	vld.idx.msk [tilespmem:v18+s1+$0x0], $0xffff  }
0xb4: {  	v46 =	vld.idx.msk [tilespmem:v11+s1+$0x0], $0xffff  }
0xb5: {  	v6 =	vadd.s32 $0x7530, v6;
	v25 =	vadd.f32 v28, v43;
	[tilespmem:v47+s30+$0x0] =	vst.idx.add.f32.msk $0xffff, v23  }
0xb6: {  	v1 =	vmul.f32 v27, v17;
	v52 =	vadd.f32 v33, v48;
	v33 =	vld [tilespmem:s21+$0x30]  }
0xb7: {  	v28 =	vmul.f32 $2.000000030e-01, v25;
	v19 =	vld.idx.msk [tilespmem:v19+s1+$0x0], $0xffff  }
0xb8: {  	v49 =	vadd.s32 $0x2710, v11;
	[tilespmem:v5+s30+$0x0] =	vst.idx.add.f32.msk $0xffff, v1;
	v53 =	vmul.f32 $2.000000030e-01, v52;
	v57 =	vmul.f32 v18, v21;
	v23 =	vpop (erf)  }
0xb9: {  	v7 =	vadd.s32 $0x7530, v7;
	v5 =	vshrl.u32 v60, $0xE;
	v51 =	vmax.f32 v25, v28;
	[tilespmem:v8+s29+$0x0] =	vst.idx.add.f32.msk $0xffff, v23  }
0xba: {  	v50 =	vmul.f32 v13, v46;
	v24 =	vmul.f32 $1.442695020e+00, v51;
	v55 =	vmax.f32 v52, v53;
	[tilespmem:v6+s30+$0x0] =	vst.idx.add.f32.msk $0xffff, v57  }
0xbb: {  	v56 =	vmul.f32 $1.442695020e+00, v55;
	v6 =	vshrl.u32 v30, $0xE;
	v54 =	vld.idx.msk [tilespmem:v12+s1+$0x0], $0xffff  }
0xbc: {  	v4 =	vand.u32 $0x3FFF, v33;
	[tilespmem:v2+s30+$0x0] =	vst.idx.add.f32.msk $0xffff, v50;
	(erf) = vpow2.f32 v24;
	v1 =	vmul.f32 v19, v22  }
0xbd: {  	v26 =	vld.idx.msk [tilespmem:v49+s1+$0x0], $0xffff  }
0xbe: {  	(erf) = vpow2.f32 v56;
	[tilespmem:v7+s30+$0x0] =	vst.idx.add.f32.msk $0xffff, v1;
	v7 =	vshrl.u32 v33, $0xE  }
0xbf: {  	v3 =	vadd.s32 $0x2710, v2;
	v37 =	vld.idx.msk [tilespmem:v5+s24+$0x0], $0xffff  }
0xc0: {  	v58 =	vadd.s32 $0x2710, v12;
	v41 =	vld.idx.msk [tilespmem:v6+s24+$0x0], $0xffff;
	v1 =	vmul.f32 v23, v54  }
0xc1: {  	v48 =	vld.idx.msk [tilespmem:v4+s25+$0x0], $0xffff  }
0xc2: {  	v59 =	vmul.f32 v13, v26;
	[tilespmem:v8+s30+$0x0] =	vst.idx.add.f32.msk $0xffff, v1  }
0xc3: {  	v45 =	vld.idx.msk [tilespmem:v7+s24+$0x0], $0xffff  }
0xc4: {  	[tilespmem:v3+s30+$0x0] =	vst.idx.add.f32.msk $0xffff, v59  }
0xc5: {  	v1 =	vld.idx.msk [tilespmem:v58+s1+$0x0], $0xffff;
	v24 =	vpop (erf)  }
0xc6: {  	v3 =	vadd.s32 $0x4E20, v11;
	[tilespmem:v10+s29+$0x0] =	vst.idx.add.f32.msk $0xffff, v24  }
0xc7: {  	v25 =	vpop (erf);
	v62 =	vld.idx.msk [tilespmem:v14+s1+$0x0], $0xffff  }
0xc8: {  	v61 =	vadd.s32 $0x2710, v8;
	[tilespmem:v9+s29+$0x0] =	vst.idx.add.f32.msk $0xffff, v25  }
0xc9: {  	v38 =	vadd.s32 $0x4E20, v12;
	v31 =	vld.idx.msk [tilespmem:v15+s1+$0x0], $0xffff  }
0xca: {  	v56 =	vadd.f32 v48, v45;
	v45 =	vld [tilespmem:s21+$0x50]  }
0xcb: {  	v63 =	vld.idx.msk [tilespmem:v3+s1+$0x0], $0xffff;
	v1 =	vmul.f32 v23, v1;
	v3 =	vadd.s32 $0x2710, v14  }
0xcc: {  	v48 =	vld [tilespmem:s21+$0x70]  }
0xcd: {  	[tilespmem:v61+s30+$0x0] =	vst.idx.add.f32.msk $0xffff, v1;
	v1 =	vand.u32 $0x3FFF, v60;
	v32 =	vmul.f32 v24, v62  }
0xce: {  	v34 =	vadd.s32 $0x2710, v15;
	v17 =	vld.idx.msk [tilespmem:v38+s1+$0x0], $0xffff  }
0xcf: {  	v49 =	vadd.s32 $0x4E20, v2;
	v36 =	vmul.f32 v25, v31;
	[tilespmem:v10+s30+$0x0] =	vst.idx.add.f32.msk $0xffff, v32  }
0xd0: {  	v11 =	vadd.s32 $0x7530, v11;
	v35 =	vld.idx.msk [tilespmem:v3+s1+$0x0], $0xffff  }
0xd1: {  	v51 =	vadd.s32 $0x4E20, v8;
	[tilespmem:v9+s30+$0x0] =	vst.idx.add.f32.msk $0xffff, v36  }
0xd2: {  	v16 =	vmul.f32 v63, v13;
	v3 =	vand.u32 $0x3FFF, v30;
	v39 =	vld.idx.msk [tilespmem:v1+s25+$0x0], $0xffff  }
0xd3: {  	v12 =	vadd.s32 $0x7530, v12;
	v19 =	vld.idx.msk [tilespmem:v34+s1+$0x0], $0xffff  }
0xd4: {  	[tilespmem:v49+s30+$0x0] =	vst.idx.add.f32.msk $0xffff, v16;
	v16 =	vand.u32 $0x3FFF, v45;
	v57 =	vmul.f32 v17, v23  }
0xd5: {  	v40 =	vadd.s32 $0x2710, v10;
	v59 =	vld.idx.msk [tilespmem:v11+s1+$0x0], $0xffff  }
0xd6: {  	v44 =	vadd.s32 $0x2710, v9;
	[tilespmem:v51+s30+$0x0] =	vst.idx.add.f32.msk $0xffff, v57  }
0xd7: {  	v46 =	vadd.s32 $0x4E20, v15;
	v42 =	vld.idx.msk [tilespmem:v3+s25+$0x0], $0xffff  }
0xd8: {  	v43 =	vadd.s32 $0x4E20, v14;
	v20 =	vmul.f32 v24, v35;
	v63 =	vld.idx.msk [tilespmem:v12+s1+$0x0], $0xffff  }
0xd9: {  	v18 =	vadd.f32 v39, v37;
	v19 =	vmul.f32 v25, v19;
	v36 =	vld.idx.msk [tilespmem:v16+s25+$0x0], $0xffff  }
0xda: {  	v2 =	vadd.s32 $0x7530, v2;
	[tilespmem:v40+s30+$0x0] =	vst.idx.add.f32.msk $0xffff, v20  }
0xdb: {  	v47 =	vmul.f32 $2.000000030e-01, v18;
	[tilespmem:v44+s30+$0x0] =	vst.idx.add.f32.msk $0xffff, v19  }
0xdc: {  	v20 =	vshrl.u32 v45, $0xE;
	v55 =	vld.idx.msk [tilespmem:v46+s1+$0x0], $0xffff;
	v50 =	vadd.f32 v42, v41  }
0xdd: {  	v8 =	vadd.s32 $0x7530, v8;
	v13 =	vmul.f32 v59, v13;
	v52 =	vld.idx.msk [tilespmem:v43+s1+$0x0], $0xffff;
	v18 =	vmax.f32 v18, v47  }
0xde: {  	v60 =	vadd.s32 $0x4E20, v9;
	v44 =	vld [tilespmem:s21+$0x40];
	v18 =	vmul.f32 $1.442695020e+00, v18;
	v53 =	vmul.f32 $2.000000030e-01, v50  }
0xdf: {  	v54 =	vadd.s32 $0x4E20, v10;
	v15 =	vadd.s32 $0x7530, v15;
	v61 =	vmul.f32 $2.000000030e-01, v56;
	[tilespmem:v2+s30+$0x0] =	vst.idx.add.f32.msk $0xffff, v13  }
0xe0: {  	v47 =	vld [tilespmem:s21+$0x60];
	v23 =	vmul.f32 v63, v23;
	(erf) = vpow2.f32 v18;
	v58 =	vmax.f32 v50, v53  }
0xe1: {  	v22 =	vshrl.u32 v48, $0xE;
	v35 =	vld.idx.msk [tilespmem:v20+s24+$0x0], $0xffff;
	v41 =	vmul.f32 v55, v25;
	v17 =	vmul.f32 $1.442695020e+00, v58  }
0xe2: {  	v14 =	vadd.s32 $0x7530, v14;
	v40 =	vmax.f32 v56, v61;
	[tilespmem:v8+s30+$0x0] =	vst.idx.add.f32.msk $0xffff, v23  }
0xe3: {  	v62 =	vmul.f32 v52, v24;
	v19 =	vshrl.u32 v44, $0xE;
	[tilespmem:v60+s30+$0x0] =	vst.idx.add.f32.msk $0xffff, v41;
	(erf) = vpow2.f32 v17  }
0xe4: {  	v12 =	vmul.f32 $1.442695020e+00, v40;
	v43 =	vld.idx.msk [tilespmem:v15+s1+$0x0], $0xffff;
	v15 =	vand.u32 $0x3FFF, v44  }
0xe5: {  	[tilespmem:v54+s30+$0x0] =	vst.idx.add.f32.msk $0xffff, v62;
	v21 =	vshrl.u32 v47, $0xE  }
0xe6: {  	v54 =	vld.idx.msk [tilespmem:v22+s24+$0x0], $0xffff;
	(erf) = vpow2.f32 v12  }
0xe7: {  	v42 =	vld.idx.msk [tilespmem:v14+s1+$0x0], $0xffff  }
0xe8: {  	v51 =	vld.idx.msk [tilespmem:v19+s24+$0x0], $0xffff  }
0xe9: {  	v34 =	vld.idx.msk [tilespmem:v15+s25+$0x0], $0xffff  }
0xea: {  	v17 =	vand.u32 $0x3FFF, v47;
	v37 =	vld.idx.msk [tilespmem:v21+s24+$0x0], $0xffff;
	v11 =	vpop (erf)  }
0xeb: {  	[tilespmem:v1+s29+$0x0] =	vst.idx.add.f32.msk $0xffff, v11  }
0xec: {  	v46 =	vld.idx.msk [tilespmem:v5+s1+$0x0], $0xffff;
	v12 =	vpop (erf)  }
0xed: {  	v18 =	vand.u32 $0x3FFF, v48;
	[tilespmem:v3+s29+$0x0] =	vst.idx.add.f32.msk $0xffff, v12  }
0xee: {  	v33 =	vadd.f32 v34, v51;
	v49 =	vld.idx.msk [tilespmem:v6+s1+$0x0], $0xffff  }
0xef: {  	v53 =	vadd.s32 $0x2710, v5;
	v52 =	vld.idx.msk [tilespmem:v17+s25+$0x0], $0xffff;
	v14 =	vpop (erf)  }
0xf0: {  	[tilespmem:v4+s29+$0x0] =	vst.idx.add.f32.msk $0xffff, v14;
	v58 =	vmul.f32 $2.000000030e-01, v33  }
0xf1: {  	v2 =	vadd.s32 $0x2710, v6;
	v50 =	vld.idx.msk [tilespmem:v7+s1+$0x0], $0xffff;
	v55 =	vmul.f32 v11, v46  }
0xf2: {  	v10 =	vadd.s32 $0x7530, v10;
	v57 =	vadd.f32 v36, v35;
	v56 =	vld.idx.msk [tilespmem:v18+s25+$0x0], $0xffff;
	v62 =	vmax.f32 v33, v58  }
0xf3: {  	[tilespmem:v1+s30+$0x0] =	vst.idx.add.f32.msk $0xffff, v55;
	v27 =	vmul.f32 $1.442695020e+00, v62;
	v60 =	vmul.f32 v12, v49  }
0xf4: {  	v38 =	vadd.s32 $0x4E20, v5;
	v61 =	vadd.s32 $0x2710, v7;
	v63 =	vmul.f32 $2.000000030e-01, v57;
	v26 =	vld.idx.msk [tilespmem:v53+s1+$0x0], $0xffff  }
0xf5: {  	v9 =	vadd.s32 $0x7530, v9;
	v24 =	vmul.f32 v42, v24;
	(erf) = vpow2.f32 v27;
	[tilespmem:v3+s30+$0x0] =	vst.idx.add.f32.msk $0xffff, v60  }
0xf6: {  	v28 =	vadd.f32 v52, v37;
	v37 =	vadd.s32 $0x2710, v1;
	v33 =	vmul.f32 v14, v50;
	v2 =	vld.idx.msk [tilespmem:v2+s1+$0x0], $0xffff  }
0xf7: {  	v40 =	vadd.s32 $0x2710, v3;
	v13 =	vmax.f32 v57, v63;
	v59 =	vmul.f32 v43, v25;
	[tilespmem:v10+s30+$0x0] =	vst.idx.add.f32.msk $0xffff, v24  }
0xf8: {  	v13 =	vmul.f32 $1.442695020e+00, v13;
	v36 =	vadd.f32 v56, v54;
	v35 =	vmul.f32 $2.000000030e-01, v28;
	[tilespmem:v4+s30+$0x0] =	vst.idx.add.f32.msk $0xffff, v33  }
0xf9: {  	v43 =	vadd.s32 $0x4E20, v6;
	v25 =	vld.idx.msk [tilespmem:v61+s1+$0x0], $0xffff;
	v42 =	vmul.f32 v11, v26  }
0xfa: {  	[tilespmem:v9+s30+$0x0] =	vst.idx.add.f32.msk $0xffff, v59;
	v39 =	vmul.f32 $2.000000030e-01, v36;
	v23 =	vmax.f32 v28, v35;
	(erf) = vpow2.f32 v13  }
0xfb: {  	v45 =	vadd.s32 $0x2710, v4;
	v41 =	vmul.f32 $1.442695020e+00, v23;
	[tilespmem:v37+s30+$0x0] =	vst.idx.add.f32.msk $0xffff, v42;
	v2 =	vmul.f32 v12, v2  }
0xfc: {  	v44 =	vmax.f32 v36, v39;
	v10 =	vld.idx.msk [tilespmem:v38+s1+$0x0], $0xffff  }
0xfd: {  	v57 =	vadd.s32 $0x4E20, v7;
	v46 =	vmul.f32 $1.442695020e+00, v44;
	(erf) = vpow2.f32 v41;
	[tilespmem:v40+s30+$0x0] =	vst.idx.add.f32.msk $0xffff, v2  }
0xfe: {  	v41 =	vadd.s32 $0x4E20, v1;
	v2 =	vmul.f32 v14, v25;
	v13 =	vpop (erf);
	v9 =	vld.idx.msk [tilespmem:v43+s1+$0x0], $0xffff  }
0xff: {  	(erf) = vpow2.f32 v46;
	[tilespmem:v15+s29+$0x0] =	vst.idx.add.f32.msk $0xffff, v13  }
0x100: {  	v5 =	vadd.s32 $0x7530, v5;
	[tilespmem:v45+s30+$0x0] =	vst.idx.add.f32.msk $0xffff, v2  }
0x101: {  	v47 =	vld.idx.msk [tilespmem:v19+s1+$0x0], $0xffff;
	v10 =	vmul.f32 v10, v11  }
0x102: {  	v30 =	vld.idx.msk [tilespmem:v57+s1+$0x0], $0xffff  }
0x103: {  	v2 =	vpop (erf);
	[tilespmem:v41+s30+$0x0] =	vst.idx.add.f32.msk $0xffff, v10  }
0x104: {  	[tilespmem:v16+s29+$0x0] =	vst.idx.add.f32.msk $0xffff, v2  }
0x105: {  	v5 =	vld.idx.msk [tilespmem:v5+s1+$0x0], $0xffff  }
0x106: {  	v43 =	vadd.s32 $0x4E20, v3;
	v23 =	vpop (erf);
	v48 =	vld.idx.msk [tilespmem:v20+s1+$0x0], $0xffff  }
0x107: {  	[tilespmem:v17+s29+$0x0] =	vst.idx.add.f32.msk $0xffff, v23  }
0x108: {  	v49 =	vadd.s32 $0x2710, v19;
	v27 =	vpop (erf);
	v50 =	vld.idx.msk [tilespmem:v21+s1+$0x0], $0xffff  }
0x109: {  	v9 =	vmul.f32 v9, v12;
	[tilespmem:v18+s29+$0x0] =	vst.idx.add.f32.msk $0xffff, v27  }
0x10a: {  	v51 =	vadd.s32 $0x2710, v20;
	v8 =	vmul.f32 v13, v47;
	v52 =	vld.idx.msk [tilespmem:v22+s1+$0x0], $0xffff  }
0x10b: {  	[tilespmem:v43+s30+$0x0] =	vst.idx.add.f32.msk $0xffff, v9  }
0x10c: {  	v54 =	vadd.s32 $0x2710, v21;
	[tilespmem:v15+s30+$0x0] =	vst.idx.add.f32.msk $0xffff, v8;
	v53 =	vmul.f32 v2, v48  }
0x10d: {  	v25 =	vld.idx.msk [tilespmem:v49+s1+$0x0], $0xffff  }
0x10e: {  	v56 =	vadd.s32 $0x2710, v22;
	v55 =	vmul.f32 v23, v50;
	[tilespmem:v16+s30+$0x0] =	vst.idx.add.f32.msk $0xffff, v53  }
0x10f: {  	v6 =	vadd.s32 $0x7530, v6;
	v28 =	vld.idx.msk [tilespmem:v51+s1+$0x0], $0xffff  }
0x110: {  	v58 =	vadd.s32 $0x2710, v15;
	v59 =	vmul.f32 v27, v52;
	[tilespmem:v17+s30+$0x0] =	vst.idx.add.f32.msk $0xffff, v55  }
0x111: {  	v60 =	vadd.s32 $0x4E20, v19;
	v24 =	vld.idx.msk [tilespmem:v54+s1+$0x0], $0xffff  }
0x112: {  	v61 =	vadd.s32 $0x2710, v16;
	[tilespmem:v18+s30+$0x0] =	vst.idx.add.f32.msk $0xffff, v59  }
0x113: {  	v63 =	vadd.s32 $0x2710, v17;
	v62 =	vmul.f32 v13, v25;
	v26 =	vld.idx.msk [tilespmem:v56+s1+$0x0], $0xffff  }
0x114: {  	v36 =	vadd.s32 $0x4E20, v20;
	v6 =	vld.idx.msk [tilespmem:v6+s1+$0x0], $0xffff  }
0x115: {  	v38 =	vadd.s32 $0x2710, v18;
	[tilespmem:v58+s30+$0x0] =	vst.idx.add.f32.msk $0xffff, v62;
	v37 =	vmul.f32 v2, v28  }
0x116: {  	v39 =	vadd.s32 $0x4E20, v21;
	v29 =	vld.idx.msk [tilespmem:v60+s1+$0x0], $0xffff;
	v24 =	vmul.f32 v23, v24  }
0x117: {  	v40 =	vadd.s32 $0x4E20, v22;
	[tilespmem:v61+s30+$0x0] =	vst.idx.add.f32.msk $0xffff, v37  }
0x118: {  	v45 =	vadd.s32 $0x4E20, v4;
	v42 =	vmul.f32 v27, v26;
	[tilespmem:v63+s30+$0x0] =	vst.idx.add.f32.msk $0xffff, v24  }
0x119: {  	v7 =	vadd.s32 $0x7530, v7;
	v44 =	vld.idx.msk [tilespmem:v36+s1+$0x0], $0xffff  }
0x11a: {  	v46 =	vadd.s32 $0x4E20, v15;
	[tilespmem:v38+s30+$0x0] =	vst.idx.add.f32.msk $0xffff, v42  }
0x11b: {  	v49 =	vmul.f32 v30, v14;
	v55 =	vadd.s32 $0x7530, v19;
	v47 =	vld.idx.msk [tilespmem:v39+s1+$0x0], $0xffff  }
0x11c: {  	v48 =	vadd.s32 $0x4E20, v16;
	v8 =	vld.idx.msk [tilespmem:v40+s1+$0x0], $0xffff  }
0x11d: {  	v50 =	vadd.s32 $0x4E20, v17;
	[tilespmem:v45+s30+$0x0] =	vst.idx.add.f32.msk $0xffff, v49;
	v51 =	vmul.f32 v29, v13  }
0x11e: {  	v52 =	vadd.s32 $0x4E20, v18;
	v7 =	vld.idx.msk [tilespmem:v7+s1+$0x0], $0xffff  }
0x11f: {  	v56 =	vadd.s32 $0x7530, v20;
	[tilespmem:v46+s30+$0x0] =	vst.idx.add.f32.msk $0xffff, v51;
	v53 =	vmul.f32 v44, v2  }
0x120: {  	v57 =	vadd.s32 $0x7530, v21;
	v9 =	vld.idx.msk [tilespmem:v55+s1+$0x0], $0xffff;
	v54 =	vmul.f32 v47, v23  }
0x121: {  	v58 =	vadd.s32 $0x7530, v22;
	[tilespmem:v48+s30+$0x0] =	vst.idx.add.f32.msk $0xffff, v53;
	v8 =	vmul.f32 v8, v27  }
0x122: {  	v1 =	vadd.s32 $0x7530, v1;
	[tilespmem:v50+s30+$0x0] =	vst.idx.add.f32.msk $0xffff, v54  }
0x123: {  	v3 =	vadd.s32 $0x7530, v3;
	[tilespmem:v52+s30+$0x0] =	vst.idx.add.f32.msk $0xffff, v8  }
0x124: {  	v4 =	vadd.s32 $0x7530, v4;
	v8 =	vld.idx.msk [tilespmem:v56+s1+$0x0], $0xffff  }
0x125: {  	v5 =	vmul.f32 v5, v11;
	v59 =	vadd.s32 $0x7530, v15;
	v10 =	vld.idx.msk [tilespmem:v57+s1+$0x0], $0xffff  }
0x126: {  	v6 =	vmul.f32 v6, v12;
	v60 =	vadd.s32 $0x7530, v16;
	v61 =	vld.idx.msk [tilespmem:v58+s1+$0x0], $0xffff  }
0x127: {  	s0 =	sadd.s32 $0x10, s0;
	[tilespmem:v1+s30+$0x0] =	vst.idx.add.f32.msk $0xffff, v5;
	v62 =	vadd.s32 $0x7530, v17;
	v1 =	vmul.f32 v7, v14  }
0x128: {  	p1 =	slt.u32 s0, $0xE0;
	[tilespmem:v3+s30+$0x0] =	vst.idx.add.f32.msk $0xffff, v6;
	v63 =	vadd.s32 $0x7530, v18;
	v3 =	vmul.f32 v9, v13  }
.Ltmp3:
0x129: {  	[tilespmem:v4+s30+$0x0] =	vst.idx.add.f32.msk $0xffff, v1;
	v1 =	vmul.f32 v8, v2;
	(pc) =	sbr.rel @p1 .LBB2_9-.Ltmp3, $4  }
0x12a: {  	[tilespmem:v59+s30+$0x0] =	vst.idx.add.f32.msk $0xffff, v3;
	v2 =	vmul.f32 v10, v23  }
0x12b: {  	[tilespmem:v60+s30+$0x0] =	vst.idx.add.f32.msk $0xffff, v1;
	v1 =	vmul.f32 v61, v27  }
0x12c: {  	[tilespmem:v62+s30+$0x0] =	vst.idx.add.f32.msk $0xffff, v2  }
0x12d: {  	s21 =	sadd.s32 $0x100, s21;
	[tilespmem:v63+s30+$0x0] =	vst.idx.add.f32.msk $0xffff, v1  }
.LBB2_10:
0x12e: {  	s0 =	sshra.s32 s1, $0x2  }
0x12f: {  	v1 =	vld [tilespmem:s0+$0x1BE80];
	_ =	sdelay $0x4  }
0x130: {  	v2 =	vshrl.u32 v1, $0xE  }
0x131: {  	v1 =	vand.u32 $0x3FFF, v1;
	_ =	sdelay $0x3  }
0x132: {  	v3 =	vld.idx.msk [tilespmem:v2+s24+$0x0], $0xffff  }
0x133: {  	v4 =	vld.idx.msk [tilespmem:v1+s25+$0x0], $0xffff;
	_ =	sdelay $0x4  }
0x134: {  	v3 =	vadd.f32 v4, v3;
	_ =	sdelay $0x1  }
0x135: {  	v4 =	vmul.f32 $2.000000030e-01, v3;
	_ =	sdelay $0x1  }
0x136: {  	v3 =	vmax.f32 v3, v4  }
0x137: {  	v3 =	vmul.f32 $1.442695020e+00, v3;
	_ =	sdelay $0x1  }
0x138: {  	(erf) = vpow2.f32 v3;
	_ =	sdelay $0x8  }
0x139: {  	v3 =	vpop (erf)  }
0x13a: {  	[tilespmem:v1+s29+$0x0] =	vst.idx.add.f32.msk $0xffff, v3  }
0x13b: {  	v61 =	vld.idx.msk [tilespmem:v2+s2+$0x0], $0xffff;
	_ =	sdelay $0x2  }
0x13c: {  	v5 =	vadd.s32 $0x2710, v2;
	_ =	sdelay $0x1  }
0x13d: {  	v4 =	vmul.f32 v3, v61;
	_ =	sdelay $0x1  }
0x13e: {  	[tilespmem:v1+s30+$0x0] =	vst.idx.add.f32.msk $0xffff, v4  }
0x13f: {  	v4 =	vld.idx.msk [tilespmem:v5+s2+$0x0], $0xffff;
	_ =	sdelay $0x1  }
0x140: {  	v62 =	vadd.s32 $0x2710, v1  }
0x141: {  	v6 =	vadd.s32 $0x4E20, v2;
	_ =	sdelay $0x1  }
0x142: {  	v4 =	vmul.f32 v3, v4;
	_ =	sdelay $0x1  }
0x143: {  	[tilespmem:v62+s30+$0x0] =	vst.idx.add.f32.msk $0xffff, v4  }
0x144: {  	v4 =	vld.idx.msk [tilespmem:v6+s2+$0x0], $0xffff;
	_ =	sdelay $0x1  }
0x145: {  	v63 =	vadd.s32 $0x4E20, v1  }
0x146: {  	v2 =	vadd.s32 $0x7530, v2;
	_ =	sdelay $0x1  }
0x147: {  	v4 =	vmul.f32 v4, v3;
	_ =	sdelay $0x1  }
0x148: {  	[tilespmem:v63+s30+$0x0] =	vst.idx.add.f32.msk $0xffff, v4  }
0x149: {  	v2 =	vld.idx.msk [tilespmem:v2+s2+$0x0], $0xffff;
	_ =	sdelay $0x1  }
0x14a: {  	p1 =	sne.s32 s1, $0x240;
	v1 =	vadd.s32 $0x7530, v1  }
.Ltmp4:
0x14b: {  	_ = 	snop;
	(pc) =	sbr.rel @p1 .LBB2_10-.Ltmp4, $3  }
0x14c: {  	_ = 	snop  }
0x14d: {  	v2 =	vmul.f32 v2, v3;
	_ =	sdelay $0x1  }
0x14e: {  	s1 =	sadd.s32 $0x40, s1;
	[tilespmem:v1+s30+$0x0] =	vst.idx.add.f32.msk $0xffff, v2  }
0x14f: {  	s0 =	sshll.u32 s23, $0x1  }
0x150: {  	s0 =	smin.u32 s0, $0x7  }
0x151: {  	s0 =	smul.u32 $0xFA0, s0;
	_ =	sdelay $0x1  }
0x152: {  	_ =	swait.ge [sflag:s31], $0xFA0;
	s0 =	sadd.s32 s0, s13  }
0x153: {  	[sflag:s31] =	ssyncset.done $0x0;
	s0 =	sshrl.u32 s0, $0x3  }
0x154: {  	[sflag:s31] =	ssyncadd.s32 $0xFFFFF060;
	s0 =	sadd.s32 s5, s0  }
0x155: {  	[tilespmem:s26], [sflag:$0x1] =	stream.linear.gather [hbm4b:s0+s2], $0xFA0, $0x38;
	[tilespmem:$0x1CF00] =	vst v63  }
0x156: {  	s21 =	simm.s32 $0x1C010;
	s0 =	simm.s32 $0xFFFFFFF0  }
.LBB2_12:
0x157: {  	v1 =	vld [tilespmem:s21+$0xFFFFFF10];
	_ =	sdelay $0x4  }
0x158: {  	v2 =	vshrl.u32 v1, $0xE  }
0x159: {  	v1 =	vand.u32 $0x3FFF, v1;
	_ =	sdelay $0x3  }
0x15a: {  	v3 =	vld.idx.msk [tilespmem:v2+s24+$0x0], $0xffff  }
0x15b: {  	v4 =	vld.idx.msk [tilespmem:v1+s25+$0x0], $0xffff;
	_ =	sdelay $0x4  }
0x15c: {  	v3 =	vadd.f32 v4, v3;
	_ =	sdelay $0x1  }
0x15d: {  	v4 =	vmul.f32 $2.000000030e-01, v3;
	_ =	sdelay $0x1  }
0x15e: {  	v3 =	vmax.f32 v3, v4  }
0x15f: {  	v3 =	vmul.f32 $1.442695020e+00, v3  }
0x160: {  	v5 =	vld [tilespmem:s21+$0xFFFFFF30]  }
0x161: {  	(erf) = vpow2.f32 v3;
	v3 =	vld [tilespmem:s21+$0xFFFFFF20];
	_ =	sdelay $0x3  }
0x162: {  	v13 =	vshrl.u32 v5, $0xE  }
0x163: {  	v9 =	vshrl.u32 v3, $0xE  }
0x164: {  	v4 =	vand.u32 $0x3FFF, v3  }
0x165: {  	v5 =	vand.u32 $0x3FFF, v5  }
0x166: {  	v11 =	vld [tilespmem:s21+$0xFFFFFF40]  }
0x167: {  	v10 =	vld.idx.msk [tilespmem:v13+s24+$0x0], $0xffff  }
0x168: {  	v7 =	vld.idx.msk [tilespmem:v9+s24+$0x0], $0xffff  }
0x169: {  	v8 =	vld.idx.msk [tilespmem:v4+s25+$0x0], $0xffff  }
0x16a: {  	v12 =	vld.idx.msk [tilespmem:v5+s25+$0x0], $0xffff;
	v3 =	vpop (erf)  }
0x16b: {  	s1 =	simm.s32 $0x0;
	[tilespmem:v1+s29+$0x0] =	vst.idx.add.f32.msk $0xffff, v3  }
0x16c: {  	v6 =	vld.idx.msk [tilespmem:v2+s1+$0x0], $0xffff  }
0x16d: {  	v14 =	vld [tilespmem:s21+$0xFFFFFF50]  }
0x16e: {  	v7 =	vadd.f32 v8, v7  }
0x16f: {  	v15 =	vadd.s32 $0x2710, v2  }
0x170: {  	v18 =	vshrl.u32 v11, $0xE;
	v10 =	vadd.f32 v12, v10;
	v16 =	vmul.f32 $2.000000030e-01, v7  }
0x171: {  	v32 =	vmul.f32 v3, v6;
	v6 =	vand.u32 $0x3FFF, v11  }
0x172: {  	v19 =	vshrl.u32 v14, $0xE;
	v34 =	vmul.f32 $2.000000030e-01, v10;
	v33 =	vmax.f32 v7, v16  }
0x173: {  	[tilespmem:v1+s30+$0x0] =	vst.idx.add.f32.msk $0xffff, v32;
	v7 =	vand.u32 $0x3FFF, v14;
	v8 =	vmul.f32 $1.442695020e+00, v33  }
0x174: {  	v10 =	vmax.f32 v10, v34;
	v35 =	vld.idx.msk [tilespmem:v15+s1+$0x0], $0xffff  }
0x175: {  	v36 =	vld.idx.msk [tilespmem:v18+s24+$0x0], $0xffff;
	v37 =	vmul.f32 $1.442695020e+00, v10;
	(erf) = vpow2.f32 v8  }
0x176: {  	v40 =	vadd.s32 $0x2710, v1;
	v38 =	vld.idx.msk [tilespmem:v6+s25+$0x0], $0xffff  }
0x177: {  	v42 =	vadd.s32 $0x4E20, v2;
	v39 =	vld.idx.msk [tilespmem:v19+s24+$0x0], $0xffff;
	(erf) = vpow2.f32 v37  }
0x178: {  	v41 =	vld.idx.msk [tilespmem:v7+s25+$0x0], $0xffff  }
0x179: {  	v51 =	vld [tilespmem:s21+$0xFFFFFF60];
	v12 =	vmul.f32 v3, v35  }
0x17a: {  	v27 =	vld [tilespmem:s21+$0xFFFFFF70]  }
0x17b: {  	v10 =	vadd.f32 v38, v36;
	[tilespmem:v40+s30+$0x0] =	vst.idx.add.f32.msk $0xffff, v12  }
0x17c: {  	v12 =	vld.idx.msk [tilespmem:v42+s1+$0x0], $0xffff  }
0x17d: {  	v63 =	vld [tilespmem:s21+$0xFFFFFF80];
	v11 =	vmul.f32 $2.000000030e-01, v10;
	v8 =	vadd.f32 v41, v39  }
0x17e: {  	v44 =	vadd.s32 $0x4E20, v1;
	v32 =	vld [tilespmem:s21+$0xFFFFFF90];
	v16 =	vpop (erf)  }
0x17f: {  	v2 =	vadd.s32 $0x7530, v2;
	v10 =	vmax.f32 v10, v11;
	v43 =	vmul.f32 $2.000000030e-01, v8;
	[tilespmem:v4+s29+$0x0] =	vst.idx.add.f32.msk $0xffff, v16  }
0x180: {  	v11 =	vshrl.u32 v51, $0xE;
	v10 =	vmul.f32 $1.442695020e+00, v10;
	v17 =	vpop (erf);
	v45 =	vld.idx.msk [tilespmem:v9+s1+$0x0], $0xffff  }
0x181: {  	v46 =	vmul.f32 v12, v3;
	v12 =	vshrl.u32 v27, $0xE;
	v8 =	vmax.f32 v8, v43;
	[tilespmem:v5+s29+$0x0] =	vst.idx.add.f32.msk $0xffff, v17  }
0x182: {  	(erf) = vpow2.f32 v10;
	v8 =	vmul.f32 $1.442695020e+00, v8;
	v47 =	vld.idx.msk [tilespmem:v13+s1+$0x0], $0xffff  }
0x183: {  	v48 =	vadd.s32 $0x2710, v9;
	[tilespmem:v44+s30+$0x0] =	vst.idx.add.f32.msk $0xffff, v46  }
0x184: {  	v20 =	vld.idx.msk [tilespmem:v2+s1+$0x0], $0xffff;
	(erf) = vpow2.f32 v8  }
0x185: {  	v50 =	vadd.s32 $0x2710, v13;
	v25 =	vld.idx.msk [tilespmem:v11+s24+$0x0], $0xffff;
	v49 =	vmul.f32 v16, v45  }
0x186: {  	v1 =	vadd.s32 $0x7530, v1;
	v61 =	vld.idx.msk [tilespmem:v12+s24+$0x0], $0xffff  }
0x187: {  	v2 =	vmul.f32 v17, v47;
	[tilespmem:v4+s30+$0x0] =	vst.idx.add.f32.msk $0xffff, v49  }
0x188: {  	v8 =	vld.idx.msk [tilespmem:v48+s1+$0x0], $0xffff  }
0x189: {  	v3 =	vmul.f32 v20, v3;
	[tilespmem:v5+s30+$0x0] =	vst.idx.add.f32.msk $0xffff, v2  }
0x18a: {  	v2 =	vand.u32 $0x3FFF, v51;
	v10 =	vld.idx.msk [tilespmem:v50+s1+$0x0], $0xffff  }
0x18b: {  	v21 =	vpop (erf);
	[tilespmem:v1+s30+$0x0] =	vst.idx.add.f32.msk $0xffff, v3  }
0x18c: {  	v53 =	vadd.s32 $0x2710, v4;
	[tilespmem:v6+s29+$0x0] =	vst.idx.add.f32.msk $0xffff, v21  }
0x18d: {  	v54 =	vadd.s32 $0x4E20, v9;
	v52 =	vld.idx.msk [tilespmem:v18+s1+$0x0], $0xffff;
	v22 =	vpop (erf)  }
0x18e: {  	v24 =	vadd.s32 $0x2710, v5;
	[tilespmem:v7+s29+$0x0] =	vst.idx.add.f32.msk $0xffff, v22  }
0x18f: {  	v26 =	vadd.s32 $0x4E20, v13;
	v8 =	vmul.f32 v16, v8;
	v28 =	vld.idx.msk [tilespmem:v2+s25+$0x0], $0xffff  }
0x190: {  	v23 =	vld.idx.msk [tilespmem:v19+s1+$0x0], $0xffff  }
0x191: {  	v56 =	vadd.s32 $0x2710, v18;
	v55 =	vmul.f32 v17, v10;
	[tilespmem:v53+s30+$0x0] =	vst.idx.add.f32.msk $0xffff, v8  }
0x192: {  	v8 =	vand.u32 $0x3FFF, v27;
	v14 =	vld.idx.msk [tilespmem:v54+s1+$0x0], $0xffff  }
0x193: {  	[tilespmem:v24+s30+$0x0] =	vst.idx.add.f32.msk $0xffff, v55;
	v57 =	vmul.f32 v21, v52  }
0x194: {  	v58 =	vadd.s32 $0x2710, v19;
	v24 =	vld.idx.msk [tilespmem:v26+s1+$0x0], $0xffff  }
0x195: {  	[tilespmem:v6+s30+$0x0] =	vst.idx.add.f32.msk $0xffff, v57  }
0x196: {  	v59 =	vadd.s32 $0x4E20, v4;
	v25 =	vadd.f32 v28, v25;
	v23 =	vmul.f32 v22, v23;
	v10 =	vld.idx.msk [tilespmem:v56+s1+$0x0], $0xffff  }
0x197: {  	v9 =	vadd.s32 $0x7530, v9;
	v30 =	vld.idx.msk [tilespmem:v8+s25+$0x0], $0xffff  }
0x198: {  	v62 =	vadd.s32 $0x4E20, v5;
	v60 =	vmul.f32 $2.000000030e-01, v25;
	[tilespmem:v7+s30+$0x0] =	vst.idx.add.f32.msk $0xffff, v23  }
0x199: {  	v44 =	vadd.s32 $0x7530, v13;
	v14 =	vmul.f32 v14, v16;
	v15 =	vld.idx.msk [tilespmem:v58+s1+$0x0], $0xffff  }
0x19a: {  	v23 =	vmax.f32 v25, v60;
	v60 =	vld [tilespmem:s21+$0xFFFFFFA0]  }
0x19b: {  	v29 =	vadd.s32 $0x2710, v6;
	v37 =	vmul.f32 v24, v17;
	[tilespmem:v59+s30+$0x0] =	vst.idx.add.f32.msk $0xffff, v14  }
0x19c: {  	v36 =	vadd.s32 $0x4E20, v18;
	v31 =	vld.idx.msk [tilespmem:v9+s1+$0x0], $0xffff  }
0x19d: {  	v14 =	vshrl.u32 v63, $0xE;
	[tilespmem:v62+s30+$0x0] =	vst.idx.add.f32.msk $0xffff, v37  }
0x19e: {  	v38 =	vadd.s32 $0x2710, v7;
	v23 =	vmul.f32 $1.442695020e+00, v23;
	v10 =	vmul.f32 v21, v10;
	v27 =	vld.idx.msk [tilespmem:v44+s1+$0x0], $0xffff  }
0x19f: {  	v9 =	vand.u32 $0x3FFF, v32;
	v25 =	vadd.f32 v30, v61;
	v30 =	vld [tilespmem:s21+$0xFFFFFFB0]  }
0x1a0: {  	v39 =	vadd.s32 $0x4E20, v19;
	(erf) = vpow2.f32 v23;
	[tilespmem:v29+s30+$0x0] =	vst.idx.add.f32.msk $0xffff, v10  }
0x1a1: {  	v10 =	vand.u32 $0x3FFF, v63;
	v40 =	vmul.f32 v22, v15;
	v26 =	vld.idx.msk [tilespmem:v36+s1+$0x0], $0xffff  }
0x1a2: {  	v4 =	vadd.s32 $0x7530, v4;
	v41 =	vmul.f32 $2.000000030e-01, v25;
	v43 =	vld.idx.msk [tilespmem:v14+s24+$0x0], $0xffff  }
0x1a3: {  	v15 =	vshrl.u32 v32, $0xE;
	[tilespmem:v38+s30+$0x0] =	vst.idx.add.f32.msk $0xffff, v40  }
0x1a4: {  	v45 =	vadd.s32 $0x4E20, v6;
	v42 =	vmax.f32 v25, v41;
	v33 =	vld.idx.msk [tilespmem:v9+s25+$0x0], $0xffff  }
0x1a5: {  	v16 =	vmul.f32 v31, v16;
	v23 =	vld.idx.msk [tilespmem:v39+s1+$0x0], $0xffff;
	v24 =	vmul.f32 $1.442695020e+00, v42  }
0x1a6: {  	v18 =	vadd.s32 $0x7530, v18;
	v28 =	vld.idx.msk [tilespmem:v10+s25+$0x0], $0xffff  }
0x1a7: {  	[tilespmem:v4+s30+$0x0] =	vst.idx.add.f32.msk $0xffff, v16;
	(erf) = vpow2.f32 v24;
	v26 =	vmul.f32 v26, v21  }
0x1a8: {  	v47 =	vadd.s32 $0x4E20, v7;
	v48 =	vld.idx.msk [tilespmem:v15+s24+$0x0], $0xffff  }
0x1a9: {  	v13 =	vpop (erf);
	[tilespmem:v45+s30+$0x0] =	vst.idx.add.f32.msk $0xffff, v26  }
0x1aa: {  	v19 =	vadd.s32 $0x7530, v19;
	[tilespmem:v2+s29+$0x0] =	vst.idx.add.f32.msk $0xffff, v13  }
0x1ab: {  	v5 =	vadd.s32 $0x7530, v5;
	v23 =	vmul.f32 v23, v22;
	v18 =	vld.idx.msk [tilespmem:v18+s1+$0x0], $0xffff  }
0x1ac: {  	v46 =	vld.idx.msk [tilespmem:v11+s1+$0x0], $0xffff  }
0x1ad: {  	v6 =	vadd.s32 $0x7530, v6;
	v25 =	vadd.f32 v28, v43;
	[tilespmem:v47+s30+$0x0] =	vst.idx.add.f32.msk $0xffff, v23  }
0x1ae: {  	v1 =	vmul.f32 v27, v17;
	v52 =	vadd.f32 v33, v48;
	v33 =	vld [tilespmem:s21+$0xFFFFFFC0]  }
0x1af: {  	v28 =	vmul.f32 $2.000000030e-01, v25;
	v19 =	vld.idx.msk [tilespmem:v19+s1+$0x0], $0xffff  }
0x1b0: {  	v49 =	vadd.s32 $0x2710, v11;
	[tilespmem:v5+s30+$0x0] =	vst.idx.add.f32.msk $0xffff, v1;
	v53 =	vmul.f32 $2.000000030e-01, v52;
	v57 =	vmul.f32 v18, v21;
	v23 =	vpop (erf)  }
0x1b1: {  	v7 =	vadd.s32 $0x7530, v7;
	v5 =	vshrl.u32 v60, $0xE;
	v51 =	vmax.f32 v25, v28;
	[tilespmem:v8+s29+$0x0] =	vst.idx.add.f32.msk $0xffff, v23  }
0x1b2: {  	v50 =	vmul.f32 v13, v46;
	v24 =	vmul.f32 $1.442695020e+00, v51;
	v55 =	vmax.f32 v52, v53;
	[tilespmem:v6+s30+$0x0] =	vst.idx.add.f32.msk $0xffff, v57  }
0x1b3: {  	v56 =	vmul.f32 $1.442695020e+00, v55;
	v6 =	vshrl.u32 v30, $0xE;
	v54 =	vld.idx.msk [tilespmem:v12+s1+$0x0], $0xffff  }
0x1b4: {  	v4 =	vand.u32 $0x3FFF, v33;
	[tilespmem:v2+s30+$0x0] =	vst.idx.add.f32.msk $0xffff, v50;
	(erf) = vpow2.f32 v24;
	v1 =	vmul.f32 v19, v22  }
0x1b5: {  	v26 =	vld.idx.msk [tilespmem:v49+s1+$0x0], $0xffff  }
0x1b6: {  	(erf) = vpow2.f32 v56;
	[tilespmem:v7+s30+$0x0] =	vst.idx.add.f32.msk $0xffff, v1;
	v7 =	vshrl.u32 v33, $0xE  }
0x1b7: {  	v3 =	vadd.s32 $0x2710, v2;
	v37 =	vld.idx.msk [tilespmem:v5+s24+$0x0], $0xffff  }
0x1b8: {  	v58 =	vadd.s32 $0x2710, v12;
	v41 =	vld.idx.msk [tilespmem:v6+s24+$0x0], $0xffff;
	v1 =	vmul.f32 v23, v54  }
0x1b9: {  	v48 =	vld.idx.msk [tilespmem:v4+s25+$0x0], $0xffff  }
0x1ba: {  	v59 =	vmul.f32 v13, v26;
	[tilespmem:v8+s30+$0x0] =	vst.idx.add.f32.msk $0xffff, v1  }
0x1bb: {  	v45 =	vld.idx.msk [tilespmem:v7+s24+$0x0], $0xffff  }
0x1bc: {  	[tilespmem:v3+s30+$0x0] =	vst.idx.add.f32.msk $0xffff, v59  }
0x1bd: {  	v1 =	vld.idx.msk [tilespmem:v58+s1+$0x0], $0xffff;
	v24 =	vpop (erf)  }
0x1be: {  	v3 =	vadd.s32 $0x4E20, v11;
	[tilespmem:v10+s29+$0x0] =	vst.idx.add.f32.msk $0xffff, v24  }
0x1bf: {  	v25 =	vpop (erf);
	v62 =	vld.idx.msk [tilespmem:v14+s1+$0x0], $0xffff  }
0x1c0: {  	v61 =	vadd.s32 $0x2710, v8;
	[tilespmem:v9+s29+$0x0] =	vst.idx.add.f32.msk $0xffff, v25  }
0x1c1: {  	v38 =	vadd.s32 $0x4E20, v12;
	v31 =	vld.idx.msk [tilespmem:v15+s1+$0x0], $0xffff  }
0x1c2: {  	v56 =	vadd.f32 v48, v45;
	v45 =	vld [tilespmem:s21+$0xFFFFFFE0]  }
0x1c3: {  	v63 =	vld.idx.msk [tilespmem:v3+s1+$0x0], $0xffff;
	v1 =	vmul.f32 v23, v1;
	v3 =	vadd.s32 $0x2710, v14  }
0x1c4: {  	v48 =	vld [tilespmem:s21+$0x0]  }
0x1c5: {  	[tilespmem:v61+s30+$0x0] =	vst.idx.add.f32.msk $0xffff, v1;
	v1 =	vand.u32 $0x3FFF, v60;
	v32 =	vmul.f32 v24, v62  }
0x1c6: {  	v34 =	vadd.s32 $0x2710, v15;
	v17 =	vld.idx.msk [tilespmem:v38+s1+$0x0], $0xffff  }
0x1c7: {  	v49 =	vadd.s32 $0x4E20, v2;
	v36 =	vmul.f32 v25, v31;
	[tilespmem:v10+s30+$0x0] =	vst.idx.add.f32.msk $0xffff, v32  }
0x1c8: {  	v11 =	vadd.s32 $0x7530, v11;
	v35 =	vld.idx.msk [tilespmem:v3+s1+$0x0], $0xffff  }
0x1c9: {  	v51 =	vadd.s32 $0x4E20, v8;
	[tilespmem:v9+s30+$0x0] =	vst.idx.add.f32.msk $0xffff, v36  }
0x1ca: {  	v16 =	vmul.f32 v63, v13;
	v3 =	vand.u32 $0x3FFF, v30;
	v39 =	vld.idx.msk [tilespmem:v1+s25+$0x0], $0xffff  }
0x1cb: {  	v12 =	vadd.s32 $0x7530, v12;
	v19 =	vld.idx.msk [tilespmem:v34+s1+$0x0], $0xffff  }
0x1cc: {  	[tilespmem:v49+s30+$0x0] =	vst.idx.add.f32.msk $0xffff, v16;
	v16 =	vand.u32 $0x3FFF, v45;
	v57 =	vmul.f32 v17, v23  }
0x1cd: {  	v40 =	vadd.s32 $0x2710, v10;
	v59 =	vld.idx.msk [tilespmem:v11+s1+$0x0], $0xffff  }
0x1ce: {  	v44 =	vadd.s32 $0x2710, v9;
	[tilespmem:v51+s30+$0x0] =	vst.idx.add.f32.msk $0xffff, v57  }
0x1cf: {  	v46 =	vadd.s32 $0x4E20, v15;
	v42 =	vld.idx.msk [tilespmem:v3+s25+$0x0], $0xffff  }
0x1d0: {  	v43 =	vadd.s32 $0x4E20, v14;
	v20 =	vmul.f32 v24, v35;
	v63 =	vld.idx.msk [tilespmem:v12+s1+$0x0], $0xffff  }
0x1d1: {  	v18 =	vadd.f32 v39, v37;
	v19 =	vmul.f32 v25, v19;
	v36 =	vld.idx.msk [tilespmem:v16+s25+$0x0], $0xffff  }
0x1d2: {  	v2 =	vadd.s32 $0x7530, v2;
	[tilespmem:v40+s30+$0x0] =	vst.idx.add.f32.msk $0xffff, v20  }
0x1d3: {  	v47 =	vmul.f32 $2.000000030e-01, v18;
	[tilespmem:v44+s30+$0x0] =	vst.idx.add.f32.msk $0xffff, v19  }
0x1d4: {  	v20 =	vshrl.u32 v45, $0xE;
	v55 =	vld.idx.msk [tilespmem:v46+s1+$0x0], $0xffff;
	v50 =	vadd.f32 v42, v41  }
0x1d5: {  	v8 =	vadd.s32 $0x7530, v8;
	v13 =	vmul.f32 v59, v13;
	v52 =	vld.idx.msk [tilespmem:v43+s1+$0x0], $0xffff;
	v18 =	vmax.f32 v18, v47  }
0x1d6: {  	v60 =	vadd.s32 $0x4E20, v9;
	v44 =	vld [tilespmem:s21+$0xFFFFFFD0];
	v18 =	vmul.f32 $1.442695020e+00, v18;
	v53 =	vmul.f32 $2.000000030e-01, v50  }
0x1d7: {  	v54 =	vadd.s32 $0x4E20, v10;
	v15 =	vadd.s32 $0x7530, v15;
	v61 =	vmul.f32 $2.000000030e-01, v56;
	[tilespmem:v2+s30+$0x0] =	vst.idx.add.f32.msk $0xffff, v13  }
0x1d8: {  	v47 =	vld [tilespmem:s21+$0xFFFFFFF0];
	v23 =	vmul.f32 v63, v23;
	(erf) = vpow2.f32 v18;
	v58 =	vmax.f32 v50, v53  }
0x1d9: {  	v22 =	vshrl.u32 v48, $0xE;
	v35 =	vld.idx.msk [tilespmem:v20+s24+$0x0], $0xffff;
	v41 =	vmul.f32 v55, v25;
	v17 =	vmul.f32 $1.442695020e+00, v58  }
0x1da: {  	v14 =	vadd.s32 $0x7530, v14;
	v40 =	vmax.f32 v56, v61;
	[tilespmem:v8+s30+$0x0] =	vst.idx.add.f32.msk $0xffff, v23  }
0x1db: {  	v62 =	vmul.f32 v52, v24;
	v19 =	vshrl.u32 v44, $0xE;
	[tilespmem:v60+s30+$0x0] =	vst.idx.add.f32.msk $0xffff, v41;
	(erf) = vpow2.f32 v17  }
0x1dc: {  	v12 =	vmul.f32 $1.442695020e+00, v40;
	v43 =	vld.idx.msk [tilespmem:v15+s1+$0x0], $0xffff;
	v15 =	vand.u32 $0x3FFF, v44  }
0x1dd: {  	[tilespmem:v54+s30+$0x0] =	vst.idx.add.f32.msk $0xffff, v62;
	v21 =	vshrl.u32 v47, $0xE  }
0x1de: {  	v54 =	vld.idx.msk [tilespmem:v22+s24+$0x0], $0xffff;
	(erf) = vpow2.f32 v12  }
0x1df: {  	v42 =	vld.idx.msk [tilespmem:v14+s1+$0x0], $0xffff  }
0x1e0: {  	v51 =	vld.idx.msk [tilespmem:v19+s24+$0x0], $0xffff  }
0x1e1: {  	v34 =	vld.idx.msk [tilespmem:v15+s25+$0x0], $0xffff  }
0x1e2: {  	v17 =	vand.u32 $0x3FFF, v47;
	v37 =	vld.idx.msk [tilespmem:v21+s24+$0x0], $0xffff;
	v11 =	vpop (erf)  }
0x1e3: {  	[tilespmem:v1+s29+$0x0] =	vst.idx.add.f32.msk $0xffff, v11  }
0x1e4: {  	v46 =	vld.idx.msk [tilespmem:v5+s1+$0x0], $0xffff;
	v12 =	vpop (erf)  }
0x1e5: {  	v18 =	vand.u32 $0x3FFF, v48;
	[tilespmem:v3+s29+$0x0] =	vst.idx.add.f32.msk $0xffff, v12  }
0x1e6: {  	v33 =	vadd.f32 v34, v51;
	v49 =	vld.idx.msk [tilespmem:v6+s1+$0x0], $0xffff  }
0x1e7: {  	v53 =	vadd.s32 $0x2710, v5;
	v52 =	vld.idx.msk [tilespmem:v17+s25+$0x0], $0xffff;
	v14 =	vpop (erf)  }
0x1e8: {  	[tilespmem:v4+s29+$0x0] =	vst.idx.add.f32.msk $0xffff, v14;
	v58 =	vmul.f32 $2.000000030e-01, v33  }
0x1e9: {  	v2 =	vadd.s32 $0x2710, v6;
	v50 =	vld.idx.msk [tilespmem:v7+s1+$0x0], $0xffff;
	v55 =	vmul.f32 v11, v46  }
0x1ea: {  	v10 =	vadd.s32 $0x7530, v10;
	v57 =	vadd.f32 v36, v35;
	v56 =	vld.idx.msk [tilespmem:v18+s25+$0x0], $0xffff;
	v62 =	vmax.f32 v33, v58  }
0x1eb: {  	[tilespmem:v1+s30+$0x0] =	vst.idx.add.f32.msk $0xffff, v55;
	v27 =	vmul.f32 $1.442695020e+00, v62;
	v60 =	vmul.f32 v12, v49  }
0x1ec: {  	v38 =	vadd.s32 $0x4E20, v5;
	v61 =	vadd.s32 $0x2710, v7;
	v63 =	vmul.f32 $2.000000030e-01, v57;
	v26 =	vld.idx.msk [tilespmem:v53+s1+$0x0], $0xffff  }
0x1ed: {  	v9 =	vadd.s32 $0x7530, v9;
	v24 =	vmul.f32 v42, v24;
	(erf) = vpow2.f32 v27;
	[tilespmem:v3+s30+$0x0] =	vst.idx.add.f32.msk $0xffff, v60  }
0x1ee: {  	v28 =	vadd.f32 v52, v37;
	v37 =	vadd.s32 $0x2710, v1;
	v33 =	vmul.f32 v14, v50;
	v2 =	vld.idx.msk [tilespmem:v2+s1+$0x0], $0xffff  }
0x1ef: {  	v40 =	vadd.s32 $0x2710, v3;
	v13 =	vmax.f32 v57, v63;
	v59 =	vmul.f32 v43, v25;
	[tilespmem:v10+s30+$0x0] =	vst.idx.add.f32.msk $0xffff, v24  }
0x1f0: {  	v13 =	vmul.f32 $1.442695020e+00, v13;
	v36 =	vadd.f32 v56, v54;
	v35 =	vmul.f32 $2.000000030e-01, v28;
	[tilespmem:v4+s30+$0x0] =	vst.idx.add.f32.msk $0xffff, v33  }
0x1f1: {  	v43 =	vadd.s32 $0x4E20, v6;
	v25 =	vld.idx.msk [tilespmem:v61+s1+$0x0], $0xffff;
	v42 =	vmul.f32 v11, v26  }
0x1f2: {  	[tilespmem:v9+s30+$0x0] =	vst.idx.add.f32.msk $0xffff, v59;
	v39 =	vmul.f32 $2.000000030e-01, v36;
	v23 =	vmax.f32 v28, v35;
	(erf) = vpow2.f32 v13  }
0x1f3: {  	v45 =	vadd.s32 $0x2710, v4;
	v41 =	vmul.f32 $1.442695020e+00, v23;
	[tilespmem:v37+s30+$0x0] =	vst.idx.add.f32.msk $0xffff, v42;
	v2 =	vmul.f32 v12, v2  }
0x1f4: {  	v44 =	vmax.f32 v36, v39;
	v10 =	vld.idx.msk [tilespmem:v38+s1+$0x0], $0xffff  }
0x1f5: {  	v57 =	vadd.s32 $0x4E20, v7;
	v46 =	vmul.f32 $1.442695020e+00, v44;
	(erf) = vpow2.f32 v41;
	[tilespmem:v40+s30+$0x0] =	vst.idx.add.f32.msk $0xffff, v2  }
0x1f6: {  	v41 =	vadd.s32 $0x4E20, v1;
	v2 =	vmul.f32 v14, v25;
	v13 =	vpop (erf);
	v9 =	vld.idx.msk [tilespmem:v43+s1+$0x0], $0xffff  }
0x1f7: {  	(erf) = vpow2.f32 v46;
	[tilespmem:v15+s29+$0x0] =	vst.idx.add.f32.msk $0xffff, v13  }
0x1f8: {  	v5 =	vadd.s32 $0x7530, v5;
	[tilespmem:v45+s30+$0x0] =	vst.idx.add.f32.msk $0xffff, v2  }
0x1f9: {  	v47 =	vld.idx.msk [tilespmem:v19+s1+$0x0], $0xffff;
	v10 =	vmul.f32 v10, v11  }
0x1fa: {  	v30 =	vld.idx.msk [tilespmem:v57+s1+$0x0], $0xffff  }
0x1fb: {  	v2 =	vpop (erf);
	[tilespmem:v41+s30+$0x0] =	vst.idx.add.f32.msk $0xffff, v10  }
0x1fc: {  	[tilespmem:v16+s29+$0x0] =	vst.idx.add.f32.msk $0xffff, v2  }
0x1fd: {  	v5 =	vld.idx.msk [tilespmem:v5+s1+$0x0], $0xffff  }
0x1fe: {  	v43 =	vadd.s32 $0x4E20, v3;
	v23 =	vpop (erf);
	v48 =	vld.idx.msk [tilespmem:v20+s1+$0x0], $0xffff  }
0x1ff: {  	[tilespmem:v17+s29+$0x0] =	vst.idx.add.f32.msk $0xffff, v23  }
0x200: {  	v49 =	vadd.s32 $0x2710, v19;
	v27 =	vpop (erf);
	v50 =	vld.idx.msk [tilespmem:v21+s1+$0x0], $0xffff  }
0x201: {  	v9 =	vmul.f32 v9, v12;
	[tilespmem:v18+s29+$0x0] =	vst.idx.add.f32.msk $0xffff, v27  }
0x202: {  	v51 =	vadd.s32 $0x2710, v20;
	v8 =	vmul.f32 v13, v47;
	v52 =	vld.idx.msk [tilespmem:v22+s1+$0x0], $0xffff  }
0x203: {  	[tilespmem:v43+s30+$0x0] =	vst.idx.add.f32.msk $0xffff, v9  }
0x204: {  	v54 =	vadd.s32 $0x2710, v21;
	[tilespmem:v15+s30+$0x0] =	vst.idx.add.f32.msk $0xffff, v8;
	v53 =	vmul.f32 v2, v48  }
0x205: {  	v25 =	vld.idx.msk [tilespmem:v49+s1+$0x0], $0xffff  }
0x206: {  	v56 =	vadd.s32 $0x2710, v22;
	v55 =	vmul.f32 v23, v50;
	[tilespmem:v16+s30+$0x0] =	vst.idx.add.f32.msk $0xffff, v53  }
0x207: {  	v6 =	vadd.s32 $0x7530, v6;
	v28 =	vld.idx.msk [tilespmem:v51+s1+$0x0], $0xffff  }
0x208: {  	v58 =	vadd.s32 $0x2710, v15;
	v59 =	vmul.f32 v27, v52;
	[tilespmem:v17+s30+$0x0] =	vst.idx.add.f32.msk $0xffff, v55  }
0x209: {  	v60 =	vadd.s32 $0x4E20, v19;
	v24 =	vld.idx.msk [tilespmem:v54+s1+$0x0], $0xffff  }
0x20a: {  	v61 =	vadd.s32 $0x2710, v16;
	[tilespmem:v18+s30+$0x0] =	vst.idx.add.f32.msk $0xffff, v59  }
0x20b: {  	v63 =	vadd.s32 $0x2710, v17;
	v62 =	vmul.f32 v13, v25;
	v26 =	vld.idx.msk [tilespmem:v56+s1+$0x0], $0xffff  }
0x20c: {  	v36 =	vadd.s32 $0x4E20, v20;
	v6 =	vld.idx.msk [tilespmem:v6+s1+$0x0], $0xffff  }
0x20d: {  	v38 =	vadd.s32 $0x2710, v18;
	[tilespmem:v58+s30+$0x0] =	vst.idx.add.f32.msk $0xffff, v62;
	v37 =	vmul.f32 v2, v28  }
0x20e: {  	v39 =	vadd.s32 $0x4E20, v21;
	v29 =	vld.idx.msk [tilespmem:v60+s1+$0x0], $0xffff;
	v24 =	vmul.f32 v23, v24  }
0x20f: {  	v40 =	vadd.s32 $0x4E20, v22;
	[tilespmem:v61+s30+$0x0] =	vst.idx.add.f32.msk $0xffff, v37  }
0x210: {  	v45 =	vadd.s32 $0x4E20, v4;
	v42 =	vmul.f32 v27, v26;
	[tilespmem:v63+s30+$0x0] =	vst.idx.add.f32.msk $0xffff, v24  }
0x211: {  	v7 =	vadd.s32 $0x7530, v7;
	v44 =	vld.idx.msk [tilespmem:v36+s1+$0x0], $0xffff  }
0x212: {  	v46 =	vadd.s32 $0x4E20, v15;
	[tilespmem:v38+s30+$0x0] =	vst.idx.add.f32.msk $0xffff, v42  }
0x213: {  	v49 =	vmul.f32 v30, v14;
	v55 =	vadd.s32 $0x7530, v19;
	v47 =	vld.idx.msk [tilespmem:v39+s1+$0x0], $0xffff  }
0x214: {  	v48 =	vadd.s32 $0x4E20, v16;
	v8 =	vld.idx.msk [tilespmem:v40+s1+$0x0], $0xffff  }
0x215: {  	v50 =	vadd.s32 $0x4E20, v17;
	[tilespmem:v45+s30+$0x0] =	vst.idx.add.f32.msk $0xffff, v49;
	v51 =	vmul.f32 v29, v13  }
0x216: {  	v52 =	vadd.s32 $0x4E20, v18;
	v7 =	vld.idx.msk [tilespmem:v7+s1+$0x0], $0xffff  }
0x217: {  	v56 =	vadd.s32 $0x7530, v20;
	[tilespmem:v46+s30+$0x0] =	vst.idx.add.f32.msk $0xffff, v51;
	v53 =	vmul.f32 v44, v2  }
0x218: {  	v57 =	vadd.s32 $0x7530, v21;
	v9 =	vld.idx.msk [tilespmem:v55+s1+$0x0], $0xffff;
	v54 =	vmul.f32 v47, v23  }
0x219: {  	v58 =	vadd.s32 $0x7530, v22;
	[tilespmem:v48+s30+$0x0] =	vst.idx.add.f32.msk $0xffff, v53;
	v8 =	vmul.f32 v8, v27  }
0x21a: {  	v1 =	vadd.s32 $0x7530, v1;
	[tilespmem:v50+s30+$0x0] =	vst.idx.add.f32.msk $0xffff, v54  }
0x21b: {  	v3 =	vadd.s32 $0x7530, v3;
	[tilespmem:v52+s30+$0x0] =	vst.idx.add.f32.msk $0xffff, v8  }
0x21c: {  	v4 =	vadd.s32 $0x7530, v4;
	v8 =	vld.idx.msk [tilespmem:v56+s1+$0x0], $0xffff  }
0x21d: {  	v5 =	vmul.f32 v5, v11;
	v59 =	vadd.s32 $0x7530, v15;
	v10 =	vld.idx.msk [tilespmem:v57+s1+$0x0], $0xffff  }
0x21e: {  	v6 =	vmul.f32 v6, v12;
	v60 =	vadd.s32 $0x7530, v16;
	v61 =	vld.idx.msk [tilespmem:v58+s1+$0x0], $0xffff  }
0x21f: {  	s0 =	sadd.s32 $0x10, s0;
	[tilespmem:v1+s30+$0x0] =	vst.idx.add.f32.msk $0xffff, v5;
	v62 =	vadd.s32 $0x7530, v17;
	v1 =	vmul.f32 v7, v14  }
0x220: {  	p1 =	slt.u32 s0, $0xE0;
	[tilespmem:v3+s30+$0x0] =	vst.idx.add.f32.msk $0xffff, v6;
	v63 =	vadd.s32 $0x7530, v18;
	v3 =	vmul.f32 v9, v13  }
.Ltmp5:
0x221: {  	[tilespmem:v4+s30+$0x0] =	vst.idx.add.f32.msk $0xffff, v1;
	v1 =	vmul.f32 v8, v2;
	(pc) =	sbr.rel @p1 .LBB2_12-.Ltmp5, $4  }
0x222: {  	[tilespmem:v59+s30+$0x0] =	vst.idx.add.f32.msk $0xffff, v3;
	v2 =	vmul.f32 v10, v23  }
0x223: {  	[tilespmem:v60+s30+$0x0] =	vst.idx.add.f32.msk $0xffff, v1;
	v1 =	vmul.f32 v61, v27  }
0x224: {  	[tilespmem:v62+s30+$0x0] =	vst.idx.add.f32.msk $0xffff, v2  }
0x225: {  	s21 =	sadd.s32 $0x100, s21;
	[tilespmem:v63+s30+$0x0] =	vst.idx.add.f32.msk $0xffff, v1  }
.LBB2_13:
0x226: {  	s0 =	sshra.s32 s1, $0x2  }
0x227: {  	v1 =	vld [tilespmem:s0+$0x1CE20];
	_ =	sdelay $0x4  }
0x228: {  	v2 =	vshrl.u32 v1, $0xE  }
0x229: {  	v1 =	vand.u32 $0x3FFF, v1;
	_ =	sdelay $0x3  }
0x22a: {  	v3 =	vld.idx.msk [tilespmem:v2+s24+$0x0], $0xffff  }
0x22b: {  	v4 =	vld.idx.msk [tilespmem:v1+s25+$0x0], $0xffff;
	_ =	sdelay $0x4  }
0x22c: {  	v3 =	vadd.f32 v4, v3;
	_ =	sdelay $0x1  }
0x22d: {  	v4 =	vmul.f32 $2.000000030e-01, v3;
	_ =	sdelay $0x1  }
0x22e: {  	v3 =	vmax.f32 v3, v4  }
0x22f: {  	v3 =	vmul.f32 $1.442695020e+00, v3;
	_ =	sdelay $0x1  }
0x230: {  	(erf) = vpow2.f32 v3;
	_ =	sdelay $0x8  }
0x231: {  	v3 =	vpop (erf)  }
0x232: {  	[tilespmem:v1+s29+$0x0] =	vst.idx.add.f32.msk $0xffff, v3  }
0x233: {  	v61 =	vld.idx.msk [tilespmem:v2+s2+$0x0], $0xffff;
	_ =	sdelay $0x2  }
0x234: {  	v5 =	vadd.s32 $0x2710, v2;
	_ =	sdelay $0x1  }
0x235: {  	v4 =	vmul.f32 v3, v61;
	_ =	sdelay $0x1  }
0x236: {  	[tilespmem:v1+s30+$0x0] =	vst.idx.add.f32.msk $0xffff, v4  }
0x237: {  	v4 =	vld.idx.msk [tilespmem:v5+s2+$0x0], $0xffff;
	_ =	sdelay $0x1  }
0x238: {  	v62 =	vadd.s32 $0x2710, v1  }
0x239: {  	v6 =	vadd.s32 $0x4E20, v2;
	_ =	sdelay $0x1  }
0x23a: {  	v4 =	vmul.f32 v3, v4;
	_ =	sdelay $0x1  }
0x23b: {  	[tilespmem:v62+s30+$0x0] =	vst.idx.add.f32.msk $0xffff, v4  }
0x23c: {  	v4 =	vld.idx.msk [tilespmem:v6+s2+$0x0], $0xffff;
	_ =	sdelay $0x1  }
0x23d: {  	v63 =	vadd.s32 $0x4E20, v1  }
0x23e: {  	v2 =	vadd.s32 $0x7530, v2;
	_ =	sdelay $0x1  }
0x23f: {  	v4 =	vmul.f32 v4, v3;
	_ =	sdelay $0x1  }
0x240: {  	[tilespmem:v63+s30+$0x0] =	vst.idx.add.f32.msk $0xffff, v4  }
0x241: {  	v2 =	vld.idx.msk [tilespmem:v2+s2+$0x0], $0xffff;
	_ =	sdelay $0x1  }
0x242: {  	p1 =	sne.s32 s1, $0x240;
	v1 =	vadd.s32 $0x7530, v1  }
.Ltmp6:
0x243: {  	_ = 	snop;
	(pc) =	sbr.rel @p1 .LBB2_13-.Ltmp6, $3  }
0x244: {  	_ = 	snop  }
0x245: {  	v2 =	vmul.f32 v2, v3;
	_ =	sdelay $0x1  }
0x246: {  	s1 =	sadd.s32 $0x40, s1;
	[tilespmem:v1+s30+$0x0] =	vst.idx.add.f32.msk $0xffff, v2  }
0x247: {  	s23 =	sadd.s32 $0x1, s23  }
0x248: {  	p1 =	sne.s32 s23, $0x5  }
.Ltmp7:
0x249: {  	_ = 	snop;
	(pc) =	sbr.rel @p1 .LBB2_8-.Ltmp7, $1  }
0x24a: {  	_ =	sdelay $0x3  }
0x24b: {  	_ =	swait.ge [sflag:s6], $0xFA0  }
0x24c: {  	[sflag:s6] =	ssyncset.done $0x0  }
0x24d: {  	[sflag:s6] =	ssyncadd.s32 $0xFFFFF060  }
0x24e: {  	[hbm4b:s14+s2] =	stream.linear.scatter [tilespmem:s30], [sflag:$0x3], $0x2710, $0x38;
	[tilespmem:$0x1CF00] =	vst v63  }
0x24f: {  	_ =	swait.ge [sflag:s20], $0x2710  }
0x250: {  	[sflag:s20] =	ssyncset.done $0x0  }
0x251: {  	s0 =	simm.s32 $0xC390;
	[sflag:s20] =	ssyncadd.s32 $0xFFFFD8F0  }
0x252: {  	[hbm4b:s15+s2] =	stream.linear.scatter [tilespmem:s0], [sflag:$0x3], $0x2710, $0x38;
	[tilespmem:$0x1CF00] =	vst v63  }
0x253: {  	_ =	swait.ge [sflag:s20], $0x2710  }
0x254: {  	[sflag:s20] =	ssyncset.done $0x0  }
0x255: {  	s21 =	simm.s32 $0xEAA0;
	[sflag:s20] =	ssyncadd.s32 $0xFFFFD8F0  }
0x256: {  	[hbm4b:s16+s2] =	stream.linear.scatter [tilespmem:s21], [sflag:$0x3], $0x2710, $0x38;
	[tilespmem:$0x1CF00] =	vst v63  }
0x257: {  	_ =	swait.ge [sflag:s20], $0x2710  }
0x258: {  	[sflag:s20] =	ssyncset.done $0x0  }
0x259: {  	s23 =	simm.s32 $0x111B0;
	[sflag:s20] =	ssyncadd.s32 $0xFFFFD8F0  }
0x25a: {  	[hbm4b:s17+s2] =	stream.linear.scatter [tilespmem:s23], [sflag:$0x3], $0x2710, $0x38;
	[tilespmem:$0x1CF00] =	vst v63  }
0x25b: {  	_ =	swait.ge [sflag:s20], $0x2710  }
0x25c: {  	s1 =	simm.s32 @!p0 $0x18800;
	s22 =	sadd.s32 $0x1, s22;
	[sflag:s20] =	ssyncset.done $0x0  }
0x25d: {  	p1 =	sne.s32 s22, s19;
	s0 =	simm.s32 @!p0 $0x0;
	[sflag:s20] =	ssyncadd.s32 $0xFFFFD8F0  }
0x25e: {  	[hbm4b:s18+s0] =	stream.linear.scatter @!p0 [tilespmem:s1], [sflag:$0x3], $0x2710, $0x38;
	[tilespmem:$0x1CF00] =	vst v63  }
.Ltmp8:
0x25f: {  	_ = 	snop;
	(pc) =	sbr.rel @p1 .LBB2_1-.Ltmp8, $4  }
0x260: {  	s0 =	simm.s32 @!p0 $0x3  }
0x261: {  	_ =	swait.ge @!p0 [sflag:s0], $0x2710  }
0x262: {  	[sflag:s0] =	ssyncset.done @!p0 $0x0  }
0x263: {  	[sflag:s0] =	ssyncadd.s32 @!p0 $0xFFFFD8F0  }
0x264: {  	_ =	sfence.sel $0x180000  }
0x265: {  	[bflag:$0x0] =	sbarrier.arrive $0xFFFF  }
0x266: {  	_ =	strace $0x9000004A  }
0x267: {  	s0 =	stileid.u32;
	[bflag:$0x2] =	sbarrier.arrive $0xFFFF  }
0x268: {  	p0 =	sne.s32 s0, $0x0;
	s0 =	rddreg [dreg:$0x2]  }
0x269: {  	s0 =	sadd.s32 @!p0 $0x100000, s0  }
0x26a: {  	[sflag:s0] =	ssyncadd.tile.s32 @!p0 $0x1;
	_ =	shalt  }
.Lfunc_end2:
_tile_overlayer_lowered:
.L_overlay_start_2:
0x26b: {  	(tag) =	ssettag $0x2  }
0x26c: {  	s0 =	rddreg [dreg:$0x0];
	s2 =	stileid.u32  }
0x26d: {  	s1 =	rddreg [dreg:$0x1];
	p0 =	sne.s32 s2, $0x0  }
0x26e: {  	s3 =	rddreg [dreg:$0x2];
	[bflag:$0x3] =	sbarrier.arrive $0xFFFF;
	s2 =	simm.s32 @!p0 $0x1C03  }
0x26f: {  	[timem:s3], [sflag:s2] =	dma.local @!p0 [hbm:s0], s1  }
0x270: {  	s0 =	simm.s32 @!p0 $0x3  }
0x271: {  	_ =	swait.ge @!p0 [sflag:s0], s1  }
0x272: {  	s1 =	ssub.s32 @!p0 $0x0, s1;
	[sflag:s0] =	ssyncset.done @!p0 $0x0  }
0x273: {  	[sflag:s0] =	ssyncadd.s32 @!p0 s1  }
0x274: {  	[bflag:$0x3] =	sbarrier.arrive $0xFFFF  }
0x275: {  	_ =	shalt  }

// kernel: kernel.7.cloned.1.call-start
scs
__scs_entry_jumppad:
0x0: {  	(pc) =	sbr.rel $0x88, $3  }
0x1: {  	(tag) =	ssettag $0x0;
	lr =	simm.s32 $0x1  }
0x2: {  	[smem:$0x3F97] =	sst lr;
	_ =	strace $0xD0000000  }
0x3: {  	_ = 	snop  }
0x4: {  	_ = 	snop  }
0x5: {  	_ = 	snop  }
0x6: {  	_ = 	snop  }
0x7: {  	_ = 	snop  }
__scs_overlays_trampoline_lowered:
0x8: {  	[smem:$0x3FA6] =	sst s0  }
0x9: {  	[smem:$0x3FA7] =	sst s1  }
0xa: {  	[smem:$0x3FA8] =	sst s2  }
0xb: {  	[smem:$0x3FA9] =	sst s3  }
0xc: {  	[smem:$0x3FAA] =	sst s4  }
0xd: {  	[smem:$0x3FAB] =	sst s5  }
0xe: {  	[smem:$0x3FAC] =	sst s6  }
0xf: {  	[smem:$0x3FAD] =	sst s7  }
0x10: {  	[smem:$0x3FAE] =	sst s8  }
0x11: {  	[smem:$0x3FAF] =	sst s9;
	s0 =	simm.s32 @!p0 $0x0  }
0x12: {  	s1 =	sld [smem:$0x3F95];
	s0 =	simm.s32 @p0 $0x1  }
0x13: {  	[smem:$0x3FB0] =	sst s0;
	s0 =	simm.s32 @!p1 $0x0  }
0x14: {  	s2 =	sld [smem:$0x3F94];
	s0 =	simm.s32 @p1 $0x1  }
0x15: {  	[smem:$0x3FB1] =	sst s0;
	s0 =	simm.s32 @!p2 $0x0  }
0x16: {  	s3 =	sld [smem:$0x3FDB];
	s0 =	simm.s32 @p2 $0x1  }
0x17: {  	s4 =	simm.s32 $0x1BF5;
	[smem:$0x3FB3] =	sst s0  }
0x18: {  	s0 =	sld [smem:$0x3F96];
	_ =	swait.ge [sflag:s4], $0x0  }
0x19: {  	s7 =	sld [smem:$0x3F97]  }
0x1a: {  	s8 =	sadd.s32 $0xFFFFE003, lr  }
0x1b: {  	s9 =	sadd.s32 $0xFFFFFEF7, lr;
	s5 =	simm.s32 $0xFFFFFFFF;
	p2 =	slt.u32 s8, $0xFFFFF086  }
0x1c: {  	p1 =	slt.u32 s9, $0xF7A;
	s5 =	simm.s32 @!p2 $0x0  }
0x1d: {  	s5 =	simm.s32 @p1 $0x1;
	p0 =	seq.s32 s7, s2  }
0x1e: {  	s7 =	smul.u32 @!p0 $0xF7A, s2;
	p2 =	seq.s32 @!p0 s5, $0x0  }
0x1f: {  	s9 =	smul.u32 $0xF7A, s1;
	s8 =	simm.s32 @!p0 $0x1BF5;
	p2 =	por !p2, p0  }
0x20: {  	[sflag:s8] =	ssyncset.s32 @!p0 $0xFFFFF086;
	s6 =	sadd.s32 @!p0 s3, s7;
	s7 =	simm.s32 @!p0 $0x108  }
0x21: {  	s3 =	sadd.s32 s3, s9;
	s6 =	sadd.s32 @!p0 $0x88, s6;
	s7 =	simm.s32 @p2 $0x1082  }
0x22: {  	[simem:s7], [sflag:s8] =	dma.local @!p0 [hbm:s6], $0xF7A  }
0x23: {  	s9 =	sor.u32 $0xD0000000, s2;
	s6 =	simm.s32 $0x108;
	_ =	swait.ge @!p0 [sflag:s8], $0x0  }
0x24: {  	s3 =	sadd.s32 $0x88, s3;
	s6 =	simm.s32 @!p1 $0x1082;
	[sflag:s4] =	ssyncset.s32 $0xFFFFF086  }
0x25: {  	[simem:s6], [sflag:s4] =	dma.local [hbm:s3], $0xF7A  }
0x26: {  	[smem:$0x3F97] =	sst s1;
	(tag) =	ssettag s2;
	_ =	strace s9  }
0x27: {  	s1 =	sld [smem:$0x3FA7]  }
0x28: {  	s2 =	sld [smem:$0x3FA8]  }
0x29: {  	s4 =	sld [smem:$0x3FAA]  }
0x2a: {  	p0 =	seq.s32 s5, $0x0;
	s5 =	sld [smem:$0x3FAB]  }
0x2b: {  	s6 =	sld [smem:$0x3FAC]  }
0x2c: {  	s7 =	sld [smem:$0x3FAD]  }
0x2d: {  	s3 =	simm.s32 $0x108;
	s8 =	sld [smem:$0x3FAE]  }
0x2e: {  	s3 =	simm.s32 @!p0 $0x1082;
	s9 =	sld [smem:$0x3FAF]  }
0x2f: {  	lr =	sadd.s32 s0, s3;
	s0 =	sld [smem:$0x3FA6]  }
0x30: {  	s3 =	sld [smem:$0x3FA9]  }
0x31: {  	[smem:$0x3FB2] =	sst s10  }
0x32: {  	s10 =	sld [smem:$0x3FB0];
	_ =	sdelay $0x3  }
0x33: {  	p0 =	seq.s32 s10, $0x1;
	s10 =	sld [smem:$0x3FB2];
	_ =	sdelay $0x3  }
0x34: {  	[smem:$0x3FB2] =	sst s10  }
0x35: {  	s10 =	sld [smem:$0x3FB1];
	_ =	sdelay $0x3  }
0x36: {  	p1 =	seq.s32 s10, $0x1;
	s10 =	sld [smem:$0x3FB2];
	_ =	sdelay $0x3  }
0x37: {  	[smem:$0x3FB2] =	sst s10  }
0x38: {  	s10 =	sld [smem:$0x3FB3]  }
0x39: {  	_ = 	snop;
	(pc) =	sbr.ind lr, $3  }
0x3a: {  	_ = 	snop  }
0x3b: {  	_ = 	snop  }
0x3c: {  	p2 =	seq.s32 s10, $0x1;
	s10 =	sld [smem:$0x3FB2]  }
0x3d: {  	_ =	shalt  }
0x3e: {  	_ =	shalt  }
0x3f: {  	_ =	shalt  }
0x40: {  	_ =	shalt  }
0x41: {  	_ =	shalt  }
0x42: {  	_ =	shalt  }
0x43: {  	_ =	shalt  }
0x44: {  	_ =	shalt  }
0x45: {  	_ =	shalt  }
0x46: {  	_ =	shalt  }
0x47: {  	_ =	shalt  }
0x48: {  	_ =	shalt  }
0x49: {  	_ =	shalt  }
0x4a: {  	_ =	shalt  }
0x4b: {  	_ =	shalt  }
0x4c: {  	_ =	shalt  }
0x4d: {  	_ =	shalt  }
0x4e: {  	_ =	shalt  }
0x4f: {  	_ =	shalt  }
0x50: {  	_ =	shalt  }
0x51: {  	_ =	shalt  }
0x52: {  	_ =	shalt  }
0x53: {  	_ =	shalt  }
0x54: {  	_ =	shalt  }
0x55: {  	_ =	shalt  }
0x56: {  	_ =	shalt  }
0x57: {  	_ =	shalt  }
0x58: {  	_ =	shalt  }
0x59: {  	_ =	shalt  }
0x5a: {  	_ =	shalt  }
0x5b: {  	_ =	shalt  }
0x5c: {  	_ =	shalt  }
0x5d: {  	_ =	shalt  }
0x5e: {  	_ =	shalt  }
0x5f: {  	_ =	shalt  }
0x60: {  	_ =	shalt  }
0x61: {  	_ =	shalt  }
0x62: {  	_ =	shalt  }
0x63: {  	_ =	shalt  }
0x64: {  	_ =	shalt  }
0x65: {  	_ =	shalt  }
0x66: {  	_ =	shalt  }
0x67: {  	_ =	shalt  }
0x68: {  	_ =	shalt  }
0x69: {  	_ =	shalt  }
0x6a: {  	_ =	shalt  }
0x6b: {  	_ =	shalt  }
0x6c: {  	_ =	shalt  }
0x6d: {  	_ =	shalt  }
0x6e: {  	_ =	shalt  }
0x6f: {  	_ =	shalt  }
0x70: {  	_ =	shalt  }
0x71: {  	_ =	shalt  }
0x72: {  	_ =	shalt  }
0x73: {  	_ =	shalt  }
0x74: {  	_ =	shalt  }
0x75: {  	_ =	shalt  }
0x76: {  	_ =	shalt  }
0x77: {  	_ =	shalt  }
0x78: {  	_ =	shalt  }
0x79: {  	_ =	shalt  }
0x7a: {  	_ =	shalt  }
0x7b: {  	_ =	shalt  }
0x7c: {  	_ =	shalt  }
0x7d: {  	_ =	shalt  }
0x7e: {  	_ =	shalt  }
0x7f: {  	_ =	shalt  }
0x80: {  	_ =	shalt  }
0x81: {  	_ =	shalt  }
0x82: {  	_ =	shalt  }
0x83: {  	_ =	shalt  }
0x84: {  	_ =	shalt  }
0x85: {  	_ =	shalt  }
0x86: {  	_ =	shalt  }
0x87: {  	_ =	shalt  }
.Lfunc_end0:
.L_simem_size_0:
called_computation_lowered:
.L_overlay_start_0:
0x88: {  	s2 =	sld [smem:$0x3FD9]  }
0x89: {  	s3 =	sld [smem:$0x3FFE];
	_ =	sdelay $0x1  }
0x8a: {  	s1 =	srdreg.scid  }
0x8b: {  	s0 =	sand.u32 $0x1, s1  }
0x8c: {  	s17 =	sshll.u32 s0, $0xA;
	s2 =	sadd.s32 s3, s2  }
0x8d: {  	s2 =	sadd.s32 s2, s17  }
0x8e: {  	[smem:$0x3FBE] =	sst s2  }
0x8f: {  	_ = 	snop  }
0x90: {  	s2 =	sld [smem:$0x3FD0];
	(tm) =	ssettm $0x1  }
0x91: {  	s18 =	sld [smem:$0x3FFB];
	_ =	sdelay $0x3  }
0x92: {  	_ =	strace s18  }
0x93: {  	s3 =	sld [smem:$0x3FFC];
	_ =	sdelay $0x3  }
0x94: {  	_ =	strace s3  }
0x95: {  	s3 =	sld [smem:$0x3FFD];
	_ =	sdelay $0x3  }
0x96: {  	_ =	strace s3  }
0x97: {  	_ =	strace $0x8FFFFFFF  }
0x98: {  	s19 =	sld [smem:$0x3FDB];
	_ =	sdelay $0x1  }
0x99: {  	s4 =	simm.s32 $_scs_section_size  }
0x9a: {  	s5 =	simm.s32 $_size__tile_overlayer_lowered;
	s6 =	simm.s32 $_tile_overlayer_lowered  }
0x9b: {  	s22 =	simm.s32 $0x1BFF;
	s21 =	sshll.u32 s6, $0x1;
	s3 =	sadd.s32 s4, s19  }
0x9c: {  	s7 =	simm.s32 $0x0;
	s20 =	sshll.u32 s5, $0x1;
	s5 =	sadd.s32 s21, s3  }
0x9d: {  	[timem:s7], [sflag:s22] =	dma.local [hbm:s5], s20  }
0x9e: {  	_ =	swait.ge [sflag:s22], s20  }
0x9f: {  	s4 =	ssub.s32 $0x0, s20;
	[sflag:s22] =	ssyncset.done $0x0  }
0xa0: {  	[sflag:s22] =	ssyncadd.s32 s4;
	_ =	sdelay $0x1  }
0xa1: {  	s23 =	simm.s32 $0x1B8B  }
0xa2: {  	_ =	swait.ge [sflag:s23], $0x1  }
0xa3: {  	[sflag:s23] =	ssyncset.done $0x0  }
0xa4: {  	s25 =	simm.s32 $0x1B8E;
	s24 =	sld [smem:$0x3FFE];
	[sflag:s23] =	ssyncadd.s32 $0xFFFFFFFF  }
0xa5: {  	s26 =	simm.s32 $execute0_lowered;
	[smem:$0x3FD2] =	sst s25  }
0xa6: {  	s5 =	sshll.u32 s26, $0x1;
	_ =	strace $0x80000046;
	[dreg:$0x1] =	wrdreg $0xFFFFFFFF  }
0xa7: {  	s28 =	simm.s32 $_size_execute0_lowered;
	s3 =	sadd.s32 s3, s5;
	[dreg:$0x0] =	wrdreg $0x0  }
0xa8: {  	s5 =	sshll.u32 s28, $0x1;
	[dreg:$0x2] =	wrdreg s3  }
0xa9: {  	[dreg:$0x3] =	wrdreg s5  }
0xaa: {  	[dreg:$0x4] =	wrdreg $0xC0  }
0xab: {  	_ =	task [dreg:s7], $0x5FFFF  }
0xac: {  	[dreg:$0x1] =	wrdreg $0xFFFFFFFF  }
0xad: {  	[dreg:$0x0] =	wrdreg $0x60  }
0xae: {  	[dreg:$0x2] =	wrdreg s24  }
0xaf: {  	[dreg:$0x3] =	wrdreg s2  }
0xb0: {  	[dreg:$0x4] =	wrdreg $0x9  }
0xb1: {  	_ =	task.clear_ibuf [dreg:s7], $0x5FFFF;
	_ =	strace $0x90000046  }
0xb2: {  	s29 =	simm.s32 $0x9;
	_ =	strace $0x80000048  }
0xb3: {  	_ =	swait.ge [sflag:s29], $0x1  }
0xb4: {  	[sflag:s29] =	ssyncadd.s32 $0xFFFFFFFF  }
0xb5: {  	_ =	strace $0x90000048  }
0xb6: {  	_ =	sfence  }
0xb7: {  	s30 =	sld [smem:$0x0];
	_ =	sdelay $0x2  }
0xb8: {  	s31 =	sshll.u32 s1, $0xD;
	s1 =	sshrl.u32 s1, $0x2  }
0xb9: {  	s3 =	sand.u32 $0x4000, s31;
	s1 =	sadd.s32 s1, s30  }
0xba: {  	s0 =	sor.u32 s3, s0;
	s1 =	sshll.u32 s1, $0x11  }
0xbb: {  	s0 =	sor.u32 s1, s0  }
0xbc: {  	s0 =	sadd.s32 $0x8F2B, s0  }
0xbd: {  	[sflag:s0] =	ssyncadd.remote.s32 $0x1  }
0xbe: {  	_ =	sfence.sel $0xFFFF  }
0xbf: {  	[dreg:$0x0] =	wrdreg $0xFFFFFFFF;
	(pc) =	sbr.abs _section_cstart, $3  }
0xc0: {  	[dreg:$0x1] =	wrdreg $0xFFFFFFFF  }
0xc1: {  	_ =	task.clear_ibuf [dreg:s7], $0x2FFFF;
	_ =	strace $0x9FFFFFFF  }
0xc2: {  	(tm) =	ssettm $0x7FFFFFFF  }
0xc3: {  	_ =	shalt  }
tec
execute0_lowered:
.L_overlay_start_1:
0x0: {  	(tag) =	ssettag $0x1  }
0x1: {  	s1 =	rddreg [dreg:$0x0];
	s0 =	srdreg.scid  }
0x2: {  	s2 =	rddreg [dreg:$0x1];
	s4 =	stileid.u32  }
0x3: {  	s31 =	simm.s32 $0x13900;
	s28 =	simm.s32 $0x1;
	s3 =	sand.u32 $0x1, s0  }
0x4: {  	s29 =	simm.s32 $0x1BF20;
	s30 =	simm.s32 $0x9C80;
	s5 =	sshll.u32 s3, $0x4  }
0x5: {  	s0 =	simm.s32 $0x0;
	s6 =	sadd.s32 $0x1800, s1;
	s5 =	sor.u32 s4, s5  }
0x6: {  	s7 =	sadd.s32 $0x4FA00, s1;
	s16 =	sadd.s32 $0x5AC00, s1;
	s9 =	smul.u32 $0x9C40, s5  }
0x7: {  	s18 =	sadd.s32 $0xA8E00, s1;
	s8 =	ssub.s32 $0x2, s3;
	s5 =	smul.u32 $0x1388, s5  }
0x8: {  	p0 =	sne.s32 s4, $0x0;
	[smem:$0x7FF] =	sst s0;
	s10 =	sshrl.u32 s8, $0x1  }
0x9: {  	s8 =	ssub.s32 s8, s10;
	s9 =	sshrl.u32 s9, $0x3;
	s17 =	sadd.s32 s6, s5  }
0xa: {  	s5 =	sadd.s32 s16, s5;
	[dreg:$0x3] =	wrdreg s17;
	s19 =	sadd.s32 $0x4E2, s9  }
0xb: {  	s11 =	sadd.s32 $0x9C4, s9;
	s21 =	sadd.s32 $0xEA6, s9;
	[dreg:$0x7] =	wrdreg s5  }
0xc: {  	s24 =	sadd.s32 $0x27100, s9;
	s14 =	sadd.s32 $0x275E2, s9;
	s12 =	sadd.s32 s6, s19  }
0xd: {  	s15 =	sadd.s32 $0x27AC4, s9;
	s20 =	sadd.s32 s6, s11;
	[dreg:$0x4] =	wrdreg s12  }
0xe: {  	s9 =	sadd.s32 $0x27FA6, s9;
	s13 =	sadd.s32 s6, s21;
	[dreg:$0x5] =	wrdreg s20  }
0xf: {  	s22 =	sadd.s32 s16, s19;
	s23 =	sadd.s32 s16, s11;
	[dreg:$0x6] =	wrdreg s13  }
0x10: {  	s25 =	sadd.s32 s16, s21;
	s26 =	sadd.s32 s6, s24;
	[dreg:$0x8] =	wrdreg s22  }
0x11: {  	s10 =	sadd.s32 s6, s14;
	s11 =	sadd.s32 s6, s15;
	[dreg:$0x9] =	wrdreg s23  }
0x12: {  	s14 =	sadd.s32 s16, s14;
	s15 =	sadd.s32 s16, s15;
	[dreg:$0xa] =	wrdreg s25  }
0x13: {  	s20 =	smul.u32 $0x4E2, s3;
	[dreg:$0xb] =	wrdreg s26;
	s12 =	sadd.s32 s6, s9  }
0x14: {  	s3 =	smul.u32 $0x2710, s3;
	s13 =	sadd.s32 s16, s24;
	s16 =	sadd.s32 s16, s9  }
0x15: {  	s24 =	sadd.s32 $0x50E00, s1;
	s25 =	smax.u32 s8, $0x1;
	s26 =	simm.s32 $0x3  }
0x16: {  	s1 =	simm.s32 $0x1AF80;
	s6 =	simm.s32 $0x111B0;
	s3 =	sshrl.u32 s3, $0x3  }
0x17: {  	_ =	strace $0x80000047;
	s17 =	sadd.s32 s2, s20;
	s3 =	sadd.s32 $0x9C4, s3  }
0x18: {  	s19 =	sadd.s32 s7, s20;
	s20 =	sadd.s32 s18, s20;
	s21 =	sadd.s32 s2, s3  }
0x19: {  	s22 =	sadd.s32 s7, s3;
	s23 =	sadd.s32 s18, s3;
	s18 =	simm.s32 $0x16080  }
0x1a: {  	v0 =	vimm.f32 $0.0e+00;
	s2 =	simm.s32 $0x18800;
	s3 =	simm.s32 $0x2;
	s7 =	simm.s32 $0x0  }
.LBB2_1:
0x1b: {  	s4 =	rddreg [dreg:$0x3]  }
0x1c: {  	[tilespmem:s0], [sflag:$0x3] =	stream.linear.gather [hbm4b:s4+s0], $0x2710, $0x38;
	[tilespmem:$0x1CF00] =	vst v63  }
0x1d: {  	_ =	swait.ge [sflag:s26], $0x2710  }
0x1e: {  	[sflag:s26] =	ssyncset.done $0x0  }
0x1f: {  	s5 =	simm.s32 $0x2710;
	s9 =	rddreg [dreg:$0x4];
	[sflag:s26] =	ssyncadd.s32 $0xFFFFD8F0  }
0x20: {  	[tilespmem:s5], [sflag:$0x3] =	stream.linear.gather [hbm4b:s9+s0], $0x2710, $0x38;
	[tilespmem:$0x1CF00] =	vst v63  }
0x21: {  	_ =	swait.ge [sflag:s26], $0x2710  }
0x22: {  	[sflag:s26] =	ssyncset.done $0x0  }
0x23: {  	s9 =	simm.s32 $0x4E20;
	s8 =	rddreg [dreg:$0x5];
	[sflag:s26] =	ssyncadd.s32 $0xFFFFD8F0  }
0x24: {  	[tilespmem:s9], [sflag:$0x3] =	stream.linear.gather [hbm4b:s8+s0], $0x2710, $0x38;
	[tilespmem:$0x1CF00] =	vst v63  }
0x25: {  	_ =	swait.ge [sflag:s26], $0x2710  }
0x26: {  	[sflag:s26] =	ssyncset.done $0x0  }
0x27: {  	s9 =	simm.s32 $0x7530;
	s8 =	rddreg [dreg:$0x6];
	[sflag:s26] =	ssyncadd.s32 $0xFFFFD8F0  }
0x28: {  	[tilespmem:s9], [sflag:$0x3] =	stream.linear.gather [hbm4b:s8+s0], $0x2710, $0x38;
	[tilespmem:$0x1CF00] =	vst v63  }
0x29: {  	_ =	swait.ge [sflag:s26], $0x2710  }
0x2a: {  	[sflag:s26] =	ssyncset.done $0x0  }
0x2b: {  	[sflag:s26] =	ssyncadd.s32 $0xFFFFD8F0  }
0x2c: {  	[tilespmem:s31], [sflag:$0x3] =	stream.linear.gather [hbm4b:s17+s0], $0x2710, $0x38;
	[tilespmem:$0x1CF00] =	vst v63  }
0x2d: {  	_ =	swait.ge [sflag:s26], $0x2710  }
0x2e: {  	[sflag:s26] =	ssyncset.done $0x0  }
0x2f: {  	[sflag:s26] =	ssyncadd.s32 $0xFFFFD8F0  }
0x30: {  	[tilespmem:s18], [sflag:$0x3] =	stream.linear.gather [hbm4b:s19+s0], $0x2710, $0x38;
	[tilespmem:$0x1CF00] =	vst v63  }
0x31: {  	_ =	swait.ge [sflag:s26], $0x2710  }
0x32: {  	[sflag:s26] =	ssyncset.done $0x0  }
0x33: {  	s4 =	simm.s32 $0x9CC0;
	[sflag:s26] =	ssyncadd.s32 $0xFFFFD8F0  }
0x34: {  	[tilespmem:s4+$0xFFFFFFC0] =	vst v0  }
0x35: {  	[tilespmem:s4+$0x30] =	vst v0  }
0x36: {  	[tilespmem:s4+$0x20] =	vst v0  }
0x37: {  	[tilespmem:s4+$0x10] =	vst v0  }
0x38: {  	[tilespmem:s4+$0x0] =	vst v0  }
0x39: {  	[tilespmem:s4+$0xFFFFFFF0] =	vst v0  }
0x3a: {  	s5 =	simm.s32 $0x0;
	[tilespmem:s4+$0xFFFFFFE0] =	vst v0  }
.LBB2_2:
0x3b: {  	s5 =	sadd.s32 $0x8, s5;
	[tilespmem:s4+$0xFFFFFFD0] =	vst v0;
	s4 =	sadd.s32 $0x80, s4  }
0x3c: {  	[tilespmem:s4+$0xFFFFFFC0] =	vst v0;
	p1 =	slt.u32 s5, $0x9B8  }
0x3d: {  	[tilespmem:s4+$0x30] =	vst v0  }
.Ltmp0:
0x3e: {  	[tilespmem:s4+$0x20] =	vst v0;
	(pc) =	sbr.rel @p1 .LBB2_2-.Ltmp0, $4  }
0x3f: {  	[tilespmem:s4+$0x10] =	vst v0  }
0x40: {  	[tilespmem:s4+$0x0] =	vst v0  }
0x41: {  	[tilespmem:s4+$0xFFFFFFF0] =	vst v0  }
0x42: {  	[tilespmem:s4+$0xFFFFFFE0] =	vst v0  }
0x43: {  	[tilespmem:s4+$0xFFFFFFD0] =	vst v0;
	s4 =	simm.s32 $0x0  }
.LBB2_4:
0x44: {  	p1 =	sne.s32 s4, $0xC0  }
.Ltmp1:
0x45: {  	_ = 	snop;
	(pc) =	sbr.rel @p1 .LBB2_4-.Ltmp1, $3  }
0x46: {  	_ =	sdelay $0x1  }
0x47: {  	s5 =	sshra.s32 s4, $0x2  }
0x48: {  	s4 =	sadd.s32 $0x40, s4;
	[tilespmem:s5+$0x13880] =	vst v0  }
0x49: {  	s4 =	simm.s32 $0x18840  }
0x4a: {  	[tilespmem:s4+$0xFFFFFFC0] =	vst v0  }
0x4b: {  	[tilespmem:s4+$0x30] =	vst v0  }
0x4c: {  	[tilespmem:s4+$0x20] =	vst v0  }
0x4d: {  	[tilespmem:s4+$0x10] =	vst v0  }
0x4e: {  	[tilespmem:s4+$0x0] =	vst v0  }
0x4f: {  	[tilespmem:s4+$0xFFFFFFF0] =	vst v0  }
0x50: {  	s5 =	simm.s32 $0x0;
	[tilespmem:s4+$0xFFFFFFE0] =	vst v0  }
.LBB2_6:
0x51: {  	s5 =	sadd.s32 $0x8, s5;
	[tilespmem:s4+$0xFFFFFFD0] =	vst v0;
	s4 =	sadd.s32 $0x80, s4  }
0x52: {  	[tilespmem:s4+$0xFFFFFFC0] =	vst v0;
	p1 =	slt.u32 s5, $0x268  }
0x53: {  	[tilespmem:s4+$0x30] =	vst v0  }
.Ltmp2:
0x54: {  	[tilespmem:s4+$0x20] =	vst v0;
	(pc) =	sbr.rel @p1 .LBB2_6-.Ltmp2, $4  }
0x55: {  	[tilespmem:s4+$0x10] =	vst v0  }
0x56: {  	[tilespmem:s4+$0x0] =	vst v0  }
0x57: {  	[tilespmem:s4+$0xFFFFFFF0] =	vst v0  }
0x58: {  	[tilespmem:s4+$0xFFFFFFE0] =	vst v0  }
0x59: {  	[tilespmem:s4+$0xFFFFFFD0] =	vst v0  }
0x5a: {  	s8 =	simm.s32 $0x0;
	[tilespmem:$0x1AF00] =	vst v0  }
0x5b: {  	[tilespmem:s1], [sflag:$0x1] =	stream.linear.gather [hbm4b:s24+s8], $0xFA0, $0x38;
	[tilespmem:$0x1CF00] =	vst v63  }
.LBB2_8:
0x5c: {  	s4 =	smul.u32 $0x1F40, s8;
	_ =	sdelay $0x1  }
0x5d: {  	_ =	swait.ge [sflag:s28], $0xFA0;
	s4 =	sshrl.u32 s4, $0x3  }
0x5e: {  	s9 =	simm.s32 $0xFFFFFFF0;
	[sflag:s28] =	ssyncset.done $0x0;
	s4 =	sadd.s32 s24, s4  }
0x5f: {  	s5 =	simm.s32 $0x1B000;
	[sflag:s28] =	ssyncadd.s32 $0xFFFFF060;
	s4 =	sadd.s32 $0x1F4, s4  }
0x60: {  	[tilespmem:s29], [sflag:$0x2] =	stream.linear.gather [hbm4b:s4+s0], $0xFA0, $0x38;
	[tilespmem:$0x1CF00] =	vst v63  }
.LBB2_9:
0x61: {  	v1 =	vld [tilespmem:s5+$0xFFFFFF80];
	_ =	sdelay $0x4  }
0x62: {  	v2 =	vshrl.u32 v1, $0xE  }
0x63: {  	v1 =	vand.u32 $0x3FFF, v1;
	_ =	sdelay $0x3  }
0x64: {  	v3 =	vld.idx.msk [tilespmem:v2+s31+$0x0], $0xffff  }
0x65: {  	v4 =	vld.idx.msk [tilespmem:v1+s18+$0x0], $0xffff;
	_ =	sdelay $0x4  }
0x66: {  	v3 =	vadd.f32 v4, v3;
	_ =	sdelay $0x1  }
0x67: {  	v4 =	vmul.f32 $2.000000030e-01, v3;
	_ =	sdelay $0x1  }
0x68: {  	v3 =	vmax.f32 v3, v4  }
0x69: {  	v3 =	vmul.f32 $1.442695020e+00, v3  }
0x6a: {  	v5 =	vld [tilespmem:s5+$0xFFFFFFA0]  }
0x6b: {  	(erf) = vpow2.f32 v3;
	v3 =	vld [tilespmem:s5+$0xFFFFFF90];
	_ =	sdelay $0x3  }
0x6c: {  	v13 =	vshrl.u32 v5, $0xE  }
0x6d: {  	v9 =	vshrl.u32 v3, $0xE  }
0x6e: {  	v4 =	vand.u32 $0x3FFF, v3  }
0x6f: {  	v5 =	vand.u32 $0x3FFF, v5  }
0x70: {  	v11 =	vld [tilespmem:s5+$0xFFFFFFB0]  }
0x71: {  	v10 =	vld.idx.msk [tilespmem:v13+s31+$0x0], $0xffff  }
0x72: {  	v7 =	vld.idx.msk [tilespmem:v9+s31+$0x0], $0xffff  }
0x73: {  	v8 =	vld.idx.msk [tilespmem:v4+s18+$0x0], $0xffff  }
0x74: {  	v12 =	vld.idx.msk [tilespmem:v5+s18+$0x0], $0xffff;
	v3 =	vpop (erf)  }
0x75: {  	s4 =	simm.s32 $0x0;
	[tilespmem:v1+s2+$0x0] =	vst.idx.add.f32.msk $0xffff, v3  }
0x76: {  	v6 =	vld.idx.msk [tilespmem:v2+s4+$0x0], $0xffff  }
0x77: {  	v14 =	vld [tilespmem:s5+$0xFFFFFFC0]  }
0x78: {  	v7 =	vadd.f32 v8, v7  }
0x79: {  	v15 =	vadd.s32 $0x2710, v2  }
0x7a: {  	v18 =	vshrl.u32 v11, $0xE;
	v10 =	vadd.f32 v12, v10;
	v16 =	vmul.f32 $2.000000030e-01, v7  }
0x7b: {  	v32 =	vmul.f32 v3, v6;
	v6 =	vand.u32 $0x3FFF, v11  }
0x7c: {  	v19 =	vshrl.u32 v14, $0xE;
	v34 =	vmul.f32 $2.000000030e-01, v10;
	v33 =	vmax.f32 v7, v16  }
0x7d: {  	[tilespmem:v1+s30+$0x0] =	vst.idx.add.f32.msk $0xffff, v32;
	v7 =	vand.u32 $0x3FFF, v14;
	v8 =	vmul.f32 $1.442695020e+00, v33  }
0x7e: {  	v10 =	vmax.f32 v10, v34;
	v35 =	vld.idx.msk [tilespmem:v15+s4+$0x0], $0xffff  }
0x7f: {  	v36 =	vld.idx.msk [tilespmem:v18+s31+$0x0], $0xffff;
	v37 =	vmul.f32 $1.442695020e+00, v10;
	(erf) = vpow2.f32 v8  }
0x80: {  	v40 =	vadd.s32 $0x2710, v1;
	v38 =	vld.idx.msk [tilespmem:v6+s18+$0x0], $0xffff  }
0x81: {  	v42 =	vadd.s32 $0x4E20, v2;
	v39 =	vld.idx.msk [tilespmem:v19+s31+$0x0], $0xffff;
	(erf) = vpow2.f32 v37  }
0x82: {  	v41 =	vld.idx.msk [tilespmem:v7+s18+$0x0], $0xffff  }
0x83: {  	v51 =	vld [tilespmem:s5+$0xFFFFFFD0];
	v12 =	vmul.f32 v3, v35  }
0x84: {  	v27 =	vld [tilespmem:s5+$0xFFFFFFE0]  }
0x85: {  	v10 =	vadd.f32 v38, v36;
	[tilespmem:v40+s30+$0x0] =	vst.idx.add.f32.msk $0xffff, v12  }
0x86: {  	v12 =	vld.idx.msk [tilespmem:v42+s4+$0x0], $0xffff  }
0x87: {  	v63 =	vld [tilespmem:s5+$0xFFFFFFF0];
	v11 =	vmul.f32 $2.000000030e-01, v10;
	v8 =	vadd.f32 v41, v39  }
0x88: {  	v44 =	vadd.s32 $0x4E20, v1;
	v32 =	vld [tilespmem:s5+$0x0];
	v16 =	vpop (erf)  }
0x89: {  	v2 =	vadd.s32 $0x7530, v2;
	v10 =	vmax.f32 v10, v11;
	v43 =	vmul.f32 $2.000000030e-01, v8;
	[tilespmem:v4+s2+$0x0] =	vst.idx.add.f32.msk $0xffff, v16  }
0x8a: {  	v11 =	vshrl.u32 v51, $0xE;
	v10 =	vmul.f32 $1.442695020e+00, v10;
	v17 =	vpop (erf);
	v45 =	vld.idx.msk [tilespmem:v9+s4+$0x0], $0xffff  }
0x8b: {  	v46 =	vmul.f32 v12, v3;
	v12 =	vshrl.u32 v27, $0xE;
	v8 =	vmax.f32 v8, v43;
	[tilespmem:v5+s2+$0x0] =	vst.idx.add.f32.msk $0xffff, v17  }
0x8c: {  	(erf) = vpow2.f32 v10;
	v8 =	vmul.f32 $1.442695020e+00, v8;
	v47 =	vld.idx.msk [tilespmem:v13+s4+$0x0], $0xffff  }
0x8d: {  	v48 =	vadd.s32 $0x2710, v9;
	[tilespmem:v44+s30+$0x0] =	vst.idx.add.f32.msk $0xffff, v46  }
0x8e: {  	v20 =	vld.idx.msk [tilespmem:v2+s4+$0x0], $0xffff;
	(erf) = vpow2.f32 v8  }
0x8f: {  	v50 =	vadd.s32 $0x2710, v13;
	v25 =	vld.idx.msk [tilespmem:v11+s31+$0x0], $0xffff;
	v49 =	vmul.f32 v16, v45  }
0x90: {  	v1 =	vadd.s32 $0x7530, v1;
	v61 =	vld.idx.msk [tilespmem:v12+s31+$0x0], $0xffff  }
0x91: {  	v2 =	vmul.f32 v17, v47;
	[tilespmem:v4+s30+$0x0] =	vst.idx.add.f32.msk $0xffff, v49  }
0x92: {  	v8 =	vld.idx.msk [tilespmem:v48+s4+$0x0], $0xffff  }
0x93: {  	v3 =	vmul.f32 v20, v3;
	[tilespmem:v5+s30+$0x0] =	vst.idx.add.f32.msk $0xffff, v2  }
0x94: {  	v2 =	vand.u32 $0x3FFF, v51;
	v10 =	vld.idx.msk [tilespmem:v50+s4+$0x0], $0xffff  }
0x95: {  	v21 =	vpop (erf);
	[tilespmem:v1+s30+$0x0] =	vst.idx.add.f32.msk $0xffff, v3  }
0x96: {  	v53 =	vadd.s32 $0x2710, v4;
	[tilespmem:v6+s2+$0x0] =	vst.idx.add.f32.msk $0xffff, v21  }
0x97: {  	v54 =	vadd.s32 $0x4E20, v9;
	v52 =	vld.idx.msk [tilespmem:v18+s4+$0x0], $0xffff;
	v22 =	vpop (erf)  }
0x98: {  	v24 =	vadd.s32 $0x2710, v5;
	[tilespmem:v7+s2+$0x0] =	vst.idx.add.f32.msk $0xffff, v22  }
0x99: {  	v26 =	vadd.s32 $0x4E20, v13;
	v8 =	vmul.f32 v16, v8;
	v28 =	vld.idx.msk [tilespmem:v2+s18+$0x0], $0xffff  }
0x9a: {  	v23 =	vld.idx.msk [tilespmem:v19+s4+$0x0], $0xffff  }
0x9b: {  	v56 =	vadd.s32 $0x2710, v18;
	v55 =	vmul.f32 v17, v10;
	[tilespmem:v53+s30+$0x0] =	vst.idx.add.f32.msk $0xffff, v8  }
0x9c: {  	v8 =	vand.u32 $0x3FFF, v27;
	v14 =	vld.idx.msk [tilespmem:v54+s4+$0x0], $0xffff  }
0x9d: {  	[tilespmem:v24+s30+$0x0] =	vst.idx.add.f32.msk $0xffff, v55;
	v57 =	vmul.f32 v21, v52  }
0x9e: {  	v58 =	vadd.s32 $0x2710, v19;
	v24 =	vld.idx.msk [tilespmem:v26+s4+$0x0], $0xffff  }
0x9f: {  	[tilespmem:v6+s30+$0x0] =	vst.idx.add.f32.msk $0xffff, v57  }
0xa0: {  	v59 =	vadd.s32 $0x4E20, v4;
	v25 =	vadd.f32 v28, v25;
	v23 =	vmul.f32 v22, v23;
	v10 =	vld.idx.msk [tilespmem:v56+s4+$0x0], $0xffff  }
0xa1: {  	v9 =	vadd.s32 $0x7530, v9;
	v30 =	vld.idx.msk [tilespmem:v8+s18+$0x0], $0xffff  }
0xa2: {  	v62 =	vadd.s32 $0x4E20, v5;
	v60 =	vmul.f32 $2.000000030e-01, v25;
	[tilespmem:v7+s30+$0x0] =	vst.idx.add.f32.msk $0xffff, v23  }
0xa3: {  	v44 =	vadd.s32 $0x7530, v13;
	v14 =	vmul.f32 v14, v16;
	v15 =	vld.idx.msk [tilespmem:v58+s4+$0x0], $0xffff  }
0xa4: {  	v23 =	vmax.f32 v25, v60;
	v60 =	vld [tilespmem:s5+$0x10]  }
0xa5: {  	v29 =	vadd.s32 $0x2710, v6;
	v37 =	vmul.f32 v24, v17;
	[tilespmem:v59+s30+$0x0] =	vst.idx.add.f32.msk $0xffff, v14  }
0xa6: {  	v36 =	vadd.s32 $0x4E20, v18;
	v31 =	vld.idx.msk [tilespmem:v9+s4+$0x0], $0xffff  }
0xa7: {  	v14 =	vshrl.u32 v63, $0xE;
	[tilespmem:v62+s30+$0x0] =	vst.idx.add.f32.msk $0xffff, v37  }
0xa8: {  	v38 =	vadd.s32 $0x2710, v7;
	v23 =	vmul.f32 $1.442695020e+00, v23;
	v10 =	vmul.f32 v21, v10;
	v27 =	vld.idx.msk [tilespmem:v44+s4+$0x0], $0xffff  }
0xa9: {  	v9 =	vand.u32 $0x3FFF, v32;
	v25 =	vadd.f32 v30, v61;
	v30 =	vld [tilespmem:s5+$0x20]  }
0xaa: {  	v39 =	vadd.s32 $0x4E20, v19;
	(erf) = vpow2.f32 v23;
	[tilespmem:v29+s30+$0x0] =	vst.idx.add.f32.msk $0xffff, v10  }
0xab: {  	v10 =	vand.u32 $0x3FFF, v63;
	v40 =	vmul.f32 v22, v15;
	v26 =	vld.idx.msk [tilespmem:v36+s4+$0x0], $0xffff  }
0xac: {  	v4 =	vadd.s32 $0x7530, v4;
	v41 =	vmul.f32 $2.000000030e-01, v25;
	v43 =	vld.idx.msk [tilespmem:v14+s31+$0x0], $0xffff  }
0xad: {  	v15 =	vshrl.u32 v32, $0xE;
	[tilespmem:v38+s30+$0x0] =	vst.idx.add.f32.msk $0xffff, v40  }
0xae: {  	v45 =	vadd.s32 $0x4E20, v6;
	v42 =	vmax.f32 v25, v41;
	v33 =	vld.idx.msk [tilespmem:v9+s18+$0x0], $0xffff  }
0xaf: {  	v16 =	vmul.f32 v31, v16;
	v23 =	vld.idx.msk [tilespmem:v39+s4+$0x0], $0xffff;
	v24 =	vmul.f32 $1.442695020e+00, v42  }
0xb0: {  	v18 =	vadd.s32 $0x7530, v18;
	v28 =	vld.idx.msk [tilespmem:v10+s18+$0x0], $0xffff  }
0xb1: {  	[tilespmem:v4+s30+$0x0] =	vst.idx.add.f32.msk $0xffff, v16;
	(erf) = vpow2.f32 v24;
	v26 =	vmul.f32 v26, v21  }
0xb2: {  	v47 =	vadd.s32 $0x4E20, v7;
	v48 =	vld.idx.msk [tilespmem:v15+s31+$0x0], $0xffff  }
0xb3: {  	v13 =	vpop (erf);
	[tilespmem:v45+s30+$0x0] =	vst.idx.add.f32.msk $0xffff, v26  }
0xb4: {  	v19 =	vadd.s32 $0x7530, v19;
	[tilespmem:v2+s2+$0x0] =	vst.idx.add.f32.msk $0xffff, v13  }
0xb5: {  	v5 =	vadd.s32 $0x7530, v5;
	v23 =	vmul.f32 v23, v22;
	v18 =	vld.idx.msk [tilespmem:v18+s4+$0x0], $0xffff  }
0xb6: {  	v46 =	vld.idx.msk [tilespmem:v11+s4+$0x0], $0xffff  }
0xb7: {  	v6 =	vadd.s32 $0x7530, v6;
	v25 =	vadd.f32 v28, v43;
	[tilespmem:v47+s30+$0x0] =	vst.idx.add.f32.msk $0xffff, v23  }
0xb8: {  	v1 =	vmul.f32 v27, v17;
	v52 =	vadd.f32 v33, v48;
	v33 =	vld [tilespmem:s5+$0x30]  }
0xb9: {  	v28 =	vmul.f32 $2.000000030e-01, v25;
	v19 =	vld.idx.msk [tilespmem:v19+s4+$0x0], $0xffff  }
0xba: {  	v49 =	vadd.s32 $0x2710, v11;
	[tilespmem:v5+s30+$0x0] =	vst.idx.add.f32.msk $0xffff, v1;
	v53 =	vmul.f32 $2.000000030e-01, v52;
	v57 =	vmul.f32 v18, v21;
	v23 =	vpop (erf)  }
0xbb: {  	v7 =	vadd.s32 $0x7530, v7;
	v5 =	vshrl.u32 v60, $0xE;
	v51 =	vmax.f32 v25, v28;
	[tilespmem:v8+s2+$0x0] =	vst.idx.add.f32.msk $0xffff, v23  }
0xbc: {  	v50 =	vmul.f32 v13, v46;
	v24 =	vmul.f32 $1.442695020e+00, v51;
	v55 =	vmax.f32 v52, v53;
	[tilespmem:v6+s30+$0x0] =	vst.idx.add.f32.msk $0xffff, v57  }
0xbd: {  	v56 =	vmul.f32 $1.442695020e+00, v55;
	v6 =	vshrl.u32 v30, $0xE;
	v54 =	vld.idx.msk [tilespmem:v12+s4+$0x0], $0xffff  }
0xbe: {  	v4 =	vand.u32 $0x3FFF, v33;
	[tilespmem:v2+s30+$0x0] =	vst.idx.add.f32.msk $0xffff, v50;
	(erf) = vpow2.f32 v24;
	v1 =	vmul.f32 v19, v22  }
0xbf: {  	v26 =	vld.idx.msk [tilespmem:v49+s4+$0x0], $0xffff  }
0xc0: {  	(erf) = vpow2.f32 v56;
	[tilespmem:v7+s30+$0x0] =	vst.idx.add.f32.msk $0xffff, v1;
	v7 =	vshrl.u32 v33, $0xE  }
0xc1: {  	v3 =	vadd.s32 $0x2710, v2;
	v37 =	vld.idx.msk [tilespmem:v5+s31+$0x0], $0xffff  }
0xc2: {  	v58 =	vadd.s32 $0x2710, v12;
	v41 =	vld.idx.msk [tilespmem:v6+s31+$0x0], $0xffff;
	v1 =	vmul.f32 v23, v54  }
0xc3: {  	v48 =	vld.idx.msk [tilespmem:v4+s18+$0x0], $0xffff  }
0xc4: {  	v59 =	vmul.f32 v13, v26;
	[tilespmem:v8+s30+$0x0] =	vst.idx.add.f32.msk $0xffff, v1  }
0xc5: {  	v45 =	vld.idx.msk [tilespmem:v7+s31+$0x0], $0xffff  }
0xc6: {  	[tilespmem:v3+s30+$0x0] =	vst.idx.add.f32.msk $0xffff, v59  }
0xc7: {  	v1 =	vld.idx.msk [tilespmem:v58+s4+$0x0], $0xffff;
	v24 =	vpop (erf)  }
0xc8: {  	v3 =	vadd.s32 $0x4E20, v11;
	[tilespmem:v10+s2+$0x0] =	vst.idx.add.f32.msk $0xffff, v24  }
0xc9: {  	v25 =	vpop (erf);
	v62 =	vld.idx.msk [tilespmem:v14+s4+$0x0], $0xffff  }
0xca: {  	v61 =	vadd.s32 $0x2710, v8;
	[tilespmem:v9+s2+$0x0] =	vst.idx.add.f32.msk $0xffff, v25  }
0xcb: {  	v38 =	vadd.s32 $0x4E20, v12;
	v31 =	vld.idx.msk [tilespmem:v15+s4+$0x0], $0xffff  }
0xcc: {  	v56 =	vadd.f32 v48, v45;
	v45 =	vld [tilespmem:s5+$0x50]  }
0xcd: {  	v63 =	vld.idx.msk [tilespmem:v3+s4+$0x0], $0xffff;
	v1 =	vmul.f32 v23, v1;
	v3 =	vadd.s32 $0x2710, v14  }
0xce: {  	v48 =	vld [tilespmem:s5+$0x70]  }
0xcf: {  	[tilespmem:v61+s30+$0x0] =	vst.idx.add.f32.msk $0xffff, v1;
	v1 =	vand.u32 $0x3FFF, v60;
	v32 =	vmul.f32 v24, v62  }
0xd0: {  	v34 =	vadd.s32 $0x2710, v15;
	v17 =	vld.idx.msk [tilespmem:v38+s4+$0x0], $0xffff  }
0xd1: {  	v49 =	vadd.s32 $0x4E20, v2;
	v36 =	vmul.f32 v25, v31;
	[tilespmem:v10+s30+$0x0] =	vst.idx.add.f32.msk $0xffff, v32  }
0xd2: {  	v11 =	vadd.s32 $0x7530, v11;
	v35 =	vld.idx.msk [tilespmem:v3+s4+$0x0], $0xffff  }
0xd3: {  	v51 =	vadd.s32 $0x4E20, v8;
	[tilespmem:v9+s30+$0x0] =	vst.idx.add.f32.msk $0xffff, v36  }
0xd4: {  	v16 =	vmul.f32 v63, v13;
	v3 =	vand.u32 $0x3FFF, v30;
	v39 =	vld.idx.msk [tilespmem:v1+s18+$0x0], $0xffff  }
0xd5: {  	v12 =	vadd.s32 $0x7530, v12;
	v19 =	vld.idx.msk [tilespmem:v34+s4+$0x0], $0xffff  }
0xd6: {  	[tilespmem:v49+s30+$0x0] =	vst.idx.add.f32.msk $0xffff, v16;
	v16 =	vand.u32 $0x3FFF, v45;
	v57 =	vmul.f32 v17, v23  }
0xd7: {  	v40 =	vadd.s32 $0x2710, v10;
	v59 =	vld.idx.msk [tilespmem:v11+s4+$0x0], $0xffff  }
0xd8: {  	v44 =	vadd.s32 $0x2710, v9;
	[tilespmem:v51+s30+$0x0] =	vst.idx.add.f32.msk $0xffff, v57  }
0xd9: {  	v46 =	vadd.s32 $0x4E20, v15;
	v42 =	vld.idx.msk [tilespmem:v3+s18+$0x0], $0xffff  }
0xda: {  	v43 =	vadd.s32 $0x4E20, v14;
	v20 =	vmul.f32 v24, v35;
	v63 =	vld.idx.msk [tilespmem:v12+s4+$0x0], $0xffff  }
0xdb: {  	v18 =	vadd.f32 v39, v37;
	v19 =	vmul.f32 v25, v19;
	v36 =	vld.idx.msk [tilespmem:v16+s18+$0x0], $0xffff  }
0xdc: {  	v2 =	vadd.s32 $0x7530, v2;
	[tilespmem:v40+s30+$0x0] =	vst.idx.add.f32.msk $0xffff, v20  }
0xdd: {  	v47 =	vmul.f32 $2.000000030e-01, v18;
	[tilespmem:v44+s30+$0x0] =	vst.idx.add.f32.msk $0xffff, v19  }
0xde: {  	v20 =	vshrl.u32 v45, $0xE;
	v55 =	vld.idx.msk [tilespmem:v46+s4+$0x0], $0xffff;
	v50 =	vadd.f32 v42, v41  }
0xdf: {  	v8 =	vadd.s32 $0x7530, v8;
	v13 =	vmul.f32 v59, v13;
	v52 =	vld.idx.msk [tilespmem:v43+s4+$0x0], $0xffff;
	v18 =	vmax.f32 v18, v47  }
0xe0: {  	v60 =	vadd.s32 $0x4E20, v9;
	v44 =	vld [tilespmem:s5+$0x40];
	v18 =	vmul.f32 $1.442695020e+00, v18;
	v53 =	vmul.f32 $2.000000030e-01, v50  }
0xe1: {  	v54 =	vadd.s32 $0x4E20, v10;
	v15 =	vadd.s32 $0x7530, v15;
	v61 =	vmul.f32 $2.000000030e-01, v56;
	[tilespmem:v2+s30+$0x0] =	vst.idx.add.f32.msk $0xffff, v13  }
0xe2: {  	v47 =	vld [tilespmem:s5+$0x60];
	v23 =	vmul.f32 v63, v23;
	(erf) = vpow2.f32 v18;
	v58 =	vmax.f32 v50, v53  }
0xe3: {  	v22 =	vshrl.u32 v48, $0xE;
	v35 =	vld.idx.msk [tilespmem:v20+s31+$0x0], $0xffff;
	v41 =	vmul.f32 v55, v25;
	v17 =	vmul.f32 $1.442695020e+00, v58  }
0xe4: {  	v14 =	vadd.s32 $0x7530, v14;
	v40 =	vmax.f32 v56, v61;
	[tilespmem:v8+s30+$0x0] =	vst.idx.add.f32.msk $0xffff, v23  }
0xe5: {  	v62 =	vmul.f32 v52, v24;
	v19 =	vshrl.u32 v44, $0xE;
	[tilespmem:v60+s30+$0x0] =	vst.idx.add.f32.msk $0xffff, v41;
	(erf) = vpow2.f32 v17  }
0xe6: {  	v12 =	vmul.f32 $1.442695020e+00, v40;
	v43 =	vld.idx.msk [tilespmem:v15+s4+$0x0], $0xffff;
	v15 =	vand.u32 $0x3FFF, v44  }
0xe7: {  	[tilespmem:v54+s30+$0x0] =	vst.idx.add.f32.msk $0xffff, v62;
	v21 =	vshrl.u32 v47, $0xE  }
0xe8: {  	v54 =	vld.idx.msk [tilespmem:v22+s31+$0x0], $0xffff;
	(erf) = vpow2.f32 v12  }
0xe9: {  	v42 =	vld.idx.msk [tilespmem:v14+s4+$0x0], $0xffff  }
0xea: {  	v51 =	vld.idx.msk [tilespmem:v19+s31+$0x0], $0xffff  }
0xeb: {  	v34 =	vld.idx.msk [tilespmem:v15+s18+$0x0], $0xffff  }
0xec: {  	v17 =	vand.u32 $0x3FFF, v47;
	v37 =	vld.idx.msk [tilespmem:v21+s31+$0x0], $0xffff;
	v11 =	vpop (erf)  }
0xed: {  	[tilespmem:v1+s2+$0x0] =	vst.idx.add.f32.msk $0xffff, v11  }
0xee: {  	v46 =	vld.idx.msk [tilespmem:v5+s4+$0x0], $0xffff;
	v12 =	vpop (erf)  }
0xef: {  	v18 =	vand.u32 $0x3FFF, v48;
	[tilespmem:v3+s2+$0x0] =	vst.idx.add.f32.msk $0xffff, v12  }
0xf0: {  	v33 =	vadd.f32 v34, v51;
	v49 =	vld.idx.msk [tilespmem:v6+s4+$0x0], $0xffff  }
0xf1: {  	v53 =	vadd.s32 $0x2710, v5;
	v52 =	vld.idx.msk [tilespmem:v17+s18+$0x0], $0xffff;
	v14 =	vpop (erf)  }
0xf2: {  	[tilespmem:v4+s2+$0x0] =	vst.idx.add.f32.msk $0xffff, v14;
	v58 =	vmul.f32 $2.000000030e-01, v33  }
0xf3: {  	v2 =	vadd.s32 $0x2710, v6;
	v50 =	vld.idx.msk [tilespmem:v7+s4+$0x0], $0xffff;
	v55 =	vmul.f32 v11, v46  }
0xf4: {  	v10 =	vadd.s32 $0x7530, v10;
	v57 =	vadd.f32 v36, v35;
	v56 =	vld.idx.msk [tilespmem:v18+s18+$0x0], $0xffff;
	v62 =	vmax.f32 v33, v58  }
0xf5: {  	[tilespmem:v1+s30+$0x0] =	vst.idx.add.f32.msk $0xffff, v55;
	v27 =	vmul.f32 $1.442695020e+00, v62;
	v60 =	vmul.f32 v12, v49  }
0xf6: {  	v38 =	vadd.s32 $0x4E20, v5;
	v61 =	vadd.s32 $0x2710, v7;
	v63 =	vmul.f32 $2.000000030e-01, v57;
	v26 =	vld.idx.msk [tilespmem:v53+s4+$0x0], $0xffff  }
0xf7: {  	v9 =	vadd.s32 $0x7530, v9;
	v24 =	vmul.f32 v42, v24;
	(erf) = vpow2.f32 v27;
	[tilespmem:v3+s30+$0x0] =	vst.idx.add.f32.msk $0xffff, v60  }
0xf8: {  	v28 =	vadd.f32 v52, v37;
	v37 =	vadd.s32 $0x2710, v1;
	v33 =	vmul.f32 v14, v50;
	v2 =	vld.idx.msk [tilespmem:v2+s4+$0x0], $0xffff  }
0xf9: {  	v40 =	vadd.s32 $0x2710, v3;
	v13 =	vmax.f32 v57, v63;
	v59 =	vmul.f32 v43, v25;
	[tilespmem:v10+s30+$0x0] =	vst.idx.add.f32.msk $0xffff, v24  }
0xfa: {  	v13 =	vmul.f32 $1.442695020e+00, v13;
	v36 =	vadd.f32 v56, v54;
	v35 =	vmul.f32 $2.000000030e-01, v28;
	[tilespmem:v4+s30+$0x0] =	vst.idx.add.f32.msk $0xffff, v33  }
0xfb: {  	v43 =	vadd.s32 $0x4E20, v6;
	v25 =	vld.idx.msk [tilespmem:v61+s4+$0x0], $0xffff;
	v42 =	vmul.f32 v11, v26  }
0xfc: {  	[tilespmem:v9+s30+$0x0] =	vst.idx.add.f32.msk $0xffff, v59;
	v39 =	vmul.f32 $2.000000030e-01, v36;
	v23 =	vmax.f32 v28, v35;
	(erf) = vpow2.f32 v13  }
0xfd: {  	v45 =	vadd.s32 $0x2710, v4;
	v41 =	vmul.f32 $1.442695020e+00, v23;
	[tilespmem:v37+s30+$0x0] =	vst.idx.add.f32.msk $0xffff, v42;
	v2 =	vmul.f32 v12, v2  }
0xfe: {  	v44 =	vmax.f32 v36, v39;
	v10 =	vld.idx.msk [tilespmem:v38+s4+$0x0], $0xffff  }
0xff: {  	v57 =	vadd.s32 $0x4E20, v7;
	v46 =	vmul.f32 $1.442695020e+00, v44;
	(erf) = vpow2.f32 v41;
	[tilespmem:v40+s30+$0x0] =	vst.idx.add.f32.msk $0xffff, v2  }
0x100: {  	v41 =	vadd.s32 $0x4E20, v1;
	v2 =	vmul.f32 v14, v25;
	v13 =	vpop (erf);
	v9 =	vld.idx.msk [tilespmem:v43+s4+$0x0], $0xffff  }
0x101: {  	(erf) = vpow2.f32 v46;
	[tilespmem:v15+s2+$0x0] =	vst.idx.add.f32.msk $0xffff, v13  }
0x102: {  	v5 =	vadd.s32 $0x7530, v5;
	[tilespmem:v45+s30+$0x0] =	vst.idx.add.f32.msk $0xffff, v2  }
0x103: {  	v47 =	vld.idx.msk [tilespmem:v19+s4+$0x0], $0xffff;
	v10 =	vmul.f32 v10, v11  }
0x104: {  	v30 =	vld.idx.msk [tilespmem:v57+s4+$0x0], $0xffff  }
0x105: {  	v2 =	vpop (erf);
	[tilespmem:v41+s30+$0x0] =	vst.idx.add.f32.msk $0xffff, v10  }
0x106: {  	[tilespmem:v16+s2+$0x0] =	vst.idx.add.f32.msk $0xffff, v2  }
0x107: {  	v5 =	vld.idx.msk [tilespmem:v5+s4+$0x0], $0xffff  }
0x108: {  	v43 =	vadd.s32 $0x4E20, v3;
	v23 =	vpop (erf);
	v48 =	vld.idx.msk [tilespmem:v20+s4+$0x0], $0xffff  }
0x109: {  	[tilespmem:v17+s2+$0x0] =	vst.idx.add.f32.msk $0xffff, v23  }
0x10a: {  	v49 =	vadd.s32 $0x2710, v19;
	v27 =	vpop (erf);
	v50 =	vld.idx.msk [tilespmem:v21+s4+$0x0], $0xffff  }
0x10b: {  	v9 =	vmul.f32 v9, v12;
	[tilespmem:v18+s2+$0x0] =	vst.idx.add.f32.msk $0xffff, v27  }
0x10c: {  	v51 =	vadd.s32 $0x2710, v20;
	v8 =	vmul.f32 v13, v47;
	v52 =	vld.idx.msk [tilespmem:v22+s4+$0x0], $0xffff  }
0x10d: {  	[tilespmem:v43+s30+$0x0] =	vst.idx.add.f32.msk $0xffff, v9  }
0x10e: {  	v54 =	vadd.s32 $0x2710, v21;
	[tilespmem:v15+s30+$0x0] =	vst.idx.add.f32.msk $0xffff, v8;
	v53 =	vmul.f32 v2, v48  }
0x10f: {  	v25 =	vld.idx.msk [tilespmem:v49+s4+$0x0], $0xffff  }
0x110: {  	v56 =	vadd.s32 $0x2710, v22;
	v55 =	vmul.f32 v23, v50;
	[tilespmem:v16+s30+$0x0] =	vst.idx.add.f32.msk $0xffff, v53  }
0x111: {  	v6 =	vadd.s32 $0x7530, v6;
	v28 =	vld.idx.msk [tilespmem:v51+s4+$0x0], $0xffff  }
0x112: {  	v58 =	vadd.s32 $0x2710, v15;
	v59 =	vmul.f32 v27, v52;
	[tilespmem:v17+s30+$0x0] =	vst.idx.add.f32.msk $0xffff, v55  }
0x113: {  	v60 =	vadd.s32 $0x4E20, v19;
	v24 =	vld.idx.msk [tilespmem:v54+s4+$0x0], $0xffff  }
0x114: {  	v61 =	vadd.s32 $0x2710, v16;
	[tilespmem:v18+s30+$0x0] =	vst.idx.add.f32.msk $0xffff, v59  }
0x115: {  	v63 =	vadd.s32 $0x2710, v17;
	v62 =	vmul.f32 v13, v25;
	v26 =	vld.idx.msk [tilespmem:v56+s4+$0x0], $0xffff  }
0x116: {  	v36 =	vadd.s32 $0x4E20, v20;
	v6 =	vld.idx.msk [tilespmem:v6+s4+$0x0], $0xffff  }
0x117: {  	v38 =	vadd.s32 $0x2710, v18;
	[tilespmem:v58+s30+$0x0] =	vst.idx.add.f32.msk $0xffff, v62;
	v37 =	vmul.f32 v2, v28  }
0x118: {  	v39 =	vadd.s32 $0x4E20, v21;
	v29 =	vld.idx.msk [tilespmem:v60+s4+$0x0], $0xffff;
	v24 =	vmul.f32 v23, v24  }
0x119: {  	v40 =	vadd.s32 $0x4E20, v22;
	[tilespmem:v61+s30+$0x0] =	vst.idx.add.f32.msk $0xffff, v37  }
0x11a: {  	v45 =	vadd.s32 $0x4E20, v4;
	v42 =	vmul.f32 v27, v26;
	[tilespmem:v63+s30+$0x0] =	vst.idx.add.f32.msk $0xffff, v24  }
0x11b: {  	v7 =	vadd.s32 $0x7530, v7;
	v44 =	vld.idx.msk [tilespmem:v36+s4+$0x0], $0xffff  }
0x11c: {  	v46 =	vadd.s32 $0x4E20, v15;
	[tilespmem:v38+s30+$0x0] =	vst.idx.add.f32.msk $0xffff, v42  }
0x11d: {  	v49 =	vmul.f32 v30, v14;
	v55 =	vadd.s32 $0x7530, v19;
	v47 =	vld.idx.msk [tilespmem:v39+s4+$0x0], $0xffff  }
0x11e: {  	v48 =	vadd.s32 $0x4E20, v16;
	v8 =	vld.idx.msk [tilespmem:v40+s4+$0x0], $0xffff  }
0x11f: {  	v50 =	vadd.s32 $0x4E20, v17;
	[tilespmem:v45+s30+$0x0] =	vst.idx.add.f32.msk $0xffff, v49;
	v51 =	vmul.f32 v29, v13  }
0x120: {  	v52 =	vadd.s32 $0x4E20, v18;
	v7 =	vld.idx.msk [tilespmem:v7+s4+$0x0], $0xffff  }
0x121: {  	v56 =	vadd.s32 $0x7530, v20;
	[tilespmem:v46+s30+$0x0] =	vst.idx.add.f32.msk $0xffff, v51;
	v53 =	vmul.f32 v44, v2  }
0x122: {  	v57 =	vadd.s32 $0x7530, v21;
	v9 =	vld.idx.msk [tilespmem:v55+s4+$0x0], $0xffff;
	v54 =	vmul.f32 v47, v23  }
0x123: {  	v58 =	vadd.s32 $0x7530, v22;
	[tilespmem:v48+s30+$0x0] =	vst.idx.add.f32.msk $0xffff, v53;
	v8 =	vmul.f32 v8, v27  }
0x124: {  	v1 =	vadd.s32 $0x7530, v1;
	[tilespmem:v50+s30+$0x0] =	vst.idx.add.f32.msk $0xffff, v54  }
0x125: {  	v3 =	vadd.s32 $0x7530, v3;
	[tilespmem:v52+s30+$0x0] =	vst.idx.add.f32.msk $0xffff, v8  }
0x126: {  	v4 =	vadd.s32 $0x7530, v4;
	v8 =	vld.idx.msk [tilespmem:v56+s4+$0x0], $0xffff  }
0x127: {  	v5 =	vmul.f32 v5, v11;
	v59 =	vadd.s32 $0x7530, v15;
	v10 =	vld.idx.msk [tilespmem:v57+s4+$0x0], $0xffff  }
0x128: {  	v6 =	vmul.f32 v6, v12;
	v60 =	vadd.s32 $0x7530, v16;
	v61 =	vld.idx.msk [tilespmem:v58+s4+$0x0], $0xffff  }
0x129: {  	s9 =	sadd.s32 $0x10, s9;
	[tilespmem:v1+s30+$0x0] =	vst.idx.add.f32.msk $0xffff, v5;
	v62 =	vadd.s32 $0x7530, v17;
	v1 =	vmul.f32 v7, v14  }
0x12a: {  	p1 =	slt.u32 s9, $0xE0;
	[tilespmem:v3+s30+$0x0] =	vst.idx.add.f32.msk $0xffff, v6;
	v63 =	vadd.s32 $0x7530, v18;
	v3 =	vmul.f32 v9, v13  }
.Ltmp3:
0x12b: {  	[tilespmem:v4+s30+$0x0] =	vst.idx.add.f32.msk $0xffff, v1;
	v1 =	vmul.f32 v8, v2;
	(pc) =	sbr.rel @p1 .LBB2_9-.Ltmp3, $4  }
0x12c: {  	[tilespmem:v59+s30+$0x0] =	vst.idx.add.f32.msk $0xffff, v3;
	v2 =	vmul.f32 v10, v23  }
0x12d: {  	[tilespmem:v60+s30+$0x0] =	vst.idx.add.f32.msk $0xffff, v1;
	v1 =	vmul.f32 v61, v27  }
0x12e: {  	[tilespmem:v62+s30+$0x0] =	vst.idx.add.f32.msk $0xffff, v2  }
0x12f: {  	s5 =	sadd.s32 $0x100, s5;
	[tilespmem:v63+s30+$0x0] =	vst.idx.add.f32.msk $0xffff, v1  }
.LBB2_10:
0x130: {  	s5 =	sshra.s32 s4, $0x2  }
0x131: {  	v1 =	vld [tilespmem:s5+$0x1BE80];
	_ =	sdelay $0x4  }
0x132: {  	v2 =	vshrl.u32 v1, $0xE  }
0x133: {  	v1 =	vand.u32 $0x3FFF, v1;
	_ =	sdelay $0x3  }
0x134: {  	v3 =	vld.idx.msk [tilespmem:v2+s31+$0x0], $0xffff  }
0x135: {  	v4 =	vld.idx.msk [tilespmem:v1+s18+$0x0], $0xffff;
	_ =	sdelay $0x4  }
0x136: {  	v3 =	vadd.f32 v4, v3;
	_ =	sdelay $0x1  }
0x137: {  	v4 =	vmul.f32 $2.000000030e-01, v3;
	_ =	sdelay $0x1  }
0x138: {  	v3 =	vmax.f32 v3, v4  }
0x139: {  	v3 =	vmul.f32 $1.442695020e+00, v3;
	_ =	sdelay $0x1  }
0x13a: {  	(erf) = vpow2.f32 v3;
	_ =	sdelay $0x8  }
0x13b: {  	v3 =	vpop (erf)  }
0x13c: {  	[tilespmem:v1+s2+$0x0] =	vst.idx.add.f32.msk $0xffff, v3  }
0x13d: {  	v61 =	vld.idx.msk [tilespmem:v2+s0+$0x0], $0xffff;
	_ =	sdelay $0x2  }
0x13e: {  	v5 =	vadd.s32 $0x2710, v2;
	_ =	sdelay $0x1  }
0x13f: {  	v4 =	vmul.f32 v3, v61;
	_ =	sdelay $0x1  }
0x140: {  	[tilespmem:v1+s30+$0x0] =	vst.idx.add.f32.msk $0xffff, v4  }
0x141: {  	v4 =	vld.idx.msk [tilespmem:v5+s0+$0x0], $0xffff;
	_ =	sdelay $0x1  }
0x142: {  	v62 =	vadd.s32 $0x2710, v1  }
0x143: {  	v6 =	vadd.s32 $0x4E20, v2;
	_ =	sdelay $0x1  }
0x144: {  	v4 =	vmul.f32 v3, v4;
	_ =	sdelay $0x1  }
0x145: {  	[tilespmem:v62+s30+$0x0] =	vst.idx.add.f32.msk $0xffff, v4  }
0x146: {  	v4 =	vld.idx.msk [tilespmem:v6+s0+$0x0], $0xffff;
	_ =	sdelay $0x1  }
0x147: {  	v63 =	vadd.s32 $0x4E20, v1  }
0x148: {  	v2 =	vadd.s32 $0x7530, v2;
	_ =	sdelay $0x1  }
0x149: {  	v4 =	vmul.f32 v4, v3;
	_ =	sdelay $0x1  }
0x14a: {  	[tilespmem:v63+s30+$0x0] =	vst.idx.add.f32.msk $0xffff, v4  }
0x14b: {  	v2 =	vld.idx.msk [tilespmem:v2+s0+$0x0], $0xffff;
	_ =	sdelay $0x1  }
0x14c: {  	p1 =	sne.s32 s4, $0x240;
	v1 =	vadd.s32 $0x7530, v1  }
.Ltmp4:
0x14d: {  	_ = 	snop;
	(pc) =	sbr.rel @p1 .LBB2_10-.Ltmp4, $3  }
0x14e: {  	_ = 	snop  }
0x14f: {  	v2 =	vmul.f32 v2, v3;
	_ =	sdelay $0x1  }
0x150: {  	s4 =	sadd.s32 $0x40, s4;
	[tilespmem:v1+s30+$0x0] =	vst.idx.add.f32.msk $0xffff, v2  }
0x151: {  	s4 =	sshll.u32 s8, $0x1  }
0x152: {  	s4 =	smin.u32 s4, $0x4D  }
0x153: {  	s4 =	smul.u32 $0xFA0, s4;
	_ =	sdelay $0x1  }
0x154: {  	_ =	swait.ge [sflag:s3], $0xFA0;
	s4 =	sshrl.u32 s4, $0x3  }
0x155: {  	s9 =	simm.s32 $0xFFFFFFF0;
	[sflag:s3] =	ssyncset.done $0x0;
	s4 =	sadd.s32 s24, s4  }
0x156: {  	s5 =	simm.s32 $0x1C010;
	[sflag:s3] =	ssyncadd.s32 $0xFFFFF060;
	s4 =	sadd.s32 $0x3E8, s4  }
0x157: {  	[tilespmem:s1], [sflag:$0x1] =	stream.linear.gather [hbm4b:s4+s0], $0xFA0, $0x38;
	[tilespmem:$0x1CF00] =	vst v63  }
.LBB2_12:
0x158: {  	v1 =	vld [tilespmem:s5+$0xFFFFFF10];
	_ =	sdelay $0x4  }
0x159: {  	v2 =	vshrl.u32 v1, $0xE  }
0x15a: {  	v1 =	vand.u32 $0x3FFF, v1;
	_ =	sdelay $0x3  }
0x15b: {  	v3 =	vld.idx.msk [tilespmem:v2+s31+$0x0], $0xffff  }
0x15c: {  	v4 =	vld.idx.msk [tilespmem:v1+s18+$0x0], $0xffff;
	_ =	sdelay $0x4  }
0x15d: {  	v3 =	vadd.f32 v4, v3;
	_ =	sdelay $0x1  }
0x15e: {  	v4 =	vmul.f32 $2.000000030e-01, v3;
	_ =	sdelay $0x1  }
0x15f: {  	v3 =	vmax.f32 v3, v4  }
0x160: {  	v3 =	vmul.f32 $1.442695020e+00, v3  }
0x161: {  	v5 =	vld [tilespmem:s5+$0xFFFFFF30]  }
0x162: {  	(erf) = vpow2.f32 v3;
	v3 =	vld [tilespmem:s5+$0xFFFFFF20];
	_ =	sdelay $0x3  }
0x163: {  	v13 =	vshrl.u32 v5, $0xE  }
0x164: {  	v9 =	vshrl.u32 v3, $0xE  }
0x165: {  	v4 =	vand.u32 $0x3FFF, v3  }
0x166: {  	v5 =	vand.u32 $0x3FFF, v5  }
0x167: {  	v11 =	vld [tilespmem:s5+$0xFFFFFF40]  }
0x168: {  	v10 =	vld.idx.msk [tilespmem:v13+s31+$0x0], $0xffff  }
0x169: {  	v7 =	vld.idx.msk [tilespmem:v9+s31+$0x0], $0xffff  }
0x16a: {  	v8 =	vld.idx.msk [tilespmem:v4+s18+$0x0], $0xffff  }
0x16b: {  	v12 =	vld.idx.msk [tilespmem:v5+s18+$0x0], $0xffff;
	v3 =	vpop (erf)  }
0x16c: {  	s4 =	simm.s32 $0x0;
	[tilespmem:v1+s2+$0x0] =	vst.idx.add.f32.msk $0xffff, v3  }
0x16d: {  	v6 =	vld.idx.msk [tilespmem:v2+s4+$0x0], $0xffff  }
0x16e: {  	v14 =	vld [tilespmem:s5+$0xFFFFFF50]  }
0x16f: {  	v7 =	vadd.f32 v8, v7  }
0x170: {  	v15 =	vadd.s32 $0x2710, v2  }
0x171: {  	v18 =	vshrl.u32 v11, $0xE;
	v10 =	vadd.f32 v12, v10;
	v16 =	vmul.f32 $2.000000030e-01, v7  }
0x172: {  	v32 =	vmul.f32 v3, v6;
	v6 =	vand.u32 $0x3FFF, v11  }
0x173: {  	v19 =	vshrl.u32 v14, $0xE;
	v34 =	vmul.f32 $2.000000030e-01, v10;
	v33 =	vmax.f32 v7, v16  }
0x174: {  	[tilespmem:v1+s30+$0x0] =	vst.idx.add.f32.msk $0xffff, v32;
	v7 =	vand.u32 $0x3FFF, v14;
	v8 =	vmul.f32 $1.442695020e+00, v33  }
0x175: {  	v10 =	vmax.f32 v10, v34;
	v35 =	vld.idx.msk [tilespmem:v15+s4+$0x0], $0xffff  }
0x176: {  	v36 =	vld.idx.msk [tilespmem:v18+s31+$0x0], $0xffff;
	v37 =	vmul.f32 $1.442695020e+00, v10;
	(erf) = vpow2.f32 v8  }
0x177: {  	v40 =	vadd.s32 $0x2710, v1;
	v38 =	vld.idx.msk [tilespmem:v6+s18+$0x0], $0xffff  }
0x178: {  	v42 =	vadd.s32 $0x4E20, v2;
	v39 =	vld.idx.msk [tilespmem:v19+s31+$0x0], $0xffff;
	(erf) = vpow2.f32 v37  }
0x179: {  	v41 =	vld.idx.msk [tilespmem:v7+s18+$0x0], $0xffff  }
0x17a: {  	v51 =	vld [tilespmem:s5+$0xFFFFFF60];
	v12 =	vmul.f32 v3, v35  }
0x17b: {  	v27 =	vld [tilespmem:s5+$0xFFFFFF70]  }
0x17c: {  	v10 =	vadd.f32 v38, v36;
	[tilespmem:v40+s30+$0x0] =	vst.idx.add.f32.msk $0xffff, v12  }
0x17d: {  	v12 =	vld.idx.msk [tilespmem:v42+s4+$0x0], $0xffff  }
0x17e: {  	v63 =	vld [tilespmem:s5+$0xFFFFFF80];
	v11 =	vmul.f32 $2.000000030e-01, v10;
	v8 =	vadd.f32 v41, v39  }
0x17f: {  	v44 =	vadd.s32 $0x4E20, v1;
	v32 =	vld [tilespmem:s5+$0xFFFFFF90];
	v16 =	vpop (erf)  }
0x180: {  	v2 =	vadd.s32 $0x7530, v2;
	v10 =	vmax.f32 v10, v11;
	v43 =	vmul.f32 $2.000000030e-01, v8;
	[tilespmem:v4+s2+$0x0] =	vst.idx.add.f32.msk $0xffff, v16  }
0x181: {  	v11 =	vshrl.u32 v51, $0xE;
	v10 =	vmul.f32 $1.442695020e+00, v10;
	v17 =	vpop (erf);
	v45 =	vld.idx.msk [tilespmem:v9+s4+$0x0], $0xffff  }
0x182: {  	v46 =	vmul.f32 v12, v3;
	v12 =	vshrl.u32 v27, $0xE;
	v8 =	vmax.f32 v8, v43;
	[tilespmem:v5+s2+$0x0] =	vst.idx.add.f32.msk $0xffff, v17  }
0x183: {  	(erf) = vpow2.f32 v10;
	v8 =	vmul.f32 $1.442695020e+00, v8;
	v47 =	vld.idx.msk [tilespmem:v13+s4+$0x0], $0xffff  }
0x184: {  	v48 =	vadd.s32 $0x2710, v9;
	[tilespmem:v44+s30+$0x0] =	vst.idx.add.f32.msk $0xffff, v46  }
0x185: {  	v20 =	vld.idx.msk [tilespmem:v2+s4+$0x0], $0xffff;
	(erf) = vpow2.f32 v8  }
0x186: {  	v50 =	vadd.s32 $0x2710, v13;
	v25 =	vld.idx.msk [tilespmem:v11+s31+$0x0], $0xffff;
	v49 =	vmul.f32 v16, v45  }
0x187: {  	v1 =	vadd.s32 $0x7530, v1;
	v61 =	vld.idx.msk [tilespmem:v12+s31+$0x0], $0xffff  }
0x188: {  	v2 =	vmul.f32 v17, v47;
	[tilespmem:v4+s30+$0x0] =	vst.idx.add.f32.msk $0xffff, v49  }
0x189: {  	v8 =	vld.idx.msk [tilespmem:v48+s4+$0x0], $0xffff  }
0x18a: {  	v3 =	vmul.f32 v20, v3;
	[tilespmem:v5+s30+$0x0] =	vst.idx.add.f32.msk $0xffff, v2  }
0x18b: {  	v2 =	vand.u32 $0x3FFF, v51;
	v10 =	vld.idx.msk [tilespmem:v50+s4+$0x0], $0xffff  }
0x18c: {  	v21 =	vpop (erf);
	[tilespmem:v1+s30+$0x0] =	vst.idx.add.f32.msk $0xffff, v3  }
0x18d: {  	v53 =	vadd.s32 $0x2710, v4;
	[tilespmem:v6+s2+$0x0] =	vst.idx.add.f32.msk $0xffff, v21  }
0x18e: {  	v54 =	vadd.s32 $0x4E20, v9;
	v52 =	vld.idx.msk [tilespmem:v18+s4+$0x0], $0xffff;
	v22 =	vpop (erf)  }
0x18f: {  	v24 =	vadd.s32 $0x2710, v5;
	[tilespmem:v7+s2+$0x0] =	vst.idx.add.f32.msk $0xffff, v22  }
0x190: {  	v26 =	vadd.s32 $0x4E20, v13;
	v8 =	vmul.f32 v16, v8;
	v28 =	vld.idx.msk [tilespmem:v2+s18+$0x0], $0xffff  }
0x191: {  	v23 =	vld.idx.msk [tilespmem:v19+s4+$0x0], $0xffff  }
0x192: {  	v56 =	vadd.s32 $0x2710, v18;
	v55 =	vmul.f32 v17, v10;
	[tilespmem:v53+s30+$0x0] =	vst.idx.add.f32.msk $0xffff, v8  }
0x193: {  	v8 =	vand.u32 $0x3FFF, v27;
	v14 =	vld.idx.msk [tilespmem:v54+s4+$0x0], $0xffff  }
0x194: {  	[tilespmem:v24+s30+$0x0] =	vst.idx.add.f32.msk $0xffff, v55;
	v57 =	vmul.f32 v21, v52  }
0x195: {  	v58 =	vadd.s32 $0x2710, v19;
	v24 =	vld.idx.msk [tilespmem:v26+s4+$0x0], $0xffff  }
0x196: {  	[tilespmem:v6+s30+$0x0] =	vst.idx.add.f32.msk $0xffff, v57  }
0x197: {  	v59 =	vadd.s32 $0x4E20, v4;
	v25 =	vadd.f32 v28, v25;
	v23 =	vmul.f32 v22, v23;
	v10 =	vld.idx.msk [tilespmem:v56+s4+$0x0], $0xffff  }
0x198: {  	v9 =	vadd.s32 $0x7530, v9;
	v30 =	vld.idx.msk [tilespmem:v8+s18+$0x0], $0xffff  }
0x199: {  	v62 =	vadd.s32 $0x4E20, v5;
	v60 =	vmul.f32 $2.000000030e-01, v25;
	[tilespmem:v7+s30+$0x0] =	vst.idx.add.f32.msk $0xffff, v23  }
0x19a: {  	v44 =	vadd.s32 $0x7530, v13;
	v14 =	vmul.f32 v14, v16;
	v15 =	vld.idx.msk [tilespmem:v58+s4+$0x0], $0xffff  }
0x19b: {  	v23 =	vmax.f32 v25, v60;
	v60 =	vld [tilespmem:s5+$0xFFFFFFA0]  }
0x19c: {  	v29 =	vadd.s32 $0x2710, v6;
	v37 =	vmul.f32 v24, v17;
	[tilespmem:v59+s30+$0x0] =	vst.idx.add.f32.msk $0xffff, v14  }
0x19d: {  	v36 =	vadd.s32 $0x4E20, v18;
	v31 =	vld.idx.msk [tilespmem:v9+s4+$0x0], $0xffff  }
0x19e: {  	v14 =	vshrl.u32 v63, $0xE;
	[tilespmem:v62+s30+$0x0] =	vst.idx.add.f32.msk $0xffff, v37  }
0x19f: {  	v38 =	vadd.s32 $0x2710, v7;
	v23 =	vmul.f32 $1.442695020e+00, v23;
	v10 =	vmul.f32 v21, v10;
	v27 =	vld.idx.msk [tilespmem:v44+s4+$0x0], $0xffff  }
0x1a0: {  	v9 =	vand.u32 $0x3FFF, v32;
	v25 =	vadd.f32 v30, v61;
	v30 =	vld [tilespmem:s5+$0xFFFFFFB0]  }
0x1a1: {  	v39 =	vadd.s32 $0x4E20, v19;
	(erf) = vpow2.f32 v23;
	[tilespmem:v29+s30+$0x0] =	vst.idx.add.f32.msk $0xffff, v10  }
0x1a2: {  	v10 =	vand.u32 $0x3FFF, v63;
	v40 =	vmul.f32 v22, v15;
	v26 =	vld.idx.msk [tilespmem:v36+s4+$0x0], $0xffff  }
0x1a3: {  	v4 =	vadd.s32 $0x7530, v4;
	v41 =	vmul.f32 $2.000000030e-01, v25;
	v43 =	vld.idx.msk [tilespmem:v14+s31+$0x0], $0xffff  }
0x1a4: {  	v15 =	vshrl.u32 v32, $0xE;
	[tilespmem:v38+s30+$0x0] =	vst.idx.add.f32.msk $0xffff, v40  }
0x1a5: {  	v45 =	vadd.s32 $0x4E20, v6;
	v42 =	vmax.f32 v25, v41;
	v33 =	vld.idx.msk [tilespmem:v9+s18+$0x0], $0xffff  }
0x1a6: {  	v16 =	vmul.f32 v31, v16;
	v23 =	vld.idx.msk [tilespmem:v39+s4+$0x0], $0xffff;
	v24 =	vmul.f32 $1.442695020e+00, v42  }
0x1a7: {  	v18 =	vadd.s32 $0x7530, v18;
	v28 =	vld.idx.msk [tilespmem:v10+s18+$0x0], $0xffff  }
0x1a8: {  	[tilespmem:v4+s30+$0x0] =	vst.idx.add.f32.msk $0xffff, v16;
	(erf) = vpow2.f32 v24;
	v26 =	vmul.f32 v26, v21  }
0x1a9: {  	v47 =	vadd.s32 $0x4E20, v7;
	v48 =	vld.idx.msk [tilespmem:v15+s31+$0x0], $0xffff  }
0x1aa: {  	v13 =	vpop (erf);
	[tilespmem:v45+s30+$0x0] =	vst.idx.add.f32.msk $0xffff, v26  }
0x1ab: {  	v19 =	vadd.s32 $0x7530, v19;
	[tilespmem:v2+s2+$0x0] =	vst.idx.add.f32.msk $0xffff, v13  }
0x1ac: {  	v5 =	vadd.s32 $0x7530, v5;
	v23 =	vmul.f32 v23, v22;
	v18 =	vld.idx.msk [tilespmem:v18+s4+$0x0], $0xffff  }
0x1ad: {  	v46 =	vld.idx.msk [tilespmem:v11+s4+$0x0], $0xffff  }
0x1ae: {  	v6 =	vadd.s32 $0x7530, v6;
	v25 =	vadd.f32 v28, v43;
	[tilespmem:v47+s30+$0x0] =	vst.idx.add.f32.msk $0xffff, v23  }
0x1af: {  	v1 =	vmul.f32 v27, v17;
	v52 =	vadd.f32 v33, v48;
	v33 =	vld [tilespmem:s5+$0xFFFFFFC0]  }
0x1b0: {  	v28 =	vmul.f32 $2.000000030e-01, v25;
	v19 =	vld.idx.msk [tilespmem:v19+s4+$0x0], $0xffff  }
0x1b1: {  	v49 =	vadd.s32 $0x2710, v11;
	[tilespmem:v5+s30+$0x0] =	vst.idx.add.f32.msk $0xffff, v1;
	v53 =	vmul.f32 $2.000000030e-01, v52;
	v57 =	vmul.f32 v18, v21;
	v23 =	vpop (erf)  }
0x1b2: {  	v7 =	vadd.s32 $0x7530, v7;
	v5 =	vshrl.u32 v60, $0xE;
	v51 =	vmax.f32 v25, v28;
	[tilespmem:v8+s2+$0x0] =	vst.idx.add.f32.msk $0xffff, v23  }
0x1b3: {  	v50 =	vmul.f32 v13, v46;
	v24 =	vmul.f32 $1.442695020e+00, v51;
	v55 =	vmax.f32 v52, v53;
	[tilespmem:v6+s30+$0x0] =	vst.idx.add.f32.msk $0xffff, v57  }
0x1b4: {  	v56 =	vmul.f32 $1.442695020e+00, v55;
	v6 =	vshrl.u32 v30, $0xE;
	v54 =	vld.idx.msk [tilespmem:v12+s4+$0x0], $0xffff  }
0x1b5: {  	v4 =	vand.u32 $0x3FFF, v33;
	[tilespmem:v2+s30+$0x0] =	vst.idx.add.f32.msk $0xffff, v50;
	(erf) = vpow2.f32 v24;
	v1 =	vmul.f32 v19, v22  }
0x1b6: {  	v26 =	vld.idx.msk [tilespmem:v49+s4+$0x0], $0xffff  }
0x1b7: {  	(erf) = vpow2.f32 v56;
	[tilespmem:v7+s30+$0x0] =	vst.idx.add.f32.msk $0xffff, v1;
	v7 =	vshrl.u32 v33, $0xE  }
0x1b8: {  	v3 =	vadd.s32 $0x2710, v2;
	v37 =	vld.idx.msk [tilespmem:v5+s31+$0x0], $0xffff  }
0x1b9: {  	v58 =	vadd.s32 $0x2710, v12;
	v41 =	vld.idx.msk [tilespmem:v6+s31+$0x0], $0xffff;
	v1 =	vmul.f32 v23, v54  }
0x1ba: {  	v48 =	vld.idx.msk [tilespmem:v4+s18+$0x0], $0xffff  }
0x1bb: {  	v59 =	vmul.f32 v13, v26;
	[tilespmem:v8+s30+$0x0] =	vst.idx.add.f32.msk $0xffff, v1  }
0x1bc: {  	v45 =	vld.idx.msk [tilespmem:v7+s31+$0x0], $0xffff  }
0x1bd: {  	[tilespmem:v3+s30+$0x0] =	vst.idx.add.f32.msk $0xffff, v59  }
0x1be: {  	v1 =	vld.idx.msk [tilespmem:v58+s4+$0x0], $0xffff;
	v24 =	vpop (erf)  }
0x1bf: {  	v3 =	vadd.s32 $0x4E20, v11;
	[tilespmem:v10+s2+$0x0] =	vst.idx.add.f32.msk $0xffff, v24  }
0x1c0: {  	v25 =	vpop (erf);
	v62 =	vld.idx.msk [tilespmem:v14+s4+$0x0], $0xffff  }
0x1c1: {  	v61 =	vadd.s32 $0x2710, v8;
	[tilespmem:v9+s2+$0x0] =	vst.idx.add.f32.msk $0xffff, v25  }
0x1c2: {  	v38 =	vadd.s32 $0x4E20, v12;
	v31 =	vld.idx.msk [tilespmem:v15+s4+$0x0], $0xffff  }
0x1c3: {  	v56 =	vadd.f32 v48, v45;
	v45 =	vld [tilespmem:s5+$0xFFFFFFE0]  }
0x1c4: {  	v63 =	vld.idx.msk [tilespmem:v3+s4+$0x0], $0xffff;
	v1 =	vmul.f32 v23, v1;
	v3 =	vadd.s32 $0x2710, v14  }
0x1c5: {  	v48 =	vld [tilespmem:s5+$0x0]  }
0x1c6: {  	[tilespmem:v61+s30+$0x0] =	vst.idx.add.f32.msk $0xffff, v1;
	v1 =	vand.u32 $0x3FFF, v60;
	v32 =	vmul.f32 v24, v62  }
0x1c7: {  	v34 =	vadd.s32 $0x2710, v15;
	v17 =	vld.idx.msk [tilespmem:v38+s4+$0x0], $0xffff  }
0x1c8: {  	v49 =	vadd.s32 $0x4E20, v2;
	v36 =	vmul.f32 v25, v31;
	[tilespmem:v10+s30+$0x0] =	vst.idx.add.f32.msk $0xffff, v32  }
0x1c9: {  	v11 =	vadd.s32 $0x7530, v11;
	v35 =	vld.idx.msk [tilespmem:v3+s4+$0x0], $0xffff  }
0x1ca: {  	v51 =	vadd.s32 $0x4E20, v8;
	[tilespmem:v9+s30+$0x0] =	vst.idx.add.f32.msk $0xffff, v36  }
0x1cb: {  	v16 =	vmul.f32 v63, v13;
	v3 =	vand.u32 $0x3FFF, v30;
	v39 =	vld.idx.msk [tilespmem:v1+s18+$0x0], $0xffff  }
0x1cc: {  	v12 =	vadd.s32 $0x7530, v12;
	v19 =	vld.idx.msk [tilespmem:v34+s4+$0x0], $0xffff  }
0x1cd: {  	[tilespmem:v49+s30+$0x0] =	vst.idx.add.f32.msk $0xffff, v16;
	v16 =	vand.u32 $0x3FFF, v45;
	v57 =	vmul.f32 v17, v23  }
0x1ce: {  	v40 =	vadd.s32 $0x2710, v10;
	v59 =	vld.idx.msk [tilespmem:v11+s4+$0x0], $0xffff  }
0x1cf: {  	v44 =	vadd.s32 $0x2710, v9;
	[tilespmem:v51+s30+$0x0] =	vst.idx.add.f32.msk $0xffff, v57  }
0x1d0: {  	v46 =	vadd.s32 $0x4E20, v15;
	v42 =	vld.idx.msk [tilespmem:v3+s18+$0x0], $0xffff  }
0x1d1: {  	v43 =	vadd.s32 $0x4E20, v14;
	v20 =	vmul.f32 v24, v35;
	v63 =	vld.idx.msk [tilespmem:v12+s4+$0x0], $0xffff  }
0x1d2: {  	v18 =	vadd.f32 v39, v37;
	v19 =	vmul.f32 v25, v19;
	v36 =	vld.idx.msk [tilespmem:v16+s18+$0x0], $0xffff  }
0x1d3: {  	v2 =	vadd.s32 $0x7530, v2;
	[tilespmem:v40+s30+$0x0] =	vst.idx.add.f32.msk $0xffff, v20  }
0x1d4: {  	v47 =	vmul.f32 $2.000000030e-01, v18;
	[tilespmem:v44+s30+$0x0] =	vst.idx.add.f32.msk $0xffff, v19  }
0x1d5: {  	v20 =	vshrl.u32 v45, $0xE;
	v55 =	vld.idx.msk [tilespmem:v46+s4+$0x0], $0xffff;
	v50 =	vadd.f32 v42, v41  }
0x1d6: {  	v8 =	vadd.s32 $0x7530, v8;
	v13 =	vmul.f32 v59, v13;
	v52 =	vld.idx.msk [tilespmem:v43+s4+$0x0], $0xffff;
	v18 =	vmax.f32 v18, v47  }
0x1d7: {  	v60 =	vadd.s32 $0x4E20, v9;
	v44 =	vld [tilespmem:s5+$0xFFFFFFD0];
	v18 =	vmul.f32 $1.442695020e+00, v18;
	v53 =	vmul.f32 $2.000000030e-01, v50  }
0x1d8: {  	v54 =	vadd.s32 $0x4E20, v10;
	v15 =	vadd.s32 $0x7530, v15;
	v61 =	vmul.f32 $2.000000030e-01, v56;
	[tilespmem:v2+s30+$0x0] =	vst.idx.add.f32.msk $0xffff, v13  }
0x1d9: {  	v47 =	vld [tilespmem:s5+$0xFFFFFFF0];
	v23 =	vmul.f32 v63, v23;
	(erf) = vpow2.f32 v18;
	v58 =	vmax.f32 v50, v53  }
0x1da: {  	v22 =	vshrl.u32 v48, $0xE;
	v35 =	vld.idx.msk [tilespmem:v20+s31+$0x0], $0xffff;
	v41 =	vmul.f32 v55, v25;
	v17 =	vmul.f32 $1.442695020e+00, v58  }
0x1db: {  	v14 =	vadd.s32 $0x7530, v14;
	v40 =	vmax.f32 v56, v61;
	[tilespmem:v8+s30+$0x0] =	vst.idx.add.f32.msk $0xffff, v23  }
0x1dc: {  	v62 =	vmul.f32 v52, v24;
	v19 =	vshrl.u32 v44, $0xE;
	[tilespmem:v60+s30+$0x0] =	vst.idx.add.f32.msk $0xffff, v41;
	(erf) = vpow2.f32 v17  }
0x1dd: {  	v12 =	vmul.f32 $1.442695020e+00, v40;
	v43 =	vld.idx.msk [tilespmem:v15+s4+$0x0], $0xffff;
	v15 =	vand.u32 $0x3FFF, v44  }
0x1de: {  	[tilespmem:v54+s30+$0x0] =	vst.idx.add.f32.msk $0xffff, v62;
	v21 =	vshrl.u32 v47, $0xE  }
0x1df: {  	v54 =	vld.idx.msk [tilespmem:v22+s31+$0x0], $0xffff;
	(erf) = vpow2.f32 v12  }
0x1e0: {  	v42 =	vld.idx.msk [tilespmem:v14+s4+$0x0], $0xffff  }
0x1e1: {  	v51 =	vld.idx.msk [tilespmem:v19+s31+$0x0], $0xffff  }
0x1e2: {  	v34 =	vld.idx.msk [tilespmem:v15+s18+$0x0], $0xffff  }
0x1e3: {  	v17 =	vand.u32 $0x3FFF, v47;
	v37 =	vld.idx.msk [tilespmem:v21+s31+$0x0], $0xffff;
	v11 =	vpop (erf)  }
0x1e4: {  	[tilespmem:v1+s2+$0x0] =	vst.idx.add.f32.msk $0xffff, v11  }
0x1e5: {  	v46 =	vld.idx.msk [tilespmem:v5+s4+$0x0], $0xffff;
	v12 =	vpop (erf)  }
0x1e6: {  	v18 =	vand.u32 $0x3FFF, v48;
	[tilespmem:v3+s2+$0x0] =	vst.idx.add.f32.msk $0xffff, v12  }
0x1e7: {  	v33 =	vadd.f32 v34, v51;
	v49 =	vld.idx.msk [tilespmem:v6+s4+$0x0], $0xffff  }
0x1e8: {  	v53 =	vadd.s32 $0x2710, v5;
	v52 =	vld.idx.msk [tilespmem:v17+s18+$0x0], $0xffff;
	v14 =	vpop (erf)  }
0x1e9: {  	[tilespmem:v4+s2+$0x0] =	vst.idx.add.f32.msk $0xffff, v14;
	v58 =	vmul.f32 $2.000000030e-01, v33  }
0x1ea: {  	v2 =	vadd.s32 $0x2710, v6;
	v50 =	vld.idx.msk [tilespmem:v7+s4+$0x0], $0xffff;
	v55 =	vmul.f32 v11, v46  }
0x1eb: {  	v10 =	vadd.s32 $0x7530, v10;
	v57 =	vadd.f32 v36, v35;
	v56 =	vld.idx.msk [tilespmem:v18+s18+$0x0], $0xffff;
	v62 =	vmax.f32 v33, v58  }
0x1ec: {  	[tilespmem:v1+s30+$0x0] =	vst.idx.add.f32.msk $0xffff, v55;
	v27 =	vmul.f32 $1.442695020e+00, v62;
	v60 =	vmul.f32 v12, v49  }
0x1ed: {  	v38 =	vadd.s32 $0x4E20, v5;
	v61 =	vadd.s32 $0x2710, v7;
	v63 =	vmul.f32 $2.000000030e-01, v57;
	v26 =	vld.idx.msk [tilespmem:v53+s4+$0x0], $0xffff  }
0x1ee: {  	v9 =	vadd.s32 $0x7530, v9;
	v24 =	vmul.f32 v42, v24;
	(erf) = vpow2.f32 v27;
	[tilespmem:v3+s30+$0x0] =	vst.idx.add.f32.msk $0xffff, v60  }
0x1ef: {  	v28 =	vadd.f32 v52, v37;
	v37 =	vadd.s32 $0x2710, v1;
	v33 =	vmul.f32 v14, v50;
	v2 =	vld.idx.msk [tilespmem:v2+s4+$0x0], $0xffff  }
0x1f0: {  	v40 =	vadd.s32 $0x2710, v3;
	v13 =	vmax.f32 v57, v63;
	v59 =	vmul.f32 v43, v25;
	[tilespmem:v10+s30+$0x0] =	vst.idx.add.f32.msk $0xffff, v24  }
0x1f1: {  	v13 =	vmul.f32 $1.442695020e+00, v13;
	v36 =	vadd.f32 v56, v54;
	v35 =	vmul.f32 $2.000000030e-01, v28;
	[tilespmem:v4+s30+$0x0] =	vst.idx.add.f32.msk $0xffff, v33  }
0x1f2: {  	v43 =	vadd.s32 $0x4E20, v6;
	v25 =	vld.idx.msk [tilespmem:v61+s4+$0x0], $0xffff;
	v42 =	vmul.f32 v11, v26  }
0x1f3: {  	[tilespmem:v9+s30+$0x0] =	vst.idx.add.f32.msk $0xffff, v59;
	v39 =	vmul.f32 $2.000000030e-01, v36;
	v23 =	vmax.f32 v28, v35;
	(erf) = vpow2.f32 v13  }
0x1f4: {  	v45 =	vadd.s32 $0x2710, v4;
	v41 =	vmul.f32 $1.442695020e+00, v23;
	[tilespmem:v37+s30+$0x0] =	vst.idx.add.f32.msk $0xffff, v42;
	v2 =	vmul.f32 v12, v2  }
0x1f5: {  	v44 =	vmax.f32 v36, v39;
	v10 =	vld.idx.msk [tilespmem:v38+s4+$0x0], $0xffff  }
0x1f6: {  	v57 =	vadd.s32 $0x4E20, v7;
	v46 =	vmul.f32 $1.442695020e+00, v44;
	(erf) = vpow2.f32 v41;
	[tilespmem:v40+s30+$0x0] =	vst.idx.add.f32.msk $0xffff, v2  }
0x1f7: {  	v41 =	vadd.s32 $0x4E20, v1;
	v2 =	vmul.f32 v14, v25;
	v13 =	vpop (erf);
	v9 =	vld.idx.msk [tilespmem:v43+s4+$0x0], $0xffff  }
0x1f8: {  	(erf) = vpow2.f32 v46;
	[tilespmem:v15+s2+$0x0] =	vst.idx.add.f32.msk $0xffff, v13  }
0x1f9: {  	v5 =	vadd.s32 $0x7530, v5;
	[tilespmem:v45+s30+$0x0] =	vst.idx.add.f32.msk $0xffff, v2  }
0x1fa: {  	v47 =	vld.idx.msk [tilespmem:v19+s4+$0x0], $0xffff;
	v10 =	vmul.f32 v10, v11  }
0x1fb: {  	v30 =	vld.idx.msk [tilespmem:v57+s4+$0x0], $0xffff  }
0x1fc: {  	v2 =	vpop (erf);
	[tilespmem:v41+s30+$0x0] =	vst.idx.add.f32.msk $0xffff, v10  }
0x1fd: {  	[tilespmem:v16+s2+$0x0] =	vst.idx.add.f32.msk $0xffff, v2  }
0x1fe: {  	v5 =	vld.idx.msk [tilespmem:v5+s4+$0x0], $0xffff  }
0x1ff: {  	v43 =	vadd.s32 $0x4E20, v3;
	v23 =	vpop (erf);
	v48 =	vld.idx.msk [tilespmem:v20+s4+$0x0], $0xffff  }
0x200: {  	[tilespmem:v17+s2+$0x0] =	vst.idx.add.f32.msk $0xffff, v23  }
0x201: {  	v49 =	vadd.s32 $0x2710, v19;
	v27 =	vpop (erf);
	v50 =	vld.idx.msk [tilespmem:v21+s4+$0x0], $0xffff  }
0x202: {  	v9 =	vmul.f32 v9, v12;
	[tilespmem:v18+s2+$0x0] =	vst.idx.add.f32.msk $0xffff, v27  }
0x203: {  	v51 =	vadd.s32 $0x2710, v20;
	v8 =	vmul.f32 v13, v47;
	v52 =	vld.idx.msk [tilespmem:v22+s4+$0x0], $0xffff  }
0x204: {  	[tilespmem:v43+s30+$0x0] =	vst.idx.add.f32.msk $0xffff, v9  }
0x205: {  	v54 =	vadd.s32 $0x2710, v21;
	[tilespmem:v15+s30+$0x0] =	vst.idx.add.f32.msk $0xffff, v8;
	v53 =	vmul.f32 v2, v48  }
0x206: {  	v25 =	vld.idx.msk [tilespmem:v49+s4+$0x0], $0xffff  }
0x207: {  	v56 =	vadd.s32 $0x2710, v22;
	v55 =	vmul.f32 v23, v50;
	[tilespmem:v16+s30+$0x0] =	vst.idx.add.f32.msk $0xffff, v53  }
0x208: {  	v6 =	vadd.s32 $0x7530, v6;
	v28 =	vld.idx.msk [tilespmem:v51+s4+$0x0], $0xffff  }
0x209: {  	v58 =	vadd.s32 $0x2710, v15;
	v59 =	vmul.f32 v27, v52;
	[tilespmem:v17+s30+$0x0] =	vst.idx.add.f32.msk $0xffff, v55  }
0x20a: {  	v60 =	vadd.s32 $0x4E20, v19;
	v24 =	vld.idx.msk [tilespmem:v54+s4+$0x0], $0xffff  }
0x20b: {  	v61 =	vadd.s32 $0x2710, v16;
	[tilespmem:v18+s30+$0x0] =	vst.idx.add.f32.msk $0xffff, v59  }
0x20c: {  	v63 =	vadd.s32 $0x2710, v17;
	v62 =	vmul.f32 v13, v25;
	v26 =	vld.idx.msk [tilespmem:v56+s4+$0x0], $0xffff  }
0x20d: {  	v36 =	vadd.s32 $0x4E20, v20;
	v6 =	vld.idx.msk [tilespmem:v6+s4+$0x0], $0xffff  }
0x20e: {  	v38 =	vadd.s32 $0x2710, v18;
	[tilespmem:v58+s30+$0x0] =	vst.idx.add.f32.msk $0xffff, v62;
	v37 =	vmul.f32 v2, v28  }
0x20f: {  	v39 =	vadd.s32 $0x4E20, v21;
	v29 =	vld.idx.msk [tilespmem:v60+s4+$0x0], $0xffff;
	v24 =	vmul.f32 v23, v24  }
0x210: {  	v40 =	vadd.s32 $0x4E20, v22;
	[tilespmem:v61+s30+$0x0] =	vst.idx.add.f32.msk $0xffff, v37  }
0x211: {  	v45 =	vadd.s32 $0x4E20, v4;
	v42 =	vmul.f32 v27, v26;
	[tilespmem:v63+s30+$0x0] =	vst.idx.add.f32.msk $0xffff, v24  }
0x212: {  	v7 =	vadd.s32 $0x7530, v7;
	v44 =	vld.idx.msk [tilespmem:v36+s4+$0x0], $0xffff  }
0x213: {  	v46 =	vadd.s32 $0x4E20, v15;
	[tilespmem:v38+s30+$0x0] =	vst.idx.add.f32.msk $0xffff, v42  }
0x214: {  	v49 =	vmul.f32 v30, v14;
	v55 =	vadd.s32 $0x7530, v19;
	v47 =	vld.idx.msk [tilespmem:v39+s4+$0x0], $0xffff  }
0x215: {  	v48 =	vadd.s32 $0x4E20, v16;
	v8 =	vld.idx.msk [tilespmem:v40+s4+$0x0], $0xffff  }
0x216: {  	v50 =	vadd.s32 $0x4E20, v17;
	[tilespmem:v45+s30+$0x0] =	vst.idx.add.f32.msk $0xffff, v49;
	v51 =	vmul.f32 v29, v13  }
0x217: {  	v52 =	vadd.s32 $0x4E20, v18;
	v7 =	vld.idx.msk [tilespmem:v7+s4+$0x0], $0xffff  }
0x218: {  	v56 =	vadd.s32 $0x7530, v20;
	[tilespmem:v46+s30+$0x0] =	vst.idx.add.f32.msk $0xffff, v51;
	v53 =	vmul.f32 v44, v2  }
0x219: {  	v57 =	vadd.s32 $0x7530, v21;
	v9 =	vld.idx.msk [tilespmem:v55+s4+$0x0], $0xffff;
	v54 =	vmul.f32 v47, v23  }
0x21a: {  	v58 =	vadd.s32 $0x7530, v22;
	[tilespmem:v48+s30+$0x0] =	vst.idx.add.f32.msk $0xffff, v53;
	v8 =	vmul.f32 v8, v27  }
0x21b: {  	v1 =	vadd.s32 $0x7530, v1;
	[tilespmem:v50+s30+$0x0] =	vst.idx.add.f32.msk $0xffff, v54  }
0x21c: {  	v3 =	vadd.s32 $0x7530, v3;
	[tilespmem:v52+s30+$0x0] =	vst.idx.add.f32.msk $0xffff, v8  }
0x21d: {  	v4 =	vadd.s32 $0x7530, v4;
	v8 =	vld.idx.msk [tilespmem:v56+s4+$0x0], $0xffff  }
0x21e: {  	v5 =	vmul.f32 v5, v11;
	v59 =	vadd.s32 $0x7530, v15;
	v10 =	vld.idx.msk [tilespmem:v57+s4+$0x0], $0xffff  }
0x21f: {  	v6 =	vmul.f32 v6, v12;
	v60 =	vadd.s32 $0x7530, v16;
	v61 =	vld.idx.msk [tilespmem:v58+s4+$0x0], $0xffff  }
0x220: {  	s9 =	sadd.s32 $0x10, s9;
	[tilespmem:v1+s30+$0x0] =	vst.idx.add.f32.msk $0xffff, v5;
	v62 =	vadd.s32 $0x7530, v17;
	v1 =	vmul.f32 v7, v14  }
0x221: {  	p1 =	slt.u32 s9, $0xE0;
	[tilespmem:v3+s30+$0x0] =	vst.idx.add.f32.msk $0xffff, v6;
	v63 =	vadd.s32 $0x7530, v18;
	v3 =	vmul.f32 v9, v13  }
.Ltmp5:
0x222: {  	[tilespmem:v4+s30+$0x0] =	vst.idx.add.f32.msk $0xffff, v1;
	v1 =	vmul.f32 v8, v2;
	(pc) =	sbr.rel @p1 .LBB2_12-.Ltmp5, $4  }
0x223: {  	[tilespmem:v59+s30+$0x0] =	vst.idx.add.f32.msk $0xffff, v3;
	v2 =	vmul.f32 v10, v23  }
0x224: {  	[tilespmem:v60+s30+$0x0] =	vst.idx.add.f32.msk $0xffff, v1;
	v1 =	vmul.f32 v61, v27  }
0x225: {  	[tilespmem:v62+s30+$0x0] =	vst.idx.add.f32.msk $0xffff, v2  }
0x226: {  	s5 =	sadd.s32 $0x100, s5;
	[tilespmem:v63+s30+$0x0] =	vst.idx.add.f32.msk $0xffff, v1  }
.LBB2_13:
0x227: {  	s5 =	sshra.s32 s4, $0x2  }
0x228: {  	v1 =	vld [tilespmem:s5+$0x1CE20];
	_ =	sdelay $0x4  }
0x229: {  	v2 =	vshrl.u32 v1, $0xE  }
0x22a: {  	v1 =	vand.u32 $0x3FFF, v1;
	_ =	sdelay $0x3  }
0x22b: {  	v3 =	vld.idx.msk [tilespmem:v2+s31+$0x0], $0xffff  }
0x22c: {  	v4 =	vld.idx.msk [tilespmem:v1+s18+$0x0], $0xffff;
	_ =	sdelay $0x4  }
0x22d: {  	v3 =	vadd.f32 v4, v3;
	_ =	sdelay $0x1  }
0x22e: {  	v4 =	vmul.f32 $2.000000030e-01, v3;
	_ =	sdelay $0x1  }
0x22f: {  	v3 =	vmax.f32 v3, v4  }
0x230: {  	v3 =	vmul.f32 $1.442695020e+00, v3;
	_ =	sdelay $0x1  }
0x231: {  	(erf) = vpow2.f32 v3;
	_ =	sdelay $0x8  }
0x232: {  	v3 =	vpop (erf)  }
0x233: {  	[tilespmem:v1+s2+$0x0] =	vst.idx.add.f32.msk $0xffff, v3  }
0x234: {  	v61 =	vld.idx.msk [tilespmem:v2+s0+$0x0], $0xffff;
	_ =	sdelay $0x2  }
0x235: {  	v5 =	vadd.s32 $0x2710, v2;
	_ =	sdelay $0x1  }
0x236: {  	v4 =	vmul.f32 v3, v61;
	_ =	sdelay $0x1  }
0x237: {  	[tilespmem:v1+s30+$0x0] =	vst.idx.add.f32.msk $0xffff, v4  }
0x238: {  	v4 =	vld.idx.msk [tilespmem:v5+s0+$0x0], $0xffff;
	_ =	sdelay $0x1  }
0x239: {  	v62 =	vadd.s32 $0x2710, v1  }
0x23a: {  	v6 =	vadd.s32 $0x4E20, v2;
	_ =	sdelay $0x1  }
0x23b: {  	v4 =	vmul.f32 v3, v4;
	_ =	sdelay $0x1  }
0x23c: {  	[tilespmem:v62+s30+$0x0] =	vst.idx.add.f32.msk $0xffff, v4  }
0x23d: {  	v4 =	vld.idx.msk [tilespmem:v6+s0+$0x0], $0xffff;
	_ =	sdelay $0x1  }
0x23e: {  	v63 =	vadd.s32 $0x4E20, v1  }
0x23f: {  	v2 =	vadd.s32 $0x7530, v2;
	_ =	sdelay $0x1  }
0x240: {  	v4 =	vmul.f32 v4, v3;
	_ =	sdelay $0x1  }
0x241: {  	[tilespmem:v63+s30+$0x0] =	vst.idx.add.f32.msk $0xffff, v4  }
0x242: {  	v2 =	vld.idx.msk [tilespmem:v2+s0+$0x0], $0xffff;
	_ =	sdelay $0x1  }
0x243: {  	p1 =	sne.s32 s4, $0x240;
	v1 =	vadd.s32 $0x7530, v1  }
.Ltmp6:
0x244: {  	_ = 	snop;
	(pc) =	sbr.rel @p1 .LBB2_13-.Ltmp6, $3  }
0x245: {  	_ = 	snop  }
0x246: {  	v2 =	vmul.f32 v2, v3;
	_ =	sdelay $0x1  }
0x247: {  	s4 =	sadd.s32 $0x40, s4;
	[tilespmem:v1+s30+$0x0] =	vst.idx.add.f32.msk $0xffff, v2  }
0x248: {  	s8 =	sadd.s32 $0x1, s8  }
0x249: {  	p1 =	sne.s32 s8, $0x28  }
.Ltmp7:
0x24a: {  	_ = 	snop;
	(pc) =	sbr.rel @p1 .LBB2_8-.Ltmp7, $1  }
0x24b: {  	_ =	sdelay $0x3  }
0x24c: {  	_ =	swait.ge [sflag:s28], $0xFA0  }
0x24d: {  	[sflag:s28] =	ssyncset.done $0x0  }
0x24e: {  	s4 =	rddreg [dreg:$0x7];
	[sflag:s28] =	ssyncadd.s32 $0xFFFFF060  }
0x24f: {  	[hbm4b:s4+s0] =	stream.linear.scatter [tilespmem:s30], [sflag:$0x3], $0x2710, $0x38;
	[tilespmem:$0x1CF00] =	vst v63  }
0x250: {  	_ =	swait.ge [sflag:s26], $0x2710  }
0x251: {  	[sflag:s26] =	ssyncset.done $0x0  }
0x252: {  	s5 =	simm.s32 $0xC390;
	s9 =	rddreg [dreg:$0x8];
	[sflag:s26] =	ssyncadd.s32 $0xFFFFD8F0  }
0x253: {  	[hbm4b:s9+s0] =	stream.linear.scatter [tilespmem:s5], [sflag:$0x3], $0x2710, $0x38;
	[tilespmem:$0x1CF00] =	vst v63  }
0x254: {  	_ =	swait.ge [sflag:s26], $0x2710  }
0x255: {  	[sflag:s26] =	ssyncset.done $0x0  }
0x256: {  	s9 =	simm.s32 $0xEAA0;
	s8 =	rddreg [dreg:$0x9];
	[sflag:s26] =	ssyncadd.s32 $0xFFFFD8F0  }
0x257: {  	[hbm4b:s8+s0] =	stream.linear.scatter [tilespmem:s9], [sflag:$0x3], $0x2710, $0x38;
	[tilespmem:$0x1CF00] =	vst v63  }
0x258: {  	_ =	swait.ge [sflag:s26], $0x2710  }
0x259: {  	[sflag:s26] =	ssyncset.done $0x0  }
0x25a: {  	s8 =	rddreg [dreg:$0xa];
	[sflag:s26] =	ssyncadd.s32 $0xFFFFD8F0  }
0x25b: {  	[hbm4b:s8+s0] =	stream.linear.scatter [tilespmem:s6], [sflag:$0x3], $0x2710, $0x38;
	[tilespmem:$0x1CF00] =	vst v63  }
0x25c: {  	_ =	swait.ge [sflag:s26], $0x2710  }
0x25d: {  	[sflag:s26] =	ssyncset.done $0x0  }
0x25e: {  	s4 =	simm.s32 @!p0 $0x0;
	s5 =	simm.s32 @!p0 $0x18800;
	[sflag:s26] =	ssyncadd.s32 $0xFFFFD8F0  }
0x25f: {  	[hbm4b:s20+s4] =	stream.linear.scatter @!p0 [tilespmem:s5], [sflag:$0x3], $0x2710, $0x38;
	[tilespmem:$0x1CF00] =	vst v63  }
0x260: {  	s4 =	simm.s32 @!p0 $0x3  }
0x261: {  	_ =	swait.ge @!p0 [sflag:s4], $0x2710  }
0x262: {  	[sflag:s4] =	ssyncset.done @!p0 $0x0  }
0x263: {  	s9 =	rddreg [dreg:$0xb];
	[sflag:s4] =	ssyncadd.s32 @!p0 $0xFFFFD8F0  }
0x264: {  	[tilespmem:s0], [sflag:$0x3] =	stream.linear.gather [hbm4b:s9+s0], $0x2710, $0x38;
	[tilespmem:$0x1CF00] =	vst v63  }
0x265: {  	_ =	swait.ge [sflag:s26], $0x2710  }
0x266: {  	[sflag:s26] =	ssyncset.done $0x0  }
0x267: {  	s5 =	simm.s32 $0x2710;
	[sflag:s26] =	ssyncadd.s32 $0xFFFFD8F0  }
0x268: {  	[tilespmem:s5], [sflag:$0x3] =	stream.linear.gather [hbm4b:s10+s0], $0x2710, $0x38;
	[tilespmem:$0x1CF00] =	vst v63  }
0x269: {  	_ =	swait.ge [sflag:s26], $0x2710  }
0x26a: {  	[sflag:s26] =	ssyncset.done $0x0  }
0x26b: {  	s8 =	simm.s32 $0x4E20;
	[sflag:s26] =	ssyncadd.s32 $0xFFFFD8F0  }
0x26c: {  	[tilespmem:s8], [sflag:$0x3] =	stream.linear.gather [hbm4b:s11+s0], $0x2710, $0x38;
	[tilespmem:$0x1CF00] =	vst v63  }
0x26d: {  	_ =	swait.ge [sflag:s26], $0x2710  }
0x26e: {  	[sflag:s26] =	ssyncset.done $0x0  }
0x26f: {  	s9 =	simm.s32 $0x7530;
	[sflag:s26] =	ssyncadd.s32 $0xFFFFD8F0  }
0x270: {  	[tilespmem:s9], [sflag:$0x3] =	stream.linear.gather [hbm4b:s12+s0], $0x2710, $0x38;
	[tilespmem:$0x1CF00] =	vst v63  }
0x271: {  	_ =	swait.ge [sflag:s26], $0x2710  }
0x272: {  	[sflag:s26] =	ssyncset.done $0x0  }
0x273: {  	[sflag:s26] =	ssyncadd.s32 $0xFFFFD8F0  }
0x274: {  	[tilespmem:s31], [sflag:$0x3] =	stream.linear.gather [hbm4b:s21+s0], $0x2710, $0x38;
	[tilespmem:$0x1CF00] =	vst v63  }
0x275: {  	_ =	swait.ge [sflag:s26], $0x2710  }
0x276: {  	[sflag:s26] =	ssyncset.done $0x0  }
0x277: {  	[sflag:s26] =	ssyncadd.s32 $0xFFFFD8F0  }
0x278: {  	[tilespmem:s18], [sflag:$0x3] =	stream.linear.gather [hbm4b:s22+s0], $0x2710, $0x38;
	[tilespmem:$0x1CF00] =	vst v63  }
0x279: {  	_ =	swait.ge [sflag:s26], $0x2710  }
0x27a: {  	[sflag:s26] =	ssyncset.done $0x0  }
0x27b: {  	s4 =	simm.s32 $0x9CC0;
	[sflag:s26] =	ssyncadd.s32 $0xFFFFD8F0  }
0x27c: {  	[tilespmem:s4+$0xFFFFFFC0] =	vst v0  }
0x27d: {  	[tilespmem:s4+$0x30] =	vst v0  }
0x27e: {  	[tilespmem:s4+$0x20] =	vst v0  }
0x27f: {  	[tilespmem:s4+$0x10] =	vst v0  }
0x280: {  	[tilespmem:s4+$0x0] =	vst v0  }
0x281: {  	[tilespmem:s4+$0xFFFFFFF0] =	vst v0  }
0x282: {  	s5 =	simm.s32 $0x0;
	[tilespmem:s4+$0xFFFFFFE0] =	vst v0  }
.LBB2_16:
0x283: {  	s5 =	sadd.s32 $0x8, s5;
	[tilespmem:s4+$0xFFFFFFD0] =	vst v0;
	s4 =	sadd.s32 $0x80, s4  }
0x284: {  	[tilespmem:s4+$0xFFFFFFC0] =	vst v0;
	p1 =	slt.u32 s5, $0x9B8  }
0x285: {  	[tilespmem:s4+$0x30] =	vst v0  }
.Ltmp8:
0x286: {  	[tilespmem:s4+$0x20] =	vst v0;
	(pc) =	sbr.rel @p1 .LBB2_16-.Ltmp8, $4  }
0x287: {  	[tilespmem:s4+$0x10] =	vst v0  }
0x288: {  	[tilespmem:s4+$0x0] =	vst v0  }
0x289: {  	[tilespmem:s4+$0xFFFFFFF0] =	vst v0  }
0x28a: {  	[tilespmem:s4+$0xFFFFFFE0] =	vst v0  }
0x28b: {  	[tilespmem:s4+$0xFFFFFFD0] =	vst v0;
	s4 =	simm.s32 $0x0  }
.LBB2_18:
0x28c: {  	p1 =	sne.s32 s4, $0xC0  }
.Ltmp9:
0x28d: {  	_ = 	snop;
	(pc) =	sbr.rel @p1 .LBB2_18-.Ltmp9, $3  }
0x28e: {  	_ =	sdelay $0x1  }
0x28f: {  	s5 =	sshra.s32 s4, $0x2  }
0x290: {  	s4 =	sadd.s32 $0x40, s4;
	[tilespmem:s5+$0x13880] =	vst v0  }
0x291: {  	s4 =	simm.s32 $0x18840  }
0x292: {  	[tilespmem:s4+$0xFFFFFFC0] =	vst v0  }
0x293: {  	[tilespmem:s4+$0x30] =	vst v0  }
0x294: {  	[tilespmem:s4+$0x20] =	vst v0  }
0x295: {  	[tilespmem:s4+$0x10] =	vst v0  }
0x296: {  	[tilespmem:s4+$0x0] =	vst v0  }
0x297: {  	[tilespmem:s4+$0xFFFFFFF0] =	vst v0  }
0x298: {  	s5 =	simm.s32 $0x0;
	[tilespmem:s4+$0xFFFFFFE0] =	vst v0  }
.LBB2_20:
0x299: {  	s5 =	sadd.s32 $0x8, s5;
	[tilespmem:s4+$0xFFFFFFD0] =	vst v0;
	s4 =	sadd.s32 $0x80, s4  }
0x29a: {  	[tilespmem:s4+$0xFFFFFFC0] =	vst v0;
	p1 =	slt.u32 s5, $0x268  }
0x29b: {  	[tilespmem:s4+$0x30] =	vst v0  }
.Ltmp10:
0x29c: {  	[tilespmem:s4+$0x20] =	vst v0;
	(pc) =	sbr.rel @p1 .LBB2_20-.Ltmp10, $4  }
0x29d: {  	[tilespmem:s4+$0x10] =	vst v0  }
0x29e: {  	[tilespmem:s4+$0x0] =	vst v0  }
0x29f: {  	[tilespmem:s4+$0xFFFFFFF0] =	vst v0  }
0x2a0: {  	[tilespmem:s4+$0xFFFFFFE0] =	vst v0  }
0x2a1: {  	[tilespmem:s4+$0xFFFFFFD0] =	vst v0  }
0x2a2: {  	s8 =	simm.s32 $0x0;
	[tilespmem:$0x1AF00] =	vst v0  }
0x2a3: {  	[tilespmem:s1], [sflag:$0x1] =	stream.linear.gather [hbm4b:s24+s8], $0xFA0, $0x38;
	[tilespmem:$0x1CF00] =	vst v63  }
.LBB2_22:
0x2a4: {  	s4 =	smul.u32 $0x1F40, s8;
	_ =	sdelay $0x1  }
0x2a5: {  	_ =	swait.ge [sflag:s28], $0xFA0;
	s4 =	sshrl.u32 s4, $0x3  }
0x2a6: {  	s9 =	simm.s32 $0xFFFFFFF0;
	[sflag:s28] =	ssyncset.done $0x0;
	s4 =	sadd.s32 s24, s4  }
0x2a7: {  	s5 =	simm.s32 $0x1B000;
	[sflag:s28] =	ssyncadd.s32 $0xFFFFF060;
	s4 =	sadd.s32 $0x1F4, s4  }
0x2a8: {  	[tilespmem:s29], [sflag:$0x2] =	stream.linear.gather [hbm4b:s4+s0], $0xFA0, $0x38;
	[tilespmem:$0x1CF00] =	vst v63  }
.LBB2_23:
0x2a9: {  	v1 =	vld [tilespmem:s5+$0xFFFFFF80];
	_ =	sdelay $0x4  }
0x2aa: {  	v2 =	vshrl.u32 v1, $0xE  }
0x2ab: {  	v1 =	vand.u32 $0x3FFF, v1;
	_ =	sdelay $0x3  }
0x2ac: {  	v3 =	vld.idx.msk [tilespmem:v2+s31+$0x0], $0xffff  }
0x2ad: {  	v4 =	vld.idx.msk [tilespmem:v1+s18+$0x0], $0xffff;
	_ =	sdelay $0x4  }
0x2ae: {  	v3 =	vadd.f32 v4, v3;
	_ =	sdelay $0x1  }
0x2af: {  	v4 =	vmul.f32 $2.000000030e-01, v3;
	_ =	sdelay $0x1  }
0x2b0: {  	v3 =	vmax.f32 v3, v4  }
0x2b1: {  	v3 =	vmul.f32 $1.442695020e+00, v3  }
0x2b2: {  	v5 =	vld [tilespmem:s5+$0xFFFFFFA0]  }
0x2b3: {  	(erf) = vpow2.f32 v3;
	v3 =	vld [tilespmem:s5+$0xFFFFFF90];
	_ =	sdelay $0x3  }
0x2b4: {  	v13 =	vshrl.u32 v5, $0xE  }
0x2b5: {  	v9 =	vshrl.u32 v3, $0xE  }
0x2b6: {  	v4 =	vand.u32 $0x3FFF, v3  }
0x2b7: {  	v5 =	vand.u32 $0x3FFF, v5  }
0x2b8: {  	v11 =	vld [tilespmem:s5+$0xFFFFFFB0]  }
0x2b9: {  	v10 =	vld.idx.msk [tilespmem:v13+s31+$0x0], $0xffff  }
0x2ba: {  	v7 =	vld.idx.msk [tilespmem:v9+s31+$0x0], $0xffff  }
0x2bb: {  	v8 =	vld.idx.msk [tilespmem:v4+s18+$0x0], $0xffff  }
0x2bc: {  	v12 =	vld.idx.msk [tilespmem:v5+s18+$0x0], $0xffff;
	v3 =	vpop (erf)  }
0x2bd: {  	s4 =	simm.s32 $0x0;
	[tilespmem:v1+s2+$0x0] =	vst.idx.add.f32.msk $0xffff, v3  }
0x2be: {  	v6 =	vld.idx.msk [tilespmem:v2+s4+$0x0], $0xffff  }
0x2bf: {  	v14 =	vld [tilespmem:s5+$0xFFFFFFC0]  }
0x2c0: {  	v7 =	vadd.f32 v8, v7  }
0x2c1: {  	v15 =	vadd.s32 $0x2710, v2  }
0x2c2: {  	v18 =	vshrl.u32 v11, $0xE;
	v10 =	vadd.f32 v12, v10;
	v16 =	vmul.f32 $2.000000030e-01, v7  }
0x2c3: {  	v32 =	vmul.f32 v3, v6;
	v6 =	vand.u32 $0x3FFF, v11  }
0x2c4: {  	v19 =	vshrl.u32 v14, $0xE;
	v34 =	vmul.f32 $2.000000030e-01, v10;
	v33 =	vmax.f32 v7, v16  }
0x2c5: {  	[tilespmem:v1+s30+$0x0] =	vst.idx.add.f32.msk $0xffff, v32;
	v7 =	vand.u32 $0x3FFF, v14;
	v8 =	vmul.f32 $1.442695020e+00, v33  }
0x2c6: {  	v10 =	vmax.f32 v10, v34;
	v35 =	vld.idx.msk [tilespmem:v15+s4+$0x0], $0xffff  }
0x2c7: {  	v36 =	vld.idx.msk [tilespmem:v18+s31+$0x0], $0xffff;
	v37 =	vmul.f32 $1.442695020e+00, v10;
	(erf) = vpow2.f32 v8  }
0x2c8: {  	v40 =	vadd.s32 $0x2710, v1;
	v38 =	vld.idx.msk [tilespmem:v6+s18+$0x0], $0xffff  }
0x2c9: {  	v42 =	vadd.s32 $0x4E20, v2;
	v39 =	vld.idx.msk [tilespmem:v19+s31+$0x0], $0xffff;
	(erf) = vpow2.f32 v37  }
0x2ca: {  	v41 =	vld.idx.msk [tilespmem:v7+s18+$0x0], $0xffff  }
0x2cb: {  	v51 =	vld [tilespmem:s5+$0xFFFFFFD0];
	v12 =	vmul.f32 v3, v35  }
0x2cc: {  	v27 =	vld [tilespmem:s5+$0xFFFFFFE0]  }
0x2cd: {  	v10 =	vadd.f32 v38, v36;
	[tilespmem:v40+s30+$0x0] =	vst.idx.add.f32.msk $0xffff, v12  }
0x2ce: {  	v12 =	vld.idx.msk [tilespmem:v42+s4+$0x0], $0xffff  }
0x2cf: {  	v63 =	vld [tilespmem:s5+$0xFFFFFFF0];
	v11 =	vmul.f32 $2.000000030e-01, v10;
	v8 =	vadd.f32 v41, v39  }
0x2d0: {  	v44 =	vadd.s32 $0x4E20, v1;
	v32 =	vld [tilespmem:s5+$0x0];
	v16 =	vpop (erf)  }
0x2d1: {  	v2 =	vadd.s32 $0x7530, v2;
	v10 =	vmax.f32 v10, v11;
	v43 =	vmul.f32 $2.000000030e-01, v8;
	[tilespmem:v4+s2+$0x0] =	vst.idx.add.f32.msk $0xffff, v16  }
0x2d2: {  	v11 =	vshrl.u32 v51, $0xE;
	v10 =	vmul.f32 $1.442695020e+00, v10;
	v17 =	vpop (erf);
	v45 =	vld.idx.msk [tilespmem:v9+s4+$0x0], $0xffff  }
0x2d3: {  	v46 =	vmul.f32 v12, v3;
	v12 =	vshrl.u32 v27, $0xE;
	v8 =	vmax.f32 v8, v43;
	[tilespmem:v5+s2+$0x0] =	vst.idx.add.f32.msk $0xffff, v17  }
0x2d4: {  	(erf) = vpow2.f32 v10;
	v8 =	vmul.f32 $1.442695020e+00, v8;
	v47 =	vld.idx.msk [tilespmem:v13+s4+$0x0], $0xffff  }
0x2d5: {  	v48 =	vadd.s32 $0x2710, v9;
	[tilespmem:v44+s30+$0x0] =	vst.idx.add.f32.msk $0xffff, v46  }
0x2d6: {  	v20 =	vld.idx.msk [tilespmem:v2+s4+$0x0], $0xffff;
	(erf) = vpow2.f32 v8  }
0x2d7: {  	v50 =	vadd.s32 $0x2710, v13;
	v25 =	vld.idx.msk [tilespmem:v11+s31+$0x0], $0xffff;
	v49 =	vmul.f32 v16, v45  }
0x2d8: {  	v1 =	vadd.s32 $0x7530, v1;
	v61 =	vld.idx.msk [tilespmem:v12+s31+$0x0], $0xffff  }
0x2d9: {  	v2 =	vmul.f32 v17, v47;
	[tilespmem:v4+s30+$0x0] =	vst.idx.add.f32.msk $0xffff, v49  }
0x2da: {  	v8 =	vld.idx.msk [tilespmem:v48+s4+$0x0], $0xffff  }
0x2db: {  	v3 =	vmul.f32 v20, v3;
	[tilespmem:v5+s30+$0x0] =	vst.idx.add.f32.msk $0xffff, v2  }
0x2dc: {  	v2 =	vand.u32 $0x3FFF, v51;
	v10 =	vld.idx.msk [tilespmem:v50+s4+$0x0], $0xffff  }
0x2dd: {  	v21 =	vpop (erf);
	[tilespmem:v1+s30+$0x0] =	vst.idx.add.f32.msk $0xffff, v3  }
0x2de: {  	v53 =	vadd.s32 $0x2710, v4;
	[tilespmem:v6+s2+$0x0] =	vst.idx.add.f32.msk $0xffff, v21  }
0x2df: {  	v54 =	vadd.s32 $0x4E20, v9;
	v52 =	vld.idx.msk [tilespmem:v18+s4+$0x0], $0xffff;
	v22 =	vpop (erf)  }
0x2e0: {  	v24 =	vadd.s32 $0x2710, v5;
	[tilespmem:v7+s2+$0x0] =	vst.idx.add.f32.msk $0xffff, v22  }
0x2e1: {  	v26 =	vadd.s32 $0x4E20, v13;
	v8 =	vmul.f32 v16, v8;
	v28 =	vld.idx.msk [tilespmem:v2+s18+$0x0], $0xffff  }
0x2e2: {  	v23 =	vld.idx.msk [tilespmem:v19+s4+$0x0], $0xffff  }
0x2e3: {  	v56 =	vadd.s32 $0x2710, v18;
	v55 =	vmul.f32 v17, v10;
	[tilespmem:v53+s30+$0x0] =	vst.idx.add.f32.msk $0xffff, v8  }
0x2e4: {  	v8 =	vand.u32 $0x3FFF, v27;
	v14 =	vld.idx.msk [tilespmem:v54+s4+$0x0], $0xffff  }
0x2e5: {  	[tilespmem:v24+s30+$0x0] =	vst.idx.add.f32.msk $0xffff, v55;
	v57 =	vmul.f32 v21, v52  }
0x2e6: {  	v58 =	vadd.s32 $0x2710, v19;
	v24 =	vld.idx.msk [tilespmem:v26+s4+$0x0], $0xffff  }
0x2e7: {  	[tilespmem:v6+s30+$0x0] =	vst.idx.add.f32.msk $0xffff, v57  }
0x2e8: {  	v59 =	vadd.s32 $0x4E20, v4;
	v25 =	vadd.f32 v28, v25;
	v23 =	vmul.f32 v22, v23;
	v10 =	vld.idx.msk [tilespmem:v56+s4+$0x0], $0xffff  }
0x2e9: {  	v9 =	vadd.s32 $0x7530, v9;
	v30 =	vld.idx.msk [tilespmem:v8+s18+$0x0], $0xffff  }
0x2ea: {  	v62 =	vadd.s32 $0x4E20, v5;
	v60 =	vmul.f32 $2.000000030e-01, v25;
	[tilespmem:v7+s30+$0x0] =	vst.idx.add.f32.msk $0xffff, v23  }
0x2eb: {  	v44 =	vadd.s32 $0x7530, v13;
	v14 =	vmul.f32 v14, v16;
	v15 =	vld.idx.msk [tilespmem:v58+s4+$0x0], $0xffff  }
0x2ec: {  	v23 =	vmax.f32 v25, v60;
	v60 =	vld [tilespmem:s5+$0x10]  }
0x2ed: {  	v29 =	vadd.s32 $0x2710, v6;
	v37 =	vmul.f32 v24, v17;
	[tilespmem:v59+s30+$0x0] =	vst.idx.add.f32.msk $0xffff, v14  }
0x2ee: {  	v36 =	vadd.s32 $0x4E20, v18;
	v31 =	vld.idx.msk [tilespmem:v9+s4+$0x0], $0xffff  }
0x2ef: {  	v14 =	vshrl.u32 v63, $0xE;
	[tilespmem:v62+s30+$0x0] =	vst.idx.add.f32.msk $0xffff, v37  }
0x2f0: {  	v38 =	vadd.s32 $0x2710, v7;
	v23 =	vmul.f32 $1.442695020e+00, v23;
	v10 =	vmul.f32 v21, v10;
	v27 =	vld.idx.msk [tilespmem:v44+s4+$0x0], $0xffff  }
0x2f1: {  	v9 =	vand.u32 $0x3FFF, v32;
	v25 =	vadd.f32 v30, v61;
	v30 =	vld [tilespmem:s5+$0x20]  }
0x2f2: {  	v39 =	vadd.s32 $0x4E20, v19;
	(erf) = vpow2.f32 v23;
	[tilespmem:v29+s30+$0x0] =	vst.idx.add.f32.msk $0xffff, v10  }
0x2f3: {  	v10 =	vand.u32 $0x3FFF, v63;
	v40 =	vmul.f32 v22, v15;
	v26 =	vld.idx.msk [tilespmem:v36+s4+$0x0], $0xffff  }
0x2f4: {  	v4 =	vadd.s32 $0x7530, v4;
	v41 =	vmul.f32 $2.000000030e-01, v25;
	v43 =	vld.idx.msk [tilespmem:v14+s31+$0x0], $0xffff  }
0x2f5: {  	v15 =	vshrl.u32 v32, $0xE;
	[tilespmem:v38+s30+$0x0] =	vst.idx.add.f32.msk $0xffff, v40  }
0x2f6: {  	v45 =	vadd.s32 $0x4E20, v6;
	v42 =	vmax.f32 v25, v41;
	v33 =	vld.idx.msk [tilespmem:v9+s18+$0x0], $0xffff  }
0x2f7: {  	v16 =	vmul.f32 v31, v16;
	v23 =	vld.idx.msk [tilespmem:v39+s4+$0x0], $0xffff;
	v24 =	vmul.f32 $1.442695020e+00, v42  }
0x2f8: {  	v18 =	vadd.s32 $0x7530, v18;
	v28 =	vld.idx.msk [tilespmem:v10+s18+$0x0], $0xffff  }
0x2f9: {  	[tilespmem:v4+s30+$0x0] =	vst.idx.add.f32.msk $0xffff, v16;
	(erf) = vpow2.f32 v24;
	v26 =	vmul.f32 v26, v21  }
0x2fa: {  	v47 =	vadd.s32 $0x4E20, v7;
	v48 =	vld.idx.msk [tilespmem:v15+s31+$0x0], $0xffff  }
0x2fb: {  	v13 =	vpop (erf);
	[tilespmem:v45+s30+$0x0] =	vst.idx.add.f32.msk $0xffff, v26  }
0x2fc: {  	v19 =	vadd.s32 $0x7530, v19;
	[tilespmem:v2+s2+$0x0] =	vst.idx.add.f32.msk $0xffff, v13  }
0x2fd: {  	v5 =	vadd.s32 $0x7530, v5;
	v23 =	vmul.f32 v23, v22;
	v18 =	vld.idx.msk [tilespmem:v18+s4+$0x0], $0xffff  }
0x2fe: {  	v46 =	vld.idx.msk [tilespmem:v11+s4+$0x0], $0xffff  }
0x2ff: {  	v6 =	vadd.s32 $0x7530, v6;
	v25 =	vadd.f32 v28, v43;
	[tilespmem:v47+s30+$0x0] =	vst.idx.add.f32.msk $0xffff, v23  }
0x300: {  	v1 =	vmul.f32 v27, v17;
	v52 =	vadd.f32 v33, v48;
	v33 =	vld [tilespmem:s5+$0x30]  }
0x301: {  	v28 =	vmul.f32 $2.000000030e-01, v25;
	v19 =	vld.idx.msk [tilespmem:v19+s4+$0x0], $0xffff  }
0x302: {  	v49 =	vadd.s32 $0x2710, v11;
	[tilespmem:v5+s30+$0x0] =	vst.idx.add.f32.msk $0xffff, v1;
	v53 =	vmul.f32 $2.000000030e-01, v52;
	v57 =	vmul.f32 v18, v21;
	v23 =	vpop (erf)  }
0x303: {  	v7 =	vadd.s32 $0x7530, v7;
	v5 =	vshrl.u32 v60, $0xE;
	v51 =	vmax.f32 v25, v28;
	[tilespmem:v8+s2+$0x0] =	vst.idx.add.f32.msk $0xffff, v23  }
0x304: {  	v50 =	vmul.f32 v13, v46;
	v24 =	vmul.f32 $1.442695020e+00, v51;
	v55 =	vmax.f32 v52, v53;
	[tilespmem:v6+s30+$0x0] =	vst.idx.add.f32.msk $0xffff, v57  }
0x305: {  	v56 =	vmul.f32 $1.442695020e+00, v55;
	v6 =	vshrl.u32 v30, $0xE;
	v54 =	vld.idx.msk [tilespmem:v12+s4+$0x0], $0xffff  }
0x306: {  	v4 =	vand.u32 $0x3FFF, v33;
	[tilespmem:v2+s30+$0x0] =	vst.idx.add.f32.msk $0xffff, v50;
	(erf) = vpow2.f32 v24;
	v1 =	vmul.f32 v19, v22  }
0x307: {  	v26 =	vld.idx.msk [tilespmem:v49+s4+$0x0], $0xffff  }
0x308: {  	(erf) = vpow2.f32 v56;
	[tilespmem:v7+s30+$0x0] =	vst.idx.add.f32.msk $0xffff, v1;
	v7 =	vshrl.u32 v33, $0xE  }
0x309: {  	v3 =	vadd.s32 $0x2710, v2;
	v37 =	vld.idx.msk [tilespmem:v5+s31+$0x0], $0xffff  }
0x30a: {  	v58 =	vadd.s32 $0x2710, v12;
	v41 =	vld.idx.msk [tilespmem:v6+s31+$0x0], $0xffff;
	v1 =	vmul.f32 v23, v54  }
0x30b: {  	v48 =	vld.idx.msk [tilespmem:v4+s18+$0x0], $0xffff  }
0x30c: {  	v59 =	vmul.f32 v13, v26;
	[tilespmem:v8+s30+$0x0] =	vst.idx.add.f32.msk $0xffff, v1  }
0x30d: {  	v45 =	vld.idx.msk [tilespmem:v7+s31+$0x0], $0xffff  }
0x30e: {  	[tilespmem:v3+s30+$0x0] =	vst.idx.add.f32.msk $0xffff, v59  }
0x30f: {  	v1 =	vld.idx.msk [tilespmem:v58+s4+$0x0], $0xffff;
	v24 =	vpop (erf)  }
0x310: {  	v3 =	vadd.s32 $0x4E20, v11;
	[tilespmem:v10+s2+$0x0] =	vst.idx.add.f32.msk $0xffff, v24  }
0x311: {  	v25 =	vpop (erf);
	v62 =	vld.idx.msk [tilespmem:v14+s4+$0x0], $0xffff  }
0x312: {  	v61 =	vadd.s32 $0x2710, v8;
	[tilespmem:v9+s2+$0x0] =	vst.idx.add.f32.msk $0xffff, v25  }
0x313: {  	v38 =	vadd.s32 $0x4E20, v12;
	v31 =	vld.idx.msk [tilespmem:v15+s4+$0x0], $0xffff  }
0x314: {  	v56 =	vadd.f32 v48, v45;
	v45 =	vld [tilespmem:s5+$0x50]  }
0x315: {  	v63 =	vld.idx.msk [tilespmem:v3+s4+$0x0], $0xffff;
	v1 =	vmul.f32 v23, v1;
	v3 =	vadd.s32 $0x2710, v14  }
0x316: {  	v48 =	vld [tilespmem:s5+$0x70]  }
0x317: {  	[tilespmem:v61+s30+$0x0] =	vst.idx.add.f32.msk $0xffff, v1;
	v1 =	vand.u32 $0x3FFF, v60;
	v32 =	vmul.f32 v24, v62  }
0x318: {  	v34 =	vadd.s32 $0x2710, v15;
	v17 =	vld.idx.msk [tilespmem:v38+s4+$0x0], $0xffff  }
0x319: {  	v49 =	vadd.s32 $0x4E20, v2;
	v36 =	vmul.f32 v25, v31;
	[tilespmem:v10+s30+$0x0] =	vst.idx.add.f32.msk $0xffff, v32  }
0x31a: {  	v11 =	vadd.s32 $0x7530, v11;
	v35 =	vld.idx.msk [tilespmem:v3+s4+$0x0], $0xffff  }
0x31b: {  	v51 =	vadd.s32 $0x4E20, v8;
	[tilespmem:v9+s30+$0x0] =	vst.idx.add.f32.msk $0xffff, v36  }
0x31c: {  	v16 =	vmul.f32 v63, v13;
	v3 =	vand.u32 $0x3FFF, v30;
	v39 =	vld.idx.msk [tilespmem:v1+s18+$0x0], $0xffff  }
0x31d: {  	v12 =	vadd.s32 $0x7530, v12;
	v19 =	vld.idx.msk [tilespmem:v34+s4+$0x0], $0xffff  }
0x31e: {  	[tilespmem:v49+s30+$0x0] =	vst.idx.add.f32.msk $0xffff, v16;
	v16 =	vand.u32 $0x3FFF, v45;
	v57 =	vmul.f32 v17, v23  }
0x31f: {  	v40 =	vadd.s32 $0x2710, v10;
	v59 =	vld.idx.msk [tilespmem:v11+s4+$0x0], $0xffff  }
0x320: {  	v44 =	vadd.s32 $0x2710, v9;
	[tilespmem:v51+s30+$0x0] =	vst.idx.add.f32.msk $0xffff, v57  }
0x321: {  	v46 =	vadd.s32 $0x4E20, v15;
	v42 =	vld.idx.msk [tilespmem:v3+s18+$0x0], $0xffff  }
0x322: {  	v43 =	vadd.s32 $0x4E20, v14;
	v20 =	vmul.f32 v24, v35;
	v63 =	vld.idx.msk [tilespmem:v12+s4+$0x0], $0xffff  }
0x323: {  	v18 =	vadd.f32 v39, v37;
	v19 =	vmul.f32 v25, v19;
	v36 =	vld.idx.msk [tilespmem:v16+s18+$0x0], $0xffff  }
0x324: {  	v2 =	vadd.s32 $0x7530, v2;
	[tilespmem:v40+s30+$0x0] =	vst.idx.add.f32.msk $0xffff, v20  }
0x325: {  	v47 =	vmul.f32 $2.000000030e-01, v18;
	[tilespmem:v44+s30+$0x0] =	vst.idx.add.f32.msk $0xffff, v19  }
0x326: {  	v20 =	vshrl.u32 v45, $0xE;
	v55 =	vld.idx.msk [tilespmem:v46+s4+$0x0], $0xffff;
	v50 =	vadd.f32 v42, v41  }
0x327: {  	v8 =	vadd.s32 $0x7530, v8;
	v13 =	vmul.f32 v59, v13;
	v52 =	vld.idx.msk [tilespmem:v43+s4+$0x0], $0xffff;
	v18 =	vmax.f32 v18, v47  }
0x328: {  	v60 =	vadd.s32 $0x4E20, v9;
	v44 =	vld [tilespmem:s5+$0x40];
	v18 =	vmul.f32 $1.442695020e+00, v18;
	v53 =	vmul.f32 $2.000000030e-01, v50  }
0x329: {  	v54 =	vadd.s32 $0x4E20, v10;
	v15 =	vadd.s32 $0x7530, v15;
	v61 =	vmul.f32 $2.000000030e-01, v56;
	[tilespmem:v2+s30+$0x0] =	vst.idx.add.f32.msk $0xffff, v13  }
0x32a: {  	v47 =	vld [tilespmem:s5+$0x60];
	v23 =	vmul.f32 v63, v23;
	(erf) = vpow2.f32 v18;
	v58 =	vmax.f32 v50, v53  }
0x32b: {  	v22 =	vshrl.u32 v48, $0xE;
	v35 =	vld.idx.msk [tilespmem:v20+s31+$0x0], $0xffff;
	v41 =	vmul.f32 v55, v25;
	v17 =	vmul.f32 $1.442695020e+00, v58  }
0x32c: {  	v14 =	vadd.s32 $0x7530, v14;
	v40 =	vmax.f32 v56, v61;
	[tilespmem:v8+s30+$0x0] =	vst.idx.add.f32.msk $0xffff, v23  }
0x32d: {  	v62 =	vmul.f32 v52, v24;
	v19 =	vshrl.u32 v44, $0xE;
	[tilespmem:v60+s30+$0x0] =	vst.idx.add.f32.msk $0xffff, v41;
	(erf) = vpow2.f32 v17  }
0x32e: {  	v12 =	vmul.f32 $1.442695020e+00, v40;
	v43 =	vld.idx.msk [tilespmem:v15+s4+$0x0], $0xffff;
	v15 =	vand.u32 $0x3FFF, v44  }
0x32f: {  	[tilespmem:v54+s30+$0x0] =	vst.idx.add.f32.msk $0xffff, v62;
	v21 =	vshrl.u32 v47, $0xE  }
0x330: {  	v54 =	vld.idx.msk [tilespmem:v22+s31+$0x0], $0xffff;
	(erf) = vpow2.f32 v12  }
0x331: {  	v42 =	vld.idx.msk [tilespmem:v14+s4+$0x0], $0xffff  }
0x332: {  	v51 =	vld.idx.msk [tilespmem:v19+s31+$0x0], $0xffff  }
0x333: {  	v34 =	vld.idx.msk [tilespmem:v15+s18+$0x0], $0xffff  }
0x334: {  	v17 =	vand.u32 $0x3FFF, v47;
	v37 =	vld.idx.msk [tilespmem:v21+s31+$0x0], $0xffff;
	v11 =	vpop (erf)  }
0x335: {  	[tilespmem:v1+s2+$0x0] =	vst.idx.add.f32.msk $0xffff, v11  }
0x336: {  	v46 =	vld.idx.msk [tilespmem:v5+s4+$0x0], $0xffff;
	v12 =	vpop (erf)  }
0x337: {  	v18 =	vand.u32 $0x3FFF, v48;
	[tilespmem:v3+s2+$0x0] =	vst.idx.add.f32.msk $0xffff, v12  }
0x338: {  	v33 =	vadd.f32 v34, v51;
	v49 =	vld.idx.msk [tilespmem:v6+s4+$0x0], $0xffff  }
0x339: {  	v53 =	vadd.s32 $0x2710, v5;
	v52 =	vld.idx.msk [tilespmem:v17+s18+$0x0], $0xffff;
	v14 =	vpop (erf)  }
0x33a: {  	[tilespmem:v4+s2+$0x0] =	vst.idx.add.f32.msk $0xffff, v14;
	v58 =	vmul.f32 $2.000000030e-01, v33  }
0x33b: {  	v2 =	vadd.s32 $0x2710, v6;
	v50 =	vld.idx.msk [tilespmem:v7+s4+$0x0], $0xffff;
	v55 =	vmul.f32 v11, v46  }
0x33c: {  	v10 =	vadd.s32 $0x7530, v10;
	v57 =	vadd.f32 v36, v35;
	v56 =	vld.idx.msk [tilespmem:v18+s18+$0x0], $0xffff;
	v62 =	vmax.f32 v33, v58  }
0x33d: {  	[tilespmem:v1+s30+$0x0] =	vst.idx.add.f32.msk $0xffff, v55;
	v27 =	vmul.f32 $1.442695020e+00, v62;
	v60 =	vmul.f32 v12, v49  }
0x33e: {  	v38 =	vadd.s32 $0x4E20, v5;
	v61 =	vadd.s32 $0x2710, v7;
	v63 =	vmul.f32 $2.000000030e-01, v57;
	v26 =	vld.idx.msk [tilespmem:v53+s4+$0x0], $0xffff  }
0x33f: {  	v9 =	vadd.s32 $0x7530, v9;
	v24 =	vmul.f32 v42, v24;
	(erf) = vpow2.f32 v27;
	[tilespmem:v3+s30+$0x0] =	vst.idx.add.f32.msk $0xffff, v60  }
0x340: {  	v28 =	vadd.f32 v52, v37;
	v37 =	vadd.s32 $0x2710, v1;
	v33 =	vmul.f32 v14, v50;
	v2 =	vld.idx.msk [tilespmem:v2+s4+$0x0], $0xffff  }
0x341: {  	v40 =	vadd.s32 $0x2710, v3;
	v13 =	vmax.f32 v57, v63;
	v59 =	vmul.f32 v43, v25;
	[tilespmem:v10+s30+$0x0] =	vst.idx.add.f32.msk $0xffff, v24  }
0x342: {  	v13 =	vmul.f32 $1.442695020e+00, v13;
	v36 =	vadd.f32 v56, v54;
	v35 =	vmul.f32 $2.000000030e-01, v28;
	[tilespmem:v4+s30+$0x0] =	vst.idx.add.f32.msk $0xffff, v33  }
0x343: {  	v43 =	vadd.s32 $0x4E20, v6;
	v25 =	vld.idx.msk [tilespmem:v61+s4+$0x0], $0xffff;
	v42 =	vmul.f32 v11, v26  }
0x344: {  	[tilespmem:v9+s30+$0x0] =	vst.idx.add.f32.msk $0xffff, v59;
	v39 =	vmul.f32 $2.000000030e-01, v36;
	v23 =	vmax.f32 v28, v35;
	(erf) = vpow2.f32 v13  }
0x345: {  	v45 =	vadd.s32 $0x2710, v4;
	v41 =	vmul.f32 $1.442695020e+00, v23;
	[tilespmem:v37+s30+$0x0] =	vst.idx.add.f32.msk $0xffff, v42;
	v2 =	vmul.f32 v12, v2  }
0x346: {  	v44 =	vmax.f32 v36, v39;
	v10 =	vld.idx.msk [tilespmem:v38+s4+$0x0], $0xffff  }
0x347: {  	v57 =	vadd.s32 $0x4E20, v7;
	v46 =	vmul.f32 $1.442695020e+00, v44;
	(erf) = vpow2.f32 v41;
	[tilespmem:v40+s30+$0x0] =	vst.idx.add.f32.msk $0xffff, v2  }
0x348: {  	v41 =	vadd.s32 $0x4E20, v1;
	v2 =	vmul.f32 v14, v25;
	v13 =	vpop (erf);
	v9 =	vld.idx.msk [tilespmem:v43+s4+$0x0], $0xffff  }
0x349: {  	(erf) = vpow2.f32 v46;
	[tilespmem:v15+s2+$0x0] =	vst.idx.add.f32.msk $0xffff, v13  }
0x34a: {  	v5 =	vadd.s32 $0x7530, v5;
	[tilespmem:v45+s30+$0x0] =	vst.idx.add.f32.msk $0xffff, v2  }
0x34b: {  	v47 =	vld.idx.msk [tilespmem:v19+s4+$0x0], $0xffff;
	v10 =	vmul.f32 v10, v11  }
0x34c: {  	v30 =	vld.idx.msk [tilespmem:v57+s4+$0x0], $0xffff  }
0x34d: {  	v2 =	vpop (erf);
	[tilespmem:v41+s30+$0x0] =	vst.idx.add.f32.msk $0xffff, v10  }
0x34e: {  	[tilespmem:v16+s2+$0x0] =	vst.idx.add.f32.msk $0xffff, v2  }
0x34f: {  	v5 =	vld.idx.msk [tilespmem:v5+s4+$0x0], $0xffff  }
0x350: {  	v43 =	vadd.s32 $0x4E20, v3;
	v23 =	vpop (erf);
	v48 =	vld.idx.msk [tilespmem:v20+s4+$0x0], $0xffff  }
0x351: {  	[tilespmem:v17+s2+$0x0] =	vst.idx.add.f32.msk $0xffff, v23  }
0x352: {  	v49 =	vadd.s32 $0x2710, v19;
	v27 =	vpop (erf);
	v50 =	vld.idx.msk [tilespmem:v21+s4+$0x0], $0xffff  }
0x353: {  	v9 =	vmul.f32 v9, v12;
	[tilespmem:v18+s2+$0x0] =	vst.idx.add.f32.msk $0xffff, v27  }
0x354: {  	v51 =	vadd.s32 $0x2710, v20;
	v8 =	vmul.f32 v13, v47;
	v52 =	vld.idx.msk [tilespmem:v22+s4+$0x0], $0xffff  }
0x355: {  	[tilespmem:v43+s30+$0x0] =	vst.idx.add.f32.msk $0xffff, v9  }
0x356: {  	v54 =	vadd.s32 $0x2710, v21;
	[tilespmem:v15+s30+$0x0] =	vst.idx.add.f32.msk $0xffff, v8;
	v53 =	vmul.f32 v2, v48  }
0x357: {  	v25 =	vld.idx.msk [tilespmem:v49+s4+$0x0], $0xffff  }
0x358: {  	v56 =	vadd.s32 $0x2710, v22;
	v55 =	vmul.f32 v23, v50;
	[tilespmem:v16+s30+$0x0] =	vst.idx.add.f32.msk $0xffff, v53  }
0x359: {  	v6 =	vadd.s32 $0x7530, v6;
	v28 =	vld.idx.msk [tilespmem:v51+s4+$0x0], $0xffff  }
0x35a: {  	v58 =	vadd.s32 $0x2710, v15;
	v59 =	vmul.f32 v27, v52;
	[tilespmem:v17+s30+$0x0] =	vst.idx.add.f32.msk $0xffff, v55  }
0x35b: {  	v60 =	vadd.s32 $0x4E20, v19;
	v24 =	vld.idx.msk [tilespmem:v54+s4+$0x0], $0xffff  }
0x35c: {  	v61 =	vadd.s32 $0x2710, v16;
	[tilespmem:v18+s30+$0x0] =	vst.idx.add.f32.msk $0xffff, v59  }
0x35d: {  	v63 =	vadd.s32 $0x2710, v17;
	v62 =	vmul.f32 v13, v25;
	v26 =	vld.idx.msk [tilespmem:v56+s4+$0x0], $0xffff  }
0x35e: {  	v36 =	vadd.s32 $0x4E20, v20;
	v6 =	vld.idx.msk [tilespmem:v6+s4+$0x0], $0xffff  }
0x35f: {  	v38 =	vadd.s32 $0x2710, v18;
	[tilespmem:v58+s30+$0x0] =	vst.idx.add.f32.msk $0xffff, v62;
	v37 =	vmul.f32 v2, v28  }
0x360: {  	v39 =	vadd.s32 $0x4E20, v21;
	v29 =	vld.idx.msk [tilespmem:v60+s4+$0x0], $0xffff;
	v24 =	vmul.f32 v23, v24  }
0x361: {  	v40 =	vadd.s32 $0x4E20, v22;
	[tilespmem:v61+s30+$0x0] =	vst.idx.add.f32.msk $0xffff, v37  }
0x362: {  	v45 =	vadd.s32 $0x4E20, v4;
	v42 =	vmul.f32 v27, v26;
	[tilespmem:v63+s30+$0x0] =	vst.idx.add.f32.msk $0xffff, v24  }
0x363: {  	v7 =	vadd.s32 $0x7530, v7;
	v44 =	vld.idx.msk [tilespmem:v36+s4+$0x0], $0xffff  }
0x364: {  	v46 =	vadd.s32 $0x4E20, v15;
	[tilespmem:v38+s30+$0x0] =	vst.idx.add.f32.msk $0xffff, v42  }
0x365: {  	v49 =	vmul.f32 v30, v14;
	v55 =	vadd.s32 $0x7530, v19;
	v47 =	vld.idx.msk [tilespmem:v39+s4+$0x0], $0xffff  }
0x366: {  	v48 =	vadd.s32 $0x4E20, v16;
	v8 =	vld.idx.msk [tilespmem:v40+s4+$0x0], $0xffff  }
0x367: {  	v50 =	vadd.s32 $0x4E20, v17;
	[tilespmem:v45+s30+$0x0] =	vst.idx.add.f32.msk $0xffff, v49;
	v51 =	vmul.f32 v29, v13  }
0x368: {  	v52 =	vadd.s32 $0x4E20, v18;
	v7 =	vld.idx.msk [tilespmem:v7+s4+$0x0], $0xffff  }
0x369: {  	v56 =	vadd.s32 $0x7530, v20;
	[tilespmem:v46+s30+$0x0] =	vst.idx.add.f32.msk $0xffff, v51;
	v53 =	vmul.f32 v44, v2  }
0x36a: {  	v57 =	vadd.s32 $0x7530, v21;
	v9 =	vld.idx.msk [tilespmem:v55+s4+$0x0], $0xffff;
	v54 =	vmul.f32 v47, v23  }
0x36b: {  	v58 =	vadd.s32 $0x7530, v22;
	[tilespmem:v48+s30+$0x0] =	vst.idx.add.f32.msk $0xffff, v53;
	v8 =	vmul.f32 v8, v27  }
0x36c: {  	v1 =	vadd.s32 $0x7530, v1;
	[tilespmem:v50+s30+$0x0] =	vst.idx.add.f32.msk $0xffff, v54  }
0x36d: {  	v3 =	vadd.s32 $0x7530, v3;
	[tilespmem:v52+s30+$0x0] =	vst.idx.add.f32.msk $0xffff, v8  }
0x36e: {  	v4 =	vadd.s32 $0x7530, v4;
	v8 =	vld.idx.msk [tilespmem:v56+s4+$0x0], $0xffff  }
0x36f: {  	v5 =	vmul.f32 v5, v11;
	v59 =	vadd.s32 $0x7530, v15;
	v10 =	vld.idx.msk [tilespmem:v57+s4+$0x0], $0xffff  }
0x370: {  	v6 =	vmul.f32 v6, v12;
	v60 =	vadd.s32 $0x7530, v16;
	v61 =	vld.idx.msk [tilespmem:v58+s4+$0x0], $0xffff  }
0x371: {  	s9 =	sadd.s32 $0x10, s9;
	[tilespmem:v1+s30+$0x0] =	vst.idx.add.f32.msk $0xffff, v5;
	v62 =	vadd.s32 $0x7530, v17;
	v1 =	vmul.f32 v7, v14  }
0x372: {  	p1 =	slt.u32 s9, $0xE0;
	[tilespmem:v3+s30+$0x0] =	vst.idx.add.f32.msk $0xffff, v6;
	v63 =	vadd.s32 $0x7530, v18;
	v3 =	vmul.f32 v9, v13  }
.Ltmp11:
0x373: {  	[tilespmem:v4+s30+$0x0] =	vst.idx.add.f32.msk $0xffff, v1;
	v1 =	vmul.f32 v8, v2;
	(pc) =	sbr.rel @p1 .LBB2_23-.Ltmp11, $4  }
0x374: {  	[tilespmem:v59+s30+$0x0] =	vst.idx.add.f32.msk $0xffff, v3;
	v2 =	vmul.f32 v10, v23  }
0x375: {  	[tilespmem:v60+s30+$0x0] =	vst.idx.add.f32.msk $0xffff, v1;
	v1 =	vmul.f32 v61, v27  }
0x376: {  	[tilespmem:v62+s30+$0x0] =	vst.idx.add.f32.msk $0xffff, v2  }
0x377: {  	s5 =	sadd.s32 $0x100, s5;
	[tilespmem:v63+s30+$0x0] =	vst.idx.add.f32.msk $0xffff, v1  }
.LBB2_24:
0x378: {  	s5 =	sshra.s32 s4, $0x2  }
0x379: {  	v1 =	vld [tilespmem:s5+$0x1BE80];
	_ =	sdelay $0x4  }
0x37a: {  	v2 =	vshrl.u32 v1, $0xE  }
0x37b: {  	v1 =	vand.u32 $0x3FFF, v1;
	_ =	sdelay $0x3  }
0x37c: {  	v3 =	vld.idx.msk [tilespmem:v2+s31+$0x0], $0xffff  }
0x37d: {  	v4 =	vld.idx.msk [tilespmem:v1+s18+$0x0], $0xffff;
	_ =	sdelay $0x4  }
0x37e: {  	v3 =	vadd.f32 v4, v3;
	_ =	sdelay $0x1  }
0x37f: {  	v4 =	vmul.f32 $2.000000030e-01, v3;
	_ =	sdelay $0x1  }
0x380: {  	v3 =	vmax.f32 v3, v4  }
0x381: {  	v3 =	vmul.f32 $1.442695020e+00, v3;
	_ =	sdelay $0x1  }
0x382: {  	(erf) = vpow2.f32 v3;
	_ =	sdelay $0x8  }
0x383: {  	v3 =	vpop (erf)  }
0x384: {  	[tilespmem:v1+s2+$0x0] =	vst.idx.add.f32.msk $0xffff, v3  }
0x385: {  	v61 =	vld.idx.msk [tilespmem:v2+s0+$0x0], $0xffff;
	_ =	sdelay $0x2  }
0x386: {  	v5 =	vadd.s32 $0x2710, v2;
	_ =	sdelay $0x1  }
0x387: {  	v4 =	vmul.f32 v3, v61;
	_ =	sdelay $0x1  }
0x388: {  	[tilespmem:v1+s30+$0x0] =	vst.idx.add.f32.msk $0xffff, v4  }
0x389: {  	v4 =	vld.idx.msk [tilespmem:v5+s0+$0x0], $0xffff;
	_ =	sdelay $0x1  }
0x38a: {  	v62 =	vadd.s32 $0x2710, v1  }
0x38b: {  	v6 =	vadd.s32 $0x4E20, v2;
	_ =	sdelay $0x1  }
0x38c: {  	v4 =	vmul.f32 v3, v4;
	_ =	sdelay $0x1  }
0x38d: {  	[tilespmem:v62+s30+$0x0] =	vst.idx.add.f32.msk $0xffff, v4  }
0x38e: {  	v4 =	vld.idx.msk [tilespmem:v6+s0+$0x0], $0xffff;
	_ =	sdelay $0x1  }
0x38f: {  	v63 =	vadd.s32 $0x4E20, v1  }
0x390: {  	v2 =	vadd.s32 $0x7530, v2;
	_ =	sdelay $0x1  }
0x391: {  	v4 =	vmul.f32 v4, v3;
	_ =	sdelay $0x1  }
0x392: {  	[tilespmem:v63+s30+$0x0] =	vst.idx.add.f32.msk $0xffff, v4  }
0x393: {  	v2 =	vld.idx.msk [tilespmem:v2+s0+$0x0], $0xffff;
	_ =	sdelay $0x1  }
0x394: {  	p1 =	sne.s32 s4, $0x240;
	v1 =	vadd.s32 $0x7530, v1  }
.Ltmp12:
0x395: {  	_ = 	snop;
	(pc) =	sbr.rel @p1 .LBB2_24-.Ltmp12, $3  }
0x396: {  	_ = 	snop  }
0x397: {  	v2 =	vmul.f32 v2, v3;
	_ =	sdelay $0x1  }
0x398: {  	s4 =	sadd.s32 $0x40, s4;
	[tilespmem:v1+s30+$0x0] =	vst.idx.add.f32.msk $0xffff, v2  }
0x399: {  	s4 =	sshll.u32 s8, $0x1  }
0x39a: {  	s4 =	smin.u32 s4, $0x4D  }
0x39b: {  	s4 =	smul.u32 $0xFA0, s4;
	_ =	sdelay $0x1  }
0x39c: {  	_ =	swait.ge [sflag:s3], $0xFA0;
	s4 =	sshrl.u32 s4, $0x3  }
0x39d: {  	s9 =	simm.s32 $0xFFFFFFF0;
	[sflag:s3] =	ssyncset.done $0x0;
	s4 =	sadd.s32 s24, s4  }
0x39e: {  	s5 =	simm.s32 $0x1C010;
	[sflag:s3] =	ssyncadd.s32 $0xFFFFF060;
	s4 =	sadd.s32 $0x3E8, s4  }
0x39f: {  	[tilespmem:s1], [sflag:$0x1] =	stream.linear.gather [hbm4b:s4+s0], $0xFA0, $0x38;
	[tilespmem:$0x1CF00] =	vst v63  }
.LBB2_26:
0x3a0: {  	v1 =	vld [tilespmem:s5+$0xFFFFFF10];
	_ =	sdelay $0x4  }
0x3a1: {  	v2 =	vshrl.u32 v1, $0xE  }
0x3a2: {  	v1 =	vand.u32 $0x3FFF, v1;
	_ =	sdelay $0x3  }
0x3a3: {  	v3 =	vld.idx.msk [tilespmem:v2+s31+$0x0], $0xffff  }
0x3a4: {  	v4 =	vld.idx.msk [tilespmem:v1+s18+$0x0], $0xffff;
	_ =	sdelay $0x4  }
0x3a5: {  	v3 =	vadd.f32 v4, v3;
	_ =	sdelay $0x1  }
0x3a6: {  	v4 =	vmul.f32 $2.000000030e-01, v3;
	_ =	sdelay $0x1  }
0x3a7: {  	v3 =	vmax.f32 v3, v4  }
0x3a8: {  	v3 =	vmul.f32 $1.442695020e+00, v3  }
0x3a9: {  	v5 =	vld [tilespmem:s5+$0xFFFFFF30]  }
0x3aa: {  	(erf) = vpow2.f32 v3;
	v3 =	vld [tilespmem:s5+$0xFFFFFF20];
	_ =	sdelay $0x3  }
0x3ab: {  	v13 =	vshrl.u32 v5, $0xE  }
0x3ac: {  	v9 =	vshrl.u32 v3, $0xE  }
0x3ad: {  	v4 =	vand.u32 $0x3FFF, v3  }
0x3ae: {  	v5 =	vand.u32 $0x3FFF, v5  }
0x3af: {  	v11 =	vld [tilespmem:s5+$0xFFFFFF40]  }
0x3b0: {  	v10 =	vld.idx.msk [tilespmem:v13+s31+$0x0], $0xffff  }
0x3b1: {  	v7 =	vld.idx.msk [tilespmem:v9+s31+$0x0], $0xffff  }
0x3b2: {  	v8 =	vld.idx.msk [tilespmem:v4+s18+$0x0], $0xffff  }
0x3b3: {  	v12 =	vld.idx.msk [tilespmem:v5+s18+$0x0], $0xffff;
	v3 =	vpop (erf)  }
0x3b4: {  	s4 =	simm.s32 $0x0;
	[tilespmem:v1+s2+$0x0] =	vst.idx.add.f32.msk $0xffff, v3  }
0x3b5: {  	v6 =	vld.idx.msk [tilespmem:v2+s4+$0x0], $0xffff  }
0x3b6: {  	v14 =	vld [tilespmem:s5+$0xFFFFFF50]  }
0x3b7: {  	v7 =	vadd.f32 v8, v7  }
0x3b8: {  	v15 =	vadd.s32 $0x2710, v2  }
0x3b9: {  	v18 =	vshrl.u32 v11, $0xE;
	v10 =	vadd.f32 v12, v10;
	v16 =	vmul.f32 $2.000000030e-01, v7  }
0x3ba: {  	v32 =	vmul.f32 v3, v6;
	v6 =	vand.u32 $0x3FFF, v11  }
0x3bb: {  	v19 =	vshrl.u32 v14, $0xE;
	v34 =	vmul.f32 $2.000000030e-01, v10;
	v33 =	vmax.f32 v7, v16  }
0x3bc: {  	[tilespmem:v1+s30+$0x0] =	vst.idx.add.f32.msk $0xffff, v32;
	v7 =	vand.u32 $0x3FFF, v14;
	v8 =	vmul.f32 $1.442695020e+00, v33  }
0x3bd: {  	v10 =	vmax.f32 v10, v34;
	v35 =	vld.idx.msk [tilespmem:v15+s4+$0x0], $0xffff  }
0x3be: {  	v36 =	vld.idx.msk [tilespmem:v18+s31+$0x0], $0xffff;
	v37 =	vmul.f32 $1.442695020e+00, v10;
	(erf) = vpow2.f32 v8  }
0x3bf: {  	v40 =	vadd.s32 $0x2710, v1;
	v38 =	vld.idx.msk [tilespmem:v6+s18+$0x0], $0xffff  }
0x3c0: {  	v42 =	vadd.s32 $0x4E20, v2;
	v39 =	vld.idx.msk [tilespmem:v19+s31+$0x0], $0xffff;
	(erf) = vpow2.f32 v37  }
0x3c1: {  	v41 =	vld.idx.msk [tilespmem:v7+s18+$0x0], $0xffff  }
0x3c2: {  	v51 =	vld [tilespmem:s5+$0xFFFFFF60];
	v12 =	vmul.f32 v3, v35  }
0x3c3: {  	v27 =	vld [tilespmem:s5+$0xFFFFFF70]  }
0x3c4: {  	v10 =	vadd.f32 v38, v36;
	[tilespmem:v40+s30+$0x0] =	vst.idx.add.f32.msk $0xffff, v12  }
0x3c5: {  	v12 =	vld.idx.msk [tilespmem:v42+s4+$0x0], $0xffff  }
0x3c6: {  	v63 =	vld [tilespmem:s5+$0xFFFFFF80];
	v11 =	vmul.f32 $2.000000030e-01, v10;
	v8 =	vadd.f32 v41, v39  }
0x3c7: {  	v44 =	vadd.s32 $0x4E20, v1;
	v32 =	vld [tilespmem:s5+$0xFFFFFF90];
	v16 =	vpop (erf)  }
0x3c8: {  	v2 =	vadd.s32 $0x7530, v2;
	v10 =	vmax.f32 v10, v11;
	v43 =	vmul.f32 $2.000000030e-01, v8;
	[tilespmem:v4+s2+$0x0] =	vst.idx.add.f32.msk $0xffff, v16  }
0x3c9: {  	v11 =	vshrl.u32 v51, $0xE;
	v10 =	vmul.f32 $1.442695020e+00, v10;
	v17 =	vpop (erf);
	v45 =	vld.idx.msk [tilespmem:v9+s4+$0x0], $0xffff  }
0x3ca: {  	v46 =	vmul.f32 v12, v3;
	v12 =	vshrl.u32 v27, $0xE;
	v8 =	vmax.f32 v8, v43;
	[tilespmem:v5+s2+$0x0] =	vst.idx.add.f32.msk $0xffff, v17  }
0x3cb: {  	(erf) = vpow2.f32 v10;
	v8 =	vmul.f32 $1.442695020e+00, v8;
	v47 =	vld.idx.msk [tilespmem:v13+s4+$0x0], $0xffff  }
0x3cc: {  	v48 =	vadd.s32 $0x2710, v9;
	[tilespmem:v44+s30+$0x0] =	vst.idx.add.f32.msk $0xffff, v46  }
0x3cd: {  	v20 =	vld.idx.msk [tilespmem:v2+s4+$0x0], $0xffff;
	(erf) = vpow2.f32 v8  }
0x3ce: {  	v50 =	vadd.s32 $0x2710, v13;
	v25 =	vld.idx.msk [tilespmem:v11+s31+$0x0], $0xffff;
	v49 =	vmul.f32 v16, v45  }
0x3cf: {  	v1 =	vadd.s32 $0x7530, v1;
	v61 =	vld.idx.msk [tilespmem:v12+s31+$0x0], $0xffff  }
0x3d0: {  	v2 =	vmul.f32 v17, v47;
	[tilespmem:v4+s30+$0x0] =	vst.idx.add.f32.msk $0xffff, v49  }
0x3d1: {  	v8 =	vld.idx.msk [tilespmem:v48+s4+$0x0], $0xffff  }
0x3d2: {  	v3 =	vmul.f32 v20, v3;
	[tilespmem:v5+s30+$0x0] =	vst.idx.add.f32.msk $0xffff, v2  }
0x3d3: {  	v2 =	vand.u32 $0x3FFF, v51;
	v10 =	vld.idx.msk [tilespmem:v50+s4+$0x0], $0xffff  }
0x3d4: {  	v21 =	vpop (erf);
	[tilespmem:v1+s30+$0x0] =	vst.idx.add.f32.msk $0xffff, v3  }
0x3d5: {  	v53 =	vadd.s32 $0x2710, v4;
	[tilespmem:v6+s2+$0x0] =	vst.idx.add.f32.msk $0xffff, v21  }
0x3d6: {  	v54 =	vadd.s32 $0x4E20, v9;
	v52 =	vld.idx.msk [tilespmem:v18+s4+$0x0], $0xffff;
	v22 =	vpop (erf)  }
0x3d7: {  	v24 =	vadd.s32 $0x2710, v5;
	[tilespmem:v7+s2+$0x0] =	vst.idx.add.f32.msk $0xffff, v22  }
0x3d8: {  	v26 =	vadd.s32 $0x4E20, v13;
	v8 =	vmul.f32 v16, v8;
	v28 =	vld.idx.msk [tilespmem:v2+s18+$0x0], $0xffff  }
0x3d9: {  	v23 =	vld.idx.msk [tilespmem:v19+s4+$0x0], $0xffff  }
0x3da: {  	v56 =	vadd.s32 $0x2710, v18;
	v55 =	vmul.f32 v17, v10;
	[tilespmem:v53+s30+$0x0] =	vst.idx.add.f32.msk $0xffff, v8  }
0x3db: {  	v8 =	vand.u32 $0x3FFF, v27;
	v14 =	vld.idx.msk [tilespmem:v54+s4+$0x0], $0xffff  }
0x3dc: {  	[tilespmem:v24+s30+$0x0] =	vst.idx.add.f32.msk $0xffff, v55;
	v57 =	vmul.f32 v21, v52  }
0x3dd: {  	v58 =	vadd.s32 $0x2710, v19;
	v24 =	vld.idx.msk [tilespmem:v26+s4+$0x0], $0xffff  }
0x3de: {  	[tilespmem:v6+s30+$0x0] =	vst.idx.add.f32.msk $0xffff, v57  }
0x3df: {  	v59 =	vadd.s32 $0x4E20, v4;
	v25 =	vadd.f32 v28, v25;
	v23 =	vmul.f32 v22, v23;
	v10 =	vld.idx.msk [tilespmem:v56+s4+$0x0], $0xffff  }
0x3e0: {  	v9 =	vadd.s32 $0x7530, v9;
	v30 =	vld.idx.msk [tilespmem:v8+s18+$0x0], $0xffff  }
0x3e1: {  	v62 =	vadd.s32 $0x4E20, v5;
	v60 =	vmul.f32 $2.000000030e-01, v25;
	[tilespmem:v7+s30+$0x0] =	vst.idx.add.f32.msk $0xffff, v23  }
0x3e2: {  	v44 =	vadd.s32 $0x7530, v13;
	v14 =	vmul.f32 v14, v16;
	v15 =	vld.idx.msk [tilespmem:v58+s4+$0x0], $0xffff  }
0x3e3: {  	v23 =	vmax.f32 v25, v60;
	v60 =	vld [tilespmem:s5+$0xFFFFFFA0]  }
0x3e4: {  	v29 =	vadd.s32 $0x2710, v6;
	v37 =	vmul.f32 v24, v17;
	[tilespmem:v59+s30+$0x0] =	vst.idx.add.f32.msk $0xffff, v14  }
0x3e5: {  	v36 =	vadd.s32 $0x4E20, v18;
	v31 =	vld.idx.msk [tilespmem:v9+s4+$0x0], $0xffff  }
0x3e6: {  	v14 =	vshrl.u32 v63, $0xE;
	[tilespmem:v62+s30+$0x0] =	vst.idx.add.f32.msk $0xffff, v37  }
0x3e7: {  	v38 =	vadd.s32 $0x2710, v7;
	v23 =	vmul.f32 $1.442695020e+00, v23;
	v10 =	vmul.f32 v21, v10;
	v27 =	vld.idx.msk [tilespmem:v44+s4+$0x0], $0xffff  }
0x3e8: {  	v9 =	vand.u32 $0x3FFF, v32;
	v25 =	vadd.f32 v30, v61;
	v30 =	vld [tilespmem:s5+$0xFFFFFFB0]  }
0x3e9: {  	v39 =	vadd.s32 $0x4E20, v19;
	(erf) = vpow2.f32 v23;
	[tilespmem:v29+s30+$0x0] =	vst.idx.add.f32.msk $0xffff, v10  }
0x3ea: {  	v10 =	vand.u32 $0x3FFF, v63;
	v40 =	vmul.f32 v22, v15;
	v26 =	vld.idx.msk [tilespmem:v36+s4+$0x0], $0xffff  }
0x3eb: {  	v4 =	vadd.s32 $0x7530, v4;
	v41 =	vmul.f32 $2.000000030e-01, v25;
	v43 =	vld.idx.msk [tilespmem:v14+s31+$0x0], $0xffff  }
0x3ec: {  	v15 =	vshrl.u32 v32, $0xE;
	[tilespmem:v38+s30+$0x0] =	vst.idx.add.f32.msk $0xffff, v40  }
0x3ed: {  	v45 =	vadd.s32 $0x4E20, v6;
	v42 =	vmax.f32 v25, v41;
	v33 =	vld.idx.msk [tilespmem:v9+s18+$0x0], $0xffff  }
0x3ee: {  	v16 =	vmul.f32 v31, v16;
	v23 =	vld.idx.msk [tilespmem:v39+s4+$0x0], $0xffff;
	v24 =	vmul.f32 $1.442695020e+00, v42  }
0x3ef: {  	v18 =	vadd.s32 $0x7530, v18;
	v28 =	vld.idx.msk [tilespmem:v10+s18+$0x0], $0xffff  }
0x3f0: {  	[tilespmem:v4+s30+$0x0] =	vst.idx.add.f32.msk $0xffff, v16;
	(erf) = vpow2.f32 v24;
	v26 =	vmul.f32 v26, v21  }
0x3f1: {  	v47 =	vadd.s32 $0x4E20, v7;
	v48 =	vld.idx.msk [tilespmem:v15+s31+$0x0], $0xffff  }
0x3f2: {  	v13 =	vpop (erf);
	[tilespmem:v45+s30+$0x0] =	vst.idx.add.f32.msk $0xffff, v26  }
0x3f3: {  	v19 =	vadd.s32 $0x7530, v19;
	[tilespmem:v2+s2+$0x0] =	vst.idx.add.f32.msk $0xffff, v13  }
0x3f4: {  	v5 =	vadd.s32 $0x7530, v5;
	v23 =	vmul.f32 v23, v22;
	v18 =	vld.idx.msk [tilespmem:v18+s4+$0x0], $0xffff  }
0x3f5: {  	v46 =	vld.idx.msk [tilespmem:v11+s4+$0x0], $0xffff  }
0x3f6: {  	v6 =	vadd.s32 $0x7530, v6;
	v25 =	vadd.f32 v28, v43;
	[tilespmem:v47+s30+$0x0] =	vst.idx.add.f32.msk $0xffff, v23  }
0x3f7: {  	v1 =	vmul.f32 v27, v17;
	v52 =	vadd.f32 v33, v48;
	v33 =	vld [tilespmem:s5+$0xFFFFFFC0]  }
0x3f8: {  	v28 =	vmul.f32 $2.000000030e-01, v25;
	v19 =	vld.idx.msk [tilespmem:v19+s4+$0x0], $0xffff  }
0x3f9: {  	v49 =	vadd.s32 $0x2710, v11;
	[tilespmem:v5+s30+$0x0] =	vst.idx.add.f32.msk $0xffff, v1;
	v53 =	vmul.f32 $2.000000030e-01, v52;
	v57 =	vmul.f32 v18, v21;
	v23 =	vpop (erf)  }
0x3fa: {  	v7 =	vadd.s32 $0x7530, v7;
	v5 =	vshrl.u32 v60, $0xE;
	v51 =	vmax.f32 v25, v28;
	[tilespmem:v8+s2+$0x0] =	vst.idx.add.f32.msk $0xffff, v23  }
0x3fb: {  	v50 =	vmul.f32 v13, v46;
	v24 =	vmul.f32 $1.442695020e+00, v51;
	v55 =	vmax.f32 v52, v53;
	[tilespmem:v6+s30+$0x0] =	vst.idx.add.f32.msk $0xffff, v57  }
0x3fc: {  	v56 =	vmul.f32 $1.442695020e+00, v55;
	v6 =	vshrl.u32 v30, $0xE;
	v54 =	vld.idx.msk [tilespmem:v12+s4+$0x0], $0xffff  }
0x3fd: {  	v4 =	vand.u32 $0x3FFF, v33;
	[tilespmem:v2+s30+$0x0] =	vst.idx.add.f32.msk $0xffff, v50;
	(erf) = vpow2.f32 v24;
	v1 =	vmul.f32 v19, v22  }
0x3fe: {  	v26 =	vld.idx.msk [tilespmem:v49+s4+$0x0], $0xffff  }
0x3ff: {  	(erf) = vpow2.f32 v56;
	[tilespmem:v7+s30+$0x0] =	vst.idx.add.f32.msk $0xffff, v1;
	v7 =	vshrl.u32 v33, $0xE  }
0x400: {  	v3 =	vadd.s32 $0x2710, v2;
	v37 =	vld.idx.msk [tilespmem:v5+s31+$0x0], $0xffff  }
0x401: {  	v58 =	vadd.s32 $0x2710, v12;
	v41 =	vld.idx.msk [tilespmem:v6+s31+$0x0], $0xffff;
	v1 =	vmul.f32 v23, v54  }
0x402: {  	v48 =	vld.idx.msk [tilespmem:v4+s18+$0x0], $0xffff  }
0x403: {  	v59 =	vmul.f32 v13, v26;
	[tilespmem:v8+s30+$0x0] =	vst.idx.add.f32.msk $0xffff, v1  }
0x404: {  	v45 =	vld.idx.msk [tilespmem:v7+s31+$0x0], $0xffff  }
0x405: {  	[tilespmem:v3+s30+$0x0] =	vst.idx.add.f32.msk $0xffff, v59  }
0x406: {  	v1 =	vld.idx.msk [tilespmem:v58+s4+$0x0], $0xffff;
	v24 =	vpop (erf)  }
0x407: {  	v3 =	vadd.s32 $0x4E20, v11;
	[tilespmem:v10+s2+$0x0] =	vst.idx.add.f32.msk $0xffff, v24  }
0x408: {  	v25 =	vpop (erf);
	v62 =	vld.idx.msk [tilespmem:v14+s4+$0x0], $0xffff  }
0x409: {  	v61 =	vadd.s32 $0x2710, v8;
	[tilespmem:v9+s2+$0x0] =	vst.idx.add.f32.msk $0xffff, v25  }
0x40a: {  	v38 =	vadd.s32 $0x4E20, v12;
	v31 =	vld.idx.msk [tilespmem:v15+s4+$0x0], $0xffff  }
0x40b: {  	v56 =	vadd.f32 v48, v45;
	v45 =	vld [tilespmem:s5+$0xFFFFFFE0]  }
0x40c: {  	v63 =	vld.idx.msk [tilespmem:v3+s4+$0x0], $0xffff;
	v1 =	vmul.f32 v23, v1;
	v3 =	vadd.s32 $0x2710, v14  }
0x40d: {  	v48 =	vld [tilespmem:s5+$0x0]  }
0x40e: {  	[tilespmem:v61+s30+$0x0] =	vst.idx.add.f32.msk $0xffff, v1;
	v1 =	vand.u32 $0x3FFF, v60;
	v32 =	vmul.f32 v24, v62  }
0x40f: {  	v34 =	vadd.s32 $0x2710, v15;
	v17 =	vld.idx.msk [tilespmem:v38+s4+$0x0], $0xffff  }
0x410: {  	v49 =	vadd.s32 $0x4E20, v2;
	v36 =	vmul.f32 v25, v31;
	[tilespmem:v10+s30+$0x0] =	vst.idx.add.f32.msk $0xffff, v32  }
0x411: {  	v11 =	vadd.s32 $0x7530, v11;
	v35 =	vld.idx.msk [tilespmem:v3+s4+$0x0], $0xffff  }
0x412: {  	v51 =	vadd.s32 $0x4E20, v8;
	[tilespmem:v9+s30+$0x0] =	vst.idx.add.f32.msk $0xffff, v36  }
0x413: {  	v16 =	vmul.f32 v63, v13;
	v3 =	vand.u32 $0x3FFF, v30;
	v39 =	vld.idx.msk [tilespmem:v1+s18+$0x0], $0xffff  }
0x414: {  	v12 =	vadd.s32 $0x7530, v12;
	v19 =	vld.idx.msk [tilespmem:v34+s4+$0x0], $0xffff  }
0x415: {  	[tilespmem:v49+s30+$0x0] =	vst.idx.add.f32.msk $0xffff, v16;
	v16 =	vand.u32 $0x3FFF, v45;
	v57 =	vmul.f32 v17, v23  }
0x416: {  	v40 =	vadd.s32 $0x2710, v10;
	v59 =	vld.idx.msk [tilespmem:v11+s4+$0x0], $0xffff  }
0x417: {  	v44 =	vadd.s32 $0x2710, v9;
	[tilespmem:v51+s30+$0x0] =	vst.idx.add.f32.msk $0xffff, v57  }
0x418: {  	v46 =	vadd.s32 $0x4E20, v15;
	v42 =	vld.idx.msk [tilespmem:v3+s18+$0x0], $0xffff  }
0x419: {  	v43 =	vadd.s32 $0x4E20, v14;
	v20 =	vmul.f32 v24, v35;
	v63 =	vld.idx.msk [tilespmem:v12+s4+$0x0], $0xffff  }
0x41a: {  	v18 =	vadd.f32 v39, v37;
	v19 =	vmul.f32 v25, v19;
	v36 =	vld.idx.msk [tilespmem:v16+s18+$0x0], $0xffff  }
0x41b: {  	v2 =	vadd.s32 $0x7530, v2;
	[tilespmem:v40+s30+$0x0] =	vst.idx.add.f32.msk $0xffff, v20  }
0x41c: {  	v47 =	vmul.f32 $2.000000030e-01, v18;
	[tilespmem:v44+s30+$0x0] =	vst.idx.add.f32.msk $0xffff, v19  }
0x41d: {  	v20 =	vshrl.u32 v45, $0xE;
	v55 =	vld.idx.msk [tilespmem:v46+s4+$0x0], $0xffff;
	v50 =	vadd.f32 v42, v41  }
0x41e: {  	v8 =	vadd.s32 $0x7530, v8;
	v13 =	vmul.f32 v59, v13;
	v52 =	vld.idx.msk [tilespmem:v43+s4+$0x0], $0xffff;
	v18 =	vmax.f32 v18, v47  }
0x41f: {  	v60 =	vadd.s32 $0x4E20, v9;
	v44 =	vld [tilespmem:s5+$0xFFFFFFD0];
	v18 =	vmul.f32 $1.442695020e+00, v18;
	v53 =	vmul.f32 $2.000000030e-01, v50  }
0x420: {  	v54 =	vadd.s32 $0x4E20, v10;
	v15 =	vadd.s32 $0x7530, v15;
	v61 =	vmul.f32 $2.000000030e-01, v56;
	[tilespmem:v2+s30+$0x0] =	vst.idx.add.f32.msk $0xffff, v13  }
0x421: {  	v47 =	vld [tilespmem:s5+$0xFFFFFFF0];
	v23 =	vmul.f32 v63, v23;
	(erf) = vpow2.f32 v18;
	v58 =	vmax.f32 v50, v53  }
0x422: {  	v22 =	vshrl.u32 v48, $0xE;
	v35 =	vld.idx.msk [tilespmem:v20+s31+$0x0], $0xffff;
	v41 =	vmul.f32 v55, v25;
	v17 =	vmul.f32 $1.442695020e+00, v58  }
0x423: {  	v14 =	vadd.s32 $0x7530, v14;
	v40 =	vmax.f32 v56, v61;
	[tilespmem:v8+s30+$0x0] =	vst.idx.add.f32.msk $0xffff, v23  }
0x424: {  	v62 =	vmul.f32 v52, v24;
	v19 =	vshrl.u32 v44, $0xE;
	[tilespmem:v60+s30+$0x0] =	vst.idx.add.f32.msk $0xffff, v41;
	(erf) = vpow2.f32 v17  }
0x425: {  	v12 =	vmul.f32 $1.442695020e+00, v40;
	v43 =	vld.idx.msk [tilespmem:v15+s4+$0x0], $0xffff;
	v15 =	vand.u32 $0x3FFF, v44  }
0x426: {  	[tilespmem:v54+s30+$0x0] =	vst.idx.add.f32.msk $0xffff, v62;
	v21 =	vshrl.u32 v47, $0xE  }
0x427: {  	v54 =	vld.idx.msk [tilespmem:v22+s31+$0x0], $0xffff;
	(erf) = vpow2.f32 v12  }
0x428: {  	v42 =	vld.idx.msk [tilespmem:v14+s4+$0x0], $0xffff  }
0x429: {  	v51 =	vld.idx.msk [tilespmem:v19+s31+$0x0], $0xffff  }
0x42a: {  	v34 =	vld.idx.msk [tilespmem:v15+s18+$0x0], $0xffff  }
0x42b: {  	v17 =	vand.u32 $0x3FFF, v47;
	v37 =	vld.idx.msk [tilespmem:v21+s31+$0x0], $0xffff;
	v11 =	vpop (erf)  }
0x42c: {  	[tilespmem:v1+s2+$0x0] =	vst.idx.add.f32.msk $0xffff, v11  }
0x42d: {  	v46 =	vld.idx.msk [tilespmem:v5+s4+$0x0], $0xffff;
	v12 =	vpop (erf)  }
0x42e: {  	v18 =	vand.u32 $0x3FFF, v48;
	[tilespmem:v3+s2+$0x0] =	vst.idx.add.f32.msk $0xffff, v12  }
0x42f: {  	v33 =	vadd.f32 v34, v51;
	v49 =	vld.idx.msk [tilespmem:v6+s4+$0x0], $0xffff  }
0x430: {  	v53 =	vadd.s32 $0x2710, v5;
	v52 =	vld.idx.msk [tilespmem:v17+s18+$0x0], $0xffff;
	v14 =	vpop (erf)  }
0x431: {  	[tilespmem:v4+s2+$0x0] =	vst.idx.add.f32.msk $0xffff, v14;
	v58 =	vmul.f32 $2.000000030e-01, v33  }
0x432: {  	v2 =	vadd.s32 $0x2710, v6;
	v50 =	vld.idx.msk [tilespmem:v7+s4+$0x0], $0xffff;
	v55 =	vmul.f32 v11, v46  }
0x433: {  	v10 =	vadd.s32 $0x7530, v10;
	v57 =	vadd.f32 v36, v35;
	v56 =	vld.idx.msk [tilespmem:v18+s18+$0x0], $0xffff;
	v62 =	vmax.f32 v33, v58  }
0x434: {  	[tilespmem:v1+s30+$0x0] =	vst.idx.add.f32.msk $0xffff, v55;
	v27 =	vmul.f32 $1.442695020e+00, v62;
	v60 =	vmul.f32 v12, v49  }
0x435: {  	v38 =	vadd.s32 $0x4E20, v5;
	v61 =	vadd.s32 $0x2710, v7;
	v63 =	vmul.f32 $2.000000030e-01, v57;
	v26 =	vld.idx.msk [tilespmem:v53+s4+$0x0], $0xffff  }
0x436: {  	v9 =	vadd.s32 $0x7530, v9;
	v24 =	vmul.f32 v42, v24;
	(erf) = vpow2.f32 v27;
	[tilespmem:v3+s30+$0x0] =	vst.idx.add.f32.msk $0xffff, v60  }
0x437: {  	v28 =	vadd.f32 v52, v37;
	v37 =	vadd.s32 $0x2710, v1;
	v33 =	vmul.f32 v14, v50;
	v2 =	vld.idx.msk [tilespmem:v2+s4+$0x0], $0xffff  }
0x438: {  	v40 =	vadd.s32 $0x2710, v3;
	v13 =	vmax.f32 v57, v63;
	v59 =	vmul.f32 v43, v25;
	[tilespmem:v10+s30+$0x0] =	vst.idx.add.f32.msk $0xffff, v24  }
0x439: {  	v13 =	vmul.f32 $1.442695020e+00, v13;
	v36 =	vadd.f32 v56, v54;
	v35 =	vmul.f32 $2.000000030e-01, v28;
	[tilespmem:v4+s30+$0x0] =	vst.idx.add.f32.msk $0xffff, v33  }
0x43a: {  	v43 =	vadd.s32 $0x4E20, v6;
	v25 =	vld.idx.msk [tilespmem:v61+s4+$0x0], $0xffff;
	v42 =	vmul.f32 v11, v26  }
0x43b: {  	[tilespmem:v9+s30+$0x0] =	vst.idx.add.f32.msk $0xffff, v59;
	v39 =	vmul.f32 $2.000000030e-01, v36;
	v23 =	vmax.f32 v28, v35;
	(erf) = vpow2.f32 v13  }
0x43c: {  	v45 =	vadd.s32 $0x2710, v4;
	v41 =	vmul.f32 $1.442695020e+00, v23;
	[tilespmem:v37+s30+$0x0] =	vst.idx.add.f32.msk $0xffff, v42;
	v2 =	vmul.f32 v12, v2  }
0x43d: {  	v44 =	vmax.f32 v36, v39;
	v10 =	vld.idx.msk [tilespmem:v38+s4+$0x0], $0xffff  }
0x43e: {  	v57 =	vadd.s32 $0x4E20, v7;
	v46 =	vmul.f32 $1.442695020e+00, v44;
	(erf) = vpow2.f32 v41;
	[tilespmem:v40+s30+$0x0] =	vst.idx.add.f32.msk $0xffff, v2  }
0x43f: {  	v41 =	vadd.s32 $0x4E20, v1;
	v2 =	vmul.f32 v14, v25;
	v13 =	vpop (erf);
	v9 =	vld.idx.msk [tilespmem:v43+s4+$0x0], $0xffff  }
0x440: {  	(erf) = vpow2.f32 v46;
	[tilespmem:v15+s2+$0x0] =	vst.idx.add.f32.msk $0xffff, v13  }
0x441: {  	v5 =	vadd.s32 $0x7530, v5;
	[tilespmem:v45+s30+$0x0] =	vst.idx.add.f32.msk $0xffff, v2  }
0x442: {  	v47 =	vld.idx.msk [tilespmem:v19+s4+$0x0], $0xffff;
	v10 =	vmul.f32 v10, v11  }
0x443: {  	v30 =	vld.idx.msk [tilespmem:v57+s4+$0x0], $0xffff  }
0x444: {  	v2 =	vpop (erf);
	[tilespmem:v41+s30+$0x0] =	vst.idx.add.f32.msk $0xffff, v10  }
0x445: {  	[tilespmem:v16+s2+$0x0] =	vst.idx.add.f32.msk $0xffff, v2  }
0x446: {  	v5 =	vld.idx.msk [tilespmem:v5+s4+$0x0], $0xffff  }
0x447: {  	v43 =	vadd.s32 $0x4E20, v3;
	v23 =	vpop (erf);
	v48 =	vld.idx.msk [tilespmem:v20+s4+$0x0], $0xffff  }
0x448: {  	[tilespmem:v17+s2+$0x0] =	vst.idx.add.f32.msk $0xffff, v23  }
0x449: {  	v49 =	vadd.s32 $0x2710, v19;
	v27 =	vpop (erf);
	v50 =	vld.idx.msk [tilespmem:v21+s4+$0x0], $0xffff  }
0x44a: {  	v9 =	vmul.f32 v9, v12;
	[tilespmem:v18+s2+$0x0] =	vst.idx.add.f32.msk $0xffff, v27  }
0x44b: {  	v51 =	vadd.s32 $0x2710, v20;
	v8 =	vmul.f32 v13, v47;
	v52 =	vld.idx.msk [tilespmem:v22+s4+$0x0], $0xffff  }
0x44c: {  	[tilespmem:v43+s30+$0x0] =	vst.idx.add.f32.msk $0xffff, v9  }
0x44d: {  	v54 =	vadd.s32 $0x2710, v21;
	[tilespmem:v15+s30+$0x0] =	vst.idx.add.f32.msk $0xffff, v8;
	v53 =	vmul.f32 v2, v48  }
0x44e: {  	v25 =	vld.idx.msk [tilespmem:v49+s4+$0x0], $0xffff  }
0x44f: {  	v56 =	vadd.s32 $0x2710, v22;
	v55 =	vmul.f32 v23, v50;
	[tilespmem:v16+s30+$0x0] =	vst.idx.add.f32.msk $0xffff, v53  }
0x450: {  	v6 =	vadd.s32 $0x7530, v6;
	v28 =	vld.idx.msk [tilespmem:v51+s4+$0x0], $0xffff  }
0x451: {  	v58 =	vadd.s32 $0x2710, v15;
	v59 =	vmul.f32 v27, v52;
	[tilespmem:v17+s30+$0x0] =	vst.idx.add.f32.msk $0xffff, v55  }
0x452: {  	v60 =	vadd.s32 $0x4E20, v19;
	v24 =	vld.idx.msk [tilespmem:v54+s4+$0x0], $0xffff  }
0x453: {  	v61 =	vadd.s32 $0x2710, v16;
	[tilespmem:v18+s30+$0x0] =	vst.idx.add.f32.msk $0xffff, v59  }
0x454: {  	v63 =	vadd.s32 $0x2710, v17;
	v62 =	vmul.f32 v13, v25;
	v26 =	vld.idx.msk [tilespmem:v56+s4+$0x0], $0xffff  }
0x455: {  	v36 =	vadd.s32 $0x4E20, v20;
	v6 =	vld.idx.msk [tilespmem:v6+s4+$0x0], $0xffff  }
0x456: {  	v38 =	vadd.s32 $0x2710, v18;
	[tilespmem:v58+s30+$0x0] =	vst.idx.add.f32.msk $0xffff, v62;
	v37 =	vmul.f32 v2, v28  }
0x457: {  	v39 =	vadd.s32 $0x4E20, v21;
	v29 =	vld.idx.msk [tilespmem:v60+s4+$0x0], $0xffff;
	v24 =	vmul.f32 v23, v24  }
0x458: {  	v40 =	vadd.s32 $0x4E20, v22;
	[tilespmem:v61+s30+$0x0] =	vst.idx.add.f32.msk $0xffff, v37  }
0x459: {  	v45 =	vadd.s32 $0x4E20, v4;
	v42 =	vmul.f32 v27, v26;
	[tilespmem:v63+s30+$0x0] =	vst.idx.add.f32.msk $0xffff, v24  }
0x45a: {  	v7 =	vadd.s32 $0x7530, v7;
	v44 =	vld.idx.msk [tilespmem:v36+s4+$0x0], $0xffff  }
0x45b: {  	v46 =	vadd.s32 $0x4E20, v15;
	[tilespmem:v38+s30+$0x0] =	vst.idx.add.f32.msk $0xffff, v42  }
0x45c: {  	v49 =	vmul.f32 v30, v14;
	v55 =	vadd.s32 $0x7530, v19;
	v47 =	vld.idx.msk [tilespmem:v39+s4+$0x0], $0xffff  }
0x45d: {  	v48 =	vadd.s32 $0x4E20, v16;
	v8 =	vld.idx.msk [tilespmem:v40+s4+$0x0], $0xffff  }
0x45e: {  	v50 =	vadd.s32 $0x4E20, v17;
	[tilespmem:v45+s30+$0x0] =	vst.idx.add.f32.msk $0xffff, v49;
	v51 =	vmul.f32 v29, v13  }
0x45f: {  	v52 =	vadd.s32 $0x4E20, v18;
	v7 =	vld.idx.msk [tilespmem:v7+s4+$0x0], $0xffff  }
0x460: {  	v56 =	vadd.s32 $0x7530, v20;
	[tilespmem:v46+s30+$0x0] =	vst.idx.add.f32.msk $0xffff, v51;
	v53 =	vmul.f32 v44, v2  }
0x461: {  	v57 =	vadd.s32 $0x7530, v21;
	v9 =	vld.idx.msk [tilespmem:v55+s4+$0x0], $0xffff;
	v54 =	vmul.f32 v47, v23  }
0x462: {  	v58 =	vadd.s32 $0x7530, v22;
	[tilespmem:v48+s30+$0x0] =	vst.idx.add.f32.msk $0xffff, v53;
	v8 =	vmul.f32 v8, v27  }
0x463: {  	v1 =	vadd.s32 $0x7530, v1;
	[tilespmem:v50+s30+$0x0] =	vst.idx.add.f32.msk $0xffff, v54  }
0x464: {  	v3 =	vadd.s32 $0x7530, v3;
	[tilespmem:v52+s30+$0x0] =	vst.idx.add.f32.msk $0xffff, v8  }
0x465: {  	v4 =	vadd.s32 $0x7530, v4;
	v8 =	vld.idx.msk [tilespmem:v56+s4+$0x0], $0xffff  }
0x466: {  	v5 =	vmul.f32 v5, v11;
	v59 =	vadd.s32 $0x7530, v15;
	v10 =	vld.idx.msk [tilespmem:v57+s4+$0x0], $0xffff  }
0x467: {  	v6 =	vmul.f32 v6, v12;
	v60 =	vadd.s32 $0x7530, v16;
	v61 =	vld.idx.msk [tilespmem:v58+s4+$0x0], $0xffff  }
0x468: {  	s9 =	sadd.s32 $0x10, s9;
	[tilespmem:v1+s30+$0x0] =	vst.idx.add.f32.msk $0xffff, v5;
	v62 =	vadd.s32 $0x7530, v17;
	v1 =	vmul.f32 v7, v14  }
0x469: {  	p1 =	slt.u32 s9, $0xE0;
	[tilespmem:v3+s30+$0x0] =	vst.idx.add.f32.msk $0xffff, v6;
	v63 =	vadd.s32 $0x7530, v18;
	v3 =	vmul.f32 v9, v13  }
.Ltmp13:
0x46a: {  	[tilespmem:v4+s30+$0x0] =	vst.idx.add.f32.msk $0xffff, v1;
	v1 =	vmul.f32 v8, v2;
	(pc) =	sbr.rel @p1 .LBB2_26-.Ltmp13, $4  }
0x46b: {  	[tilespmem:v59+s30+$0x0] =	vst.idx.add.f32.msk $0xffff, v3;
	v2 =	vmul.f32 v10, v23  }
0x46c: {  	[tilespmem:v60+s30+$0x0] =	vst.idx.add.f32.msk $0xffff, v1;
	v1 =	vmul.f32 v61, v27  }
0x46d: {  	[tilespmem:v62+s30+$0x0] =	vst.idx.add.f32.msk $0xffff, v2  }
0x46e: {  	s5 =	sadd.s32 $0x100, s5;
	[tilespmem:v63+s30+$0x0] =	vst.idx.add.f32.msk $0xffff, v1  }
.LBB2_27:
0x46f: {  	s5 =	sshra.s32 s4, $0x2  }
0x470: {  	v1 =	vld [tilespmem:s5+$0x1CE20];
	_ =	sdelay $0x4  }
0x471: {  	v2 =	vshrl.u32 v1, $0xE  }
0x472: {  	v1 =	vand.u32 $0x3FFF, v1;
	_ =	sdelay $0x3  }
0x473: {  	v3 =	vld.idx.msk [tilespmem:v2+s31+$0x0], $0xffff  }
0x474: {  	v4 =	vld.idx.msk [tilespmem:v1+s18+$0x0], $0xffff;
	_ =	sdelay $0x4  }
0x475: {  	v3 =	vadd.f32 v4, v3;
	_ =	sdelay $0x1  }
0x476: {  	v4 =	vmul.f32 $2.000000030e-01, v3;
	_ =	sdelay $0x1  }
0x477: {  	v3 =	vmax.f32 v3, v4  }
0x478: {  	v3 =	vmul.f32 $1.442695020e+00, v3;
	_ =	sdelay $0x1  }
0x479: {  	(erf) = vpow2.f32 v3;
	_ =	sdelay $0x8  }
0x47a: {  	v3 =	vpop (erf)  }
0x47b: {  	[tilespmem:v1+s2+$0x0] =	vst.idx.add.f32.msk $0xffff, v3  }
0x47c: {  	v61 =	vld.idx.msk [tilespmem:v2+s0+$0x0], $0xffff;
	_ =	sdelay $0x2  }
0x47d: {  	v5 =	vadd.s32 $0x2710, v2;
	_ =	sdelay $0x1  }
0x47e: {  	v4 =	vmul.f32 v3, v61;
	_ =	sdelay $0x1  }
0x47f: {  	[tilespmem:v1+s30+$0x0] =	vst.idx.add.f32.msk $0xffff, v4  }
0x480: {  	v4 =	vld.idx.msk [tilespmem:v5+s0+$0x0], $0xffff;
	_ =	sdelay $0x1  }
0x481: {  	v62 =	vadd.s32 $0x2710, v1  }
0x482: {  	v6 =	vadd.s32 $0x4E20, v2;
	_ =	sdelay $0x1  }
0x483: {  	v4 =	vmul.f32 v3, v4;
	_ =	sdelay $0x1  }
0x484: {  	[tilespmem:v62+s30+$0x0] =	vst.idx.add.f32.msk $0xffff, v4  }
0x485: {  	v4 =	vld.idx.msk [tilespmem:v6+s0+$0x0], $0xffff;
	_ =	sdelay $0x1  }
0x486: {  	v63 =	vadd.s32 $0x4E20, v1  }
0x487: {  	v2 =	vadd.s32 $0x7530, v2;
	_ =	sdelay $0x1  }
0x488: {  	v4 =	vmul.f32 v4, v3;
	_ =	sdelay $0x1  }
0x489: {  	[tilespmem:v63+s30+$0x0] =	vst.idx.add.f32.msk $0xffff, v4  }
0x48a: {  	v2 =	vld.idx.msk [tilespmem:v2+s0+$0x0], $0xffff;
	_ =	sdelay $0x1  }
0x48b: {  	p1 =	sne.s32 s4, $0x240;
	v1 =	vadd.s32 $0x7530, v1  }
.Ltmp14:
0x48c: {  	_ = 	snop;
	(pc) =	sbr.rel @p1 .LBB2_27-.Ltmp14, $3  }
0x48d: {  	_ = 	snop  }
0x48e: {  	v2 =	vmul.f32 v2, v3;
	_ =	sdelay $0x1  }
0x48f: {  	s4 =	sadd.s32 $0x40, s4;
	[tilespmem:v1+s30+$0x0] =	vst.idx.add.f32.msk $0xffff, v2  }
0x490: {  	s8 =	sadd.s32 $0x1, s8  }
0x491: {  	p1 =	sne.s32 s8, $0x28  }
.Ltmp15:
0x492: {  	_ = 	snop;
	(pc) =	sbr.rel @p1 .LBB2_22-.Ltmp15, $1  }
0x493: {  	_ =	sdelay $0x3  }
0x494: {  	_ =	swait.ge [sflag:s28], $0xFA0  }
0x495: {  	[sflag:s28] =	ssyncset.done $0x0  }
0x496: {  	[sflag:s28] =	ssyncadd.s32 $0xFFFFF060  }
0x497: {  	[hbm4b:s13+s0] =	stream.linear.scatter [tilespmem:s30], [sflag:$0x3], $0x2710, $0x38;
	[tilespmem:$0x1CF00] =	vst v63  }
0x498: {  	_ =	swait.ge [sflag:s26], $0x2710  }
0x499: {  	[sflag:s26] =	ssyncset.done $0x0  }
0x49a: {  	s4 =	simm.s32 $0xC390;
	[sflag:s26] =	ssyncadd.s32 $0xFFFFD8F0  }
0x49b: {  	[hbm4b:s14+s0] =	stream.linear.scatter [tilespmem:s4], [sflag:$0x3], $0x2710, $0x38;
	[tilespmem:$0x1CF00] =	vst v63  }
0x49c: {  	_ =	swait.ge [sflag:s26], $0x2710  }
0x49d: {  	[sflag:s26] =	ssyncset.done $0x0  }
0x49e: {  	s9 =	simm.s32 $0xEAA0;
	[sflag:s26] =	ssyncadd.s32 $0xFFFFD8F0  }
0x49f: {  	[hbm4b:s15+s0] =	stream.linear.scatter [tilespmem:s9], [sflag:$0x3], $0x2710, $0x38;
	[tilespmem:$0x1CF00] =	vst v63  }
0x4a0: {  	_ =	swait.ge [sflag:s26], $0x2710  }
0x4a1: {  	[sflag:s26] =	ssyncset.done $0x0  }
0x4a2: {  	[sflag:s26] =	ssyncadd.s32 $0xFFFFD8F0  }
0x4a3: {  	[hbm4b:s16+s0] =	stream.linear.scatter [tilespmem:s6], [sflag:$0x3], $0x2710, $0x38;
	[tilespmem:$0x1CF00] =	vst v63  }
0x4a4: {  	_ =	swait.ge [sflag:s26], $0x2710  }
0x4a5: {  	s5 =	simm.s32 @!p0 $0x18800;
	s7 =	sadd.s32 $0x1, s7;
	[sflag:s26] =	ssyncset.done $0x0  }
0x4a6: {  	p1 =	sne.s32 s7, s25;
	s4 =	simm.s32 @!p0 $0x0;
	[sflag:s26] =	ssyncadd.s32 $0xFFFFD8F0  }
0x4a7: {  	[hbm4b:s23+s4] =	stream.linear.scatter @!p0 [tilespmem:s5], [sflag:$0x3], $0x2710, $0x38;
	[tilespmem:$0x1CF00] =	vst v63  }
.Ltmp16:
0x4a8: {  	_ = 	snop;
	(pc) =	sbr.rel @p1 .LBB2_1-.Ltmp16, $4  }
0x4a9: {  	s4 =	simm.s32 @!p0 $0x3  }
0x4aa: {  	_ =	swait.ge @!p0 [sflag:s4], $0x2710  }
0x4ab: {  	[sflag:s4] =	ssyncset.done @!p0 $0x0  }
0x4ac: {  	[sflag:s4] =	ssyncadd.s32 @!p0 $0xFFFFD8F0  }
0x4ad: {  	_ =	sfence.sel $0x180000  }
0x4ae: {  	[bflag:$0x0] =	sbarrier.arrive $0xFFFF  }
0x4af: {  	_ =	strace $0x90000047  }
0x4b0: {  	[bflag:$0x2] =	sbarrier.arrive $0xFFFF  }
0x4b1: {  	s0 =	rddreg [dreg:$0x2]  }
0x4b2: {  	s0 =	sadd.s32 @!p0 $0x100000, s0  }
0x4b3: {  	[sflag:s0] =	ssyncadd.tile.s32 @!p0 $0x1;
	_ =	shalt  }
.Lfunc_end2:
_tile_overlayer_lowered:
.L_overlay_start_2:
0x4b4: {  	(tag) =	ssettag $0x2  }
0x4b5: {  	s0 =	rddreg [dreg:$0x0];
	s2 =	stileid.u32  }
0x4b6: {  	s1 =	rddreg [dreg:$0x1];
	p0 =	sne.s32 s2, $0x0  }
0x4b7: {  	s3 =	rddreg [dreg:$0x2];
	[bflag:$0x3] =	sbarrier.arrive $0xFFFF;
	s2 =	simm.s32 @!p0 $0x1C03  }
0x4b8: {  	[timem:s3], [sflag:s2] =	dma.local @!p0 [hbm:s0], s1  }
0x4b9: {  	s0 =	simm.s32 @!p0 $0x3  }
0x4ba: {  	_ =	swait.ge @!p0 [sflag:s0], s1  }
0x4bb: {  	s1 =	ssub.s32 @!p0 $0x0, s1;
	[sflag:s0] =	ssyncset.done @!p0 $0x0  }
0x4bc: {  	[sflag:s0] =	ssyncadd.s32 @!p0 s1  }
0x4bd: {  	[bflag:$0x3] =	sbarrier.arrive $0xFFFF  }
0x4be: {  	_ =	shalt  }

</sc_bundles>
